<compile_context>
chip_gen: v7x
topology: tpu7x:2x2x1
jax: 0.10.2.dev20260603
libtpu: 0.0.44.dev20260713+nightly
codegen_flags: <defaults>
</compile_context>

<pallas_src>
import functools

import numpy as np
import jax
import jax.numpy as jnp
from jax import lax
from jax.experimental import pallas as pl
from jax.experimental.pallas import tpu as pltpu
from jax.experimental.pallas import tpu_sc as plsc

B, P, D = 2, 1024, 384
EF = 4
R = 128
S = 64
K = 4
EPS = 1e-8
CCH = 256
NCH = P // CCH

ZROWS = K * R
TROWS = 512
SROWS = 512
NW = 32
ZPW = ZROWS // NW
TPW = TROWS // NW
SPW = SROWS // NW

_REF_PERM = np.array([3, 314, 747, 931, 71, 460, 167, 179, 499, 286, 843, 492, 213, 718, 787, 165, 977, 686, 441, 59, 991, 530, 744, 695, 704, 374, 829, 668, 633, 433, 932, 468, 219, 707, 0, 505, 990, 440, 41, 378, 20, 367, 247, 756, 258, 934, 602, 811, 147, 411, 461, 743, 267, 285, 997, 597, 101, 366, 791, 671, 784, 562, 279, 926, 937, 347, 981, 615, 793, 540, 1016, 185, 302, 445, 953, 1022, 312, 482, 595, 266, 731, 241, 790, 502, 453, 372, 471, 1007, 399, 551, 703, 520, 497, 728, 31, 465, 737, 473, 287, 620, 769, 776, 817, 387, 524, 331, 470, 848, 365, 839, 75, 909, 398, 857, 305, 424, 320, 1020, 292, 755, 992, 946, 952, 294, 212, 6, 939, 541], dtype=np.int32)
_SHARED_PERM = np.array([382, 452, 484, 472, 151, 773, 304, 600, 995, 278, 86, 305, 848, 836, 987, 620, 807, 637, 34, 692, 363, 486, 421, 404, 212, 794, 260, 191, 124, 128, 197, 61, 169, 546, 541, 811, 897, 855, 365, 744, 119, 104, 764, 338, 577, 832, 618, 117, 18, 430, 297, 160, 697, 172, 389, 91, 367, 914, 89, 1014, 750, 249, 560, 294], dtype=np.int32)

_ONEHOT_REF = np.zeros((R, P), dtype=np.float32)
_ONEHOT_REF[np.arange(R), _REF_PERM] = 1.0


def _static_idx(b):
    pad = np.arange(192, dtype=np.int32)
    tconst = np.concatenate(
        [np.concatenate([b * 8 * P + fr * P + _SHARED_PERM for fr in (2, 4, 6)]),
         b * 8 * P + _REF_PERM, b * 8 * P + pad]).astype(np.int32)
    sconst = np.concatenate(
        [b * 4 * P + _REF_PERM,
         np.concatenate([b * 4 * P + fr * P + _SHARED_PERM for fr in (1, 2, 3)]),
         b * 4 * P + pad]).astype(np.int32)
    return tconst, sconst


def _topk_body(b, te_ref, t0_ref, oh_ref, idx_ref, xn_sc, cv_sc, ci_sc):
    f = pl.program_id(0)

    @pl.when(f == 0)
    def _():
        F0 = t0_ref[0, 0]
        X = lax.dot_general(oh_ref[...], F0, (((1,), (0,)), ((), ())),
                            preferred_element_type=jnp.float32)
        n = jnp.sqrt(jnp.sum(X * X, axis=1, keepdims=True))
        xn_sc[...] = X / jnp.maximum(n, EPS)

    Xn = xn_sc[...]
    ms, iks = [], []
    for c in range(NCH):
        Ec = te_ref[0, 0, c * CCH:(c + 1) * CCH, :]
        en = jnp.maximum(jnp.sqrt(jnp.sum(Ec * Ec, axis=1, keepdims=True)), EPS)
        sT = lax.dot_general(Ec, Xn, (((1,), (1,)), ((), ())),
                             preferred_element_type=jnp.float32) / en
        sid = lax.broadcasted_iota(jnp.int32, (CCH, R), 0) + (f * P + c * CCH)
        for r_ in range(K):
            m = jnp.max(sT, axis=0)
            cand = jnp.where(sT == m[None, :], sid, jnp.int32(EF * P))
            ik = jnp.min(cand, axis=0)
            ms.append(m[None, :])
            iks.append(ik[None, :])
            sT = jnp.where(sid == ik[None, :], -jnp.inf, sT)
    cv_sc[pl.ds(f * NCH * K, NCH * K), :] = jnp.concatenate(ms, axis=0)
    ci_sc[pl.ds(f * NCH * K, NCH * K), :] = jnp.concatenate(iks, axis=0)

    @pl.when(f == EF - 1)
    def _():
        cv = cv_sc[...]
        ci = ci_sc[...]
        g_rows = []
        for _k in range(K):
            m = jnp.max(cv, axis=0)
            cand = jnp.where(cv == m[None, :], ci, jnp.int32(EF * P))
            ik = jnp.min(cand, axis=0)
            cv = jnp.where(ci == ik[None, :], -jnp.inf, cv)
            g = b * (8 * P) + P + ((ik >> 10) << 11) + (ik & (P - 1))
            g_rows.append(g[None, :])
        pad = jnp.zeros((8 - K, R), jnp.int32)
        idx_ref[...] = jnp.concatenate(g_rows + [pad], axis=0)


def _topk_call(teacher, onehot, b):
    return pl.pallas_call(
        functools.partial(_topk_body, b),
        grid=(EF,),
        in_specs=[
            pl.BlockSpec((1, 1, P, D), lambda f: (b, 2 * f + 1, 0, 0)),
            pl.BlockSpec((1, 1, P, D), lambda f: (b, 0, 0, 0)),
            pl.BlockSpec((R, P), lambda f: (0, 0)),
        ],
        out_specs=pl.BlockSpec((8, R), lambda f: (0, 0)),
        out_shape=jax.ShapeDtypeStruct((8, R), jnp.int32),
        scratch_shapes=[
            pltpu.VMEM((R, D), jnp.float32),
            pltpu.VMEM((EF * NCH * K, R), jnp.float32),
            pltpu.VMEM((EF * NCH * K, R), jnp.int32),
        ],
    )(teacher, teacher, onehot)


def _gather_body(ttab_hbm, stab_hbm, idxz_hbm, idxc_hbm,
                 outz_hbm, outt_hbm, outs_hbm,
                 idxz_v, rowsz_v, idxt_v, rowst_v, idxs_v, rowss_v,
                 semz, semt, sems):
    wid = lax.axis_index("s") * 2 + lax.axis_index("c")
    basez = wid * ZPW
    baset = wid * TPW
    bases = wid * SPW
    pltpu.sync_copy(idxz_hbm.at[pl.ds(basez, ZPW)], idxz_v)
    pltpu.sync_copy(idxc_hbm.at[pl.ds(baset, TPW)], idxt_v)
    pltpu.sync_copy(idxc_hbm.at[pl.ds(TROWS + bases, SPW)], idxs_v)
    cz = pltpu.async_copy(ttab_hbm.at[idxz_v], rowsz_v, semz)
    ct = pltpu.async_copy(ttab_hbm.at[idxt_v], rowst_v, semt)
    cs = pltpu.async_copy(stab_hbm.at[idxs_v], rowss_v, sems)
    cz.wait()
    wz = pltpu.async_copy(rowsz_v, outz_hbm.at[pl.ds(basez, ZPW)], semz)
    ct.wait()
    wt = pltpu.async_copy(rowst_v, outt_hbm.at[pl.ds(baset, TPW)], semt)
    cs.wait()
    ws = pltpu.async_copy(rowss_v, outs_hbm.at[pl.ds(bases, SPW)], sems)
    wz.wait()
    wt.wait()
    ws.wait()


def _gather_call(ttab, stab, idx_z, idx_c):
    mesh = plsc.VectorSubcoreMesh(core_axis_name="c", subcore_axis_name="s")
    k = functools.partial(
        pl.kernel,
        out_type=(jax.ShapeDtypeStruct((ZROWS, D), jnp.float32),
                  jax.ShapeDtypeStruct((TROWS, D), jnp.float32),
                  jax.ShapeDtypeStruct((SROWS, D), jnp.float32)),
        mesh=mesh,
        scratch_types=[
            pltpu.VMEM((ZPW,), jnp.int32),
            pltpu.VMEM((ZPW, D), jnp.float32),
            pltpu.VMEM((TPW,), jnp.int32),
            pltpu.VMEM((TPW, D), jnp.float32),
            pltpu.VMEM((SPW,), jnp.int32),
            pltpu.VMEM((SPW, D), jnp.float32),
            pltpu.SemaphoreType.DMA,
            pltpu.SemaphoreType.DMA,
            pltpu.SemaphoreType.DMA,
        ],
    )(_gather_body)
    return k(ttab, stab, idx_z, idx_c)


def _rs(d):
    return lax.rsqrt(jnp.maximum(d, 1e-16))


def _loss_body(z_ref, t_ref, s_ref, prev_ref, out_ref):
    ones = jnp.ones((1, D), jnp.float32)
    acc = jnp.zeros((R, S), jnp.float32)
    xt = t_ref[192:320, :]
    xs = s_ref[0:128, :]
    XXt = jnp.sum(xt * xt, axis=1, keepdims=True)
    XXs = jnp.sum(xs * xs, axis=1, keepdims=True)
    pre = []
    for f in range(3):
        Yt = t_ref[f * S:(f + 1) * S, :]
        Ys = s_ref[128 + f * S:128 + (f + 1) * S, :]
        YYt = lax.dot_general(ones, Yt * Yt, (((1,), (1,)), ((), ())),
                              preferred_element_type=jnp.float32)
        YYs = lax.dot_general(ones, Ys * Ys, (((1,), (1,)), ((), ())),
                              preferred_element_type=jnp.float32)
        XYt = lax.dot_general(xt, Yt, (((1,), (1,)), ((), ())),
                              preferred_element_type=jnp.float32)
        XYs = lax.dot_general(xs, Ys, (((1,), (1,)), ((), ())),
                              preferred_element_type=jnp.float32)
        r_xy_t = _rs(XXt - 2.0 * XYt + YYt)
        r_xy_s = _rs(XXs - 2.0 * XYs + YYs)
        pre.append((YYt, YYs, XYt, XYs, r_xy_t, r_xy_s))
    for k in range(K):
        Zk = z_ref[k * R:(k + 1) * R, :]
        ZZ = jnp.sum(Zk * Zk, axis=1, keepdims=True)
        XZt = jnp.sum(xt * Zk, axis=1, keepdims=True)
        XZs = jnp.sum(xs * Zk, axis=1, keepdims=True)
        r_xz_t = _rs(XXt - 2.0 * XZt + ZZ)
        r_xz_s = _rs(XXs - 2.0 * XZs + ZZ)
        for f in range(3):
            YYt, YYs, XYt, XYs, r_xy_t, r_xy_s = pre[f]
            Yt = t_ref[f * S:(f + 1) * S, :]
            Ys = s_ref[128 + f * S:128 + (f + 1) * S, :]
            YZt = lax.dot_general(Zk, Yt, (((1,), (1,)), ((), ())),
                                  preferred_element_type=jnp.float32)
            YZs = lax.dot_general(Zk, Ys, (((1,), (1,)), ((), ())),
                                  preferred_element_type=jnp.float32)
            r_yz_t = _rs(YYt - 2.0 * YZt + ZZ)
            r_yz_s = _rs(YYs - 2.0 * YZs + ZZ)

            a1_t = (YZt - XYt - XZt + XXt) * (r_xy_t * r_xz_t)
            a1_s = (YZs - XYs - XZs + XXs) * (r_xy_s * r_xz_s)
            a2_t = (XZt - XYt - YZt + YYt) * (r_xy_t * r_yz_t)
            a2_s = (XZs - XYs - YZs + YYs) * (r_xy_s * r_yz_s)
            a3_t = (XYt - XZt - YZt + ZZ) * (r_xz_t * r_yz_t)
            a3_s = (XYs - XZs - YZs + ZZ) * (r_xz_s * r_yz_s)

            for at, a_s in ((a1_t, a1_s), (a2_t, a2_s), (a3_t, a3_s)):
                d = a_s - at
                ad = jnp.abs(d)
                acc = acc + jnp.where(ad <= 1.0, 0.5 * d * d, ad - 0.5)
    scale = 1.0 / np.float32(3 * B * R * S * K)
    tot = jnp.sum(acc) * scale
    ri = lax.broadcasted_iota(jnp.int32, (8, 128), 0)
    ci = lax.broadcasted_iota(jnp.int32, (8, 128), 1)
    out_ref[...] = jnp.where((ri == 0) & (ci == 0), tot, 0.0) + prev_ref[...]


def _loss_call(rows_z, rows_t, rows_s, prev):
    return pl.pallas_call(
        _loss_body,
        out_shape=jax.ShapeDtypeStruct((8, 128), jnp.float32),
    )(rows_z, rows_t, rows_s, prev)


def kernel(teacher_feats, student_feats):
    onehot = jnp.asarray(_ONEHOT_REF)
    ttab = teacher_feats.reshape(B * 8 * P, D)
    stab = student_feats.reshape(B * 4 * P, D)
    gathered = []
    for b in range(B):
        idx_out = _topk_call(teacher_feats, onehot, b)
        idx_z = idx_out.reshape(8 * R)
        tconst, sconst = _static_idx(b)
        idx_c = jnp.asarray(np.concatenate([tconst, sconst]))
        gathered.append(_gather_call(ttab, stab, idx_z, idx_c))
    part = jnp.zeros((8, 128), jnp.float32)
    for b in range(B):
        rows_z, rows_t, rows_s = gathered[b]
        part = _loss_call(rows_z, rows_t, rows_s, part)
    return part[0, 0]

# --- scband reference (transcript-rebuilt; emitter-appended) ---
"""Pipeline reference for scband-vggtcross-frame-rkdangle-loss-36524401885588 (READ-ONLY COPY).

The authoritative reference and input builder live on the scoring server;
editing this copy changes nothing except your own understanding.
"""

import jax, jax.numpy as jnp
import numpy as np

STUDENT_FRAMES = (0, 2, 4, 6)
NUM_TEACHER_VIEWS = 8
TOPK = 4
NUM_REF = 128
NUM_SHARED = 64
CHUNK = 64
HUBER_DELTA = 1.0
W1 = 1.0
W2 = 1.0
W3 = 1.0
EXTRA_FRAMES = tuple(sorted(set(range(NUM_TEACHER_VIEWS)) - set(STUDENT_FRAMES)))


def _normalize(x, eps=1e-8):
    n = jnp.sqrt(jnp.sum(x * x, axis=-1, keepdims=True))
    return x / jnp.maximum(n, eps)


def _cos(a, b):
    return jnp.sum(_normalize(a) * _normalize(b), axis=-1)


def _huber(pred, target):
    d = pred - target
    ad = jnp.abs(d)
    return jnp.where(ad <= HUBER_DELTA, 0.5 * d * d, HUBER_DELTA * (ad - 0.5 * HUBER_DELTA))


def _forward(teacher_feats, student_feats):
    B, St, P, D = teacher_feats.shape
    num_ref = min(NUM_REF, P)
    num_shared = min(NUM_SHARED, P)
    pkey = jax.random.key(123)
    pk1, pk2 = jax.random.split(pkey)
    ref_perm = jax.random.permutation(pk1, P)[:num_ref]
    shared_perm = jax.random.permutation(pk2, P)[:num_shared]

    ref_t = jax.lax.stop_gradient(teacher_feats[:, STUDENT_FRAMES[0], ref_perm, :])
    ref_s = student_feats[:, 0, ref_perm, :]

    # teacher-only extra frames, concatenated along patch axis
    extra_t = jnp.take(teacher_feats, jnp.array(EXTRA_FRAMES), axis=1).reshape(B, len(EXTRA_FRAMES) * P, D)
    extra_t = jax.lax.stop_gradient(extra_t)

    # top-k most similar extra patches per ref patch (selection_mode='topk')
    ref_t_n = _normalize(ref_t)
    extra_t_n = _normalize(extra_t)
    sim = jnp.einsum('brd,bed->bre', ref_t_n, extra_t_n)
    _, topk_idx = jax.lax.top_k(sim, TOPK)  # [B, R, K]
    sim_high = jax.vmap(lambda e, idx: e[idx])(extra_t, topk_idx)  # [B, R, K, D]
    sim_high = jax.lax.stop_gradient(sim_high)

    sum1 = jnp.float32(0.0)
    sum2 = jnp.float32(0.0)
    sum3 = jnp.float32(0.0)
    total = 0
    for t_idx in STUDENT_FRAMES[1:]:
        s_idx = STUDENT_FRAMES.index(t_idx)
        shared_t_full = jax.lax.stop_gradient(teacher_feats[:, t_idx, shared_perm, :])
        shared_s_full = student_feats[:, s_idx, shared_perm, :]
        for r0 in range(0, num_ref, CHUNK):
            r1 = min(r0 + CHUNK, num_ref)
            rc = r1 - r0
            ref_t_c = ref_t[:, r0:r1, :][:, :, None, None, :]      # [B,rc,1,1,D]
            ref_s_c = ref_s[:, r0:r1, :][:, :, None, None, :]
            sim_c = sim_high[:, r0:r1, :, :][:, :, None, :, :]      # [B,rc,1,K,D]
            for s0 in range(0, num_shared, CHUNK):
                s1 = min(s0 + CHUNK, num_shared)
                sc = s1 - s0
                sh_t = shared_t_full[:, s0:s1, :][:, None, :, None, :]  # [B,1,sc,1,D]
                sh_s = shared_s_full[:, s0:s1, :][:, None, :, None, :]
                # angle 1: vertex at ref
                a1_t = _cos(sh_t - ref_t_c, sim_c - ref_t_c)
                a1_s = _cos(sh_s - ref_s_c, sim_c - ref_s_c)
                # angle 2: vertex at shared
                a2_t = _cos(ref_t_c - sh_t, sim_c - sh_t)
                a2_s = _cos(ref_s_c - sh_s, sim_c - sh_s)
                # angle 3: vertex at sim_high
                a3_t = _cos(ref_t_c - sim_c, sh_t - sim_c)
                a3_s = _cos(ref_s_c - sim_c, sh_s - sim_c)
                sum1 = sum1 + jnp.sum(_huber(a1_s, jax.lax.stop_gradient(a1_t)))
                sum2 = sum2 + jnp.sum(_huber(a2_s, jax.lax.stop_gradient(a2_t)))
                sum3 = sum3 + jnp.sum(_huber(a3_s, jax.lax.stop_gradient(a3_t)))
                total += B * rc * sc * TOPK
    loss = (W1 * sum1 + W2 * sum2 + W3 * sum3) / jnp.float32(total)
    return loss


def setup_inputs(seed: int = 0):
    key = jax.random.key(seed)
    k1, k2 = jax.random.split(key)
    B, P, D = 2, 1024, 384
    teacher_feats = jax.random.normal(k1, (B, NUM_TEACHER_VIEWS, P, D), dtype=jnp.float32)
    student_feats = jax.random.normal(k2, (B, len(STUDENT_FRAMES), P, D), dtype=jnp.float32)
    return {'teacher_feats': teacher_feats, 'student_feats': student_feats}


def reference(teacher_feats, student_feats):
    return _forward(teacher_feats, student_feats)

if __name__ == "__main__":
    import jax
    _d = setup_inputs()
    print(jax.jit(kernel)(*tuple(_d.values())))

</pallas_src>

<mosaic_0001>
#map = affine_map<(d0, d1) -> (0, 0)>
#map1 = affine_map<(d0, d1) -> (0)>
module attributes {stable_mosaic.version = 14 : i64} {
  func.func @_gather_body(%arg0: i32, %arg1: i32, %arg2: memref<16384x384xf32, #tpu.memory_space<hbm>>, %arg3: memref<8192x384xf32, #tpu.memory_space<hbm>>, %arg4: memref<1024xi32, #tpu.memory_space<hbm>>, %arg5: memref<1024xi32, #tpu.memory_space<hbm>>, %arg6: memref<512x384xf32, #tpu.memory_space<hbm>>, %arg7: memref<512x384xf32, #tpu.memory_space<hbm>>, %arg8: memref<512x384xf32, #tpu.memory_space<hbm>>, %arg9: memref<16xi32, #tpu.memory_space<vmem>>, %arg10: memref<16x384xf32, #tpu.memory_space<vmem>>, %arg11: memref<16xi32, #tpu.memory_space<vmem>>, %arg12: memref<16x384xf32, #tpu.memory_space<vmem>>, %arg13: memref<16xi32, #tpu.memory_space<vmem>>, %arg14: memref<16x384xf32, #tpu.memory_space<vmem>>, %arg15: memref<!tpu.dma_semaphore, #tpu.memory_space<semaphore_mem>>, %arg16: memref<!tpu.dma_semaphore, #tpu.memory_space<semaphore_mem>>, %arg17: memref<!tpu.dma_semaphore, #tpu.memory_space<semaphore_mem>>) attributes {dimension_semantics = [#tpu.dimension_semantics<core_parallel>, #tpu.dimension_semantics<subcore_parallel>], iteration_bounds = array<i64: 2, 16>, scalar_prefetch = 0 : i64, scratch_operands = 9 : i64, tpu.core_type = #tpu.core_type<sc_vector_subcore>, window_params = [{transform_indices = #map}, {transform_indices = #map}, {transform_indices = #map1}, {transform_indices = #map1}, {transform_indices = #map}, {transform_indices = #map}, {transform_indices = #map}]} {
    %mul3A = arith.constant 2 : i32
    %mul3A_0 = arith.muli %arg1, %mul3A : i32
    %add3A = arith.addi %mul3A_0, %arg0 : i32
    %mul3A_1 = arith.constant 16 : i32
    %mul3A_2 = arith.muli %add3A, %mul3A_1 : i32
    %mul3A_3 = arith.constant 16 : i32
    %mul3A_4 = arith.muli %add3A, %mul3A_3 : i32
    %mul3A_5 = arith.constant 16 : i32
    %mul3A_6 = arith.muli %add3A, %mul3A_5 : i32
    "tpu.region"() ({
      %run_scoped3A = tpu.sem_alloc : memref<!tpu.dma_semaphore, #tpu.memory_space<semaphore_mem>>
      %dma_start3A_49 = tpu.memref_slice %arg4[%mul3A_2] : memref<1024xi32, #tpu.memory_space<hbm>> -> memref<16xi32, #tpu.memory_space<hbm>>
      %dma_start3A_50 = tpu.memref_slice %arg4[%mul3A_2] : memref<1024xi32, #tpu.memory_space<hbm>> -> memref<16xi32, #tpu.memory_space<hbm>>
      tpu.enqueue_dma source(%dma_start3A_50 : memref<16xi32, #tpu.memory_space<hbm>>) target(%arg9 : memref<16xi32, #tpu.memory_space<vmem>>) target_semaphore(%run_scoped3A : memref<!tpu.dma_semaphore, #tpu.memory_space<semaphore_mem>>)
      %dma_wait3A_51 = tpu.memref_slice %arg4[%mul3A_2] : memref<1024xi32, #tpu.memory_space<hbm>> -> memref<16xi32, #tpu.memory_space<hbm>>
      %dma_wait3A_52 = tpu.memref_slice %arg4[%mul3A_2] : memref<1024xi32, #tpu.memory_space<hbm>> -> memref<16xi32, #tpu.memory_space<hbm>>
      tpu.wait_dma2 semaphore(%run_scoped3A : memref<!tpu.dma_semaphore, #tpu.memory_space<semaphore_mem>>) src(%dma_wait3A_52 : memref<16xi32, #tpu.memory_space<hbm>>) dst(%arg9 : memref<16xi32, #tpu.memory_space<vmem>>)
      tpu.yield
    }) : () -> ()
    "tpu.region"() ({
      %run_scoped3A = tpu.sem_alloc : memref<!tpu.dma_semaphore, #tpu.memory_space<semaphore_mem>>
      %dma_start3A_49 = tpu.memref_slice %arg5[%mul3A_4] : memref<1024xi32, #tpu.memory_space<hbm>> -> memref<16xi32, #tpu.memory_space<hbm>>
      %dma_start3A_50 = tpu.memref_slice %arg5[%mul3A_4] : memref<1024xi32, #tpu.memory_space<hbm>> -> memref<16xi32, #tpu.memory_space<hbm>>
      tpu.enqueue_dma source(%dma_start3A_50 : memref<16xi32, #tpu.memory_space<hbm>>) target(%arg11 : memref<16xi32, #tpu.memory_space<vmem>>) target_semaphore(%run_scoped3A : memref<!tpu.dma_semaphore, #tpu.memory_space<semaphore_mem>>)
      %dma_wait3A_51 = tpu.memref_slice %arg5[%mul3A_4] : memref<1024xi32, #tpu.memory_space<hbm>> -> memref<16xi32, #tpu.memory_space<hbm>>
      %dma_wait3A_52 = tpu.memref_slice %arg5[%mul3A_4] : memref<1024xi32, #tpu.memory_space<hbm>> -> memref<16xi32, #tpu.memory_space<hbm>>
      tpu.wait_dma2 semaphore(%run_scoped3A : memref<!tpu.dma_semaphore, #tpu.memory_space<semaphore_mem>>) src(%dma_wait3A_52 : memref<16xi32, #tpu.memory_space<hbm>>) dst(%arg11 : memref<16xi32, #tpu.memory_space<vmem>>)
      tpu.yield
    }) : () -> ()
    %add3A_7 = arith.constant 512 : i32
    %add3A_8 = arith.addi %add3A_7, %mul3A_6 : i32
    "tpu.region"() ({
      %run_scoped3A = tpu.sem_alloc : memref<!tpu.dma_semaphore, #tpu.memory_space<semaphore_mem>>
      %dma_start3A_49 = tpu.memref_slice %arg5[%add3A_8] : memref<1024xi32, #tpu.memory_space<hbm>> -> memref<16xi32, #tpu.memory_space<hbm>>
      %dma_start3A_50 = tpu.memref_slice %arg5[%add3A_8] : memref<1024xi32, #tpu.memory_space<hbm>> -> memref<16xi32, #tpu.memory_space<hbm>>
      tpu.enqueue_dma source(%dma_start3A_50 : memref<16xi32, #tpu.memory_space<hbm>>) target(%arg13 : memref<16xi32, #tpu.memory_space<vmem>>) target_semaphore(%run_scoped3A : memref<!tpu.dma_semaphore, #tpu.memory_space<semaphore_mem>>)
      %dma_wait3A_51 = tpu.memref_slice %arg5[%add3A_8] : memref<1024xi32, #tpu.memory_space<hbm>> -> memref<16xi32, #tpu.memory_space<hbm>>
      %dma_wait3A_52 = tpu.memref_slice %arg5[%add3A_8] : memref<1024xi32, #tpu.memory_space<hbm>> -> memref<16xi32, #tpu.memory_space<hbm>>
      tpu.wait_dma2 semaphore(%run_scoped3A : memref<!tpu.dma_semaphore, #tpu.memory_space<semaphore_mem>>) src(%dma_wait3A_52 : memref<16xi32, #tpu.memory_space<hbm>>) dst(%arg13 : memref<16xi32, #tpu.memory_space<vmem>>)
      tpu.yield
    }) : () -> ()
    %dma_start3A = arith.constant 0 : i32
    %dma_start3A_9 = arith.constant 0 : i32
    %dma_start3A_10 = tpu.memref_slice %arg2[%dma_start3A, %dma_start3A_9] : memref<16384x384xf32, #tpu.memory_space<hbm>> -> memref<16384x384xf32, #tpu.memory_space<hbm>>
    tpu.enqueue_indirect_dma source(%dma_start3A_10 : memref<16384x384xf32, #tpu.memory_space<hbm>>) target(%arg10 : memref<16x384xf32, #tpu.memory_space<vmem>>) offsets(%arg9 : memref<16xi32, #tpu.memory_space<vmem>>) semaphore(%arg15 : memref<!tpu.dma_semaphore, #tpu.memory_space<semaphore_mem>>)
    %dma_start3A_11 = arith.constant 0 : i32
    %dma_start3A_12 = arith.constant 0 : i32
    %dma_start3A_13 = tpu.memref_slice %arg2[%dma_start3A_11, %dma_start3A_12] : memref<16384x384xf32, #tpu.memory_space<hbm>> -> memref<16384x384xf32, #tpu.memory_space<hbm>>
    tpu.enqueue_indirect_dma source(%dma_start3A_13 : memref<16384x384xf32, #tpu.memory_space<hbm>>) target(%arg12 : memref<16x384xf32, #tpu.memory_space<vmem>>) offsets(%arg11 : memref<16xi32, #tpu.memory_space<vmem>>) semaphore(%arg16 : memref<!tpu.dma_semaphore, #tpu.memory_space<semaphore_mem>>)
    %dma_start3A_14 = arith.constant 0 : i32
    %dma_start3A_15 = arith.constant 0 : i32
    %dma_start3A_16 = tpu.memref_slice %arg3[%dma_start3A_14, %dma_start3A_15] : memref<8192x384xf32, #tpu.memory_space<hbm>> -> memref<8192x384xf32, #tpu.memory_space<hbm>>
    tpu.enqueue_indirect_dma source(%dma_start3A_16 : memref<8192x384xf32, #tpu.memory_space<hbm>>) target(%arg14 : memref<16x384xf32, #tpu.memory_space<vmem>>) offsets(%arg13 : memref<16xi32, #tpu.memory_space<vmem>>) semaphore(%arg17 : memref<!tpu.dma_semaphore, #tpu.memory_space<semaphore_mem>>)
    %dma_wait3A = arith.constant 0 : i32
    %dma_wait3A_17 = arith.constant 0 : i32
    %dma_wait3A_18 = tpu.memref_slice %arg2[%dma_wait3A, %dma_wait3A_17] : memref<16384x384xf32, #tpu.memory_space<hbm>> -> memref<16384x384xf32, #tpu.memory_space<hbm>>
    tpu.wait_indirect_dma semaphore(%arg15 : memref<!tpu.dma_semaphore, #tpu.memory_space<semaphore_mem>>) src(%dma_wait3A_18 : memref<16384x384xf32, #tpu.memory_space<hbm>>) dst(%arg10 : memref<16x384xf32, #tpu.memory_space<vmem>>)
    %dma_start3A_19 = arith.constant 0 : i32
    %dma_start3A_20 = tpu.memref_slice %arg6[%mul3A_2, %dma_start3A_19] : memref<512x384xf32, #tpu.memory_space<hbm>> -> memref<16x384xf32, #tpu.memory_space<hbm>>
    %dma_start3A_21 = arith.constant 0 : i32
    %dma_start3A_22 = tpu.memref_slice %arg6[%mul3A_2, %dma_start3A_21] : memref<512x384xf32, #tpu.memory_space<hbm>> -> memref<16x384xf32, #tpu.memory_space<hbm>>
    tpu.enqueue_dma source(%arg10 : memref<16x384xf32, #tpu.memory_space<vmem>>) target(%dma_start3A_22 : memref<16x384xf32, #tpu.memory_space<hbm>>) target_semaphore(%arg15 : memref<!tpu.dma_semaphore, #tpu.memory_space<semaphore_mem>>)
    %dma_wait3A_23 = arith.constant 0 : i32
    %dma_wait3A_24 = arith.constant 0 : i32
    %dma_wait3A_25 = tpu.memref_slice %arg2[%dma_wait3A_23, %dma_wait3A_24] : memref<16384x384xf32, #tpu.memory_space<hbm>> -> memref<16384x384xf32, #tpu.memory_space<hbm>>
    tpu.wait_indirect_dma semaphore(%arg16 : memref<!tpu.dma_semaphore, #tpu.memory_space<semaphore_mem>>) src(%dma_wait3A_25 : memref<16384x384xf32, #tpu.memory_space<hbm>>) dst(%arg12 : memref<16x384xf32, #tpu.memory_space<vmem>>)
    %dma_start3A_26 = arith.constant 0 : i32
    %dma_start3A_27 = tpu.memref_slice %arg7[%mul3A_4, %dma_start3A_26] : memref<512x384xf32, #tpu.memory_space<hbm>> -> memref<16x384xf32, #tpu.memory_space<hbm>>
    %dma_start3A_28 = arith.constant 0 : i32
    %dma_start3A_29 = tpu.memref_slice %arg7[%mul3A_4, %dma_start3A_28] : memref<512x384xf32, #tpu.memory_space<hbm>> -> memref<16x384xf32, #tpu.memory_space<hbm>>
    tpu.enqueue_dma source(%arg12 : memref<16x384xf32, #tpu.memory_space<vmem>>) target(%dma_start3A_29 : memref<16x384xf32, #tpu.memory_space<hbm>>) target_semaphore(%arg16 : memref<!tpu.dma_semaphore, #tpu.memory_space<semaphore_mem>>)
    %dma_wait3A_30 = arith.constant 0 : i32
    %dma_wait3A_31 = arith.constant 0 : i32
    %dma_wait3A_32 = tpu.memref_slice %arg3[%dma_wait3A_30, %dma_wait3A_31] : memref<8192x384xf32, #tpu.memory_space<hbm>> -> memref<8192x384xf32, #tpu.memory_space<hbm>>
    tpu.wait_indirect_dma semaphore(%arg17 : memref<!tpu.dma_semaphore, #tpu.memory_space<semaphore_mem>>) src(%dma_wait3A_32 : memref<8192x384xf32, #tpu.memory_space<hbm>>) dst(%arg14 : memref<16x384xf32, #tpu.memory_space<vmem>>)
    %dma_start3A_33 = arith.constant 0 : i32
    %dma_start3A_34 = tpu.memref_slice %arg8[%mul3A_6, %dma_start3A_33] : memref<512x384xf32, #tpu.memory_space<hbm>> -> memref<16x384xf32, #tpu.memory_space<hbm>>
    %dma_start3A_35 = arith.constant 0 : i32
    %dma_start3A_36 = tpu.memref_slice %arg8[%mul3A_6, %dma_start3A_35] : memref<512x384xf32, #tpu.memory_space<hbm>> -> memref<16x384xf32, #tpu.memory_space<hbm>>
    tpu.enqueue_dma source(%arg14 : memref<16x384xf32, #tpu.memory_space<vmem>>) target(%dma_start3A_36 : memref<16x384xf32, #tpu.memory_space<hbm>>) target_semaphore(%arg17 : memref<!tpu.dma_semaphore, #tpu.memory_space<semaphore_mem>>)
    %dma_wait3A_37 = arith.constant 0 : i32
    %dma_wait3A_38 = tpu.memref_slice %arg6[%mul3A_2, %dma_wait3A_37] : memref<512x384xf32, #tpu.memory_space<hbm>> -> memref<16x384xf32, #tpu.memory_space<hbm>>
    %dma_wait3A_39 = arith.constant 0 : i32
    %dma_wait3A_40 = tpu.memref_slice %arg6[%mul3A_2, %dma_wait3A_39] : memref<512x384xf32, #tpu.memory_space<hbm>> -> memref<16x384xf32, #tpu.memory_space<hbm>>
    tpu.wait_dma2 semaphore(%arg15 : memref<!tpu.dma_semaphore, #tpu.memory_space<semaphore_mem>>) src(%arg10 : memref<16x384xf32, #tpu.memory_space<vmem>>) dst(%dma_wait3A_40 : memref<16x384xf32, #tpu.memory_space<hbm>>)
    %dma_wait3A_41 = arith.constant 0 : i32
    %dma_wait3A_42 = tpu.memref_slice %arg7[%mul3A_4, %dma_wait3A_41] : memref<512x384xf32, #tpu.memory_space<hbm>> -> memref<16x384xf32, #tpu.memory_space<hbm>>
    %dma_wait3A_43 = arith.constant 0 : i32
    %dma_wait3A_44 = tpu.memref_slice %arg7[%mul3A_4, %dma_wait3A_43] : memref<512x384xf32, #tpu.memory_space<hbm>> -> memref<16x384xf32, #tpu.memory_space<hbm>>
    tpu.wait_dma2 semaphore(%arg16 : memref<!tpu.dma_semaphore, #tpu.memory_space<semaphore_mem>>) src(%arg12 : memref<16x384xf32, #tpu.memory_space<vmem>>) dst(%dma_wait3A_44 : memref<16x384xf32, #tpu.memory_space<hbm>>)
    %dma_wait3A_45 = arith.constant 0 : i32
    %dma_wait3A_46 = tpu.memref_slice %arg8[%mul3A_6, %dma_wait3A_45] : memref<512x384xf32, #tpu.memory_space<hbm>> -> memref<16x384xf32, #tpu.memory_space<hbm>>
    %dma_wait3A_47 = arith.constant 0 : i32
    %dma_wait3A_48 = tpu.memref_slice %arg8[%mul3A_6, %dma_wait3A_47] : memref<512x384xf32, #tpu.memory_space<hbm>> -> memref<16x384xf32, #tpu.memory_space<hbm>>
    tpu.wait_dma2 semaphore(%arg17 : memref<!tpu.dma_semaphore, #tpu.memory_space<semaphore_mem>>) src(%arg14 : memref<16x384xf32, #tpu.memory_space<vmem>>) dst(%dma_wait3A_48 : memref<16x384xf32, #tpu.memory_space<hbm>>)
    return
  }
}

#map = affine_map<(d0, d1) -> (0, 0)>
#map1 = affine_map<(d0, d1) -> (0)>
module attributes {stable_mosaic.version = 14 : i64} {
  func.func @_gather_body(%arg0: i32, %arg1: i32, %arg2: memref<16384x384xf32, #tpu.memory_space<hbm>>, %arg3: memref<8192x384xf32, #tpu.memory_space<hbm>>, %arg4: memref<1024xi32, #tpu.memory_space<hbm>>, %arg5: memref<1024xi32, #tpu.memory_space<hbm>>, %arg6: memref<512x384xf32, #tpu.memory_space<hbm>>, %arg7: memref<512x384xf32, #tpu.memory_space<hbm>>, %arg8: memref<512x384xf32, #tpu.memory_space<hbm>>, %arg9: memref<16xi32, #tpu.memory_space<vmem>>, %arg10: memref<16x384xf32, #tpu.memory_space<vmem>>, %arg11: memref<16xi32, #tpu.memory_space<vmem>>, %arg12: memref<16x384xf32, #tpu.memory_space<vmem>>, %arg13: memref<16xi32, #tpu.memory_space<vmem>>, %arg14: memref<16x384xf32, #tpu.memory_space<vmem>>, %arg15: memref<!tpu.dma_semaphore, #tpu.memory_space<semaphore_mem>>, %arg16: memref<!tpu.dma_semaphore, #tpu.memory_space<semaphore_mem>>, %arg17: memref<!tpu.dma_semaphore, #tpu.memory_space<semaphore_mem>>) attributes {dimension_semantics = [#tpu.dimension_semantics<core_parallel>, #tpu.dimension_semantics<subcore_parallel>], iteration_bounds = array<i64: 2, 16>, scalar_prefetch = 0 : i64, scratch_operands = 9 : i64, tpu.core_type = #tpu.core_type<sc_vector_subcore>, window_params = [{transform_indices = #map}, {transform_indices = #map}, {transform_indices = #map1}, {transform_indices = #map1}, {transform_indices = #map}, {transform_indices = #map}, {transform_indices = #map}]} {
    %mul3A = arith.constant 2 : i32
    %mul3A_0 = arith.muli %arg1, %mul3A : i32
    %add3A = arith.addi %mul3A_0, %arg0 : i32
    %mul3A_1 = arith.constant 16 : i32
    %mul3A_2 = arith.muli %add3A, %mul3A_1 : i32
    %mul3A_3 = arith.constant 16 : i32
    %mul3A_4 = arith.muli %add3A, %mul3A_3 : i32
    %mul3A_5 = arith.constant 16 : i32
    %mul3A_6 = arith.muli %add3A, %mul3A_5 : i32
    "tpu.region"() ({
      %run_scoped3A = tpu.sem_alloc : memref<!tpu.dma_semaphore, #tpu.memory_space<semaphore_mem>>
      %dma_start3A_49 = tpu.memref_slice %arg4[%mul3A_2] : memref<1024xi32, #tpu.memory_space<hbm>> -> memref<16xi32, #tpu.memory_space<hbm>>
      %dma_start3A_50 = tpu.memref_slice %arg4[%mul3A_2] : memref<1024xi32, #tpu.memory_space<hbm>> -> memref<16xi32, #tpu.memory_space<hbm>>
      tpu.enqueue_dma source(%dma_start3A_50 : memref<16xi32, #tpu.memory_space<hbm>>) target(%arg9 : memref<16xi32, #tpu.memory_space<vmem>>) target_semaphore(%run_scoped3A : memref<!tpu.dma_semaphore, #tpu.memory_space<semaphore_mem>>)
      %dma_wait3A_51 = tpu.memref_slice %arg4[%mul3A_2] : memref<1024xi32, #tpu.memory_space<hbm>> -> memref<16xi32, #tpu.memory_space<hbm>>
      %dma_wait3A_52 = tpu.memref_slice %arg4[%mul3A_2] : memref<1024xi32, #tpu.memory_space<hbm>> -> memref<16xi32, #tpu.memory_space<hbm>>
      tpu.wait_dma2 semaphore(%run_scoped3A : memref<!tpu.dma_semaphore, #tpu.memory_space<semaphore_mem>>) src(%dma_wait3A_52 : memref<16xi32, #tpu.memory_space<hbm>>) dst(%arg9 : memref<16xi32, #tpu.memory_space<vmem>>)
      tpu.yield
    }) : () -> ()
    "tpu.region"() ({
      %run_scoped3A = tpu.sem_alloc : memref<!tpu.dma_semaphore, #tpu.memory_space<semaphore_mem>>
      %dma_start3A_49 = tpu.memref_slice %arg5[%mul3A_4] : memref<1024xi32, #tpu.memory_space<hbm>> -> memref<16xi32, #tpu.memory_space<hbm>>
      %dma_start3A_50 = tpu.memref_slice %arg5[%mul3A_4] : memref<1024xi32, #tpu.memory_space<hbm>> -> memref<16xi32, #tpu.memory_space<hbm>>
      tpu.enqueue_dma source(%dma_start3A_50 : memref<16xi32, #tpu.memory_space<hbm>>) target(%arg11 : memref<16xi32, #tpu.memory_space<vmem>>) target_semaphore(%run_scoped3A : memref<!tpu.dma_semaphore, #tpu.memory_space<semaphore_mem>>)
      %dma_wait3A_51 = tpu.memref_slice %arg5[%mul3A_4] : memref<1024xi32, #tpu.memory_space<hbm>> -> memref<16xi32, #tpu.memory_space<hbm>>
      %dma_wait3A_52 = tpu.memref_slice %arg5[%mul3A_4] : memref<1024xi32, #tpu.memory_space<hbm>> -> memref<16xi32, #tpu.memory_space<hbm>>
      tpu.wait_dma2 semaphore(%run_scoped3A : memref<!tpu.dma_semaphore, #tpu.memory_space<semaphore_mem>>) src(%dma_wait3A_52 : memref<16xi32, #tpu.memory_space<hbm>>) dst(%arg11 : memref<16xi32, #tpu.memory_space<vmem>>)
      tpu.yield
    }) : () -> ()
    %add3A_7 = arith.constant 512 : i32
    %add3A_8 = arith.addi %add3A_7, %mul3A_6 : i32
    "tpu.region"() ({
      %run_scoped3A = tpu.sem_alloc : memref<!tpu.dma_semaphore, #tpu.memory_space<semaphore_mem>>
      %dma_start3A_49 = tpu.memref_slice %arg5[%add3A_8] : memref<1024xi32, #tpu.memory_space<hbm>> -> memref<16xi32, #tpu.memory_space<hbm>>
      %dma_start3A_50 = tpu.memref_slice %arg5[%add3A_8] : memref<1024xi32, #tpu.memory_space<hbm>> -> memref<16xi32, #tpu.memory_space<hbm>>
      tpu.enqueue_dma source(%dma_start3A_50 : memref<16xi32, #tpu.memory_space<hbm>>) target(%arg13 : memref<16xi32, #tpu.memory_space<vmem>>) target_semaphore(%run_scoped3A : memref<!tpu.dma_semaphore, #tpu.memory_space<semaphore_mem>>)
      %dma_wait3A_51 = tpu.memref_slice %arg5[%add3A_8] : memref<1024xi32, #tpu.memory_space<hbm>> -> memref<16xi32, #tpu.memory_space<hbm>>
      %dma_wait3A_52 = tpu.memref_slice %arg5[%add3A_8] : memref<1024xi32, #tpu.memory_space<hbm>> -> memref<16xi32, #tpu.memory_space<hbm>>
      tpu.wait_dma2 semaphore(%run_scoped3A : memref<!tpu.dma_semaphore, #tpu.memory_space<semaphore_mem>>) src(%dma_wait3A_52 : memref<16xi32, #tpu.memory_space<hbm>>) dst(%arg13 : memref<16xi32, #tpu.memory_space<vmem>>)
      tpu.yield
    }) : () -> ()
    %dma_start3A = arith.constant 0 : i32
    %dma_start3A_9 = arith.constant 0 : i32
    %dma_start3A_10 = tpu.memref_slice %arg2[%dma_start3A, %dma_start3A_9] : memref<16384x384xf32, #tpu.memory_space<hbm>> -> memref<16384x384xf32, #tpu.memory_space<hbm>>
    tpu.enqueue_indirect_dma source(%dma_start3A_10 : memref<16384x384xf32, #tpu.memory_space<hbm>>) target(%arg10 : memref<16x384xf32, #tpu.memory_space<vmem>>) offsets(%arg9 : memref<16xi32, #tpu.memory_space<vmem>>) semaphore(%arg15 : memref<!tpu.dma_semaphore, #tpu.memory_space<semaphore_mem>>)
    %dma_start3A_11 = arith.constant 0 : i32
    %dma_start3A_12 = arith.constant 0 : i32
    %dma_start3A_13 = tpu.memref_slice %arg2[%dma_start3A_11, %dma_start3A_12] : memref<16384x384xf32, #tpu.memory_space<hbm>> -> memref<16384x384xf32, #tpu.memory_space<hbm>>
    tpu.enqueue_indirect_dma source(%dma_start3A_13 : memref<16384x384xf32, #tpu.memory_space<hbm>>) target(%arg12 : memref<16x384xf32, #tpu.memory_space<vmem>>) offsets(%arg11 : memref<16xi32, #tpu.memory_space<vmem>>) semaphore(%arg16 : memref<!tpu.dma_semaphore, #tpu.memory_space<semaphore_mem>>)
    %dma_start3A_14 = arith.constant 0 : i32
    %dma_start3A_15 = arith.constant 0 : i32
    %dma_start3A_16 = tpu.memref_slice %arg3[%dma_start3A_14, %dma_start3A_15] : memref<8192x384xf32, #tpu.memory_space<hbm>> -> memref<8192x384xf32, #tpu.memory_space<hbm>>
    tpu.enqueue_indirect_dma source(%dma_start3A_16 : memref<8192x384xf32, #tpu.memory_space<hbm>>) target(%arg14 : memref<16x384xf32, #tpu.memory_space<vmem>>) offsets(%arg13 : memref<16xi32, #tpu.memory_space<vmem>>) semaphore(%arg17 : memref<!tpu.dma_semaphore, #tpu.memory_space<semaphore_mem>>)
    %dma_wait3A = arith.constant 0 : i32
    %dma_wait3A_17 = arith.constant 0 : i32
    %dma_wait3A_18 = tpu.memref_slice %arg2[%dma_wait3A, %dma_wait3A_17] : memref<16384x384xf32, #tpu.memory_space<hbm>> -> memref<16384x384xf32, #tpu.memory_space<hbm>>
    tpu.wait_indirect_dma semaphore(%arg15 : memref<!tpu.dma_semaphore, #tpu.memory_space<semaphore_mem>>) src(%dma_wait3A_18 : memref<16384x384xf32, #tpu.memory_space<hbm>>) dst(%arg10 : memref<16x384xf32, #tpu.memory_space<vmem>>)
    %dma_start3A_19 = arith.constant 0 : i32
    %dma_start3A_20 = tpu.memref_slice %arg6[%mul3A_2, %dma_start3A_19] : memref<512x384xf32, #tpu.memory_space<hbm>> -> memref<16x384xf32, #tpu.memory_space<hbm>>
    %dma_start3A_21 = arith.constant 0 : i32
    %dma_start3A_22 = tpu.memref_slice %arg6[%mul3A_2, %dma_start3A_21] : memref<512x384xf32, #tpu.memory_space<hbm>> -> memref<16x384xf32, #tpu.memory_space<hbm>>
    tpu.enqueue_dma source(%arg10 : memref<16x384xf32, #tpu.memory_space<vmem>>) target(%dma_start3A_22 : memref<16x384xf32, #tpu.memory_space<hbm>>) target_semaphore(%arg15 : memref<!tpu.dma_semaphore, #tpu.memory_space<semaphore_mem>>)
    %dma_wait3A_23 = arith.constant 0 : i32
    %dma_wait3A_24 = arith.constant 0 : i32
    %dma_wait3A_25 = tpu.memref_slice %arg2[%dma_wait3A_23, %dma_wait3A_24] : memref<16384x384xf32, #tpu.memory_space<hbm>> -> memref<16384x384xf32, #tpu.memory_space<hbm>>
    tpu.wait_indirect_dma semaphore(%arg16 : memref<!tpu.dma_semaphore, #tpu.memory_space<semaphore_mem>>) src(%dma_wait3A_25 : memref<16384x384xf32, #tpu.memory_space<hbm>>) dst(%arg12 : memref<16x384xf32, #tpu.memory_space<vmem>>)
    %dma_start3A_26 = arith.constant 0 : i32
    %dma_start3A_27 = tpu.memref_slice %arg7[%mul3A_4, %dma_start3A_26] : memref<512x384xf32, #tpu.memory_space<hbm>> -> memref<16x384xf32, #tpu.memory_space<hbm>>
    %dma_start3A_28 = arith.constant 0 : i32
    %dma_start3A_29 = tpu.memref_slice %arg7[%mul3A_4, %dma_start3A_28] : memref<512x384xf32, #tpu.memory_space<hbm>> -> memref<16x384xf32, #tpu.memory_space<hbm>>
    tpu.enqueue_dma source(%arg12 : memref<16x384xf32, #tpu.memory_space<vmem>>) target(%dma_start3A_29 : memref<16x384xf32, #tpu.memory_space<hbm>>) target_semaphore(%arg16 : memref<!tpu.dma_semaphore, #tpu.memory_space<semaphore_mem>>)
    %dma_wait3A_30 = arith.constant 0 : i32
    %dma_wait3A_31 = arith.constant 0 : i32
    %dma_wait3A_32 = tpu.memref_slice %arg3[%dma_wait3A_30, %dma_wait3A_31] : memref<8192x384xf32, #tpu.memory_space<hbm>> -> memref<8192x384xf32, #tpu.memory_space<hbm>>
    tpu.wait_indirect_dma semaphore(%arg17 : memref<!tpu.dma_semaphore, #tpu.memory_space<semaphore_mem>>) src(%dma_wait3A_32 : memref<8192x384xf32, #tpu.memory_space<hbm>>) dst(%arg14 : memref<16x384xf32, #tpu.memory_space<vmem>>)
    %dma_start3A_33 = arith.constant 0 : i32
    %dma_start3A_34 = tpu.memref_slice %arg8[%mul3A_6, %dma_start3A_33] : memref<512x384xf32, #tpu.memory_space<hbm>> -> memref<16x384xf32, #tpu.memory_space<hbm>>
    %dma_start3A_35 = arith.constant 0 : i32
    %dma_start3A_36 = tpu.memref_slice %arg8[%mul3A_6, %dma_start3A_35] : memref<512x384xf32, #tpu.memory_space<hbm>> -> memref<16x384xf32, #tpu.memory_space<hbm>>
    tpu.enqueue_dma source(%arg14 : memref<16x384xf32, #tpu.memory_space<vmem>>) target(%dma_start3A_36 : memref<16x384xf32, #tpu.memory_space<hbm>>) target_semaphore(%arg17 : memref<!tpu.dma_semaphore, #tpu.memory_space<semaphore_mem>>)
    %dma_wait3A_37 = arith.constant 0 : i32
    %dma_wait3A_38 = tpu.memref_slice %arg6[%mul3A_2, %dma_wait3A_37] : memref<512x384xf32, #tpu.memory_space<hbm>> -> memref<16x384xf32, #tpu.memory_space<hbm>>
    %dma_wait3A_39 = arith.constant 0 : i32
    %dma_wait3A_40 = tpu.memref_slice %arg6[%mul3A_2, %dma_wait3A_39] : memref<512x384xf32, #tpu.memory_space<hbm>> -> memref<16x384xf32, #tpu.memory_space<hbm>>
    tpu.wait_dma2 semaphore(%arg15 : memref<!tpu.dma_semaphore, #tpu.memory_space<semaphore_mem>>) src(%arg10 : memref<16x384xf32, #tpu.memory_space<vmem>>) dst(%dma_wait3A_40 : memref<16x384xf32, #tpu.memory_space<hbm>>)
    %dma_wait3A_41 = arith.constant 0 : i32
    %dma_wait3A_42 = tpu.memref_slice %arg7[%mul3A_4, %dma_wait3A_41] : memref<512x384xf32, #tpu.memory_space<hbm>> -> memref<16x384xf32, #tpu.memory_space<hbm>>
    %dma_wait3A_43 = arith.constant 0 : i32
    %dma_wait3A_44 = tpu.memref_slice %arg7[%mul3A_4, %dma_wait3A_43] : memref<512x384xf32, #tpu.memory_space<hbm>> -> memref<16x384xf32, #tpu.memory_space<hbm>>
    tpu.wait_dma2 semaphore(%arg16 : memref<!tpu.dma_semaphore, #tpu.memory_space<semaphore_mem>>) src(%arg12 : memref<16x384xf32, #tpu.memory_space<vmem>>) dst(%dma_wait3A_44 : memref<16x384xf32, #tpu.memory_space<hbm>>)
    %dma_wait3A_45 = arith.constant 0 : i32
    %dma_wait3A_46 = tpu.memref_slice %arg8[%mul3A_6, %dma_wait3A_45] : memref<512x384xf32, #tpu.memory_space<hbm>> -> memref<16x384xf32, #tpu.memory_space<hbm>>
    %dma_wait3A_47 = arith.constant 0 : i32
    %dma_wait3A_48 = tpu.memref_slice %arg8[%mul3A_6, %dma_wait3A_47] : memref<512x384xf32, #tpu.memory_space<hbm>> -> memref<16x384xf32, #tpu.memory_space<hbm>>
    tpu.wait_dma2 semaphore(%arg17 : memref<!tpu.dma_semaphore, #tpu.memory_space<semaphore_mem>>) src(%arg14 : memref<16x384xf32, #tpu.memory_space<vmem>>) dst(%dma_wait3A_48 : memref<16x384xf32, #tpu.memory_space<hbm>>)
    return
  }
}

module attributes {stable_mosaic.version = 14 : i64} {
  func.func @_topk_body(%arg0: i32, %arg1: memref<1x1x1024x384xf32, #tpu.memory_space<vmem>>, %arg2: memref<1x1x1024x384xf32, #tpu.memory_space<vmem>>, %arg3: memref<128x1024xf32, #tpu.memory_space<vmem>>, %arg4: memref<8x128xi32, #tpu.memory_space<vmem>>, %arg5: memref<128x384xf32, #tpu.memory_space<vmem>>, %arg6: memref<64x128xf32, #tpu.memory_space<vmem>>, %arg7: memref<64x128xi32, #tpu.memory_space<vmem>>) attributes {dimension_semantics = [#tpu.dimension_semantics<arbitrary>], iteration_bounds = array<i64: 4>, scalar_prefetch = 0 : i64, scratch_operands = 3 : i64, tpu.core_type = #tpu.core_type<tc>, window_params = [{transform_indices = @transform_0, window_bounds = array<i64: 1, 1, 1024, 384>}, {transform_indices = @transform_1, window_bounds = array<i64: 1, 1, 1024, 384>}, {pipeline_mode = #tpu.pipeline_mode<synchronous>, transform_indices = @transform_2, window_bounds = array<i64: 128, 1024>}, {pipeline_mode = #tpu.pipeline_mode<synchronous>, transform_indices = @transform_3, window_bounds = array<i64: 8, 128>}]} {
    %eq3A = arith.constant 0 : i32
    %eq3A_0 = arith.cmpi eq, %arg0, %eq3A : i32
    %convert_element_type3A = arith.extui %eq3A_0 : i1 to i32
    %cond3A = arith.constant 0 : i32
    %cond3A_1 = arith.cmpi ne, %convert_element_type3A, %cond3A : i32
    scf.if %cond3A_1 {
      %get3A_374 = arith.constant 0 : index
      %get3A_375 = arith.constant 0 : index
      %get3A_376 = arith.constant 0 : index
      %get3A_377 = arith.constant 0 : index
      %get3A_378 = vector.load %arg2[%get3A_374, %get3A_375, %get3A_376, %get3A_377] : memref<1x1x1024x384xf32, #tpu.memory_space<vmem>>, vector<1x1x1024x384xf32>
      %get3A_379 = vector.shape_cast %get3A_378 : vector<1x1x1024x384xf32> to vector<1024x384xf32>
      %get3A_380 = arith.constant 0 : index
      %get3A_381 = arith.constant 0 : index
      %get3A_382 = vector.load %arg3[%get3A_380, %get3A_381] : memref<128x1024xf32, #tpu.memory_space<vmem>>, vector<128x1024xf32>
      %dot_general3A_383 = arith.constant dense<0.000000e+00> : vector<128x384xf32>
      %dot_general3A_384 = tpu.matmul %get3A_382, %get3A_379, %dot_general3A_383 {dimension_numbers = #tpu.dot_dimension_numbers<[1], [0], [0], [1], [0, 0, 1, 1], [], []>, transpose_lhs_hint = false} : vector<128x1024xf32>, vector<1024x384xf32>, vector<128x384xf32> -> vector<128x384xf32>
      %mul3A_385 = arith.mulf %dot_general3A_384, %dot_general3A_384 : vector<128x384xf32>
      %reduce_sum3A_386 = arith.constant dense<0.000000e+00> : vector<128xf32>
      %reduce_sum3A_387 = vector.multi_reduction <add>, %mul3A_385, %reduce_sum3A_386 [1] : vector<128x384xf32> to vector<128xf32>
      %broadcast_in_dim3A_388 = vector.shape_cast %reduce_sum3A_387 : vector<128xf32> to vector<128x1xf32>
      %sqrt3A_389 = math.sqrt %broadcast_in_dim3A_388 : vector<128x1xf32>
      %max3A_390 = arith.constant 9.99999993E-9 : f32
      %max3A_391 = vector.broadcast %max3A_390 : f32 to vector<128x1xf32>
      %max3A_392 = arith.maximumf %sqrt3A_389, %max3A_391 : vector<128x1xf32>
      %div3A_393 = vector.broadcast %max3A_392 : vector<128x1xf32> to vector<128x384xf32>
      %div3A_394 = arith.divf %dot_general3A_384, %div3A_393 : vector<128x384xf32>
      %swap3A_395 = arith.constant 0 : index
      %swap3A_396 = arith.constant 0 : index
      %swap3A_397 = vector.load %arg5[%swap3A_395, %swap3A_396] : memref<128x384xf32, #tpu.memory_space<vmem>>, vector<128x384xf32>
      tpu.vector_store %arg5[%swap3A_395, %swap3A_396], %div3A_394 {strides = array<i32>} : memref<128x384xf32, #tpu.memory_space<vmem>>, vector<128x384xf32>,
    } else {
    }
    %get3A = arith.constant 0 : index
    %get3A_2 = arith.constant 0 : index
    %get3A_3 = vector.load %arg5[%get3A, %get3A_2] : memref<128x384xf32, #tpu.memory_space<vmem>>, vector<128x384xf32>
    %get3A_4 = arith.constant 0 : index
    %get3A_5 = arith.constant 0 : index
    %get3A_6 = arith.constant 0 : index
    %get3A_7 = arith.constant 0 : index
    %get3A_8 = vector.load %arg1[%get3A_4, %get3A_5, %get3A_6, %get3A_7] : memref<1x1x1024x384xf32, #tpu.memory_space<vmem>>, vector<1x1x256x384xf32>
    %get3A_9 = vector.shape_cast %get3A_8 : vector<1x1x256x384xf32> to vector<256x384xf32>
    %mul3A = arith.mulf %get3A_9, %get3A_9 : vector<256x384xf32>
    %reduce_sum3A = arith.constant dense<0.000000e+00> : vector<256xf32>
    %reduce_sum3A_10 = vector.multi_reduction <add>, %mul3A, %reduce_sum3A [1] : vector<256x384xf32> to vector<256xf32>
    %broadcast_in_dim3A = vector.shape_cast %reduce_sum3A_10 : vector<256xf32> to vector<256x1xf32>
    %sqrt3A = math.sqrt %broadcast_in_dim3A : vector<256x1xf32>
    %max3A = arith.constant 9.99999993E-9 : f32
    %max3A_11 = vector.broadcast %max3A : f32 to vector<256x1xf32>
    %max3A_12 = arith.maximumf %sqrt3A, %max3A_11 : vector<256x1xf32>
    %dot_general3A = arith.constant dense<0.000000e+00> : vector<256x128xf32>
    %dot_general3A_13 = tpu.matmul %get3A_9, %get3A_3, %dot_general3A {dimension_numbers = #tpu.dot_dimension_numbers<[1], [1], [0], [0], [0, 0, 1, 0], [], []>, transpose_lhs_hint = false} : vector<256x384xf32>, vector<128x384xf32>, vector<256x128xf32> -> vector<256x128xf32>
    %div3A = vector.broadcast %max3A_12 : vector<256x1xf32> to vector<256x128xf32>
    %div3A_14 = arith.divf %dot_general3A_13, %div3A : vector<256x128xf32>
    %iota3A = tpu.iota {dimensions = array<i32: 0>} : vector<256x128xi32>
    %mul3A_15 = arith.constant 1024 : i32
    %mul3A_16 = arith.muli %arg0, %mul3A_15 : i32
    %add3A = arith.constant 0 : i32
    %add3A_17 = arith.addi %mul3A_16, %add3A : i32
    %add3A_18 = vector.broadcast %add3A_17 : i32 to vector<256x128xi32>
    %add3A_19 = arith.addi %iota3A, %add3A_18 : vector<256x128xi32>
    %reduce_max3A = arith.constant dense<0xFF800000> : vector<128xf32>
    %reduce_max3A_20 = vector.multi_reduction <maximumf>, %div3A_14, %reduce_max3A [0] : vector<256x128xf32> to vector<128xf32>
    %broadcast_in_dim3A_21 = vector.shape_cast %reduce_max3A_20 : vector<128xf32> to vector<1x128xf32>
    %eq3A_22 = vector.broadcast %broadcast_in_dim3A_21 : vector<1x128xf32> to vector<256x128xf32>
    %eq3A_23 = arith.cmpf oeq, %div3A_14, %eq3A_22 : vector<256x128xf32>
    %jit3A = arith.constant 4096 : i32
    %broadcast_in_dim3A_24 = vector.broadcast %jit3A : i32 to vector<256x128xi32>
    %select_n3A = arith.select %eq3A_23, %add3A_19, %broadcast_in_dim3A_24 : vector<256x128xi1>, vector<256x128xi32>
    %reduce_min3A = arith.constant dense<2147483647> : vector<128xi32>
    %reduce_min3A_25 = vector.multi_reduction <minsi>, %select_n3A, %reduce_min3A [0] : vector<256x128xi32> to vector<128xi32>
    %broadcast_in_dim3A_26 = vector.shape_cast %reduce_max3A_20 : vector<128xf32> to vector<1x128xf32>
    %broadcast_in_dim3A_27 = vector.shape_cast %reduce_min3A_25 : vector<128xi32> to vector<1x128xi32>
    %broadcast_in_dim3A_28 = vector.shape_cast %reduce_min3A_25 : vector<128xi32> to vector<1x128xi32>
    %eq3A_29 = vector.broadcast %broadcast_in_dim3A_28 : vector<1x128xi32> to vector<256x128xi32>
    %eq3A_30 = arith.cmpi eq, %add3A_19, %eq3A_29 : vector<256x128xi32>
    %jit3A_31 = arith.constant 0xFF800000 : f32
    %broadcast_in_dim3A_32 = vector.broadcast %jit3A_31 : f32 to vector<256x128xf32>
    %select_n3A_33 = arith.select %eq3A_30, %broadcast_in_dim3A_32, %div3A_14 : vector<256x128xi1>, vector<256x128xf32>
    %reduce_max3A_34 = arith.constant dense<0xFF800000> : vector<128xf32>
    %reduce_max3A_35 = vector.multi_reduction <maximumf>, %select_n3A_33, %reduce_max3A_34 [0] : vector<256x128xf32> to vector<128xf32>
    %broadcast_in_dim3A_36 = vector.shape_cast %reduce_max3A_35 : vector<128xf32> to vector<1x128xf32>
    %eq3A_37 = vector.broadcast %broadcast_in_dim3A_36 : vector<1x128xf32> to vector<256x128xf32>
    %eq3A_38 = arith.cmpf oeq, %select_n3A_33, %eq3A_37 : vector<256x128xf32>
    %jit3A_39 = arith.constant 4096 : i32
    %broadcast_in_dim3A_40 = vector.broadcast %jit3A_39 : i32 to vector<256x128xi32>
    %select_n3A_41 = arith.select %eq3A_38, %add3A_19, %broadcast_in_dim3A_40 : vector<256x128xi1>, vector<256x128xi32>
    %reduce_min3A_42 = arith.constant dense<2147483647> : vector<128xi32>
    %reduce_min3A_43 = vector.multi_reduction <minsi>, %select_n3A_41, %reduce_min3A_42 [0] : vector<256x128xi32> to vector<128xi32>
    %broadcast_in_dim3A_44 = vector.shape_cast %reduce_max3A_35 : vector<128xf32> to vector<1x128xf32>
    %broadcast_in_dim3A_45 = vector.shape_cast %reduce_min3A_43 : vector<128xi32> to vector<1x128xi32>
    %broadcast_in_dim3A_46 = vector.shape_cast %reduce_min3A_43 : vector<128xi32> to vector<1x128xi32>
    %eq3A_47 = vector.broadcast %broadcast_in_dim3A_46 : vector<1x128xi32> to vector<256x128xi32>
    %eq3A_48 = arith.cmpi eq, %add3A_19, %eq3A_47 : vector<256x128xi32>
    %jit3A_49 = arith.constant 0xFF800000 : f32
    %broadcast_in_dim3A_50 = vector.broadcast %jit3A_49 : f32 to vector<256x128xf32>
    %select_n3A_51 = arith.select %eq3A_48, %broadcast_in_dim3A_50, %select_n3A_33 : vector<256x128xi1>, vector<256x128xf32>
    %reduce_max3A_52 = arith.constant dense<0xFF800000> : vector<128xf32>
    %reduce_max3A_53 = vector.multi_reduction <maximumf>, %select_n3A_51, %reduce_max3A_52 [0] : vector<256x128xf32> to vector<128xf32>
    %broadcast_in_dim3A_54 = vector.shape_cast %reduce_max3A_53 : vector<128xf32> to vector<1x128xf32>
    %eq3A_55 = vector.broadcast %broadcast_in_dim3A_54 : vector<1x128xf32> to vector<256x128xf32>
    %eq3A_56 = arith.cmpf oeq, %select_n3A_51, %eq3A_55 : vector<256x128xf32>
    %jit3A_57 = arith.constant 4096 : i32
    %broadcast_in_dim3A_58 = vector.broadcast %jit3A_57 : i32 to vector<256x128xi32>
    %select_n3A_59 = arith.select %eq3A_56, %add3A_19, %broadcast_in_dim3A_58 : vector<256x128xi1>, vector<256x128xi32>
    %reduce_min3A_60 = arith.constant dense<2147483647> : vector<128xi32>
    %reduce_min3A_61 = vector.multi_reduction <minsi>, %select_n3A_59, %reduce_min3A_60 [0] : vector<256x128xi32> to vector<128xi32>
    %broadcast_in_dim3A_62 = vector.shape_cast %reduce_max3A_53 : vector<128xf32> to vector<1x128xf32>
    %broadcast_in_dim3A_63 = vector.shape_cast %reduce_min3A_61 : vector<128xi32> to vector<1x128xi32>
    %broadcast_in_dim3A_64 = vector.shape_cast %reduce_min3A_61 : vector<128xi32> to vector<1x128xi32>
    %eq3A_65 = vector.broadcast %broadcast_in_dim3A_64 : vector<1x128xi32> to vector<256x128xi32>
    %eq3A_66 = arith.cmpi eq, %add3A_19, %eq3A_65 : vector<256x128xi32>
    %jit3A_67 = arith.constant 0xFF800000 : f32
    %broadcast_in_dim3A_68 = vector.broadcast %jit3A_67 : f32 to vector<256x128xf32>
    %select_n3A_69 = arith.select %eq3A_66, %broadcast_in_dim3A_68, %select_n3A_51 : vector<256x128xi1>, vector<256x128xf32>
    %reduce_max3A_70 = arith.constant dense<0xFF800000> : vector<128xf32>
    %reduce_max3A_71 = vector.multi_reduction <maximumf>, %select_n3A_69, %reduce_max3A_70 [0] : vector<256x128xf32> to vector<128xf32>
    %broadcast_in_dim3A_72 = vector.shape_cast %reduce_max3A_71 : vector<128xf32> to vector<1x128xf32>
    %eq3A_73 = vector.broadcast %broadcast_in_dim3A_72 : vector<1x128xf32> to vector<256x128xf32>
    %eq3A_74 = arith.cmpf oeq, %select_n3A_69, %eq3A_73 : vector<256x128xf32>
    %jit3A_75 = arith.constant 4096 : i32
    %broadcast_in_dim3A_76 = vector.broadcast %jit3A_75 : i32 to vector<256x128xi32>
    %select_n3A_77 = arith.select %eq3A_74, %add3A_19, %broadcast_in_dim3A_76 : vector<256x128xi1>, vector<256x128xi32>
    %reduce_min3A_78 = arith.constant dense<2147483647> : vector<128xi32>
    %reduce_min3A_79 = vector.multi_reduction <minsi>, %select_n3A_77, %reduce_min3A_78 [0] : vector<256x128xi32> to vector<128xi32>
    %broadcast_in_dim3A_80 = vector.shape_cast %reduce_max3A_71 : vector<128xf32> to vector<1x128xf32>
    %broadcast_in_dim3A_81 = vector.shape_cast %reduce_min3A_79 : vector<128xi32> to vector<1x128xi32>
    %get3A_82 = arith.constant 0 : index
    %get3A_83 = arith.constant 0 : index
    %get3A_84 = arith.constant 256 : index
    %get3A_85 = arith.constant 0 : index
    %get3A_86 = vector.load %arg1[%get3A_82, %get3A_83, %get3A_84, %get3A_85] : memref<1x1x1024x384xf32, #tpu.memory_space<vmem>>, vector<1x1x256x384xf32>
    %get3A_87 = vector.shape_cast %get3A_86 : vector<1x1x256x384xf32> to vector<256x384xf32>
    %mul3A_88 = arith.mulf %get3A_87, %get3A_87 : vector<256x384xf32>
    %reduce_sum3A_89 = arith.constant dense<0.000000e+00> : vector<256xf32>
    %reduce_sum3A_90 = vector.multi_reduction <add>, %mul3A_88, %reduce_sum3A_89 [1] : vector<256x384xf32> to vector<256xf32>
    %broadcast_in_dim3A_91 = vector.shape_cast %reduce_sum3A_90 : vector<256xf32> to vector<256x1xf32>
    %sqrt3A_92 = math.sqrt %broadcast_in_dim3A_91 : vector<256x1xf32>
    %max3A_93 = arith.constant 9.99999993E-9 : f32
    %max3A_94 = vector.broadcast %max3A_93 : f32 to vector<256x1xf32>
    %max3A_95 = arith.maximumf %sqrt3A_92, %max3A_94 : vector<256x1xf32>
    %dot_general3A_96 = arith.constant dense<0.000000e+00> : vector<256x128xf32>
    %dot_general3A_97 = tpu.matmul %get3A_87, %get3A_3, %dot_general3A_96 {dimension_numbers = #tpu.dot_dimension_numbers<[1], [1], [0], [0], [0, 0, 1, 0], [], []>, transpose_lhs_hint = false} : vector<256x384xf32>, vector<128x384xf32>, vector<256x128xf32> -> vector<256x128xf32>
    %div3A_98 = vector.broadcast %max3A_95 : vector<256x1xf32> to vector<256x128xf32>
    %div3A_99 = arith.divf %dot_general3A_97, %div3A_98 : vector<256x128xf32>
    %iota3A_100 = tpu.iota {dimensions = array<i32: 0>} : vector<256x128xi32>
    %mul3A_101 = arith.constant 1024 : i32
    %mul3A_102 = arith.muli %arg0, %mul3A_101 : i32
    %add3A_103 = arith.constant 256 : i32
    %add3A_104 = arith.addi %mul3A_102, %add3A_103 : i32
    %add3A_105 = vector.broadcast %add3A_104 : i32 to vector<256x128xi32>
    %add3A_106 = arith.addi %iota3A_100, %add3A_105 : vector<256x128xi32>
    %reduce_max3A_107 = arith.constant dense<0xFF800000> : vector<128xf32>
    %reduce_max3A_108 = vector.multi_reduction <maximumf>, %div3A_99, %reduce_max3A_107 [0] : vector<256x128xf32> to vector<128xf32>
    %broadcast_in_dim3A_109 = vector.shape_cast %reduce_max3A_108 : vector<128xf32> to vector<1x128xf32>
    %eq3A_110 = vector.broadcast %broadcast_in_dim3A_109 : vector<1x128xf32> to vector<256x128xf32>
    %eq3A_111 = arith.cmpf oeq, %div3A_99, %eq3A_110 : vector<256x128xf32>
    %jit3A_112 = arith.constant 4096 : i32
    %broadcast_in_dim3A_113 = vector.broadcast %jit3A_112 : i32 to vector<256x128xi32>
    %select_n3A_114 = arith.select %eq3A_111, %add3A_106, %broadcast_in_dim3A_113 : vector<256x128xi1>, vector<256x128xi32>
    %reduce_min3A_115 = arith.constant dense<2147483647> : vector<128xi32>
    %reduce_min3A_116 = vector.multi_reduction <minsi>, %select_n3A_114, %reduce_min3A_115 [0] : vector<256x128xi32> to vector<128xi32>
    %broadcast_in_dim3A_117 = vector.shape_cast %reduce_max3A_108 : vector<128xf32> to vector<1x128xf32>
    %broadcast_in_dim3A_118 = vector.shape_cast %reduce_min3A_116 : vector<128xi32> to vector<1x128xi32>
    %broadcast_in_dim3A_119 = vector.shape_cast %reduce_min3A_116 : vector<128xi32> to vector<1x128xi32>
    %eq3A_120 = vector.broadcast %broadcast_in_dim3A_119 : vector<1x128xi32> to vector<256x128xi32>
    %eq3A_121 = arith.cmpi eq, %add3A_106, %eq3A_120 : vector<256x128xi32>
    %jit3A_122 = arith.constant 0xFF800000 : f32
    %broadcast_in_dim3A_123 = vector.broadcast %jit3A_122 : f32 to vector<256x128xf32>
    %select_n3A_124 = arith.select %eq3A_121, %broadcast_in_dim3A_123, %div3A_99 : vector<256x128xi1>, vector<256x128xf32>
    %reduce_max3A_125 = arith.constant dense<0xFF800000> : vector<128xf32>
    %reduce_max3A_126 = vector.multi_reduction <maximumf>, %select_n3A_124, %reduce_max3A_125 [0] : vector<256x128xf32> to vector<128xf32>
    %broadcast_in_dim3A_127 = vector.shape_cast %reduce_max3A_126 : vector<128xf32> to vector<1x128xf32>
    %eq3A_128 = vector.broadcast %broadcast_in_dim3A_127 : vector<1x128xf32> to vector<256x128xf32>
    %eq3A_129 = arith.cmpf oeq, %select_n3A_124, %eq3A_128 : vector<256x128xf32>
    %jit3A_130 = arith.constant 4096 : i32
    %broadcast_in_dim3A_131 = vector.broadcast %jit3A_130 : i32 to vector<256x128xi32>
    %select_n3A_132 = arith.select %eq3A_129, %add3A_106, %broadcast_in_dim3A_131 : vector<256x128xi1>, vector<256x128xi32>
    %reduce_min3A_133 = arith.constant dense<2147483647> : vector<128xi32>
    %reduce_min3A_134 = vector.multi_reduction <minsi>, %select_n3A_132, %reduce_min3A_133 [0] : vector<256x128xi32> to vector<128xi32>
    %broadcast_in_dim3A_135 = vector.shape_cast %reduce_max3A_126 : vector<128xf32> to vector<1x128xf32>
    %broadcast_in_dim3A_136 = vector.shape_cast %reduce_min3A_134 : vector<128xi32> to vector<1x128xi32>
    %broadcast_in_dim3A_137 = vector.shape_cast %reduce_min3A_134 : vector<128xi32> to vector<1x128xi32>
    %eq3A_138 = vector.broadcast %broadcast_in_dim3A_137 : vector<1x128xi32> to vector<256x128xi32>
    %eq3A_139 = arith.cmpi eq, %add3A_106, %eq3A_138 : vector<256x128xi32>
    %jit3A_140 = arith.constant 0xFF800000 : f32
    %broadcast_in_dim3A_141 = vector.broadcast %jit3A_140 : f32 to vector<256x128xf32>
    %select_n3A_142 = arith.select %eq3A_139, %broadcast_in_dim3A_141, %select_n3A_124 : vector<256x128xi1>, vector<256x128xf32>
    %reduce_max3A_143 = arith.constant dense<0xFF800000> : vector<128xf32>
    %reduce_max3A_144 = vector.multi_reduction <maximumf>, %select_n3A_142, %reduce_max3A_143 [0] : vector<256x128xf32> to vector<128xf32>
    %broadcast_in_dim3A_145 = vector.shape_cast %reduce_max3A_144 : vector<128xf32> to vector<1x128xf32>
    %eq3A_146 = vector.broadcast %broadcast_in_dim3A_145 : vector<1x128xf32> to vector<256x128xf32>
    %eq3A_147 = arith.cmpf oeq, %select_n3A_142, %eq3A_146 : vector<256x128xf32>
    %jit3A_148 = arith.constant 4096 : i32
    %broadcast_in_dim3A_149 = vector.broadcast %jit3A_148 : i32 to vector<256x128xi32>
    %select_n3A_150 = arith.select %eq3A_147, %add3A_106, %broadcast_in_dim3A_149 : vector<256x128xi1>, vector<256x128xi32>
    %reduce_min3A_151 = arith.constant dense<2147483647> : vector<128xi32>
    %reduce_min3A_152 = vector.multi_reduction <minsi>, %select_n3A_150, %reduce_min3A_151 [0] : vector<256x128xi32> to vector<128xi32>
    %broadcast_in_dim3A_153 = vector.shape_cast %reduce_max3A_144 : vector<128xf32> to vector<1x128xf32>
    %broadcast_in_dim3A_154 = vector.shape_cast %reduce_min3A_152 : vector<128xi32> to vector<1x128xi32>
    %broadcast_in_dim3A_155 = vector.shape_cast %reduce_min3A_152 : vector<128xi32> to vector<1x128xi32>
    %eq3A_156 = vector.broadcast %broadcast_in_dim3A_155 : vector<1x128xi32> to vector<256x128xi32>
    %eq3A_157 = arith.cmpi eq, %add3A_106, %eq3A_156 : vector<256x128xi32>
    %jit3A_158 = arith.constant 0xFF800000 : f32
    %broadcast_in_dim3A_159 = vector.broadcast %jit3A_158 : f32 to vector<256x128xf32>
    %select_n3A_160 = arith.select %eq3A_157, %broadcast_in_dim3A_159, %select_n3A_142 : vector<256x128xi1>, vector<256x128xf32>
    %reduce_max3A_161 = arith.constant dense<0xFF800000> : vector<128xf32>
    %reduce_max3A_162 = vector.multi_reduction <maximumf>, %select_n3A_160, %reduce_max3A_161 [0] : vector<256x128xf32> to vector<128xf32>
    %broadcast_in_dim3A_163 = vector.shape_cast %reduce_max3A_162 : vector<128xf32> to vector<1x128xf32>
    %eq3A_164 = vector.broadcast %broadcast_in_dim3A_163 : vector<1x128xf32> to vector<256x128xf32>
    %eq3A_165 = arith.cmpf oeq, %select_n3A_160, %eq3A_164 : vector<256x128xf32>
    %jit3A_166 = arith.constant 4096 : i32
    %broadcast_in_dim3A_167 = vector.broadcast %jit3A_166 : i32 to vector<256x128xi32>
    %select_n3A_168 = arith.select %eq3A_165, %add3A_106, %broadcast_in_dim3A_167 : vector<256x128xi1>, vector<256x128xi32>
    %reduce_min3A_169 = arith.constant dense<2147483647> : vector<128xi32>
    %reduce_min3A_170 = vector.multi_reduction <minsi>, %select_n3A_168, %reduce_min3A_169 [0] : vector<256x128xi32> to vector<128xi32>
    %broadcast_in_dim3A_171 = vector.shape_cast %reduce_max3A_162 : vector<128xf32> to vector<1x128xf32>
    %broadcast_in_dim3A_172 = vector.shape_cast %reduce_min3A_170 : vector<128xi32> to vector<1x128xi32>
    %get3A_173 = arith.constant 0 : index
    %get3A_174 = arith.constant 0 : index
    %get3A_175 = arith.constant 512 : index
    %get3A_176 = arith.constant 0 : index
    %get3A_177 = vector.load %arg1[%get3A_173, %get3A_174, %get3A_175, %get3A_176] : memref<1x1x1024x384xf32, #tpu.memory_space<vmem>>, vector<1x1x256x384xf32>
    %get3A_178 = vector.shape_cast %get3A_177 : vector<1x1x256x384xf32> to vector<256x384xf32>
    %mul3A_179 = arith.mulf %get3A_178, %get3A_178 : vector<256x384xf32>
    %reduce_sum3A_180 = arith.constant dense<0.000000e+00> : vector<256xf32>
    %reduce_sum3A_181 = vector.multi_reduction <add>, %mul3A_179, %reduce_sum3A_180 [1] : vector<256x384xf32> to vector<256xf32>
    %broadcast_in_dim3A_182 = vector.shape_cast %reduce_sum3A_181 : vector<256xf32> to vector<256x1xf32>
    %sqrt3A_183 = math.sqrt %broadcast_in_dim3A_182 : vector<256x1xf32>
    %max3A_184 = arith.constant 9.99999993E-9 : f32
    %max3A_185 = vector.broadcast %max3A_184 : f32 to vector<256x1xf32>
    %max3A_186 = arith.maximumf %sqrt3A_183, %max3A_185 : vector<256x1xf32>
    %dot_general3A_187 = arith.constant dense<0.000000e+00> : vector<256x128xf32>
    %dot_general3A_188 = tpu.matmul %get3A_178, %get3A_3, %dot_general3A_187 {dimension_numbers = #tpu.dot_dimension_numbers<[1], [1], [0], [0], [0, 0, 1, 0], [], []>, transpose_lhs_hint = false} : vector<256x384xf32>, vector<128x384xf32>, vector<256x128xf32> -> vector<256x128xf32>
    %div3A_189 = vector.broadcast %max3A_186 : vector<256x1xf32> to vector<256x128xf32>
    %div3A_190 = arith.divf %dot_general3A_188, %div3A_189 : vector<256x128xf32>
    %iota3A_191 = tpu.iota {dimensions = array<i32: 0>} : vector<256x128xi32>
    %mul3A_192 = arith.constant 1024 : i32
    %mul3A_193 = arith.muli %arg0, %mul3A_192 : i32
    %add3A_194 = arith.constant 512 : i32
    %add3A_195 = arith.addi %mul3A_193, %add3A_194 : i32
    %add3A_196 = vector.broadcast %add3A_195 : i32 to vector<256x128xi32>
    %add3A_197 = arith.addi %iota3A_191, %add3A_196 : vector<256x128xi32>
    %reduce_max3A_198 = arith.constant dense<0xFF800000> : vector<128xf32>
    %reduce_max3A_199 = vector.multi_reduction <maximumf>, %div3A_190, %reduce_max3A_198 [0] : vector<256x128xf32> to vector<128xf32>
    %broadcast_in_dim3A_200 = vector.shape_cast %reduce_max3A_199 : vector<128xf32> to vector<1x128xf32>
    %eq3A_201 = vector.broadcast %broadcast_in_dim3A_200 : vector<1x128xf32> to vector<256x128xf32>
    %eq3A_202 = arith.cmpf oeq, %div3A_190, %eq3A_201 : vector<256x128xf32>
    %jit3A_203 = arith.constant 4096 : i32
    %broadcast_in_dim3A_204 = vector.broadcast %jit3A_203 : i32 to vector<256x128xi32>
    %select_n3A_205 = arith.select %eq3A_202, %add3A_197, %broadcast_in_dim3A_204 : vector<256x128xi1>, vector<256x128xi32>
    %reduce_min3A_206 = arith.constant dense<2147483647> : vector<128xi32>
    %reduce_min3A_207 = vector.multi_reduction <minsi>, %select_n3A_205, %reduce_min3A_206 [0] : vector<256x128xi32> to vector<128xi32>
    %broadcast_in_dim3A_208 = vector.shape_cast %reduce_max3A_199 : vector<128xf32> to vector<1x128xf32>
    %broadcast_in_dim3A_209 = vector.shape_cast %reduce_min3A_207 : vector<128xi32> to vector<1x128xi32>
    %broadcast_in_dim3A_210 = vector.shape_cast %reduce_min3A_207 : vector<128xi32> to vector<1x128xi32>
    %eq3A_211 = vector.broadcast %broadcast_in_dim3A_210 : vector<1x128xi32> to vector<256x128xi32>
    %eq3A_212 = arith.cmpi eq, %add3A_197, %eq3A_211 : vector<256x128xi32>
    %jit3A_213 = arith.constant 0xFF800000 : f32
    %broadcast_in_dim3A_214 = vector.broadcast %jit3A_213 : f32 to vector<256x128xf32>
    %select_n3A_215 = arith.select %eq3A_212, %broadcast_in_dim3A_214, %div3A_190 : vector<256x128xi1>, vector<256x128xf32>
    %reduce_max3A_216 = arith.constant dense<0xFF800000> : vector<128xf32>
    %reduce_max3A_217 = vector.multi_reduction <maximumf>, %select_n3A_215, %reduce_max3A_216 [0] : vector<256x128xf32> to vector<128xf32>
    %broadcast_in_dim3A_218 = vector.shape_cast %reduce_max3A_217 : vector<128xf32> to vector<1x128xf32>
    %eq3A_219 = vector.broadcast %broadcast_in_dim3A_218 : vector<1x128xf32> to vector<256x128xf32>
    %eq3A_220 = arith.cmpf oeq, %select_n3A_215, %eq3A_219 : vector<256x128xf32>
    %jit3A_221 = arith.constant 4096 : i32
    %broadcast_in_dim3A_222 = vector.broadcast %jit3A_221 : i32 to vector<256x128xi32>
    %select_n3A_223 = arith.select %eq3A_220, %add3A_197, %broadcast_in_dim3A_222 : vector<256x128xi1>, vector<256x128xi32>
    %reduce_min3A_224 = arith.constant dense<2147483647> : vector<128xi32>
    %reduce_min3A_225 = vector.multi_reduction <minsi>, %select_n3A_223, %reduce_min3A_224 [0] : vector<256x128xi32> to vector<128xi32>
    %broadcast_in_dim3A_226 = vector.shape_cast %reduce_max3A_217 : vector<128xf32> to vector<1x128xf32>
    %broadcast_in_dim3A_227 = vector.shape_cast %reduce_min3A_225 : vector<128xi32> to vector<1x128xi32>
    %broadcast_in_dim3A_228 = vector.shape_cast %reduce_min3A_225 : vector<128xi32> to vector<1x128xi32>
    %eq3A_229 = vector.broadcast %broadcast_in_dim3A_228 : vector<1x128xi32> to vector<256x128xi32>
    %eq3A_230 = arith.cmpi eq, %add3A_197, %eq3A_229 : vector<256x128xi32>
    %jit3A_231 = arith.constant 0xFF800000 : f32
    %broadcast_in_dim3A_232 = vector.broadcast %jit3A_231 : f32 to vector<256x128xf32>
    %select_n3A_233 = arith.select %eq3A_230, %broadcast_in_dim3A_232, %select_n3A_215 : vector<256x128xi1>, vector<256x128xf32>
    %reduce_max3A_234 = arith.constant dense<0xFF800000> : vector<128xf32>
    %reduce_max3A_235 = vector.multi_reduction <maximumf>, %select_n3A_233, %reduce_max3A_234 [0] : vector<256x128xf32> to vector<128xf32>
    %broadcast_in_dim3A_236 = vector.shape_cast %reduce_max3A_235 : vector<128xf32> to vector<1x128xf32>
    %eq3A_237 = vector.broadcast %broadcast_in_dim3A_236 : vector<1x128xf32> to vector<256x128xf32>
    %eq3A_238 = arith.cmpf oeq, %select_n3A_233, %eq3A_237 : vector<256x128xf32>
    %jit3A_239 = arith.constant 4096 : i32
    %broadcast_in_dim3A_240 = vector.broadcast %jit3A_239 : i32 to vector<256x128xi32>
    %select_n3A_241 = arith.select %eq3A_238, %add3A_197, %broadcast_in_dim3A_240 : vector<256x128xi1>, vector<256x128xi32>
    %reduce_min3A_242 = arith.constant dense<2147483647> : vector<128xi32>
    %reduce_min3A_243 = vector.multi_reduction <minsi>, %select_n3A_241, %reduce_min3A_242 [0] : vector<256x128xi32> to vector<128xi32>
    %broadcast_in_dim3A_244 = vector.shape_cast %reduce_max3A_235 : vector<128xf32> to vector<1x128xf32>
    %broadcast_in_dim3A_245 = vector.shape_cast %reduce_min3A_243 : vector<128xi32> to vector<1x128xi32>
    %broadcast_in_dim3A_246 = vector.shape_cast %reduce_min3A_243 : vector<128xi32> to vector<1x128xi32>
    %eq3A_247 = vector.broadcast %broadcast_in_dim3A_246 : vector<1x128xi32> to vector<256x128xi32>
    %eq3A_248 = arith.cmpi eq, %add3A_197, %eq3A_247 : vector<256x128xi32>
    %jit3A_249 = arith.constant 0xFF800000 : f32
    %broadcast_in_dim3A_250 = vector.broadcast %jit3A_249 : f32 to vector<256x128xf32>
    %select_n3A_251 = arith.select %eq3A_248, %broadcast_in_dim3A_250, %select_n3A_233 : vector<256x128xi1>, vector<256x128xf32>
    %reduce_max3A_252 = arith.constant dense<0xFF800000> : vector<128xf32>
    %reduce_max3A_253 = vector.multi_reduction <maximumf>, %select_n3A_251, %reduce_max3A_252 [0] : vector<256x128xf32> to vector<128xf32>
    %broadcast_in_dim3A_254 = vector.shape_cast %reduce_max3A_253 : vector<128xf32> to vector<1x128xf32>
    %eq3A_255 = vector.broadcast %broadcast_in_dim3A_254 : vector<1x128xf32> to vector<256x128xf32>
    %eq3A_256 = arith.cmpf oeq, %select_n3A_251, %eq3A_255 : vector<256x128xf32>
    %jit3A_257 = arith.constant 4096 : i32
    %broadcast_in_dim3A_258 = vector.broadcast %jit3A_257 : i32 to vector<256x128xi32>
    %select_n3A_259 = arith.select %eq3A_256, %add3A_197, %broadcast_in_dim3A_258 : vector<256x128xi1>, vector<256x128xi32>
    %reduce_min3A_260 = arith.constant dense<2147483647> : vector<128xi32>
    %reduce_min3A_261 = vector.multi_reduction <minsi>, %select_n3A_259, %reduce_min3A_260 [0] : vector<256x128xi32> to vector<128xi32>
    %broadcast_in_dim3A_262 = vector.shape_cast %reduce_max3A_253 : vector<128xf32> to vector<1x128xf32>
    %broadcast_in_dim3A_263 = vector.shape_cast %reduce_min3A_261 : vector<128xi32> to vector<1x128xi32>
    %get3A_264 = arith.constant 0 : index
    %get3A_265 = arith.constant 0 : index
    %get3A_266 = arith.constant 768 : index
    %get3A_267 = arith.constant 0 : index
    %get3A_268 = vector.load %arg1[%get3A_264, %get3A_265, %get3A_266, %get3A_267] : memref<1x1x1024x384xf32, #tpu.memory_space<vmem>>, vector<1x1x256x384xf32>
    %get3A_269 = vector.shape_cast %get3A_268 : vector<1x1x256x384xf32> to vector<256x384xf32>
    %mul3A_270 = arith.mulf %get3A_269, %get3A_269 : vector<256x384xf32>
    %reduce_sum3A_271 = arith.constant dense<0.000000e+00> : vector<256xf32>
    %reduce_sum3A_272 = vector.multi_reduction <add>, %mul3A_270, %reduce_sum3A_271 [1] : vector<256x384xf32> to vector<256xf32>
    %broadcast_in_dim3A_273 = vector.shape_cast %reduce_sum3A_272 : vector<256xf32> to vector<256x1xf32>
    %sqrt3A_274 = math.sqrt %broadcast_in_dim3A_273 : vector<256x1xf32>
    %max3A_275 = arith.constant 9.99999993E-9 : f32
    %max3A_276 = vector.broadcast %max3A_275 : f32 to vector<256x1xf32>
    %max3A_277 = arith.maximumf %sqrt3A_274, %max3A_276 : vector<256x1xf32>
    %dot_general3A_278 = arith.constant dense<0.000000e+00> : vector<256x128xf32>
    %dot_general3A_279 = tpu.matmul %get3A_269, %get3A_3, %dot_general3A_278 {dimension_numbers = #tpu.dot_dimension_numbers<[1], [1], [0], [0], [0, 0, 1, 0], [], []>, transpose_lhs_hint = false} : vector<256x384xf32>, vector<128x384xf32>, vector<256x128xf32> -> vector<256x128xf32>
    %div3A_280 = vector.broadcast %max3A_277 : vector<256x1xf32> to vector<256x128xf32>
    %div3A_281 = arith.divf %dot_general3A_279, %div3A_280 : vector<256x128xf32>
    %iota3A_282 = tpu.iota {dimensions = array<i32: 0>} : vector<256x128xi32>
    %mul3A_283 = arith.constant 1024 : i32
    %mul3A_284 = arith.muli %arg0, %mul3A_283 : i32
    %add3A_285 = arith.constant 768 : i32
    %add3A_286 = arith.addi %mul3A_284, %add3A_285 : i32
    %add3A_287 = vector.broadcast %add3A_286 : i32 to vector<256x128xi32>
    %add3A_288 = arith.addi %iota3A_282, %add3A_287 : vector<256x128xi32>
    %reduce_max3A_289 = arith.constant dense<0xFF800000> : vector<128xf32>
    %reduce_max3A_290 = vector.multi_reduction <maximumf>, %div3A_281, %reduce_max3A_289 [0] : vector<256x128xf32> to vector<128xf32>
    %broadcast_in_dim3A_291 = vector.shape_cast %reduce_max3A_290 : vector<128xf32> to vector<1x128xf32>
    %eq3A_292 = vector.broadcast %broadcast_in_dim3A_291 : vector<1x128xf32> to vector<256x128xf32>
    %eq3A_293 = arith.cmpf oeq, %div3A_281, %eq3A_292 : vector<256x128xf32>
    %jit3A_294 = arith.constant 4096 : i32
    %broadcast_in_dim3A_295 = vector.broadcast %jit3A_294 : i32 to vector<256x128xi32>
    %select_n3A_296 = arith.select %eq3A_293, %add3A_288, %broadcast_in_dim3A_295 : vector<256x128xi1>, vector<256x128xi32>
    %reduce_min3A_297 = arith.constant dense<2147483647> : vector<128xi32>
    %reduce_min3A_298 = vector.multi_reduction <minsi>, %select_n3A_296, %reduce_min3A_297 [0] : vector<256x128xi32> to vector<128xi32>
    %broadcast_in_dim3A_299 = vector.shape_cast %reduce_max3A_290 : vector<128xf32> to vector<1x128xf32>
    %broadcast_in_dim3A_300 = vector.shape_cast %reduce_min3A_298 : vector<128xi32> to vector<1x128xi32>
    %broadcast_in_dim3A_301 = vector.shape_cast %reduce_min3A_298 : vector<128xi32> to vector<1x128xi32>
    %eq3A_302 = vector.broadcast %broadcast_in_dim3A_301 : vector<1x128xi32> to vector<256x128xi32>
    %eq3A_303 = arith.cmpi eq, %add3A_288, %eq3A_302 : vector<256x128xi32>
    %jit3A_304 = arith.constant 0xFF800000 : f32
    %broadcast_in_dim3A_305 = vector.broadcast %jit3A_304 : f32 to vector<256x128xf32>
    %select_n3A_306 = arith.select %eq3A_303, %broadcast_in_dim3A_305, %div3A_281 : vector<256x128xi1>, vector<256x128xf32>
    %reduce_max3A_307 = arith.constant dense<0xFF800000> : vector<128xf32>
    %reduce_max3A_308 = vector.multi_reduction <maximumf>, %select_n3A_306, %reduce_max3A_307 [0] : vector<256x128xf32> to vector<128xf32>
    %broadcast_in_dim3A_309 = vector.shape_cast %reduce_max3A_308 : vector<128xf32> to vector<1x128xf32>
    %eq3A_310 = vector.broadcast %broadcast_in_dim3A_309 : vector<1x128xf32> to vector<256x128xf32>
    %eq3A_311 = arith.cmpf oeq, %select_n3A_306, %eq3A_310 : vector<256x128xf32>
    %jit3A_312 = arith.constant 4096 : i32
    %broadcast_in_dim3A_313 = vector.broadcast %jit3A_312 : i32 to vector<256x128xi32>
    %select_n3A_314 = arith.select %eq3A_311, %add3A_288, %broadcast_in_dim3A_313 : vector<256x128xi1>, vector<256x128xi32>
    %reduce_min3A_315 = arith.constant dense<2147483647> : vector<128xi32>
    %reduce_min3A_316 = vector.multi_reduction <minsi>, %select_n3A_314, %reduce_min3A_315 [0] : vector<256x128xi32> to vector<128xi32>
    %broadcast_in_dim3A_317 = vector.shape_cast %reduce_max3A_308 : vector<128xf32> to vector<1x128xf32>
    %broadcast_in_dim3A_318 = vector.shape_cast %reduce_min3A_316 : vector<128xi32> to vector<1x128xi32>
    %broadcast_in_dim3A_319 = vector.shape_cast %reduce_min3A_316 : vector<128xi32> to vector<1x128xi32>
    %eq3A_320 = vector.broadcast %broadcast_in_dim3A_319 : vector<1x128xi32> to vector<256x128xi32>
    %eq3A_321 = arith.cmpi eq, %add3A_288, %eq3A_320 : vector<256x128xi32>
    %jit3A_322 = arith.constant 0xFF800000 : f32
    %broadcast_in_dim3A_323 = vector.broadcast %jit3A_322 : f32 to vector<256x128xf32>
    %select_n3A_324 = arith.select %eq3A_321, %broadcast_in_dim3A_323, %select_n3A_306 : vector<256x128xi1>, vector<256x128xf32>
    %reduce_max3A_325 = arith.constant dense<0xFF800000> : vector<128xf32>
    %reduce_max3A_326 = vector.multi_reduction <maximumf>, %select_n3A_324, %reduce_max3A_325 [0] : vector<256x128xf32> to vector<128xf32>
    %broadcast_in_dim3A_327 = vector.shape_cast %reduce_max3A_326 : vector<128xf32> to vector<1x128xf32>
    %eq3A_328 = vector.broadcast %broadcast_in_dim3A_327 : vector<1x128xf32> to vector<256x128xf32>
    %eq3A_329 = arith.cmpf oeq, %select_n3A_324, %eq3A_328 : vector<256x128xf32>
    %jit3A_330 = arith.constant 4096 : i32
    %broadcast_in_dim3A_331 = vector.broadcast %jit3A_330 : i32 to vector<256x128xi32>
    %select_n3A_332 = arith.select %eq3A_329, %add3A_288, %broadcast_in_dim3A_331 : vector<256x128xi1>, vector<256x128xi32>
    %reduce_min3A_333 = arith.constant dense<2147483647> : vector<128xi32>
    %reduce_min3A_334 = vector.multi_reduction <minsi>, %select_n3A_332, %reduce_min3A_333 [0] : vector<256x128xi32> to vector<128xi32>
    %broadcast_in_dim3A_335 = vector.shape_cast %reduce_max3A_326 : vector<128xf32> to vector<1x128xf32>
    %broadcast_in_dim3A_336 = vector.shape_cast %reduce_min3A_334 : vector<128xi32> to vector<1x128xi32>
    %broadcast_in_dim3A_337 = vector.shape_cast %reduce_min3A_334 : vector<128xi32> to vector<1x128xi32>
    %eq3A_338 = vector.broadcast %broadcast_in_dim3A_337 : vector<1x128xi32> to vector<256x128xi32>
    %eq3A_339 = arith.cmpi eq, %add3A_288, %eq3A_338 : vector<256x128xi32>
    %jit3A_340 = arith.constant 0xFF800000 : f32
    %broadcast_in_dim3A_341 = vector.broadcast %jit3A_340 : f32 to vector<256x128xf32>
    %select_n3A_342 = arith.select %eq3A_339, %broadcast_in_dim3A_341, %select_n3A_324 : vector<256x128xi1>, vector<256x128xf32>
    %reduce_max3A_343 = arith.constant dense<0xFF800000> : vector<128xf32>
    %reduce_max3A_344 = vector.multi_reduction <maximumf>, %select_n3A_342, %reduce_max3A_343 [0] : vector<256x128xf32> to vector<128xf32>
    %broadcast_in_dim3A_345 = vector.shape_cast %reduce_max3A_344 : vector<128xf32> to vector<1x128xf32>
    %eq3A_346 = vector.broadcast %broadcast_in_dim3A_345 : vector<1x128xf32> to vector<256x128xf32>
    %eq3A_347 = arith.cmpf oeq, %select_n3A_342, %eq3A_346 : vector<256x128xf32>
    %jit3A_348 = arith.constant 4096 : i32
    %broadcast_in_dim3A_349 = vector.broadcast %jit3A_348 : i32 to vector<256x128xi32>
    %select_n3A_350 = arith.select %eq3A_347, %add3A_288, %broadcast_in_dim3A_349 : vector<256x128xi1>, vector<256x128xi32>
    %reduce_min3A_351 = arith.constant dense<2147483647> : vector<128xi32>
    %reduce_min3A_352 = vector.multi_reduction <minsi>, %select_n3A_350, %reduce_min3A_351 [0] : vector<256x128xi32> to vector<128xi32>
    %broadcast_in_dim3A_353 = vector.shape_cast %reduce_max3A_344 : vector<128xf32> to vector<1x128xf32>
    %broadcast_in_dim3A_354 = vector.shape_cast %reduce_min3A_352 : vector<128xi32> to vector<1x128xi32>
    %concatenate3A = tpu.concatenate %broadcast_in_dim3A_26, %broadcast_in_dim3A_44, %broadcast_in_dim3A_62, %broadcast_in_dim3A_80, %broadcast_in_dim3A_117, %broadcast_in_dim3A_135, %broadcast_in_dim3A_153, %broadcast_in_dim3A_171, %broadcast_in_dim3A_208, %broadcast_in_dim3A_226, %broadcast_in_dim3A_244, %broadcast_in_dim3A_262, %broadcast_in_dim3A_299, %broadcast_in_dim3A_317, %broadcast_in_dim3A_335, %broadcast_in_dim3A_353 in 0 : vector<1x128xf32>, vector<1x128xf32>, vector<1x128xf32>, vector<1x128xf32>, vector<1x128xf32>, vector<1x128xf32>, vector<1x128xf32>, vector<1x128xf32>, vector<1x128xf32>, vector<1x128xf32>, vector<1x128xf32>, vector<1x128xf32>, vector<1x128xf32>, vector<1x128xf32>, vector<1x128xf32>, vector<1x128xf32> -> vector<16x128xf32>
    %mul3A_355 = arith.constant 4 : i32
    %mul3A_356 = arith.muli %arg0, %mul3A_355 : i32
    %mul3A_357 = arith.constant 4 : i32
    %mul3A_358 = arith.muli %mul3A_356, %mul3A_357 : i32
    %swap3A = arith.index_cast %mul3A_358 : i32 to index
    %swap3A_359 = arith.constant 0 : index
    %swap3A_360 = vector.load %arg6[%swap3A, %swap3A_359] : memref<64x128xf32, #tpu.memory_space<vmem>>, vector<16x128xf32>
    tpu.vector_store %arg6[%swap3A, %swap3A_359], %concatenate3A {strides = array<i32>} : memref<64x128xf32, #tpu.memory_space<vmem>>, vector<16x128xf32>,
    %concatenate3A_361 = tpu.concatenate %broadcast_in_dim3A_27, %broadcast_in_dim3A_45, %broadcast_in_dim3A_63, %broadcast_in_dim3A_81, %broadcast_in_dim3A_118, %broadcast_in_dim3A_136, %broadcast_in_dim3A_154, %broadcast_in_dim3A_172, %broadcast_in_dim3A_209, %broadcast_in_dim3A_227, %broadcast_in_dim3A_245, %broadcast_in_dim3A_263, %broadcast_in_dim3A_300, %broadcast_in_dim3A_318, %broadcast_in_dim3A_336, %broadcast_in_dim3A_354 in 0 : vector<1x128xi32>, vector<1x128xi32>, vector<1x128xi32>, vector<1x128xi32>, vector<1x128xi32>, vector<1x128xi32>, vector<1x128xi32>, vector<1x128xi32>, vector<1x128xi32>, vector<1x128xi32>, vector<1x128xi32>, vector<1x128xi32>, vector<1x128xi32>, vector<1x128xi32>, vector<1x128xi32>, vector<1x128xi32> -> vector<16x128xi32>
    %mul3A_362 = arith.constant 4 : i32
    %mul3A_363 = arith.muli %arg0, %mul3A_362 : i32
    %mul3A_364 = arith.constant 4 : i32
    %mul3A_365 = arith.muli %mul3A_363, %mul3A_364 : i32
    %swap3A_366 = arith.index_cast %mul3A_365 : i32 to index
    %swap3A_367 = arith.constant 0 : index
    %swap3A_368 = vector.load %arg7[%swap3A_366, %swap3A_367] : memref<64x128xi32, #tpu.memory_space<vmem>>, vector<16x128xi32>
    tpu.vector_store %arg7[%swap3A_366, %swap3A_367], %concatenate3A_361 {strides = array<i32>} : memref<64x128xi32, #tpu.memory_space<vmem>>, vector<16x128xi32>,
    %eq3A_369 = arith.constant 3 : i32
    %eq3A_370 = arith.cmpi eq, %arg0, %eq3A_369 : i32
    %convert_element_type3A_371 = arith.extui %eq3A_370 : i1 to i32
    %cond3A_372 = arith.constant 0 : i32
    %cond3A_373 = arith.cmpi ne, %convert_element_type3A_371, %cond3A_372 : i32
    scf.if %cond3A_373 {
      %get3A_374 = arith.constant 0 : index
      %get3A_375 = arith.constant 0 : index
      %get3A_376 = vector.load %arg6[%get3A_374, %get3A_375] : memref<64x128xf32, #tpu.memory_space<vmem>>, vector<64x128xf32>
      %get3A_377 = arith.constant 0 : index
      %get3A_378 = arith.constant 0 : index
      %get3A_379 = vector.load %arg7[%get3A_377, %get3A_378] : memref<64x128xi32, #tpu.memory_space<vmem>>, vector<64x128xi32>
      %reduce_max3A_380 = arith.constant dense<0xFF800000> : vector<128xf32>
      %reduce_max3A_381 = vector.multi_reduction <maximumf>, %get3A_376, %reduce_max3A_380 [0] : vector<64x128xf32> to vector<128xf32>
      %broadcast_in_dim3A_382 = vector.shape_cast %reduce_max3A_381 : vector<128xf32> to vector<1x128xf32>
      %eq3A_383 = vector.broadcast %broadcast_in_dim3A_382 : vector<1x128xf32> to vector<64x128xf32>
      %eq3A_384 = arith.cmpf oeq, %get3A_376, %eq3A_383 : vector<64x128xf32>
      %jit3A_385 = arith.constant 4096 : i32
      %broadcast_in_dim3A_386 = vector.broadcast %jit3A_385 : i32 to vector<64x128xi32>
      %select_n3A_387 = arith.select %eq3A_384, %get3A_379, %broadcast_in_dim3A_386 : vector<64x128xi1>, vector<64x128xi32>
      %reduce_min3A_388 = arith.constant dense<2147483647> : vector<128xi32>
      %reduce_min3A_389 = vector.multi_reduction <minsi>, %select_n3A_387, %reduce_min3A_388 [0] : vector<64x128xi32> to vector<128xi32>
      %broadcast_in_dim3A_390 = vector.shape_cast %reduce_min3A_389 : vector<128xi32> to vector<1x128xi32>
      %eq3A_391 = vector.broadcast %broadcast_in_dim3A_390 : vector<1x128xi32> to vector<64x128xi32>
      %eq3A_392 = arith.cmpi eq, %get3A_379, %eq3A_391 : vector<64x128xi32>
      %jit3A_393 = arith.constant 0xFF800000 : f32
      %broadcast_in_dim3A_394 = vector.broadcast %jit3A_393 : f32 to vector<64x128xf32>
      %select_n3A_395 = arith.select %eq3A_392, %broadcast_in_dim3A_394, %get3A_376 : vector<64x128xi1>, vector<64x128xf32>
      %shift_right_arithmetic3A = arith.constant 10 : i32
      %shift_right_arithmetic3A_396 = vector.broadcast %shift_right_arithmetic3A : i32 to vector<128xi32>
      %shift_right_arithmetic3A_397 = arith.shrsi %reduce_min3A_389, %shift_right_arithmetic3A_396 : vector<128xi32>
      %shift_left3A = arith.constant 11 : i32
      %shift_left3A_398 = vector.broadcast %shift_left3A : i32 to vector<128xi32>
      %shift_left3A_399 = arith.shli %shift_right_arithmetic3A_397, %shift_left3A_398 : vector<128xi32>
      %add3A_400 = arith.constant 9216 : i32
      %add3A_401 = vector.broadcast %add3A_400 : i32 to vector<128xi32>
      %add3A_402 = arith.addi %add3A_401, %shift_left3A_399 : vector<128xi32>
      %and3A = arith.constant 1023 : i32
      %and3A_403 = vector.broadcast %and3A : i32 to vector<128xi32>
      %and3A_404 = arith.andi %reduce_min3A_389, %and3A_403 : vector<128xi32>
      %add3A_405 = arith.addi %add3A_402, %and3A_404 : vector<128xi32>
      %broadcast_in_dim3A_406 = vector.shape_cast %add3A_405 : vector<128xi32> to vector<1x128xi32>
      %reduce_max3A_407 = arith.constant dense<0xFF800000> : vector<128xf32>
      %reduce_max3A_408 = vector.multi_reduction <maximumf>, %select_n3A_395, %reduce_max3A_407 [0] : vector<64x128xf32> to vector<128xf32>
      %broadcast_in_dim3A_409 = vector.shape_cast %reduce_max3A_408 : vector<128xf32> to vector<1x128xf32>
      %eq3A_410 = vector.broadcast %broadcast_in_dim3A_409 : vector<1x128xf32> to vector<64x128xf32>
      %eq3A_411 = arith.cmpf oeq, %select_n3A_395, %eq3A_410 : vector<64x128xf32>
      %jit3A_412 = arith.constant 4096 : i32
      %broadcast_in_dim3A_413 = vector.broadcast %jit3A_412 : i32 to vector<64x128xi32>
      %select_n3A_414 = arith.select %eq3A_411, %get3A_379, %broadcast_in_dim3A_413 : vector<64x128xi1>, vector<64x128xi32>
      %reduce_min3A_415 = arith.constant dense<2147483647> : vector<128xi32>
      %reduce_min3A_416 = vector.multi_reduction <minsi>, %select_n3A_414, %reduce_min3A_415 [0] : vector<64x128xi32> to vector<128xi32>
      %broadcast_in_dim3A_417 = vector.shape_cast %reduce_min3A_416 : vector<128xi32> to vector<1x128xi32>
      %eq3A_418 = vector.broadcast %broadcast_in_dim3A_417 : vector<1x128xi32> to vector<64x128xi32>
      %eq3A_419 = arith.cmpi eq, %get3A_379, %eq3A_418 : vector<64x128xi32>
      %jit3A_420 = arith.constant 0xFF800000 : f32
      %broadcast_in_dim3A_421 = vector.broadcast %jit3A_420 : f32 to vector<64x128xf32>
      %select_n3A_422 = arith.select %eq3A_419, %broadcast_in_dim3A_421, %select_n3A_395 : vector<64x128xi1>, vector<64x128xf32>
      %shift_right_arithmetic3A_423 = arith.constant 10 : i32
      %shift_right_arithmetic3A_424 = vector.broadcast %shift_right_arithmetic3A_423 : i32 to vector<128xi32>
      %shift_right_arithmetic3A_425 = arith.shrsi %reduce_min3A_416, %shift_right_arithmetic3A_424 : vector<128xi32>
      %shift_left3A_426 = arith.constant 11 : i32
      %shift_left3A_427 = vector.broadcast %shift_left3A_426 : i32 to vector<128xi32>
      %shift_left3A_428 = arith.shli %shift_right_arithmetic3A_425, %shift_left3A_427 : vector<128xi32>
      %add3A_429 = arith.constant 9216 : i32
      %add3A_430 = vector.broadcast %add3A_429 : i32 to vector<128xi32>
      %add3A_431 = arith.addi %add3A_430, %shift_left3A_428 : vector<128xi32>
      %and3A_432 = arith.constant 1023 : i32
      %and3A_433 = vector.broadcast %and3A_432 : i32 to vector<128xi32>
      %and3A_434 = arith.andi %reduce_min3A_416, %and3A_433 : vector<128xi32>
      %add3A_435 = arith.addi %add3A_431, %and3A_434 : vector<128xi32>
      %broadcast_in_dim3A_436 = vector.shape_cast %add3A_435 : vector<128xi32> to vector<1x128xi32>
      %reduce_max3A_437 = arith.constant dense<0xFF800000> : vector<128xf32>
      %reduce_max3A_438 = vector.multi_reduction <maximumf>, %select_n3A_422, %reduce_max3A_437 [0] : vector<64x128xf32> to vector<128xf32>
      %broadcast_in_dim3A_439 = vector.shape_cast %reduce_max3A_438 : vector<128xf32> to vector<1x128xf32>
      %eq3A_440 = vector.broadcast %broadcast_in_dim3A_439 : vector<1x128xf32> to vector<64x128xf32>
      %eq3A_441 = arith.cmpf oeq, %select_n3A_422, %eq3A_440 : vector<64x128xf32>
      %jit3A_442 = arith.constant 4096 : i32
      %broadcast_in_dim3A_443 = vector.broadcast %jit3A_442 : i32 to vector<64x128xi32>
      %select_n3A_444 = arith.select %eq3A_441, %get3A_379, %broadcast_in_dim3A_443 : vector<64x128xi1>, vector<64x128xi32>
      %reduce_min3A_445 = arith.constant dense<2147483647> : vector<128xi32>
      %reduce_min3A_446 = vector.multi_reduction <minsi>, %select_n3A_444, %reduce_min3A_445 [0] : vector<64x128xi32> to vector<128xi32>
      %broadcast_in_dim3A_447 = vector.shape_cast %reduce_min3A_446 : vector<128xi32> to vector<1x128xi32>
      %eq3A_448 = vector.broadcast %broadcast_in_dim3A_447 : vector<1x128xi32> to vector<64x128xi32>
      %eq3A_449 = arith.cmpi eq, %get3A_379, %eq3A_448 : vector<64x128xi32>
      %jit3A_450 = arith.constant 0xFF800000 : f32
      %broadcast_in_dim3A_451 = vector.broadcast %jit3A_450 : f32 to vector<64x128xf32>
      %select_n3A_452 = arith.select %eq3A_449, %broadcast_in_dim3A_451, %select_n3A_422 : vector<64x128xi1>, vector<64x128xf32>
      %shift_right_arithmetic3A_453 = arith.constant 10 : i32
      %shift_right_arithmetic3A_454 = vector.broadcast %shift_right_arithmetic3A_453 : i32 to vector<128xi32>
      %shift_right_arithmetic3A_455 = arith.shrsi %reduce_min3A_446, %shift_right_arithmetic3A_454 : vector<128xi32>
      %shift_left3A_456 = arith.constant 11 : i32
      %shift_left3A_457 = vector.broadcast %shift_left3A_456 : i32 to vector<128xi32>
      %shift_left3A_458 = arith.shli %shift_right_arithmetic3A_455, %shift_left3A_457 : vector<128xi32>
      %add3A_459 = arith.constant 9216 : i32
      %add3A_460 = vector.broadcast %add3A_459 : i32 to vector<128xi32>
      %add3A_461 = arith.addi %add3A_460, %shift_left3A_458 : vector<128xi32>
      %and3A_462 = arith.constant 1023 : i32
      %and3A_463 = vector.broadcast %and3A_462 : i32 to vector<128xi32>
      %and3A_464 = arith.andi %reduce_min3A_446, %and3A_463 : vector<128xi32>
      %add3A_465 = arith.addi %add3A_461, %and3A_464 : vector<128xi32>
      %broadcast_in_dim3A_466 = vector.shape_cast %add3A_465 : vector<128xi32> to vector<1x128xi32>
      %reduce_max3A_467 = arith.constant dense<0xFF800000> : vector<128xf32>
      %reduce_max3A_468 = vector.multi_reduction <maximumf>, %select_n3A_452, %reduce_max3A_467 [0] : vector<64x128xf32> to vector<128xf32>
      %broadcast_in_dim3A_469 = vector.shape_cast %reduce_max3A_468 : vector<128xf32> to vector<1x128xf32>
      %eq3A_470 = vector.broadcast %broadcast_in_dim3A_469 : vector<1x128xf32> to vector<64x128xf32>
      %eq3A_471 = arith.cmpf oeq, %select_n3A_452, %eq3A_470 : vector<64x128xf32>
      %jit3A_472 = arith.constant 4096 : i32
      %broadcast_in_dim3A_473 = vector.broadcast %jit3A_472 : i32 to vector<64x128xi32>
      %select_n3A_474 = arith.select %eq3A_471, %get3A_379, %broadcast_in_dim3A_473 : vector<64x128xi1>, vector<64x128xi32>
      %reduce_min3A_475 = arith.constant dense<2147483647> : vector<128xi32>
      %reduce_min3A_476 = vector.multi_reduction <minsi>, %select_n3A_474, %reduce_min3A_475 [0] : vector<64x128xi32> to vector<128xi32>
      %shift_right_arithmetic3A_477 = arith.constant 10 : i32
      %shift_right_arithmetic3A_478 = vector.broadcast %shift_right_arithmetic3A_477 : i32 to vector<128xi32>
      %shift_right_arithmetic3A_479 = arith.shrsi %reduce_min3A_476, %shift_right_arithmetic3A_478 : vector<128xi32>
      %shift_left3A_480 = arith.constant 11 : i32
      %shift_left3A_481 = vector.broadcast %shift_left3A_480 : i32 to vector<128xi32>
      %shift_left3A_482 = arith.shli %shift_right_arithmetic3A_479, %shift_left3A_481 : vector<128xi32>
      %add3A_483 = arith.constant 9216 : i32
      %add3A_484 = vector.broadcast %add3A_483 : i32 to vector<128xi32>
      %add3A_485 = arith.addi %add3A_484, %shift_left3A_482 : vector<128xi32>
      %and3A_486 = arith.constant 1023 : i32
      %and3A_487 = vector.broadcast %and3A_486 : i32 to vector<128xi32>
      %and3A_488 = arith.andi %reduce_min3A_476, %and3A_487 : vector<128xi32>
      %add3A_489 = arith.addi %add3A_485, %and3A_488 : vector<128xi32>
      %broadcast_in_dim3A_490 = vector.shape_cast %add3A_489 : vector<128xi32> to vector<1x128xi32>
      %broadcast_in_dim3A_491 = arith.constant 0 : i32
      %broadcast_in_dim3A_492 = vector.broadcast %broadcast_in_dim3A_491 : i32 to vector<4x128xi32>
      %concatenate3A_493 = tpu.concatenate %broadcast_in_dim3A_406, %broadcast_in_dim3A_436, %broadcast_in_dim3A_466, %broadcast_in_dim3A_490, %broadcast_in_dim3A_492 in 0 : vector<1x128xi32>, vector<1x128xi32>, vector<1x128xi32>, vector<1x128xi32>, vector<4x128xi32> -> vector<8x128xi32>
      %swap3A_494 = arith.constant 0 : index
      %swap3A_495 = arith.constant 0 : index
      %swap3A_496 = vector.load %arg4[%swap3A_494, %swap3A_495] : memref<8x128xi32, #tpu.memory_space<vmem>>, vector<8x128xi32>
      tpu.vector_store %arg4[%swap3A_494, %swap3A_495], %concatenate3A_493 {strides = array<i32>} : memref<8x128xi32, #tpu.memory_space<vmem>>, vector<8x128xi32>,
    } else {
    }
    return
  }
  func.func @transform_0(%arg0: i32) -> (i32, i32, i32, i32) {
    %mul3A = arith.constant 2 : i32
    %mul3A_0 = arith.muli %mul3A, %arg0 : i32
    %add3A = arith.constant 1 : i32
    %add3A_1 = arith.addi %mul3A_0, %add3A : i32
    %c1_i32 = arith.constant 1 : i32
    %c0_i32 = arith.constant 0 : i32
    %c0_i32_2 = arith.constant 0 : i32
    %c0_i32_3 = arith.constant 0 : i32
    return %c1_i32, %add3A_1, %c0_i32, %c0_i32_2 : i32, i32, i32, i32
  }
  func.func @transform_1(%arg0: i32) -> (i32, i32, i32, i32) {
    %c1_i32 = arith.constant 1 : i32
    %c0_i32 = arith.constant 0 : i32
    %c0_i32_0 = arith.constant 0 : i32
    %c0_i32_1 = arith.constant 0 : i32
    %c0_i32_2 = arith.constant 0 : i32
    return %c1_i32, %c0_i32, %c0_i32_0, %c0_i32_1 : i32, i32, i32, i32
  }
  func.func @transform_2(%arg0: i32) -> (i32, i32) {
    %c0_i32 = arith.constant 0 : i32
    %c0_i32_0 = arith.constant 0 : i32
    %c0_i32_1 = arith.constant 0 : i32
    return %c0_i32, %c0_i32_0 : i32, i32
  }
  func.func @transform_3(%arg0: i32) -> (i32, i32) {
    %c0_i32 = arith.constant 0 : i32
    %c0_i32_0 = arith.constant 0 : i32
    %c0_i32_1 = arith.constant 0 : i32
    return %c0_i32, %c0_i32_0 : i32, i32
  }
}

module attributes {stable_mosaic.version = 14 : i64} {
  func.func @_topk_body(%arg0: i32, %arg1: memref<1x1x1024x384xf32, #tpu.memory_space<vmem>>, %arg2: memref<1x1x1024x384xf32, #tpu.memory_space<vmem>>, %arg3: memref<128x1024xf32, #tpu.memory_space<vmem>>, %arg4: memref<8x128xi32, #tpu.memory_space<vmem>>, %arg5: memref<128x384xf32, #tpu.memory_space<vmem>>, %arg6: memref<64x128xf32, #tpu.memory_space<vmem>>, %arg7: memref<64x128xi32, #tpu.memory_space<vmem>>) attributes {dimension_semantics = [#tpu.dimension_semantics<arbitrary>], iteration_bounds = array<i64: 4>, scalar_prefetch = 0 : i64, scratch_operands = 3 : i64, tpu.core_type = #tpu.core_type<tc>, window_params = [{transform_indices = @transform_0, window_bounds = array<i64: 1, 1, 1024, 384>}, {transform_indices = @transform_1, window_bounds = array<i64: 1, 1, 1024, 384>}, {pipeline_mode = #tpu.pipeline_mode<synchronous>, transform_indices = @transform_2, window_bounds = array<i64: 128, 1024>}, {pipeline_mode = #tpu.pipeline_mode<synchronous>, transform_indices = @transform_3, window_bounds = array<i64: 8, 128>}]} {
    %eq3A = arith.constant 0 : i32
    %eq3A_0 = arith.cmpi eq, %arg0, %eq3A : i32
    %convert_element_type3A = arith.extui %eq3A_0 : i1 to i32
    %cond3A = arith.constant 0 : i32
    %cond3A_1 = arith.cmpi ne, %convert_element_type3A, %cond3A : i32
    scf.if %cond3A_1 {
      %get3A_374 = arith.constant 0 : index
      %get3A_375 = arith.constant 0 : index
      %get3A_376 = arith.constant 0 : index
      %get3A_377 = arith.constant 0 : index
      %get3A_378 = vector.load %arg2[%get3A_374, %get3A_375, %get3A_376, %get3A_377] : memref<1x1x1024x384xf32, #tpu.memory_space<vmem>>, vector<1x1x1024x384xf32>
      %get3A_379 = vector.shape_cast %get3A_378 : vector<1x1x1024x384xf32> to vector<1024x384xf32>
      %get3A_380 = arith.constant 0 : index
      %get3A_381 = arith.constant 0 : index
      %get3A_382 = vector.load %arg3[%get3A_380, %get3A_381] : memref<128x1024xf32, #tpu.memory_space<vmem>>, vector<128x1024xf32>
      %dot_general3A_383 = arith.constant dense<0.000000e+00> : vector<128x384xf32>
      %dot_general3A_384 = tpu.matmul %get3A_382, %get3A_379, %dot_general3A_383 {dimension_numbers = #tpu.dot_dimension_numbers<[1], [0], [0], [1], [0, 0, 1, 1], [], []>, transpose_lhs_hint = false} : vector<128x1024xf32>, vector<1024x384xf32>, vector<128x384xf32> -> vector<128x384xf32>
      %mul3A_385 = arith.mulf %dot_general3A_384, %dot_general3A_384 : vector<128x384xf32>
      %reduce_sum3A_386 = arith.constant dense<0.000000e+00> : vector<128xf32>
      %reduce_sum3A_387 = vector.multi_reduction <add>, %mul3A_385, %reduce_sum3A_386 [1] : vector<128x384xf32> to vector<128xf32>
      %broadcast_in_dim3A_388 = vector.shape_cast %reduce_sum3A_387 : vector<128xf32> to vector<128x1xf32>
      %sqrt3A_389 = math.sqrt %broadcast_in_dim3A_388 : vector<128x1xf32>
      %max3A_390 = arith.constant 9.99999993E-9 : f32
      %max3A_391 = vector.broadcast %max3A_390 : f32 to vector<128x1xf32>
      %max3A_392 = arith.maximumf %sqrt3A_389, %max3A_391 : vector<128x1xf32>
      %div3A_393 = vector.broadcast %max3A_392 : vector<128x1xf32> to vector<128x384xf32>
      %div3A_394 = arith.divf %dot_general3A_384, %div3A_393 : vector<128x384xf32>
      %swap3A_395 = arith.constant 0 : index
      %swap3A_396 = arith.constant 0 : index
      %swap3A_397 = vector.load %arg5[%swap3A_395, %swap3A_396] : memref<128x384xf32, #tpu.memory_space<vmem>>, vector<128x384xf32>
      tpu.vector_store %arg5[%swap3A_395, %swap3A_396], %div3A_394 {strides = array<i32>} : memref<128x384xf32, #tpu.memory_space<vmem>>, vector<128x384xf32>,
    } else {
    }
    %get3A = arith.constant 0 : index
    %get3A_2 = arith.constant 0 : index
    %get3A_3 = vector.load %arg5[%get3A, %get3A_2] : memref<128x384xf32, #tpu.memory_space<vmem>>, vector<128x384xf32>
    %get3A_4 = arith.constant 0 : index
    %get3A_5 = arith.constant 0 : index
    %get3A_6 = arith.constant 0 : index
    %get3A_7 = arith.constant 0 : index
    %get3A_8 = vector.load %arg1[%get3A_4, %get3A_5, %get3A_6, %get3A_7] : memref<1x1x1024x384xf32, #tpu.memory_space<vmem>>, vector<1x1x256x384xf32>
    %get3A_9 = vector.shape_cast %get3A_8 : vector<1x1x256x384xf32> to vector<256x384xf32>
    %mul3A = arith.mulf %get3A_9, %get3A_9 : vector<256x384xf32>
    %reduce_sum3A = arith.constant dense<0.000000e+00> : vector<256xf32>
    %reduce_sum3A_10 = vector.multi_reduction <add>, %mul3A, %reduce_sum3A [1] : vector<256x384xf32> to vector<256xf32>
    %broadcast_in_dim3A = vector.shape_cast %reduce_sum3A_10 : vector<256xf32> to vector<256x1xf32>
    %sqrt3A = math.sqrt %broadcast_in_dim3A : vector<256x1xf32>
    %max3A = arith.constant 9.99999993E-9 : f32
    %max3A_11 = vector.broadcast %max3A : f32 to vector<256x1xf32>
    %max3A_12 = arith.maximumf %sqrt3A, %max3A_11 : vector<256x1xf32>
    %dot_general3A = arith.constant dense<0.000000e+00> : vector<256x128xf32>
    %dot_general3A_13 = tpu.matmul %get3A_9, %get3A_3, %dot_general3A {dimension_numbers = #tpu.dot_dimension_numbers<[1], [1], [0], [0], [0, 0, 1, 0], [], []>, transpose_lhs_hint = false} : vector<256x384xf32>, vector<128x384xf32>, vector<256x128xf32> -> vector<256x128xf32>
    %div3A = vector.broadcast %max3A_12 : vector<256x1xf32> to vector<256x128xf32>
    %div3A_14 = arith.divf %dot_general3A_13, %div3A : vector<256x128xf32>
    %iota3A = tpu.iota {dimensions = array<i32: 0>} : vector<256x128xi32>
    %mul3A_15 = arith.constant 1024 : i32
    %mul3A_16 = arith.muli %arg0, %mul3A_15 : i32
    %add3A = arith.constant 0 : i32
    %add3A_17 = arith.addi %mul3A_16, %add3A : i32
    %add3A_18 = vector.broadcast %add3A_17 : i32 to vector<256x128xi32>
    %add3A_19 = arith.addi %iota3A, %add3A_18 : vector<256x128xi32>
    %reduce_max3A = arith.constant dense<0xFF800000> : vector<128xf32>
    %reduce_max3A_20 = vector.multi_reduction <maximumf>, %div3A_14, %reduce_max3A [0] : vector<256x128xf32> to vector<128xf32>
    %broadcast_in_dim3A_21 = vector.shape_cast %reduce_max3A_20 : vector<128xf32> to vector<1x128xf32>
    %eq3A_22 = vector.broadcast %broadcast_in_dim3A_21 : vector<1x128xf32> to vector<256x128xf32>
    %eq3A_23 = arith.cmpf oeq, %div3A_14, %eq3A_22 : vector<256x128xf32>
    %jit3A = arith.constant 4096 : i32
    %broadcast_in_dim3A_24 = vector.broadcast %jit3A : i32 to vector<256x128xi32>
    %select_n3A = arith.select %eq3A_23, %add3A_19, %broadcast_in_dim3A_24 : vector<256x128xi1>, vector<256x128xi32>
    %reduce_min3A = arith.constant dense<2147483647> : vector<128xi32>
    %reduce_min3A_25 = vector.multi_reduction <minsi>, %select_n3A, %reduce_min3A [0] : vector<256x128xi32> to vector<128xi32>
    %broadcast_in_dim3A_26 = vector.shape_cast %reduce_max3A_20 : vector<128xf32> to vector<1x128xf32>
    %broadcast_in_dim3A_27 = vector.shape_cast %reduce_min3A_25 : vector<128xi32> to vector<1x128xi32>
    %broadcast_in_dim3A_28 = vector.shape_cast %reduce_min3A_25 : vector<128xi32> to vector<1x128xi32>
    %eq3A_29 = vector.broadcast %broadcast_in_dim3A_28 : vector<1x128xi32> to vector<256x128xi32>
    %eq3A_30 = arith.cmpi eq, %add3A_19, %eq3A_29 : vector<256x128xi32>
    %jit3A_31 = arith.constant 0xFF800000 : f32
    %broadcast_in_dim3A_32 = vector.broadcast %jit3A_31 : f32 to vector<256x128xf32>
    %select_n3A_33 = arith.select %eq3A_30, %broadcast_in_dim3A_32, %div3A_14 : vector<256x128xi1>, vector<256x128xf32>
    %reduce_max3A_34 = arith.constant dense<0xFF800000> : vector<128xf32>
    %reduce_max3A_35 = vector.multi_reduction <maximumf>, %select_n3A_33, %reduce_max3A_34 [0] : vector<256x128xf32> to vector<128xf32>
    %broadcast_in_dim3A_36 = vector.shape_cast %reduce_max3A_35 : vector<128xf32> to vector<1x128xf32>
    %eq3A_37 = vector.broadcast %broadcast_in_dim3A_36 : vector<1x128xf32> to vector<256x128xf32>
    %eq3A_38 = arith.cmpf oeq, %select_n3A_33, %eq3A_37 : vector<256x128xf32>
    %jit3A_39 = arith.constant 4096 : i32
    %broadcast_in_dim3A_40 = vector.broadcast %jit3A_39 : i32 to vector<256x128xi32>
    %select_n3A_41 = arith.select %eq3A_38, %add3A_19, %broadcast_in_dim3A_40 : vector<256x128xi1>, vector<256x128xi32>
    %reduce_min3A_42 = arith.constant dense<2147483647> : vector<128xi32>
    %reduce_min3A_43 = vector.multi_reduction <minsi>, %select_n3A_41, %reduce_min3A_42 [0] : vector<256x128xi32> to vector<128xi32>
    %broadcast_in_dim3A_44 = vector.shape_cast %reduce_max3A_35 : vector<128xf32> to vector<1x128xf32>
    %broadcast_in_dim3A_45 = vector.shape_cast %reduce_min3A_43 : vector<128xi32> to vector<1x128xi32>
    %broadcast_in_dim3A_46 = vector.shape_cast %reduce_min3A_43 : vector<128xi32> to vector<1x128xi32>
    %eq3A_47 = vector.broadcast %broadcast_in_dim3A_46 : vector<1x128xi32> to vector<256x128xi32>
    %eq3A_48 = arith.cmpi eq, %add3A_19, %eq3A_47 : vector<256x128xi32>
    %jit3A_49 = arith.constant 0xFF800000 : f32
    %broadcast_in_dim3A_50 = vector.broadcast %jit3A_49 : f32 to vector<256x128xf32>
    %select_n3A_51 = arith.select %eq3A_48, %broadcast_in_dim3A_50, %select_n3A_33 : vector<256x128xi1>, vector<256x128xf32>
    %reduce_max3A_52 = arith.constant dense<0xFF800000> : vector<128xf32>
    %reduce_max3A_53 = vector.multi_reduction <maximumf>, %select_n3A_51, %reduce_max3A_52 [0] : vector<256x128xf32> to vector<128xf32>
    %broadcast_in_dim3A_54 = vector.shape_cast %reduce_max3A_53 : vector<128xf32> to vector<1x128xf32>
    %eq3A_55 = vector.broadcast %broadcast_in_dim3A_54 : vector<1x128xf32> to vector<256x128xf32>
    %eq3A_56 = arith.cmpf oeq, %select_n3A_51, %eq3A_55 : vector<256x128xf32>
    %jit3A_57 = arith.constant 4096 : i32
    %broadcast_in_dim3A_58 = vector.broadcast %jit3A_57 : i32 to vector<256x128xi32>
    %select_n3A_59 = arith.select %eq3A_56, %add3A_19, %broadcast_in_dim3A_58 : vector<256x128xi1>, vector<256x128xi32>
    %reduce_min3A_60 = arith.constant dense<2147483647> : vector<128xi32>
    %reduce_min3A_61 = vector.multi_reduction <minsi>, %select_n3A_59, %reduce_min3A_60 [0] : vector<256x128xi32> to vector<128xi32>
    %broadcast_in_dim3A_62 = vector.shape_cast %reduce_max3A_53 : vector<128xf32> to vector<1x128xf32>
    %broadcast_in_dim3A_63 = vector.shape_cast %reduce_min3A_61 : vector<128xi32> to vector<1x128xi32>
    %broadcast_in_dim3A_64 = vector.shape_cast %reduce_min3A_61 : vector<128xi32> to vector<1x128xi32>
    %eq3A_65 = vector.broadcast %broadcast_in_dim3A_64 : vector<1x128xi32> to vector<256x128xi32>
    %eq3A_66 = arith.cmpi eq, %add3A_19, %eq3A_65 : vector<256x128xi32>
    %jit3A_67 = arith.constant 0xFF800000 : f32
    %broadcast_in_dim3A_68 = vector.broadcast %jit3A_67 : f32 to vector<256x128xf32>
    %select_n3A_69 = arith.select %eq3A_66, %broadcast_in_dim3A_68, %select_n3A_51 : vector<256x128xi1>, vector<256x128xf32>
    %reduce_max3A_70 = arith.constant dense<0xFF800000> : vector<128xf32>
    %reduce_max3A_71 = vector.multi_reduction <maximumf>, %select_n3A_69, %reduce_max3A_70 [0] : vector<256x128xf32> to vector<128xf32>
    %broadcast_in_dim3A_72 = vector.shape_cast %reduce_max3A_71 : vector<128xf32> to vector<1x128xf32>
    %eq3A_73 = vector.broadcast %broadcast_in_dim3A_72 : vector<1x128xf32> to vector<256x128xf32>
    %eq3A_74 = arith.cmpf oeq, %select_n3A_69, %eq3A_73 : vector<256x128xf32>
    %jit3A_75 = arith.constant 4096 : i32
    %broadcast_in_dim3A_76 = vector.broadcast %jit3A_75 : i32 to vector<256x128xi32>
    %select_n3A_77 = arith.select %eq3A_74, %add3A_19, %broadcast_in_dim3A_76 : vector<256x128xi1>, vector<256x128xi32>
    %reduce_min3A_78 = arith.constant dense<2147483647> : vector<128xi32>
    %reduce_min3A_79 = vector.multi_reduction <minsi>, %select_n3A_77, %reduce_min3A_78 [0] : vector<256x128xi32> to vector<128xi32>
    %broadcast_in_dim3A_80 = vector.shape_cast %reduce_max3A_71 : vector<128xf32> to vector<1x128xf32>
    %broadcast_in_dim3A_81 = vector.shape_cast %reduce_min3A_79 : vector<128xi32> to vector<1x128xi32>
    %get3A_82 = arith.constant 0 : index
    %get3A_83 = arith.constant 0 : index
    %get3A_84 = arith.constant 256 : index
    %get3A_85 = arith.constant 0 : index
    %get3A_86 = vector.load %arg1[%get3A_82, %get3A_83, %get3A_84, %get3A_85] : memref<1x1x1024x384xf32, #tpu.memory_space<vmem>>, vector<1x1x256x384xf32>
    %get3A_87 = vector.shape_cast %get3A_86 : vector<1x1x256x384xf32> to vector<256x384xf32>
    %mul3A_88 = arith.mulf %get3A_87, %get3A_87 : vector<256x384xf32>
    %reduce_sum3A_89 = arith.constant dense<0.000000e+00> : vector<256xf32>
    %reduce_sum3A_90 = vector.multi_reduction <add>, %mul3A_88, %reduce_sum3A_89 [1] : vector<256x384xf32> to vector<256xf32>
    %broadcast_in_dim3A_91 = vector.shape_cast %reduce_sum3A_90 : vector<256xf32> to vector<256x1xf32>
    %sqrt3A_92 = math.sqrt %broadcast_in_dim3A_91 : vector<256x1xf32>
    %max3A_93 = arith.constant 9.99999993E-9 : f32
    %max3A_94 = vector.broadcast %max3A_93 : f32 to vector<256x1xf32>
    %max3A_95 = arith.maximumf %sqrt3A_92, %max3A_94 : vector<256x1xf32>
    %dot_general3A_96 = arith.constant dense<0.000000e+00> : vector<256x128xf32>
    %dot_general3A_97 = tpu.matmul %get3A_87, %get3A_3, %dot_general3A_96 {dimension_numbers = #tpu.dot_dimension_numbers<[1], [1], [0], [0], [0, 0, 1, 0], [], []>, transpose_lhs_hint = false} : vector<256x384xf32>, vector<128x384xf32>, vector<256x128xf32> -> vector<256x128xf32>
    %div3A_98 = vector.broadcast %max3A_95 : vector<256x1xf32> to vector<256x128xf32>
    %div3A_99 = arith.divf %dot_general3A_97, %div3A_98 : vector<256x128xf32>
    %iota3A_100 = tpu.iota {dimensions = array<i32: 0>} : vector<256x128xi32>
    %mul3A_101 = arith.constant 1024 : i32
    %mul3A_102 = arith.muli %arg0, %mul3A_101 : i32
    %add3A_103 = arith.constant 256 : i32
    %add3A_104 = arith.addi %mul3A_102, %add3A_103 : i32
    %add3A_105 = vector.broadcast %add3A_104 : i32 to vector<256x128xi32>
    %add3A_106 = arith.addi %iota3A_100, %add3A_105 : vector<256x128xi32>
    %reduce_max3A_107 = arith.constant dense<0xFF800000> : vector<128xf32>
    %reduce_max3A_108 = vector.multi_reduction <maximumf>, %div3A_99, %reduce_max3A_107 [0] : vector<256x128xf32> to vector<128xf32>
    %broadcast_in_dim3A_109 = vector.shape_cast %reduce_max3A_108 : vector<128xf32> to vector<1x128xf32>
    %eq3A_110 = vector.broadcast %broadcast_in_dim3A_109 : vector<1x128xf32> to vector<256x128xf32>
    %eq3A_111 = arith.cmpf oeq, %div3A_99, %eq3A_110 : vector<256x128xf32>
    %jit3A_112 = arith.constant 4096 : i32
    %broadcast_in_dim3A_113 = vector.broadcast %jit3A_112 : i32 to vector<256x128xi32>
    %select_n3A_114 = arith.select %eq3A_111, %add3A_106, %broadcast_in_dim3A_113 : vector<256x128xi1>, vector<256x128xi32>
    %reduce_min3A_115 = arith.constant dense<2147483647> : vector<128xi32>
    %reduce_min3A_116 = vector.multi_reduction <minsi>, %select_n3A_114, %reduce_min3A_115 [0] : vector<256x128xi32> to vector<128xi32>
    %broadcast_in_dim3A_117 = vector.shape_cast %reduce_max3A_108 : vector<128xf32> to vector<1x128xf32>
    %broadcast_in_dim3A_118 = vector.shape_cast %reduce_min3A_116 : vector<128xi32> to vector<1x128xi32>
    %broadcast_in_dim3A_119 = vector.shape_cast %reduce_min3A_116 : vector<128xi32> to vector<1x128xi32>
    %eq3A_120 = vector.broadcast %broadcast_in_dim3A_119 : vector<1x128xi32> to vector<256x128xi32>
    %eq3A_121 = arith.cmpi eq, %add3A_106, %eq3A_120 : vector<256x128xi32>
    %jit3A_122 = arith.constant 0xFF800000 : f32
    %broadcast_in_dim3A_123 = vector.broadcast %jit3A_122 : f32 to vector<256x128xf32>
    %select_n3A_124 = arith.select %eq3A_121, %broadcast_in_dim3A_123, %div3A_99 : vector<256x128xi1>, vector<256x128xf32>
    %reduce_max3A_125 = arith.constant dense<0xFF800000> : vector<128xf32>
    %reduce_max3A_126 = vector.multi_reduction <maximumf>, %select_n3A_124, %reduce_max3A_125 [0] : vector<256x128xf32> to vector<128xf32>
    %broadcast_in_dim3A_127 = vector.shape_cast %reduce_max3A_126 : vector<128xf32> to vector<1x128xf32>
    %eq3A_128 = vector.broadcast %broadcast_in_dim3A_127 : vector<1x128xf32> to vector<256x128xf32>
    %eq3A_129 = arith.cmpf oeq, %select_n3A_124, %eq3A_128 : vector<256x128xf32>
    %jit3A_130 = arith.constant 4096 : i32
    %broadcast_in_dim3A_131 = vector.broadcast %jit3A_130 : i32 to vector<256x128xi32>
    %select_n3A_132 = arith.select %eq3A_129, %add3A_106, %broadcast_in_dim3A_131 : vector<256x128xi1>, vector<256x128xi32>
    %reduce_min3A_133 = arith.constant dense<2147483647> : vector<128xi32>
    %reduce_min3A_134 = vector.multi_reduction <minsi>, %select_n3A_132, %reduce_min3A_133 [0] : vector<256x128xi32> to vector<128xi32>
    %broadcast_in_dim3A_135 = vector.shape_cast %reduce_max3A_126 : vector<128xf32> to vector<1x128xf32>
    %broadcast_in_dim3A_136 = vector.shape_cast %reduce_min3A_134 : vector<128xi32> to vector<1x128xi32>
    %broadcast_in_dim3A_137 = vector.shape_cast %reduce_min3A_134 : vector<128xi32> to vector<1x128xi32>
    %eq3A_138 = vector.broadcast %broadcast_in_dim3A_137 : vector<1x128xi32> to vector<256x128xi32>
    %eq3A_139 = arith.cmpi eq, %add3A_106, %eq3A_138 : vector<256x128xi32>
    %jit3A_140 = arith.constant 0xFF800000 : f32
    %broadcast_in_dim3A_141 = vector.broadcast %jit3A_140 : f32 to vector<256x128xf32>
    %select_n3A_142 = arith.select %eq3A_139, %broadcast_in_dim3A_141, %select_n3A_124 : vector<256x128xi1>, vector<256x128xf32>
    %reduce_max3A_143 = arith.constant dense<0xFF800000> : vector<128xf32>
    %reduce_max3A_144 = vector.multi_reduction <maximumf>, %select_n3A_142, %reduce_max3A_143 [0] : vector<256x128xf32> to vector<128xf32>
    %broadcast_in_dim3A_145 = vector.shape_cast %reduce_max3A_144 : vector<128xf32> to vector<1x128xf32>
    %eq3A_146 = vector.broadcast %broadcast_in_dim3A_145 : vector<1x128xf32> to vector<256x128xf32>
    %eq3A_147 = arith.cmpf oeq, %select_n3A_142, %eq3A_146 : vector<256x128xf32>
    %jit3A_148 = arith.constant 4096 : i32
    %broadcast_in_dim3A_149 = vector.broadcast %jit3A_148 : i32 to vector<256x128xi32>
    %select_n3A_150 = arith.select %eq3A_147, %add3A_106, %broadcast_in_dim3A_149 : vector<256x128xi1>, vector<256x128xi32>
    %reduce_min3A_151 = arith.constant dense<2147483647> : vector<128xi32>
    %reduce_min3A_152 = vector.multi_reduction <minsi>, %select_n3A_150, %reduce_min3A_151 [0] : vector<256x128xi32> to vector<128xi32>
    %broadcast_in_dim3A_153 = vector.shape_cast %reduce_max3A_144 : vector<128xf32> to vector<1x128xf32>
    %broadcast_in_dim3A_154 = vector.shape_cast %reduce_min3A_152 : vector<128xi32> to vector<1x128xi32>
    %broadcast_in_dim3A_155 = vector.shape_cast %reduce_min3A_152 : vector<128xi32> to vector<1x128xi32>
    %eq3A_156 = vector.broadcast %broadcast_in_dim3A_155 : vector<1x128xi32> to vector<256x128xi32>
    %eq3A_157 = arith.cmpi eq, %add3A_106, %eq3A_156 : vector<256x128xi32>
    %jit3A_158 = arith.constant 0xFF800000 : f32
    %broadcast_in_dim3A_159 = vector.broadcast %jit3A_158 : f32 to vector<256x128xf32>
    %select_n3A_160 = arith.select %eq3A_157, %broadcast_in_dim3A_159, %select_n3A_142 : vector<256x128xi1>, vector<256x128xf32>
    %reduce_max3A_161 = arith.constant dense<0xFF800000> : vector<128xf32>
    %reduce_max3A_162 = vector.multi_reduction <maximumf>, %select_n3A_160, %reduce_max3A_161 [0] : vector<256x128xf32> to vector<128xf32>
    %broadcast_in_dim3A_163 = vector.shape_cast %reduce_max3A_162 : vector<128xf32> to vector<1x128xf32>
    %eq3A_164 = vector.broadcast %broadcast_in_dim3A_163 : vector<1x128xf32> to vector<256x128xf32>
    %eq3A_165 = arith.cmpf oeq, %select_n3A_160, %eq3A_164 : vector<256x128xf32>
    %jit3A_166 = arith.constant 4096 : i32
    %broadcast_in_dim3A_167 = vector.broadcast %jit3A_166 : i32 to vector<256x128xi32>
    %select_n3A_168 = arith.select %eq3A_165, %add3A_106, %broadcast_in_dim3A_167 : vector<256x128xi1>, vector<256x128xi32>
    %reduce_min3A_169 = arith.constant dense<2147483647> : vector<128xi32>
    %reduce_min3A_170 = vector.multi_reduction <minsi>, %select_n3A_168, %reduce_min3A_169 [0] : vector<256x128xi32> to vector<128xi32>
    %broadcast_in_dim3A_171 = vector.shape_cast %reduce_max3A_162 : vector<128xf32> to vector<1x128xf32>
    %broadcast_in_dim3A_172 = vector.shape_cast %reduce_min3A_170 : vector<128xi32> to vector<1x128xi32>
    %get3A_173 = arith.constant 0 : index
    %get3A_174 = arith.constant 0 : index
    %get3A_175 = arith.constant 512 : index
    %get3A_176 = arith.constant 0 : index
    %get3A_177 = vector.load %arg1[%get3A_173, %get3A_174, %get3A_175, %get3A_176] : memref<1x1x1024x384xf32, #tpu.memory_space<vmem>>, vector<1x1x256x384xf32>
    %get3A_178 = vector.shape_cast %get3A_177 : vector<1x1x256x384xf32> to vector<256x384xf32>
    %mul3A_179 = arith.mulf %get3A_178, %get3A_178 : vector<256x384xf32>
    %reduce_sum3A_180 = arith.constant dense<0.000000e+00> : vector<256xf32>
    %reduce_sum3A_181 = vector.multi_reduction <add>, %mul3A_179, %reduce_sum3A_180 [1] : vector<256x384xf32> to vector<256xf32>
    %broadcast_in_dim3A_182 = vector.shape_cast %reduce_sum3A_181 : vector<256xf32> to vector<256x1xf32>
    %sqrt3A_183 = math.sqrt %broadcast_in_dim3A_182 : vector<256x1xf32>
    %max3A_184 = arith.constant 9.99999993E-9 : f32
    %max3A_185 = vector.broadcast %max3A_184 : f32 to vector<256x1xf32>
    %max3A_186 = arith.maximumf %sqrt3A_183, %max3A_185 : vector<256x1xf32>
    %dot_general3A_187 = arith.constant dense<0.000000e+00> : vector<256x128xf32>
    %dot_general3A_188 = tpu.matmul %get3A_178, %get3A_3, %dot_general3A_187 {dimension_numbers = #tpu.dot_dimension_numbers<[1], [1], [0], [0], [0, 0, 1, 0], [], []>, transpose_lhs_hint = false} : vector<256x384xf32>, vector<128x384xf32>, vector<256x128xf32> -> vector<256x128xf32>
    %div3A_189 = vector.broadcast %max3A_186 : vector<256x1xf32> to vector<256x128xf32>
    %div3A_190 = arith.divf %dot_general3A_188, %div3A_189 : vector<256x128xf32>
    %iota3A_191 = tpu.iota {dimensions = array<i32: 0>} : vector<256x128xi32>
    %mul3A_192 = arith.constant 1024 : i32
    %mul3A_193 = arith.muli %arg0, %mul3A_192 : i32
    %add3A_194 = arith.constant 512 : i32
    %add3A_195 = arith.addi %mul3A_193, %add3A_194 : i32
    %add3A_196 = vector.broadcast %add3A_195 : i32 to vector<256x128xi32>
    %add3A_197 = arith.addi %iota3A_191, %add3A_196 : vector<256x128xi32>
    %reduce_max3A_198 = arith.constant dense<0xFF800000> : vector<128xf32>
    %reduce_max3A_199 = vector.multi_reduction <maximumf>, %div3A_190, %reduce_max3A_198 [0] : vector<256x128xf32> to vector<128xf32>
    %broadcast_in_dim3A_200 = vector.shape_cast %reduce_max3A_199 : vector<128xf32> to vector<1x128xf32>
    %eq3A_201 = vector.broadcast %broadcast_in_dim3A_200 : vector<1x128xf32> to vector<256x128xf32>
    %eq3A_202 = arith.cmpf oeq, %div3A_190, %eq3A_201 : vector<256x128xf32>
    %jit3A_203 = arith.constant 4096 : i32
    %broadcast_in_dim3A_204 = vector.broadcast %jit3A_203 : i32 to vector<256x128xi32>
    %select_n3A_205 = arith.select %eq3A_202, %add3A_197, %broadcast_in_dim3A_204 : vector<256x128xi1>, vector<256x128xi32>
    %reduce_min3A_206 = arith.constant dense<2147483647> : vector<128xi32>
    %reduce_min3A_207 = vector.multi_reduction <minsi>, %select_n3A_205, %reduce_min3A_206 [0] : vector<256x128xi32> to vector<128xi32>
    %broadcast_in_dim3A_208 = vector.shape_cast %reduce_max3A_199 : vector<128xf32> to vector<1x128xf32>
    %broadcast_in_dim3A_209 = vector.shape_cast %reduce_min3A_207 : vector<128xi32> to vector<1x128xi32>
    %broadcast_in_dim3A_210 = vector.shape_cast %reduce_min3A_207 : vector<128xi32> to vector<1x128xi32>
    %eq3A_211 = vector.broadcast %broadcast_in_dim3A_210 : vector<1x128xi32> to vector<256x128xi32>
    %eq3A_212 = arith.cmpi eq, %add3A_197, %eq3A_211 : vector<256x128xi32>
    %jit3A_213 = arith.constant 0xFF800000 : f32
    %broadcast_in_dim3A_214 = vector.broadcast %jit3A_213 : f32 to vector<256x128xf32>
    %select_n3A_215 = arith.select %eq3A_212, %broadcast_in_dim3A_214, %div3A_190 : vector<256x128xi1>, vector<256x128xf32>
    %reduce_max3A_216 = arith.constant dense<0xFF800000> : vector<128xf32>
    %reduce_max3A_217 = vector.multi_reduction <maximumf>, %select_n3A_215, %reduce_max3A_216 [0] : vector<256x128xf32> to vector<128xf32>
    %broadcast_in_dim3A_218 = vector.shape_cast %reduce_max3A_217 : vector<128xf32> to vector<1x128xf32>
    %eq3A_219 = vector.broadcast %broadcast_in_dim3A_218 : vector<1x128xf32> to vector<256x128xf32>
    %eq3A_220 = arith.cmpf oeq, %select_n3A_215, %eq3A_219 : vector<256x128xf32>
    %jit3A_221 = arith.constant 4096 : i32
    %broadcast_in_dim3A_222 = vector.broadcast %jit3A_221 : i32 to vector<256x128xi32>
    %select_n3A_223 = arith.select %eq3A_220, %add3A_197, %broadcast_in_dim3A_222 : vector<256x128xi1>, vector<256x128xi32>
    %reduce_min3A_224 = arith.constant dense<2147483647> : vector<128xi32>
    %reduce_min3A_225 = vector.multi_reduction <minsi>, %select_n3A_223, %reduce_min3A_224 [0] : vector<256x128xi32> to vector<128xi32>
    %broadcast_in_dim3A_226 = vector.shape_cast %reduce_max3A_217 : vector<128xf32> to vector<1x128xf32>
    %broadcast_in_dim3A_227 = vector.shape_cast %reduce_min3A_225 : vector<128xi32> to vector<1x128xi32>
    %broadcast_in_dim3A_228 = vector.shape_cast %reduce_min3A_225 : vector<128xi32> to vector<1x128xi32>
    %eq3A_229 = vector.broadcast %broadcast_in_dim3A_228 : vector<1x128xi32> to vector<256x128xi32>
    %eq3A_230 = arith.cmpi eq, %add3A_197, %eq3A_229 : vector<256x128xi32>
    %jit3A_231 = arith.constant 0xFF800000 : f32
    %broadcast_in_dim3A_232 = vector.broadcast %jit3A_231 : f32 to vector<256x128xf32>
    %select_n3A_233 = arith.select %eq3A_230, %broadcast_in_dim3A_232, %select_n3A_215 : vector<256x128xi1>, vector<256x128xf32>
    %reduce_max3A_234 = arith.constant dense<0xFF800000> : vector<128xf32>
    %reduce_max3A_235 = vector.multi_reduction <maximumf>, %select_n3A_233, %reduce_max3A_234 [0] : vector<256x128xf32> to vector<128xf32>
    %broadcast_in_dim3A_236 = vector.shape_cast %reduce_max3A_235 : vector<128xf32> to vector<1x128xf32>
    %eq3A_237 = vector.broadcast %broadcast_in_dim3A_236 : vector<1x128xf32> to vector<256x128xf32>
    %eq3A_238 = arith.cmpf oeq, %select_n3A_233, %eq3A_237 : vector<256x128xf32>
    %jit3A_239 = arith.constant 4096 : i32
    %broadcast_in_dim3A_240 = vector.broadcast %jit3A_239 : i32 to vector<256x128xi32>
    %select_n3A_241 = arith.select %eq3A_238, %add3A_197, %broadcast_in_dim3A_240 : vector<256x128xi1>, vector<256x128xi32>
    %reduce_min3A_242 = arith.constant dense<2147483647> : vector<128xi32>
    %reduce_min3A_243 = vector.multi_reduction <minsi>, %select_n3A_241, %reduce_min3A_242 [0] : vector<256x128xi32> to vector<128xi32>
    %broadcast_in_dim3A_244 = vector.shape_cast %reduce_max3A_235 : vector<128xf32> to vector<1x128xf32>
    %broadcast_in_dim3A_245 = vector.shape_cast %reduce_min3A_243 : vector<128xi32> to vector<1x128xi32>
    %broadcast_in_dim3A_246 = vector.shape_cast %reduce_min3A_243 : vector<128xi32> to vector<1x128xi32>
    %eq3A_247 = vector.broadcast %broadcast_in_dim3A_246 : vector<1x128xi32> to vector<256x128xi32>
    %eq3A_248 = arith.cmpi eq, %add3A_197, %eq3A_247 : vector<256x128xi32>
    %jit3A_249 = arith.constant 0xFF800000 : f32
    %broadcast_in_dim3A_250 = vector.broadcast %jit3A_249 : f32 to vector<256x128xf32>
    %select_n3A_251 = arith.select %eq3A_248, %broadcast_in_dim3A_250, %select_n3A_233 : vector<256x128xi1>, vector<256x128xf32>
    %reduce_max3A_252 = arith.constant dense<0xFF800000> : vector<128xf32>
    %reduce_max3A_253 = vector.multi_reduction <maximumf>, %select_n3A_251, %reduce_max3A_252 [0] : vector<256x128xf32> to vector<128xf32>
    %broadcast_in_dim3A_254 = vector.shape_cast %reduce_max3A_253 : vector<128xf32> to vector<1x128xf32>
    %eq3A_255 = vector.broadcast %broadcast_in_dim3A_254 : vector<1x128xf32> to vector<256x128xf32>
    %eq3A_256 = arith.cmpf oeq, %select_n3A_251, %eq3A_255 : vector<256x128xf32>
    %jit3A_257 = arith.constant 4096 : i32
    %broadcast_in_dim3A_258 = vector.broadcast %jit3A_257 : i32 to vector<256x128xi32>
    %select_n3A_259 = arith.select %eq3A_256, %add3A_197, %broadcast_in_dim3A_258 : vector<256x128xi1>, vector<256x128xi32>
    %reduce_min3A_260 = arith.constant dense<2147483647> : vector<128xi32>
    %reduce_min3A_261 = vector.multi_reduction <minsi>, %select_n3A_259, %reduce_min3A_260 [0] : vector<256x128xi32> to vector<128xi32>
    %broadcast_in_dim3A_262 = vector.shape_cast %reduce_max3A_253 : vector<128xf32> to vector<1x128xf32>
    %broadcast_in_dim3A_263 = vector.shape_cast %reduce_min3A_261 : vector<128xi32> to vector<1x128xi32>
    %get3A_264 = arith.constant 0 : index
    %get3A_265 = arith.constant 0 : index
    %get3A_266 = arith.constant 768 : index
    %get3A_267 = arith.constant 0 : index
    %get3A_268 = vector.load %arg1[%get3A_264, %get3A_265, %get3A_266, %get3A_267] : memref<1x1x1024x384xf32, #tpu.memory_space<vmem>>, vector<1x1x256x384xf32>
    %get3A_269 = vector.shape_cast %get3A_268 : vector<1x1x256x384xf32> to vector<256x384xf32>
    %mul3A_270 = arith.mulf %get3A_269, %get3A_269 : vector<256x384xf32>
    %reduce_sum3A_271 = arith.constant dense<0.000000e+00> : vector<256xf32>
    %reduce_sum3A_272 = vector.multi_reduction <add>, %mul3A_270, %reduce_sum3A_271 [1] : vector<256x384xf32> to vector<256xf32>
    %broadcast_in_dim3A_273 = vector.shape_cast %reduce_sum3A_272 : vector<256xf32> to vector<256x1xf32>
    %sqrt3A_274 = math.sqrt %broadcast_in_dim3A_273 : vector<256x1xf32>
    %max3A_275 = arith.constant 9.99999993E-9 : f32
    %max3A_276 = vector.broadcast %max3A_275 : f32 to vector<256x1xf32>
    %max3A_277 = arith.maximumf %sqrt3A_274, %max3A_276 : vector<256x1xf32>
    %dot_general3A_278 = arith.constant dense<0.000000e+00> : vector<256x128xf32>
    %dot_general3A_279 = tpu.matmul %get3A_269, %get3A_3, %dot_general3A_278 {dimension_numbers = #tpu.dot_dimension_numbers<[1], [1], [0], [0], [0, 0, 1, 0], [], []>, transpose_lhs_hint = false} : vector<256x384xf32>, vector<128x384xf32>, vector<256x128xf32> -> vector<256x128xf32>
    %div3A_280 = vector.broadcast %max3A_277 : vector<256x1xf32> to vector<256x128xf32>
    %div3A_281 = arith.divf %dot_general3A_279, %div3A_280 : vector<256x128xf32>
    %iota3A_282 = tpu.iota {dimensions = array<i32: 0>} : vector<256x128xi32>
    %mul3A_283 = arith.constant 1024 : i32
    %mul3A_284 = arith.muli %arg0, %mul3A_283 : i32
    %add3A_285 = arith.constant 768 : i32
    %add3A_286 = arith.addi %mul3A_284, %add3A_285 : i32
    %add3A_287 = vector.broadcast %add3A_286 : i32 to vector<256x128xi32>
    %add3A_288 = arith.addi %iota3A_282, %add3A_287 : vector<256x128xi32>
    %reduce_max3A_289 = arith.constant dense<0xFF800000> : vector<128xf32>
    %reduce_max3A_290 = vector.multi_reduction <maximumf>, %div3A_281, %reduce_max3A_289 [0] : vector<256x128xf32> to vector<128xf32>
    %broadcast_in_dim3A_291 = vector.shape_cast %reduce_max3A_290 : vector<128xf32> to vector<1x128xf32>
    %eq3A_292 = vector.broadcast %broadcast_in_dim3A_291 : vector<1x128xf32> to vector<256x128xf32>
    %eq3A_293 = arith.cmpf oeq, %div3A_281, %eq3A_292 : vector<256x128xf32>
    %jit3A_294 = arith.constant 4096 : i32
    %broadcast_in_dim3A_295 = vector.broadcast %jit3A_294 : i32 to vector<256x128xi32>
    %select_n3A_296 = arith.select %eq3A_293, %add3A_288, %broadcast_in_dim3A_295 : vector<256x128xi1>, vector<256x128xi32>
    %reduce_min3A_297 = arith.constant dense<2147483647> : vector<128xi32>
    %reduce_min3A_298 = vector.multi_reduction <minsi>, %select_n3A_296, %reduce_min3A_297 [0] : vector<256x128xi32> to vector<128xi32>
    %broadcast_in_dim3A_299 = vector.shape_cast %reduce_max3A_290 : vector<128xf32> to vector<1x128xf32>
    %broadcast_in_dim3A_300 = vector.shape_cast %reduce_min3A_298 : vector<128xi32> to vector<1x128xi32>
    %broadcast_in_dim3A_301 = vector.shape_cast %reduce_min3A_298 : vector<128xi32> to vector<1x128xi32>
    %eq3A_302 = vector.broadcast %broadcast_in_dim3A_301 : vector<1x128xi32> to vector<256x128xi32>
    %eq3A_303 = arith.cmpi eq, %add3A_288, %eq3A_302 : vector<256x128xi32>
    %jit3A_304 = arith.constant 0xFF800000 : f32
    %broadcast_in_dim3A_305 = vector.broadcast %jit3A_304 : f32 to vector<256x128xf32>
    %select_n3A_306 = arith.select %eq3A_303, %broadcast_in_dim3A_305, %div3A_281 : vector<256x128xi1>, vector<256x128xf32>
    %reduce_max3A_307 = arith.constant dense<0xFF800000> : vector<128xf32>
    %reduce_max3A_308 = vector.multi_reduction <maximumf>, %select_n3A_306, %reduce_max3A_307 [0] : vector<256x128xf32> to vector<128xf32>
    %broadcast_in_dim3A_309 = vector.shape_cast %reduce_max3A_308 : vector<128xf32> to vector<1x128xf32>
    %eq3A_310 = vector.broadcast %broadcast_in_dim3A_309 : vector<1x128xf32> to vector<256x128xf32>
    %eq3A_311 = arith.cmpf oeq, %select_n3A_306, %eq3A_310 : vector<256x128xf32>
    %jit3A_312 = arith.constant 4096 : i32
    %broadcast_in_dim3A_313 = vector.broadcast %jit3A_312 : i32 to vector<256x128xi32>
    %select_n3A_314 = arith.select %eq3A_311, %add3A_288, %broadcast_in_dim3A_313 : vector<256x128xi1>, vector<256x128xi32>
    %reduce_min3A_315 = arith.constant dense<2147483647> : vector<128xi32>
    %reduce_min3A_316 = vector.multi_reduction <minsi>, %select_n3A_314, %reduce_min3A_315 [0] : vector<256x128xi32> to vector<128xi32>
    %broadcast_in_dim3A_317 = vector.shape_cast %reduce_max3A_308 : vector<128xf32> to vector<1x128xf32>
    %broadcast_in_dim3A_318 = vector.shape_cast %reduce_min3A_316 : vector<128xi32> to vector<1x128xi32>
    %broadcast_in_dim3A_319 = vector.shape_cast %reduce_min3A_316 : vector<128xi32> to vector<1x128xi32>
    %eq3A_320 = vector.broadcast %broadcast_in_dim3A_319 : vector<1x128xi32> to vector<256x128xi32>
    %eq3A_321 = arith.cmpi eq, %add3A_288, %eq3A_320 : vector<256x128xi32>
    %jit3A_322 = arith.constant 0xFF800000 : f32
    %broadcast_in_dim3A_323 = vector.broadcast %jit3A_322 : f32 to vector<256x128xf32>
    %select_n3A_324 = arith.select %eq3A_321, %broadcast_in_dim3A_323, %select_n3A_306 : vector<256x128xi1>, vector<256x128xf32>
    %reduce_max3A_325 = arith.constant dense<0xFF800000> : vector<128xf32>
    %reduce_max3A_326 = vector.multi_reduction <maximumf>, %select_n3A_324, %reduce_max3A_325 [0] : vector<256x128xf32> to vector<128xf32>
    %broadcast_in_dim3A_327 = vector.shape_cast %reduce_max3A_326 : vector<128xf32> to vector<1x128xf32>
    %eq3A_328 = vector.broadcast %broadcast_in_dim3A_327 : vector<1x128xf32> to vector<256x128xf32>
    %eq3A_329 = arith.cmpf oeq, %select_n3A_324, %eq3A_328 : vector<256x128xf32>
    %jit3A_330 = arith.constant 4096 : i32
    %broadcast_in_dim3A_331 = vector.broadcast %jit3A_330 : i32 to vector<256x128xi32>
    %select_n3A_332 = arith.select %eq3A_329, %add3A_288, %broadcast_in_dim3A_331 : vector<256x128xi1>, vector<256x128xi32>
    %reduce_min3A_333 = arith.constant dense<2147483647> : vector<128xi32>
    %reduce_min3A_334 = vector.multi_reduction <minsi>, %select_n3A_332, %reduce_min3A_333 [0] : vector<256x128xi32> to vector<128xi32>
    %broadcast_in_dim3A_335 = vector.shape_cast %reduce_max3A_326 : vector<128xf32> to vector<1x128xf32>
    %broadcast_in_dim3A_336 = vector.shape_cast %reduce_min3A_334 : vector<128xi32> to vector<1x128xi32>
    %broadcast_in_dim3A_337 = vector.shape_cast %reduce_min3A_334 : vector<128xi32> to vector<1x128xi32>
    %eq3A_338 = vector.broadcast %broadcast_in_dim3A_337 : vector<1x128xi32> to vector<256x128xi32>
    %eq3A_339 = arith.cmpi eq, %add3A_288, %eq3A_338 : vector<256x128xi32>
    %jit3A_340 = arith.constant 0xFF800000 : f32
    %broadcast_in_dim3A_341 = vector.broadcast %jit3A_340 : f32 to vector<256x128xf32>
    %select_n3A_342 = arith.select %eq3A_339, %broadcast_in_dim3A_341, %select_n3A_324 : vector<256x128xi1>, vector<256x128xf32>
    %reduce_max3A_343 = arith.constant dense<0xFF800000> : vector<128xf32>
    %reduce_max3A_344 = vector.multi_reduction <maximumf>, %select_n3A_342, %reduce_max3A_343 [0] : vector<256x128xf32> to vector<128xf32>
    %broadcast_in_dim3A_345 = vector.shape_cast %reduce_max3A_344 : vector<128xf32> to vector<1x128xf32>
    %eq3A_346 = vector.broadcast %broadcast_in_dim3A_345 : vector<1x128xf32> to vector<256x128xf32>
    %eq3A_347 = arith.cmpf oeq, %select_n3A_342, %eq3A_346 : vector<256x128xf32>
    %jit3A_348 = arith.constant 4096 : i32
    %broadcast_in_dim3A_349 = vector.broadcast %jit3A_348 : i32 to vector<256x128xi32>
    %select_n3A_350 = arith.select %eq3A_347, %add3A_288, %broadcast_in_dim3A_349 : vector<256x128xi1>, vector<256x128xi32>
    %reduce_min3A_351 = arith.constant dense<2147483647> : vector<128xi32>
    %reduce_min3A_352 = vector.multi_reduction <minsi>, %select_n3A_350, %reduce_min3A_351 [0] : vector<256x128xi32> to vector<128xi32>
    %broadcast_in_dim3A_353 = vector.shape_cast %reduce_max3A_344 : vector<128xf32> to vector<1x128xf32>
    %broadcast_in_dim3A_354 = vector.shape_cast %reduce_min3A_352 : vector<128xi32> to vector<1x128xi32>
    %concatenate3A = tpu.concatenate %broadcast_in_dim3A_26, %broadcast_in_dim3A_44, %broadcast_in_dim3A_62, %broadcast_in_dim3A_80, %broadcast_in_dim3A_117, %broadcast_in_dim3A_135, %broadcast_in_dim3A_153, %broadcast_in_dim3A_171, %broadcast_in_dim3A_208, %broadcast_in_dim3A_226, %broadcast_in_dim3A_244, %broadcast_in_dim3A_262, %broadcast_in_dim3A_299, %broadcast_in_dim3A_317, %broadcast_in_dim3A_335, %broadcast_in_dim3A_353 in 0 : vector<1x128xf32>, vector<1x128xf32>, vector<1x128xf32>, vector<1x128xf32>, vector<1x128xf32>, vector<1x128xf32>, vector<1x128xf32>, vector<1x128xf32>, vector<1x128xf32>, vector<1x128xf32>, vector<1x128xf32>, vector<1x128xf32>, vector<1x128xf32>, vector<1x128xf32>, vector<1x128xf32>, vector<1x128xf32> -> vector<16x128xf32>
    %mul3A_355 = arith.constant 4 : i32
    %mul3A_356 = arith.muli %arg0, %mul3A_355 : i32
    %mul3A_357 = arith.constant 4 : i32
    %mul3A_358 = arith.muli %mul3A_356, %mul3A_357 : i32
    %swap3A = arith.index_cast %mul3A_358 : i32 to index
    %swap3A_359 = arith.constant 0 : index
    %swap3A_360 = vector.load %arg6[%swap3A, %swap3A_359] : memref<64x128xf32, #tpu.memory_space<vmem>>, vector<16x128xf32>
    tpu.vector_store %arg6[%swap3A, %swap3A_359], %concatenate3A {strides = array<i32>} : memref<64x128xf32, #tpu.memory_space<vmem>>, vector<16x128xf32>,
    %concatenate3A_361 = tpu.concatenate %broadcast_in_dim3A_27, %broadcast_in_dim3A_45, %broadcast_in_dim3A_63, %broadcast_in_dim3A_81, %broadcast_in_dim3A_118, %broadcast_in_dim3A_136, %broadcast_in_dim3A_154, %broadcast_in_dim3A_172, %broadcast_in_dim3A_209, %broadcast_in_dim3A_227, %broadcast_in_dim3A_245, %broadcast_in_dim3A_263, %broadcast_in_dim3A_300, %broadcast_in_dim3A_318, %broadcast_in_dim3A_336, %broadcast_in_dim3A_354 in 0 : vector<1x128xi32>, vector<1x128xi32>, vector<1x128xi32>, vector<1x128xi32>, vector<1x128xi32>, vector<1x128xi32>, vector<1x128xi32>, vector<1x128xi32>, vector<1x128xi32>, vector<1x128xi32>, vector<1x128xi32>, vector<1x128xi32>, vector<1x128xi32>, vector<1x128xi32>, vector<1x128xi32>, vector<1x128xi32> -> vector<16x128xi32>
    %mul3A_362 = arith.constant 4 : i32
    %mul3A_363 = arith.muli %arg0, %mul3A_362 : i32
    %mul3A_364 = arith.constant 4 : i32
    %mul3A_365 = arith.muli %mul3A_363, %mul3A_364 : i32
    %swap3A_366 = arith.index_cast %mul3A_365 : i32 to index
    %swap3A_367 = arith.constant 0 : index
    %swap3A_368 = vector.load %arg7[%swap3A_366, %swap3A_367] : memref<64x128xi32, #tpu.memory_space<vmem>>, vector<16x128xi32>
    tpu.vector_store %arg7[%swap3A_366, %swap3A_367], %concatenate3A_361 {strides = array<i32>} : memref<64x128xi32, #tpu.memory_space<vmem>>, vector<16x128xi32>,
    %eq3A_369 = arith.constant 3 : i32
    %eq3A_370 = arith.cmpi eq, %arg0, %eq3A_369 : i32
    %convert_element_type3A_371 = arith.extui %eq3A_370 : i1 to i32
    %cond3A_372 = arith.constant 0 : i32
    %cond3A_373 = arith.cmpi ne, %convert_element_type3A_371, %cond3A_372 : i32
    scf.if %cond3A_373 {
      %get3A_374 = arith.constant 0 : index
      %get3A_375 = arith.constant 0 : index
      %get3A_376 = vector.load %arg6[%get3A_374, %get3A_375] : memref<64x128xf32, #tpu.memory_space<vmem>>, vector<64x128xf32>
      %get3A_377 = arith.constant 0 : index
      %get3A_378 = arith.constant 0 : index
      %get3A_379 = vector.load %arg7[%get3A_377, %get3A_378] : memref<64x128xi32, #tpu.memory_space<vmem>>, vector<64x128xi32>
      %reduce_max3A_380 = arith.constant dense<0xFF800000> : vector<128xf32>
      %reduce_max3A_381 = vector.multi_reduction <maximumf>, %get3A_376, %reduce_max3A_380 [0] : vector<64x128xf32> to vector<128xf32>
      %broadcast_in_dim3A_382 = vector.shape_cast %reduce_max3A_381 : vector<128xf32> to vector<1x128xf32>
      %eq3A_383 = vector.broadcast %broadcast_in_dim3A_382 : vector<1x128xf32> to vector<64x128xf32>
      %eq3A_384 = arith.cmpf oeq, %get3A_376, %eq3A_383 : vector<64x128xf32>
      %jit3A_385 = arith.constant 4096 : i32
      %broadcast_in_dim3A_386 = vector.broadcast %jit3A_385 : i32 to vector<64x128xi32>
      %select_n3A_387 = arith.select %eq3A_384, %get3A_379, %broadcast_in_dim3A_386 : vector<64x128xi1>, vector<64x128xi32>
      %reduce_min3A_388 = arith.constant dense<2147483647> : vector<128xi32>
      %reduce_min3A_389 = vector.multi_reduction <minsi>, %select_n3A_387, %reduce_min3A_388 [0] : vector<64x128xi32> to vector<128xi32>
      %broadcast_in_dim3A_390 = vector.shape_cast %reduce_min3A_389 : vector<128xi32> to vector<1x128xi32>
      %eq3A_391 = vector.broadcast %broadcast_in_dim3A_390 : vector<1x128xi32> to vector<64x128xi32>
      %eq3A_392 = arith.cmpi eq, %get3A_379, %eq3A_391 : vector<64x128xi32>
      %jit3A_393 = arith.constant 0xFF800000 : f32
      %broadcast_in_dim3A_394 = vector.broadcast %jit3A_393 : f32 to vector<64x128xf32>
      %select_n3A_395 = arith.select %eq3A_392, %broadcast_in_dim3A_394, %get3A_376 : vector<64x128xi1>, vector<64x128xf32>
      %shift_right_arithmetic3A = arith.constant 10 : i32
      %shift_right_arithmetic3A_396 = vector.broadcast %shift_right_arithmetic3A : i32 to vector<128xi32>
      %shift_right_arithmetic3A_397 = arith.shrsi %reduce_min3A_389, %shift_right_arithmetic3A_396 : vector<128xi32>
      %shift_left3A = arith.constant 11 : i32
      %shift_left3A_398 = vector.broadcast %shift_left3A : i32 to vector<128xi32>
      %shift_left3A_399 = arith.shli %shift_right_arithmetic3A_397, %shift_left3A_398 : vector<128xi32>
      %add3A_400 = arith.constant 1024 : i32
      %add3A_401 = vector.broadcast %add3A_400 : i32 to vector<128xi32>
      %add3A_402 = arith.addi %add3A_401, %shift_left3A_399 : vector<128xi32>
      %and3A = arith.constant 1023 : i32
      %and3A_403 = vector.broadcast %and3A : i32 to vector<128xi32>
      %and3A_404 = arith.andi %reduce_min3A_389, %and3A_403 : vector<128xi32>
      %add3A_405 = arith.addi %add3A_402, %and3A_404 : vector<128xi32>
      %broadcast_in_dim3A_406 = vector.shape_cast %add3A_405 : vector<128xi32> to vector<1x128xi32>
      %reduce_max3A_407 = arith.constant dense<0xFF800000> : vector<128xf32>
      %reduce_max3A_408 = vector.multi_reduction <maximumf>, %select_n3A_395, %reduce_max3A_407 [0] : vector<64x128xf32> to vector<128xf32>
      %broadcast_in_dim3A_409 = vector.shape_cast %reduce_max3A_408 : vector<128xf32> to vector<1x128xf32>
      %eq3A_410 = vector.broadcast %broadcast_in_dim3A_409 : vector<1x128xf32> to vector<64x128xf32>
      %eq3A_411 = arith.cmpf oeq, %select_n3A_395, %eq3A_410 : vector<64x128xf32>
      %jit3A_412 = arith.constant 4096 : i32
      %broadcast_in_dim3A_413 = vector.broadcast %jit3A_412 : i32 to vector<64x128xi32>
      %select_n3A_414 = arith.select %eq3A_411, %get3A_379, %broadcast_in_dim3A_413 : vector<64x128xi1>, vector<64x128xi32>
      %reduce_min3A_415 = arith.constant dense<2147483647> : vector<128xi32>
      %reduce_min3A_416 = vector.multi_reduction <minsi>, %select_n3A_414, %reduce_min3A_415 [0] : vector<64x128xi32> to vector<128xi32>
      %broadcast_in_dim3A_417 = vector.shape_cast %reduce_min3A_416 : vector<128xi32> to vector<1x128xi32>
      %eq3A_418 = vector.broadcast %broadcast_in_dim3A_417 : vector<1x128xi32> to vector<64x128xi32>
      %eq3A_419 = arith.cmpi eq, %get3A_379, %eq3A_418 : vector<64x128xi32>
      %jit3A_420 = arith.constant 0xFF800000 : f32
      %broadcast_in_dim3A_421 = vector.broadcast %jit3A_420 : f32 to vector<64x128xf32>
      %select_n3A_422 = arith.select %eq3A_419, %broadcast_in_dim3A_421, %select_n3A_395 : vector<64x128xi1>, vector<64x128xf32>
      %shift_right_arithmetic3A_423 = arith.constant 10 : i32
      %shift_right_arithmetic3A_424 = vector.broadcast %shift_right_arithmetic3A_423 : i32 to vector<128xi32>
      %shift_right_arithmetic3A_425 = arith.shrsi %reduce_min3A_416, %shift_right_arithmetic3A_424 : vector<128xi32>
      %shift_left3A_426 = arith.constant 11 : i32
      %shift_left3A_427 = vector.broadcast %shift_left3A_426 : i32 to vector<128xi32>
      %shift_left3A_428 = arith.shli %shift_right_arithmetic3A_425, %shift_left3A_427 : vector<128xi32>
      %add3A_429 = arith.constant 1024 : i32
      %add3A_430 = vector.broadcast %add3A_429 : i32 to vector<128xi32>
      %add3A_431 = arith.addi %add3A_430, %shift_left3A_428 : vector<128xi32>
      %and3A_432 = arith.constant 1023 : i32
      %and3A_433 = vector.broadcast %and3A_432 : i32 to vector<128xi32>
      %and3A_434 = arith.andi %reduce_min3A_416, %and3A_433 : vector<128xi32>
      %add3A_435 = arith.addi %add3A_431, %and3A_434 : vector<128xi32>
      %broadcast_in_dim3A_436 = vector.shape_cast %add3A_435 : vector<128xi32> to vector<1x128xi32>
      %reduce_max3A_437 = arith.constant dense<0xFF800000> : vector<128xf32>
      %reduce_max3A_438 = vector.multi_reduction <maximumf>, %select_n3A_422, %reduce_max3A_437 [0] : vector<64x128xf32> to vector<128xf32>
      %broadcast_in_dim3A_439 = vector.shape_cast %reduce_max3A_438 : vector<128xf32> to vector<1x128xf32>
      %eq3A_440 = vector.broadcast %broadcast_in_dim3A_439 : vector<1x128xf32> to vector<64x128xf32>
      %eq3A_441 = arith.cmpf oeq, %select_n3A_422, %eq3A_440 : vector<64x128xf32>
      %jit3A_442 = arith.constant 4096 : i32
      %broadcast_in_dim3A_443 = vector.broadcast %jit3A_442 : i32 to vector<64x128xi32>
      %select_n3A_444 = arith.select %eq3A_441, %get3A_379, %broadcast_in_dim3A_443 : vector<64x128xi1>, vector<64x128xi32>
      %reduce_min3A_445 = arith.constant dense<2147483647> : vector<128xi32>
      %reduce_min3A_446 = vector.multi_reduction <minsi>, %select_n3A_444, %reduce_min3A_445 [0] : vector<64x128xi32> to vector<128xi32>
      %broadcast_in_dim3A_447 = vector.shape_cast %reduce_min3A_446 : vector<128xi32> to vector<1x128xi32>
      %eq3A_448 = vector.broadcast %broadcast_in_dim3A_447 : vector<1x128xi32> to vector<64x128xi32>
      %eq3A_449 = arith.cmpi eq, %get3A_379, %eq3A_448 : vector<64x128xi32>
      %jit3A_450 = arith.constant 0xFF800000 : f32
      %broadcast_in_dim3A_451 = vector.broadcast %jit3A_450 : f32 to vector<64x128xf32>
      %select_n3A_452 = arith.select %eq3A_449, %broadcast_in_dim3A_451, %select_n3A_422 : vector<64x128xi1>, vector<64x128xf32>
      %shift_right_arithmetic3A_453 = arith.constant 10 : i32
      %shift_right_arithmetic3A_454 = vector.broadcast %shift_right_arithmetic3A_453 : i32 to vector<128xi32>
      %shift_right_arithmetic3A_455 = arith.shrsi %reduce_min3A_446, %shift_right_arithmetic3A_454 : vector<128xi32>
      %shift_left3A_456 = arith.constant 11 : i32
      %shift_left3A_457 = vector.broadcast %shift_left3A_456 : i32 to vector<128xi32>
      %shift_left3A_458 = arith.shli %shift_right_arithmetic3A_455, %shift_left3A_457 : vector<128xi32>
      %add3A_459 = arith.constant 1024 : i32
      %add3A_460 = vector.broadcast %add3A_459 : i32 to vector<128xi32>
      %add3A_461 = arith.addi %add3A_460, %shift_left3A_458 : vector<128xi32>
      %and3A_462 = arith.constant 1023 : i32
      %and3A_463 = vector.broadcast %and3A_462 : i32 to vector<128xi32>
      %and3A_464 = arith.andi %reduce_min3A_446, %and3A_463 : vector<128xi32>
      %add3A_465 = arith.addi %add3A_461, %and3A_464 : vector<128xi32>
      %broadcast_in_dim3A_466 = vector.shape_cast %add3A_465 : vector<128xi32> to vector<1x128xi32>
      %reduce_max3A_467 = arith.constant dense<0xFF800000> : vector<128xf32>
      %reduce_max3A_468 = vector.multi_reduction <maximumf>, %select_n3A_452, %reduce_max3A_467 [0] : vector<64x128xf32> to vector<128xf32>
      %broadcast_in_dim3A_469 = vector.shape_cast %reduce_max3A_468 : vector<128xf32> to vector<1x128xf32>
      %eq3A_470 = vector.broadcast %broadcast_in_dim3A_469 : vector<1x128xf32> to vector<64x128xf32>
      %eq3A_471 = arith.cmpf oeq, %select_n3A_452, %eq3A_470 : vector<64x128xf32>
      %jit3A_472 = arith.constant 4096 : i32
      %broadcast_in_dim3A_473 = vector.broadcast %jit3A_472 : i32 to vector<64x128xi32>
      %select_n3A_474 = arith.select %eq3A_471, %get3A_379, %broadcast_in_dim3A_473 : vector<64x128xi1>, vector<64x128xi32>
      %reduce_min3A_475 = arith.constant dense<2147483647> : vector<128xi32>
      %reduce_min3A_476 = vector.multi_reduction <minsi>, %select_n3A_474, %reduce_min3A_475 [0] : vector<64x128xi32> to vector<128xi32>
      %shift_right_arithmetic3A_477 = arith.constant 10 : i32
      %shift_right_arithmetic3A_478 = vector.broadcast %shift_right_arithmetic3A_477 : i32 to vector<128xi32>
      %shift_right_arithmetic3A_479 = arith.shrsi %reduce_min3A_476, %shift_right_arithmetic3A_478 : vector<128xi32>
      %shift_left3A_480 = arith.constant 11 : i32
      %shift_left3A_481 = vector.broadcast %shift_left3A_480 : i32 to vector<128xi32>
      %shift_left3A_482 = arith.shli %shift_right_arithmetic3A_479, %shift_left3A_481 : vector<128xi32>
      %add3A_483 = arith.constant 1024 : i32
      %add3A_484 = vector.broadcast %add3A_483 : i32 to vector<128xi32>
      %add3A_485 = arith.addi %add3A_484, %shift_left3A_482 : vector<128xi32>
      %and3A_486 = arith.constant 1023 : i32
      %and3A_487 = vector.broadcast %and3A_486 : i32 to vector<128xi32>
      %and3A_488 = arith.andi %reduce_min3A_476, %and3A_487 : vector<128xi32>
      %add3A_489 = arith.addi %add3A_485, %and3A_488 : vector<128xi32>
      %broadcast_in_dim3A_490 = vector.shape_cast %add3A_489 : vector<128xi32> to vector<1x128xi32>
      %broadcast_in_dim3A_491 = arith.constant 0 : i32
      %broadcast_in_dim3A_492 = vector.broadcast %broadcast_in_dim3A_491 : i32 to vector<4x128xi32>
      %concatenate3A_493 = tpu.concatenate %broadcast_in_dim3A_406, %broadcast_in_dim3A_436, %broadcast_in_dim3A_466, %broadcast_in_dim3A_490, %broadcast_in_dim3A_492 in 0 : vector<1x128xi32>, vector<1x128xi32>, vector<1x128xi32>, vector<1x128xi32>, vector<4x128xi32> -> vector<8x128xi32>
      %swap3A_494 = arith.constant 0 : index
      %swap3A_495 = arith.constant 0 : index
      %swap3A_496 = vector.load %arg4[%swap3A_494, %swap3A_495] : memref<8x128xi32, #tpu.memory_space<vmem>>, vector<8x128xi32>
      tpu.vector_store %arg4[%swap3A_494, %swap3A_495], %concatenate3A_493 {strides = array<i32>} : memref<8x128xi32, #tpu.memory_space<vmem>>, vector<8x128xi32>,
    } else {
    }
    return
  }
  func.func @transform_0(%arg0: i32) -> (i32, i32, i32, i32) {
    %mul3A = arith.constant 2 : i32
    %mul3A_0 = arith.muli %mul3A, %arg0 : i32
    %add3A = arith.constant 1 : i32
    %add3A_1 = arith.addi %mul3A_0, %add3A : i32
    %c0_i32 = arith.constant 0 : i32
    %c0_i32_2 = arith.constant 0 : i32
    %c0_i32_3 = arith.constant 0 : i32
    %c0_i32_4 = arith.constant 0 : i32
    return %c0_i32, %add3A_1, %c0_i32_2, %c0_i32_3 : i32, i32, i32, i32
  }
  func.func @transform_1(%arg0: i32) -> (i32, i32, i32, i32) {
    %c0_i32 = arith.constant 0 : i32
    %c0_i32_0 = arith.constant 0 : i32
    %c0_i32_1 = arith.constant 0 : i32
    %c0_i32_2 = arith.constant 0 : i32
    %c0_i32_3 = arith.constant 0 : i32
    return %c0_i32, %c0_i32_0, %c0_i32_1, %c0_i32_2 : i32, i32, i32, i32
  }
  func.func @transform_2(%arg0: i32) -> (i32, i32) {
    %c0_i32 = arith.constant 0 : i32
    %c0_i32_0 = arith.constant 0 : i32
    %c0_i32_1 = arith.constant 0 : i32
    return %c0_i32, %c0_i32_0 : i32, i32
  }
  func.func @transform_3(%arg0: i32) -> (i32, i32) {
    %c0_i32 = arith.constant 0 : i32
    %c0_i32_0 = arith.constant 0 : i32
    %c0_i32_1 = arith.constant 0 : i32
    return %c0_i32, %c0_i32_0 : i32, i32
  }
}

module attributes {stable_mosaic.version = 14 : i64} {
  func.func @_loss_body(%arg0: memref<512x384xf32, #tpu.memory_space<vmem>>, %arg1: memref<512x384xf32, #tpu.memory_space<vmem>>, %arg2: memref<512x384xf32, #tpu.memory_space<vmem>>, %arg3: memref<8x128xf32, #tpu.memory_space<vmem>>, %arg4: memref<8x128xf32, #tpu.memory_space<vmem>>) attributes {dimension_semantics = [], scalar_prefetch = 0 : i64, scratch_operands = 0 : i64, tpu.core_type = #tpu.core_type<tc>} {
    %broadcast_in_dim3A = arith.constant 1.000000e+00 : f32
    %broadcast_in_dim3A_0 = vector.broadcast %broadcast_in_dim3A : f32 to vector<1x384xf32>
    %broadcast_in_dim3A_1 = arith.constant 0.000000e+00 : f32
    %broadcast_in_dim3A_2 = vector.broadcast %broadcast_in_dim3A_1 : f32 to vector<128x64xf32>
    %get3A = arith.constant 192 : index
    %get3A_3 = arith.constant 0 : index
    %get3A_4 = vector.load %arg1[%get3A, %get3A_3] : memref<512x384xf32, #tpu.memory_space<vmem>>, vector<128x384xf32>
    %get3A_5 = arith.constant 0 : index
    %get3A_6 = arith.constant 0 : index
    %get3A_7 = vector.load %arg2[%get3A_5, %get3A_6] : memref<512x384xf32, #tpu.memory_space<vmem>>, vector<128x384xf32>
    %mul3A = arith.mulf %get3A_4, %get3A_4 : vector<128x384xf32>
    %reduce_sum3A = arith.constant dense<0.000000e+00> : vector<128xf32>
    %reduce_sum3A_8 = vector.multi_reduction <add>, %mul3A, %reduce_sum3A [1] : vector<128x384xf32> to vector<128xf32>
    %broadcast_in_dim3A_9 = vector.shape_cast %reduce_sum3A_8 : vector<128xf32> to vector<128x1xf32>
    %mul3A_10 = arith.mulf %get3A_7, %get3A_7 : vector<128x384xf32>
    %reduce_sum3A_11 = arith.constant dense<0.000000e+00> : vector<128xf32>
    %reduce_sum3A_12 = vector.multi_reduction <add>, %mul3A_10, %reduce_sum3A_11 [1] : vector<128x384xf32> to vector<128xf32>
    %broadcast_in_dim3A_13 = vector.shape_cast %reduce_sum3A_12 : vector<128xf32> to vector<128x1xf32>
    %get3A_14 = arith.constant 0 : index
    %get3A_15 = arith.constant 0 : index
    %get3A_16 = vector.load %arg1[%get3A_14, %get3A_15] : memref<512x384xf32, #tpu.memory_space<vmem>>, vector<64x384xf32>
    %get3A_17 = arith.constant 128 : index
    %get3A_18 = arith.constant 0 : index
    %get3A_19 = vector.load %arg2[%get3A_17, %get3A_18] : memref<512x384xf32, #tpu.memory_space<vmem>>, vector<64x384xf32>
    %mul3A_20 = arith.mulf %get3A_16, %get3A_16 : vector<64x384xf32>
    %dot_general3A = arith.constant dense<0.000000e+00> : vector<1x64xf32>
    %dot_general3A_21 = tpu.matmul %broadcast_in_dim3A_0, %mul3A_20, %dot_general3A {dimension_numbers = #tpu.dot_dimension_numbers<[1], [1], [0], [0], [0, 0, 1, 0], [], []>, transpose_lhs_hint = false} : vector<1x384xf32>, vector<64x384xf32>, vector<1x64xf32> -> vector<1x64xf32>
    %mul3A_22 = arith.mulf %get3A_19, %get3A_19 : vector<64x384xf32>
    %dot_general3A_23 = arith.constant dense<0.000000e+00> : vector<1x64xf32>
    %dot_general3A_24 = tpu.matmul %broadcast_in_dim3A_0, %mul3A_22, %dot_general3A_23 {dimension_numbers = #tpu.dot_dimension_numbers<[1], [1], [0], [0], [0, 0, 1, 0], [], []>, transpose_lhs_hint = false} : vector<1x384xf32>, vector<64x384xf32>, vector<1x64xf32> -> vector<1x64xf32>
    %dot_general3A_25 = arith.constant dense<0.000000e+00> : vector<128x64xf32>
    %dot_general3A_26 = tpu.matmul %get3A_4, %get3A_16, %dot_general3A_25 {dimension_numbers = #tpu.dot_dimension_numbers<[1], [1], [0], [0], [0, 0, 1, 0], [], []>, transpose_lhs_hint = false} : vector<128x384xf32>, vector<64x384xf32>, vector<128x64xf32> -> vector<128x64xf32>
    %dot_general3A_27 = arith.constant dense<0.000000e+00> : vector<128x64xf32>
    %dot_general3A_28 = tpu.matmul %get3A_7, %get3A_19, %dot_general3A_27 {dimension_numbers = #tpu.dot_dimension_numbers<[1], [1], [0], [0], [0, 0, 1, 0], [], []>, transpose_lhs_hint = false} : vector<128x384xf32>, vector<64x384xf32>, vector<128x64xf32> -> vector<128x64xf32>
    %mul3A_29 = arith.constant 2.000000e+00 : f32
    %mul3A_30 = vector.broadcast %mul3A_29 : f32 to vector<128x64xf32>
    %mul3A_31 = arith.mulf %mul3A_30, %dot_general3A_26 : vector<128x64xf32>
    %sub3A = vector.broadcast %broadcast_in_dim3A_9 : vector<128x1xf32> to vector<128x64xf32>
    %sub3A_32 = arith.subf %sub3A, %mul3A_31 : vector<128x64xf32>
    %add3A = vector.broadcast %dot_general3A_21 : vector<1x64xf32> to vector<128x64xf32>
    %add3A_33 = arith.addf %sub3A_32, %add3A : vector<128x64xf32>
    %max3A = arith.constant 1.000000e-16 : f32
    %max3A_34 = vector.broadcast %max3A : f32 to vector<128x64xf32>
    %max3A_35 = arith.maximumf %add3A_33, %max3A_34 : vector<128x64xf32>
    %rsqrt3A = math.rsqrt %max3A_35 : vector<128x64xf32>
    %mul3A_36 = arith.constant 2.000000e+00 : f32
    %mul3A_37 = vector.broadcast %mul3A_36 : f32 to vector<128x64xf32>
    %mul3A_38 = arith.mulf %mul3A_37, %dot_general3A_28 : vector<128x64xf32>
    %sub3A_39 = vector.broadcast %broadcast_in_dim3A_13 : vector<128x1xf32> to vector<128x64xf32>
    %sub3A_40 = arith.subf %sub3A_39, %mul3A_38 : vector<128x64xf32>
    %add3A_41 = vector.broadcast %dot_general3A_24 : vector<1x64xf32> to vector<128x64xf32>
    %add3A_42 = arith.addf %sub3A_40, %add3A_41 : vector<128x64xf32>
    %max3A_43 = arith.constant 1.000000e-16 : f32
    %max3A_44 = vector.broadcast %max3A_43 : f32 to vector<128x64xf32>
    %max3A_45 = arith.maximumf %add3A_42, %max3A_44 : vector<128x64xf32>
    %rsqrt3A_46 = math.rsqrt %max3A_45 : vector<128x64xf32>
    %get3A_47 = arith.constant 64 : index
    %get3A_48 = arith.constant 0 : index
    %get3A_49 = vector.load %arg1[%get3A_47, %get3A_48] : memref<512x384xf32, #tpu.memory_space<vmem>>, vector<64x384xf32>
    %get3A_50 = arith.constant 192 : index
    %get3A_51 = arith.constant 0 : index
    %get3A_52 = vector.load %arg2[%get3A_50, %get3A_51] : memref<512x384xf32, #tpu.memory_space<vmem>>, vector<64x384xf32>
    %mul3A_53 = arith.mulf %get3A_49, %get3A_49 : vector<64x384xf32>
    %dot_general3A_54 = arith.constant dense<0.000000e+00> : vector<1x64xf32>
    %dot_general3A_55 = tpu.matmul %broadcast_in_dim3A_0, %mul3A_53, %dot_general3A_54 {dimension_numbers = #tpu.dot_dimension_numbers<[1], [1], [0], [0], [0, 0, 1, 0], [], []>, transpose_lhs_hint = false} : vector<1x384xf32>, vector<64x384xf32>, vector<1x64xf32> -> vector<1x64xf32>
    %mul3A_56 = arith.mulf %get3A_52, %get3A_52 : vector<64x384xf32>
    %dot_general3A_57 = arith.constant dense<0.000000e+00> : vector<1x64xf32>
    %dot_general3A_58 = tpu.matmul %broadcast_in_dim3A_0, %mul3A_56, %dot_general3A_57 {dimension_numbers = #tpu.dot_dimension_numbers<[1], [1], [0], [0], [0, 0, 1, 0], [], []>, transpose_lhs_hint = false} : vector<1x384xf32>, vector<64x384xf32>, vector<1x64xf32> -> vector<1x64xf32>
    %dot_general3A_59 = arith.constant dense<0.000000e+00> : vector<128x64xf32>
    %dot_general3A_60 = tpu.matmul %get3A_4, %get3A_49, %dot_general3A_59 {dimension_numbers = #tpu.dot_dimension_numbers<[1], [1], [0], [0], [0, 0, 1, 0], [], []>, transpose_lhs_hint = false} : vector<128x384xf32>, vector<64x384xf32>, vector<128x64xf32> -> vector<128x64xf32>
    %dot_general3A_61 = arith.constant dense<0.000000e+00> : vector<128x64xf32>
    %dot_general3A_62 = tpu.matmul %get3A_7, %get3A_52, %dot_general3A_61 {dimension_numbers = #tpu.dot_dimension_numbers<[1], [1], [0], [0], [0, 0, 1, 0], [], []>, transpose_lhs_hint = false} : vector<128x384xf32>, vector<64x384xf32>, vector<128x64xf32> -> vector<128x64xf32>
    %mul3A_63 = arith.constant 2.000000e+00 : f32
    %mul3A_64 = vector.broadcast %mul3A_63 : f32 to vector<128x64xf32>
    %mul3A_65 = arith.mulf %mul3A_64, %dot_general3A_60 : vector<128x64xf32>
    %sub3A_66 = vector.broadcast %broadcast_in_dim3A_9 : vector<128x1xf32> to vector<128x64xf32>
    %sub3A_67 = arith.subf %sub3A_66, %mul3A_65 : vector<128x64xf32>
    %add3A_68 = vector.broadcast %dot_general3A_55 : vector<1x64xf32> to vector<128x64xf32>
    %add3A_69 = arith.addf %sub3A_67, %add3A_68 : vector<128x64xf32>
    %max3A_70 = arith.constant 1.000000e-16 : f32
    %max3A_71 = vector.broadcast %max3A_70 : f32 to vector<128x64xf32>
    %max3A_72 = arith.maximumf %add3A_69, %max3A_71 : vector<128x64xf32>
    %rsqrt3A_73 = math.rsqrt %max3A_72 : vector<128x64xf32>
    %mul3A_74 = arith.constant 2.000000e+00 : f32
    %mul3A_75 = vector.broadcast %mul3A_74 : f32 to vector<128x64xf32>
    %mul3A_76 = arith.mulf %mul3A_75, %dot_general3A_62 : vector<128x64xf32>
    %sub3A_77 = vector.broadcast %broadcast_in_dim3A_13 : vector<128x1xf32> to vector<128x64xf32>
    %sub3A_78 = arith.subf %sub3A_77, %mul3A_76 : vector<128x64xf32>
    %add3A_79 = vector.broadcast %dot_general3A_58 : vector<1x64xf32> to vector<128x64xf32>
    %add3A_80 = arith.addf %sub3A_78, %add3A_79 : vector<128x64xf32>
    %max3A_81 = arith.constant 1.000000e-16 : f32
    %max3A_82 = vector.broadcast %max3A_81 : f32 to vector<128x64xf32>
    %max3A_83 = arith.maximumf %add3A_80, %max3A_82 : vector<128x64xf32>
    %rsqrt3A_84 = math.rsqrt %max3A_83 : vector<128x64xf32>
    %get3A_85 = arith.constant 128 : index
    %get3A_86 = arith.constant 0 : index
    %get3A_87 = vector.load %arg1[%get3A_85, %get3A_86] : memref<512x384xf32, #tpu.memory_space<vmem>>, vector<64x384xf32>
    %get3A_88 = arith.constant 256 : index
    %get3A_89 = arith.constant 0 : index
    %get3A_90 = vector.load %arg2[%get3A_88, %get3A_89] : memref<512x384xf32, #tpu.memory_space<vmem>>, vector<64x384xf32>
    %mul3A_91 = arith.mulf %get3A_87, %get3A_87 : vector<64x384xf32>
    %dot_general3A_92 = arith.constant dense<0.000000e+00> : vector<1x64xf32>
    %dot_general3A_93 = tpu.matmul %broadcast_in_dim3A_0, %mul3A_91, %dot_general3A_92 {dimension_numbers = #tpu.dot_dimension_numbers<[1], [1], [0], [0], [0, 0, 1, 0], [], []>, transpose_lhs_hint = false} : vector<1x384xf32>, vector<64x384xf32>, vector<1x64xf32> -> vector<1x64xf32>
    %mul3A_94 = arith.mulf %get3A_90, %get3A_90 : vector<64x384xf32>
    %dot_general3A_95 = arith.constant dense<0.000000e+00> : vector<1x64xf32>
    %dot_general3A_96 = tpu.matmul %broadcast_in_dim3A_0, %mul3A_94, %dot_general3A_95 {dimension_numbers = #tpu.dot_dimension_numbers<[1], [1], [0], [0], [0, 0, 1, 0], [], []>, transpose_lhs_hint = false} : vector<1x384xf32>, vector<64x384xf32>, vector<1x64xf32> -> vector<1x64xf32>
    %dot_general3A_97 = arith.constant dense<0.000000e+00> : vector<128x64xf32>
    %dot_general3A_98 = tpu.matmul %get3A_4, %get3A_87, %dot_general3A_97 {dimension_numbers = #tpu.dot_dimension_numbers<[1], [1], [0], [0], [0, 0, 1, 0], [], []>, transpose_lhs_hint = false} : vector<128x384xf32>, vector<64x384xf32>, vector<128x64xf32> -> vector<128x64xf32>
    %dot_general3A_99 = arith.constant dense<0.000000e+00> : vector<128x64xf32>
    %dot_general3A_100 = tpu.matmul %get3A_7, %get3A_90, %dot_general3A_99 {dimension_numbers = #tpu.dot_dimension_numbers<[1], [1], [0], [0], [0, 0, 1, 0], [], []>, transpose_lhs_hint = false} : vector<128x384xf32>, vector<64x384xf32>, vector<128x64xf32> -> vector<128x64xf32>
    %mul3A_101 = arith.constant 2.000000e+00 : f32
    %mul3A_102 = vector.broadcast %mul3A_101 : f32 to vector<128x64xf32>
    %mul3A_103 = arith.mulf %mul3A_102, %dot_general3A_98 : vector<128x64xf32>
    %sub3A_104 = vector.broadcast %broadcast_in_dim3A_9 : vector<128x1xf32> to vector<128x64xf32>
    %sub3A_105 = arith.subf %sub3A_104, %mul3A_103 : vector<128x64xf32>
    %add3A_106 = vector.broadcast %dot_general3A_93 : vector<1x64xf32> to vector<128x64xf32>
    %add3A_107 = arith.addf %sub3A_105, %add3A_106 : vector<128x64xf32>
    %max3A_108 = arith.constant 1.000000e-16 : f32
    %max3A_109 = vector.broadcast %max3A_108 : f32 to vector<128x64xf32>
    %max3A_110 = arith.maximumf %add3A_107, %max3A_109 : vector<128x64xf32>
    %rsqrt3A_111 = math.rsqrt %max3A_110 : vector<128x64xf32>
    %mul3A_112 = arith.constant 2.000000e+00 : f32
    %mul3A_113 = vector.broadcast %mul3A_112 : f32 to vector<128x64xf32>
    %mul3A_114 = arith.mulf %mul3A_113, %dot_general3A_100 : vector<128x64xf32>
    %sub3A_115 = vector.broadcast %broadcast_in_dim3A_13 : vector<128x1xf32> to vector<128x64xf32>
    %sub3A_116 = arith.subf %sub3A_115, %mul3A_114 : vector<128x64xf32>
    %add3A_117 = vector.broadcast %dot_general3A_96 : vector<1x64xf32> to vector<128x64xf32>
    %add3A_118 = arith.addf %sub3A_116, %add3A_117 : vector<128x64xf32>
    %max3A_119 = arith.constant 1.000000e-16 : f32
    %max3A_120 = vector.broadcast %max3A_119 : f32 to vector<128x64xf32>
    %max3A_121 = arith.maximumf %add3A_118, %max3A_120 : vector<128x64xf32>
    %rsqrt3A_122 = math.rsqrt %max3A_121 : vector<128x64xf32>
    %get3A_123 = arith.constant 0 : index
    %get3A_124 = arith.constant 0 : index
    %get3A_125 = vector.load %arg0[%get3A_123, %get3A_124] : memref<512x384xf32, #tpu.memory_space<vmem>>, vector<128x384xf32>
    %mul3A_126 = arith.mulf %get3A_125, %get3A_125 : vector<128x384xf32>
    %reduce_sum3A_127 = arith.constant dense<0.000000e+00> : vector<128xf32>
    %reduce_sum3A_128 = vector.multi_reduction <add>, %mul3A_126, %reduce_sum3A_127 [1] : vector<128x384xf32> to vector<128xf32>
    %broadcast_in_dim3A_129 = vector.shape_cast %reduce_sum3A_128 : vector<128xf32> to vector<128x1xf32>
    %mul3A_130 = arith.mulf %get3A_4, %get3A_125 : vector<128x384xf32>
    %reduce_sum3A_131 = arith.constant dense<0.000000e+00> : vector<128xf32>
    %reduce_sum3A_132 = vector.multi_reduction <add>, %mul3A_130, %reduce_sum3A_131 [1] : vector<128x384xf32> to vector<128xf32>
    %broadcast_in_dim3A_133 = vector.shape_cast %reduce_sum3A_132 : vector<128xf32> to vector<128x1xf32>
    %mul3A_134 = arith.mulf %get3A_7, %get3A_125 : vector<128x384xf32>
    %reduce_sum3A_135 = arith.constant dense<0.000000e+00> : vector<128xf32>
    %reduce_sum3A_136 = vector.multi_reduction <add>, %mul3A_134, %reduce_sum3A_135 [1] : vector<128x384xf32> to vector<128xf32>
    %broadcast_in_dim3A_137 = vector.shape_cast %reduce_sum3A_136 : vector<128xf32> to vector<128x1xf32>
    %mul3A_138 = arith.constant 2.000000e+00 : f32
    %mul3A_139 = vector.broadcast %mul3A_138 : f32 to vector<128x1xf32>
    %mul3A_140 = arith.mulf %mul3A_139, %broadcast_in_dim3A_133 : vector<128x1xf32>
    %sub3A_141 = arith.subf %broadcast_in_dim3A_9, %mul3A_140 : vector<128x1xf32>
    %add3A_142 = arith.addf %sub3A_141, %broadcast_in_dim3A_129 : vector<128x1xf32>
    %max3A_143 = arith.constant 1.000000e-16 : f32
    %max3A_144 = vector.broadcast %max3A_143 : f32 to vector<128x1xf32>
    %max3A_145 = arith.maximumf %add3A_142, %max3A_144 : vector<128x1xf32>
    %rsqrt3A_146 = math.rsqrt %max3A_145 : vector<128x1xf32>
    %mul3A_147 = arith.constant 2.000000e+00 : f32
    %mul3A_148 = vector.broadcast %mul3A_147 : f32 to vector<128x1xf32>
    %mul3A_149 = arith.mulf %mul3A_148, %broadcast_in_dim3A_137 : vector<128x1xf32>
    %sub3A_150 = arith.subf %broadcast_in_dim3A_13, %mul3A_149 : vector<128x1xf32>
    %add3A_151 = arith.addf %sub3A_150, %broadcast_in_dim3A_129 : vector<128x1xf32>
    %max3A_152 = arith.constant 1.000000e-16 : f32
    %max3A_153 = vector.broadcast %max3A_152 : f32 to vector<128x1xf32>
    %max3A_154 = arith.maximumf %add3A_151, %max3A_153 : vector<128x1xf32>
    %rsqrt3A_155 = math.rsqrt %max3A_154 : vector<128x1xf32>
    %get3A_156 = arith.constant 0 : index
    %get3A_157 = arith.constant 0 : index
    %get3A_158 = vector.load %arg1[%get3A_156, %get3A_157] : memref<512x384xf32, #tpu.memory_space<vmem>>, vector<64x384xf32>
    %get3A_159 = arith.constant 128 : index
    %get3A_160 = arith.constant 0 : index
    %get3A_161 = vector.load %arg2[%get3A_159, %get3A_160] : memref<512x384xf32, #tpu.memory_space<vmem>>, vector<64x384xf32>
    %dot_general3A_162 = arith.constant dense<0.000000e+00> : vector<128x64xf32>
    %dot_general3A_163 = tpu.matmul %get3A_125, %get3A_158, %dot_general3A_162 {dimension_numbers = #tpu.dot_dimension_numbers<[1], [1], [0], [0], [0, 0, 1, 0], [], []>, transpose_lhs_hint = false} : vector<128x384xf32>, vector<64x384xf32>, vector<128x64xf32> -> vector<128x64xf32>
    %dot_general3A_164 = arith.constant dense<0.000000e+00> : vector<128x64xf32>
    %dot_general3A_165 = tpu.matmul %get3A_125, %get3A_161, %dot_general3A_164 {dimension_numbers = #tpu.dot_dimension_numbers<[1], [1], [0], [0], [0, 0, 1, 0], [], []>, transpose_lhs_hint = false} : vector<128x384xf32>, vector<64x384xf32>, vector<128x64xf32> -> vector<128x64xf32>
    %mul3A_166 = arith.constant 2.000000e+00 : f32
    %mul3A_167 = vector.broadcast %mul3A_166 : f32 to vector<128x64xf32>
    %mul3A_168 = arith.mulf %mul3A_167, %dot_general3A_163 : vector<128x64xf32>
    %sub3A_169 = vector.broadcast %dot_general3A_21 : vector<1x64xf32> to vector<128x64xf32>
    %sub3A_170 = arith.subf %sub3A_169, %mul3A_168 : vector<128x64xf32>
    %add3A_171 = vector.broadcast %broadcast_in_dim3A_129 : vector<128x1xf32> to vector<128x64xf32>
    %add3A_172 = arith.addf %sub3A_170, %add3A_171 : vector<128x64xf32>
    %max3A_173 = arith.constant 1.000000e-16 : f32
    %max3A_174 = vector.broadcast %max3A_173 : f32 to vector<128x64xf32>
    %max3A_175 = arith.maximumf %add3A_172, %max3A_174 : vector<128x64xf32>
    %rsqrt3A_176 = math.rsqrt %max3A_175 : vector<128x64xf32>
    %mul3A_177 = arith.constant 2.000000e+00 : f32
    %mul3A_178 = vector.broadcast %mul3A_177 : f32 to vector<128x64xf32>
    %mul3A_179 = arith.mulf %mul3A_178, %dot_general3A_165 : vector<128x64xf32>
    %sub3A_180 = vector.broadcast %dot_general3A_24 : vector<1x64xf32> to vector<128x64xf32>
    %sub3A_181 = arith.subf %sub3A_180, %mul3A_179 : vector<128x64xf32>
    %add3A_182 = vector.broadcast %broadcast_in_dim3A_129 : vector<128x1xf32> to vector<128x64xf32>
    %add3A_183 = arith.addf %sub3A_181, %add3A_182 : vector<128x64xf32>
    %max3A_184 = arith.constant 1.000000e-16 : f32
    %max3A_185 = vector.broadcast %max3A_184 : f32 to vector<128x64xf32>
    %max3A_186 = arith.maximumf %add3A_183, %max3A_185 : vector<128x64xf32>
    %rsqrt3A_187 = math.rsqrt %max3A_186 : vector<128x64xf32>
    %sub3A_188 = arith.subf %dot_general3A_163, %dot_general3A_26 : vector<128x64xf32>
    %sub3A_189 = vector.broadcast %broadcast_in_dim3A_133 : vector<128x1xf32> to vector<128x64xf32>
    %sub3A_190 = arith.subf %sub3A_188, %sub3A_189 : vector<128x64xf32>
    %add3A_191 = vector.broadcast %broadcast_in_dim3A_9 : vector<128x1xf32> to vector<128x64xf32>
    %add3A_192 = arith.addf %sub3A_190, %add3A_191 : vector<128x64xf32>
    %mul3A_193 = vector.broadcast %rsqrt3A_146 : vector<128x1xf32> to vector<128x64xf32>
    %mul3A_194 = arith.mulf %rsqrt3A, %mul3A_193 : vector<128x64xf32>
    %mul3A_195 = arith.mulf %add3A_192, %mul3A_194 : vector<128x64xf32>
    %sub3A_196 = arith.subf %dot_general3A_165, %dot_general3A_28 : vector<128x64xf32>
    %sub3A_197 = vector.broadcast %broadcast_in_dim3A_137 : vector<128x1xf32> to vector<128x64xf32>
    %sub3A_198 = arith.subf %sub3A_196, %sub3A_197 : vector<128x64xf32>
    %add3A_199 = vector.broadcast %broadcast_in_dim3A_13 : vector<128x1xf32> to vector<128x64xf32>
    %add3A_200 = arith.addf %sub3A_198, %add3A_199 : vector<128x64xf32>
    %mul3A_201 = vector.broadcast %rsqrt3A_155 : vector<128x1xf32> to vector<128x64xf32>
    %mul3A_202 = arith.mulf %rsqrt3A_46, %mul3A_201 : vector<128x64xf32>
    %mul3A_203 = arith.mulf %add3A_200, %mul3A_202 : vector<128x64xf32>
    %sub3A_204 = vector.broadcast %broadcast_in_dim3A_133 : vector<128x1xf32> to vector<128x64xf32>
    %sub3A_205 = arith.subf %sub3A_204, %dot_general3A_26 : vector<128x64xf32>
    %sub3A_206 = arith.subf %sub3A_205, %dot_general3A_163 : vector<128x64xf32>
    %add3A_207 = vector.broadcast %dot_general3A_21 : vector<1x64xf32> to vector<128x64xf32>
    %add3A_208 = arith.addf %sub3A_206, %add3A_207 : vector<128x64xf32>
    %mul3A_209 = arith.mulf %rsqrt3A, %rsqrt3A_176 : vector<128x64xf32>
    %mul3A_210 = arith.mulf %add3A_208, %mul3A_209 : vector<128x64xf32>
    %sub3A_211 = vector.broadcast %broadcast_in_dim3A_137 : vector<128x1xf32> to vector<128x64xf32>
    %sub3A_212 = arith.subf %sub3A_211, %dot_general3A_28 : vector<128x64xf32>
    %sub3A_213 = arith.subf %sub3A_212, %dot_general3A_165 : vector<128x64xf32>
    %add3A_214 = vector.broadcast %dot_general3A_24 : vector<1x64xf32> to vector<128x64xf32>
    %add3A_215 = arith.addf %sub3A_213, %add3A_214 : vector<128x64xf32>
    %mul3A_216 = arith.mulf %rsqrt3A_46, %rsqrt3A_187 : vector<128x64xf32>
    %mul3A_217 = arith.mulf %add3A_215, %mul3A_216 : vector<128x64xf32>
    %sub3A_218 = vector.broadcast %broadcast_in_dim3A_133 : vector<128x1xf32> to vector<128x64xf32>
    %sub3A_219 = arith.subf %dot_general3A_26, %sub3A_218 : vector<128x64xf32>
    %sub3A_220 = arith.subf %sub3A_219, %dot_general3A_163 : vector<128x64xf32>
    %add3A_221 = vector.broadcast %broadcast_in_dim3A_129 : vector<128x1xf32> to vector<128x64xf32>
    %add3A_222 = arith.addf %sub3A_220, %add3A_221 : vector<128x64xf32>
    %mul3A_223 = vector.broadcast %rsqrt3A_146 : vector<128x1xf32> to vector<128x64xf32>
    %mul3A_224 = arith.mulf %mul3A_223, %rsqrt3A_176 : vector<128x64xf32>
    %mul3A_225 = arith.mulf %add3A_222, %mul3A_224 : vector<128x64xf32>
    %sub3A_226 = vector.broadcast %broadcast_in_dim3A_137 : vector<128x1xf32> to vector<128x64xf32>
    %sub3A_227 = arith.subf %dot_general3A_28, %sub3A_226 : vector<128x64xf32>
    %sub3A_228 = arith.subf %sub3A_227, %dot_general3A_165 : vector<128x64xf32>
    %add3A_229 = vector.broadcast %broadcast_in_dim3A_129 : vector<128x1xf32> to vector<128x64xf32>
    %add3A_230 = arith.addf %sub3A_228, %add3A_229 : vector<128x64xf32>
    %mul3A_231 = vector.broadcast %rsqrt3A_155 : vector<128x1xf32> to vector<128x64xf32>
    %mul3A_232 = arith.mulf %mul3A_231, %rsqrt3A_187 : vector<128x64xf32>
    %mul3A_233 = arith.mulf %add3A_230, %mul3A_232 : vector<128x64xf32>
    %sub3A_234 = arith.subf %mul3A_203, %mul3A_195 : vector<128x64xf32>
    %abs3A = math.absf %sub3A_234 : vector<128x64xf32>
    %le3A = arith.constant 1.000000e+00 : f32
    %le3A_235 = vector.broadcast %le3A : f32 to vector<128x64xf32>
    %le3A_236 = arith.cmpf ole, %abs3A, %le3A_235 : vector<128x64xf32>
    %mul3A_237 = arith.constant 5.000000e-01 : f32
    %mul3A_238 = vector.broadcast %mul3A_237 : f32 to vector<128x64xf32>
    %mul3A_239 = arith.mulf %mul3A_238, %sub3A_234 : vector<128x64xf32>
    %mul3A_240 = arith.mulf %mul3A_239, %sub3A_234 : vector<128x64xf32>
    %sub3A_241 = arith.constant 5.000000e-01 : f32
    %sub3A_242 = vector.broadcast %sub3A_241 : f32 to vector<128x64xf32>
    %sub3A_243 = arith.subf %abs3A, %sub3A_242 : vector<128x64xf32>
    %select_n3A = arith.select %le3A_236, %mul3A_240, %sub3A_243 : vector<128x64xi1>, vector<128x64xf32>
    %add3A_244 = arith.addf %broadcast_in_dim3A_2, %select_n3A : vector<128x64xf32>
    %sub3A_245 = arith.subf %mul3A_217, %mul3A_210 : vector<128x64xf32>
    %abs3A_246 = math.absf %sub3A_245 : vector<128x64xf32>
    %le3A_247 = arith.constant 1.000000e+00 : f32
    %le3A_248 = vector.broadcast %le3A_247 : f32 to vector<128x64xf32>
    %le3A_249 = arith.cmpf ole, %abs3A_246, %le3A_248 : vector<128x64xf32>
    %mul3A_250 = arith.constant 5.000000e-01 : f32
    %mul3A_251 = vector.broadcast %mul3A_250 : f32 to vector<128x64xf32>
    %mul3A_252 = arith.mulf %mul3A_251, %sub3A_245 : vector<128x64xf32>
    %mul3A_253 = arith.mulf %mul3A_252, %sub3A_245 : vector<128x64xf32>
    %sub3A_254 = arith.constant 5.000000e-01 : f32
    %sub3A_255 = vector.broadcast %sub3A_254 : f32 to vector<128x64xf32>
    %sub3A_256 = arith.subf %abs3A_246, %sub3A_255 : vector<128x64xf32>
    %select_n3A_257 = arith.select %le3A_249, %mul3A_253, %sub3A_256 : vector<128x64xi1>, vector<128x64xf32>
    %add3A_258 = arith.addf %add3A_244, %select_n3A_257 : vector<128x64xf32>
    %sub3A_259 = arith.subf %mul3A_233, %mul3A_225 : vector<128x64xf32>
    %abs3A_260 = math.absf %sub3A_259 : vector<128x64xf32>
    %le3A_261 = arith.constant 1.000000e+00 : f32
    %le3A_262 = vector.broadcast %le3A_261 : f32 to vector<128x64xf32>
    %le3A_263 = arith.cmpf ole, %abs3A_260, %le3A_262 : vector<128x64xf32>
    %mul3A_264 = arith.constant 5.000000e-01 : f32
    %mul3A_265 = vector.broadcast %mul3A_264 : f32 to vector<128x64xf32>
    %mul3A_266 = arith.mulf %mul3A_265, %sub3A_259 : vector<128x64xf32>
    %mul3A_267 = arith.mulf %mul3A_266, %sub3A_259 : vector<128x64xf32>
    %sub3A_268 = arith.constant 5.000000e-01 : f32
    %sub3A_269 = vector.broadcast %sub3A_268 : f32 to vector<128x64xf32>
    %sub3A_270 = arith.subf %abs3A_260, %sub3A_269 : vector<128x64xf32>
    %select_n3A_271 = arith.select %le3A_263, %mul3A_267, %sub3A_270 : vector<128x64xi1>, vector<128x64xf32>
    %add3A_272 = arith.addf %add3A_258, %select_n3A_271 : vector<128x64xf32>
    %get3A_273 = arith.constant 64 : index
    %get3A_274 = arith.constant 0 : index
    %get3A_275 = vector.load %arg1[%get3A_273, %get3A_274] : memref<512x384xf32, #tpu.memory_space<vmem>>, vector<64x384xf32>
    %get3A_276 = arith.constant 192 : index
    %get3A_277 = arith.constant 0 : index
    %get3A_278 = vector.load %arg2[%get3A_276, %get3A_277] : memref<512x384xf32, #tpu.memory_space<vmem>>, vector<64x384xf32>
    %dot_general3A_279 = arith.constant dense<0.000000e+00> : vector<128x64xf32>
    %dot_general3A_280 = tpu.matmul %get3A_125, %get3A_275, %dot_general3A_279 {dimension_numbers = #tpu.dot_dimension_numbers<[1], [1], [0], [0], [0, 0, 1, 0], [], []>, transpose_lhs_hint = false} : vector<128x384xf32>, vector<64x384xf32>, vector<128x64xf32> -> vector<128x64xf32>
    %dot_general3A_281 = arith.constant dense<0.000000e+00> : vector<128x64xf32>
    %dot_general3A_282 = tpu.matmul %get3A_125, %get3A_278, %dot_general3A_281 {dimension_numbers = #tpu.dot_dimension_numbers<[1], [1], [0], [0], [0, 0, 1, 0], [], []>, transpose_lhs_hint = false} : vector<128x384xf32>, vector<64x384xf32>, vector<128x64xf32> -> vector<128x64xf32>
    %mul3A_283 = arith.constant 2.000000e+00 : f32
    %mul3A_284 = vector.broadcast %mul3A_283 : f32 to vector<128x64xf32>
    %mul3A_285 = arith.mulf %mul3A_284, %dot_general3A_280 : vector<128x64xf32>
    %sub3A_286 = vector.broadcast %dot_general3A_55 : vector<1x64xf32> to vector<128x64xf32>
    %sub3A_287 = arith.subf %sub3A_286, %mul3A_285 : vector<128x64xf32>
    %add3A_288 = vector.broadcast %broadcast_in_dim3A_129 : vector<128x1xf32> to vector<128x64xf32>
    %add3A_289 = arith.addf %sub3A_287, %add3A_288 : vector<128x64xf32>
    %max3A_290 = arith.constant 1.000000e-16 : f32
    %max3A_291 = vector.broadcast %max3A_290 : f32 to vector<128x64xf32>
    %max3A_292 = arith.maximumf %add3A_289, %max3A_291 : vector<128x64xf32>
    %rsqrt3A_293 = math.rsqrt %max3A_292 : vector<128x64xf32>
    %mul3A_294 = arith.constant 2.000000e+00 : f32
    %mul3A_295 = vector.broadcast %mul3A_294 : f32 to vector<128x64xf32>
    %mul3A_296 = arith.mulf %mul3A_295, %dot_general3A_282 : vector<128x64xf32>
    %sub3A_297 = vector.broadcast %dot_general3A_58 : vector<1x64xf32> to vector<128x64xf32>
    %sub3A_298 = arith.subf %sub3A_297, %mul3A_296 : vector<128x64xf32>
    %add3A_299 = vector.broadcast %broadcast_in_dim3A_129 : vector<128x1xf32> to vector<128x64xf32>
    %add3A_300 = arith.addf %sub3A_298, %add3A_299 : vector<128x64xf32>
    %max3A_301 = arith.constant 1.000000e-16 : f32
    %max3A_302 = vector.broadcast %max3A_301 : f32 to vector<128x64xf32>
    %max3A_303 = arith.maximumf %add3A_300, %max3A_302 : vector<128x64xf32>
    %rsqrt3A_304 = math.rsqrt %max3A_303 : vector<128x64xf32>
    %sub3A_305 = arith.subf %dot_general3A_280, %dot_general3A_60 : vector<128x64xf32>
    %sub3A_306 = vector.broadcast %broadcast_in_dim3A_133 : vector<128x1xf32> to vector<128x64xf32>
    %sub3A_307 = arith.subf %sub3A_305, %sub3A_306 : vector<128x64xf32>
    %add3A_308 = vector.broadcast %broadcast_in_dim3A_9 : vector<128x1xf32> to vector<128x64xf32>
    %add3A_309 = arith.addf %sub3A_307, %add3A_308 : vector<128x64xf32>
    %mul3A_310 = vector.broadcast %rsqrt3A_146 : vector<128x1xf32> to vector<128x64xf32>
    %mul3A_311 = arith.mulf %rsqrt3A_73, %mul3A_310 : vector<128x64xf32>
    %mul3A_312 = arith.mulf %add3A_309, %mul3A_311 : vector<128x64xf32>
    %sub3A_313 = arith.subf %dot_general3A_282, %dot_general3A_62 : vector<128x64xf32>
    %sub3A_314 = vector.broadcast %broadcast_in_dim3A_137 : vector<128x1xf32> to vector<128x64xf32>
    %sub3A_315 = arith.subf %sub3A_313, %sub3A_314 : vector<128x64xf32>
    %add3A_316 = vector.broadcast %broadcast_in_dim3A_13 : vector<128x1xf32> to vector<128x64xf32>
    %add3A_317 = arith.addf %sub3A_315, %add3A_316 : vector<128x64xf32>
    %mul3A_318 = vector.broadcast %rsqrt3A_155 : vector<128x1xf32> to vector<128x64xf32>
    %mul3A_319 = arith.mulf %rsqrt3A_84, %mul3A_318 : vector<128x64xf32>
    %mul3A_320 = arith.mulf %add3A_317, %mul3A_319 : vector<128x64xf32>
    %sub3A_321 = vector.broadcast %broadcast_in_dim3A_133 : vector<128x1xf32> to vector<128x64xf32>
    %sub3A_322 = arith.subf %sub3A_321, %dot_general3A_60 : vector<128x64xf32>
    %sub3A_323 = arith.subf %sub3A_322, %dot_general3A_280 : vector<128x64xf32>
    %add3A_324 = vector.broadcast %dot_general3A_55 : vector<1x64xf32> to vector<128x64xf32>
    %add3A_325 = arith.addf %sub3A_323, %add3A_324 : vector<128x64xf32>
    %mul3A_326 = arith.mulf %rsqrt3A_73, %rsqrt3A_293 : vector<128x64xf32>
    %mul3A_327 = arith.mulf %add3A_325, %mul3A_326 : vector<128x64xf32>
    %sub3A_328 = vector.broadcast %broadcast_in_dim3A_137 : vector<128x1xf32> to vector<128x64xf32>
    %sub3A_329 = arith.subf %sub3A_328, %dot_general3A_62 : vector<128x64xf32>
    %sub3A_330 = arith.subf %sub3A_329, %dot_general3A_282 : vector<128x64xf32>
    %add3A_331 = vector.broadcast %dot_general3A_58 : vector<1x64xf32> to vector<128x64xf32>
    %add3A_332 = arith.addf %sub3A_330, %add3A_331 : vector<128x64xf32>
    %mul3A_333 = arith.mulf %rsqrt3A_84, %rsqrt3A_304 : vector<128x64xf32>
    %mul3A_334 = arith.mulf %add3A_332, %mul3A_333 : vector<128x64xf32>
    %sub3A_335 = vector.broadcast %broadcast_in_dim3A_133 : vector<128x1xf32> to vector<128x64xf32>
    %sub3A_336 = arith.subf %dot_general3A_60, %sub3A_335 : vector<128x64xf32>
    %sub3A_337 = arith.subf %sub3A_336, %dot_general3A_280 : vector<128x64xf32>
    %add3A_338 = vector.broadcast %broadcast_in_dim3A_129 : vector<128x1xf32> to vector<128x64xf32>
    %add3A_339 = arith.addf %sub3A_337, %add3A_338 : vector<128x64xf32>
    %mul3A_340 = vector.broadcast %rsqrt3A_146 : vector<128x1xf32> to vector<128x64xf32>
    %mul3A_341 = arith.mulf %mul3A_340, %rsqrt3A_293 : vector<128x64xf32>
    %mul3A_342 = arith.mulf %add3A_339, %mul3A_341 : vector<128x64xf32>
    %sub3A_343 = vector.broadcast %broadcast_in_dim3A_137 : vector<128x1xf32> to vector<128x64xf32>
    %sub3A_344 = arith.subf %dot_general3A_62, %sub3A_343 : vector<128x64xf32>
    %sub3A_345 = arith.subf %sub3A_344, %dot_general3A_282 : vector<128x64xf32>
    %add3A_346 = vector.broadcast %broadcast_in_dim3A_129 : vector<128x1xf32> to vector<128x64xf32>
    %add3A_347 = arith.addf %sub3A_345, %add3A_346 : vector<128x64xf32>
    %mul3A_348 = vector.broadcast %rsqrt3A_155 : vector<128x1xf32> to vector<128x64xf32>
    %mul3A_349 = arith.mulf %mul3A_348, %rsqrt3A_304 : vector<128x64xf32>
    %mul3A_350 = arith.mulf %add3A_347, %mul3A_349 : vector<128x64xf32>
    %sub3A_351 = arith.subf %mul3A_320, %mul3A_312 : vector<128x64xf32>
    %abs3A_352 = math.absf %sub3A_351 : vector<128x64xf32>
    %le3A_353 = arith.constant 1.000000e+00 : f32
    %le3A_354 = vector.broadcast %le3A_353 : f32 to vector<128x64xf32>
    %le3A_355 = arith.cmpf ole, %abs3A_352, %le3A_354 : vector<128x64xf32>
    %mul3A_356 = arith.constant 5.000000e-01 : f32
    %mul3A_357 = vector.broadcast %mul3A_356 : f32 to vector<128x64xf32>
    %mul3A_358 = arith.mulf %mul3A_357, %sub3A_351 : vector<128x64xf32>
    %mul3A_359 = arith.mulf %mul3A_358, %sub3A_351 : vector<128x64xf32>
    %sub3A_360 = arith.constant 5.000000e-01 : f32
    %sub3A_361 = vector.broadcast %sub3A_360 : f32 to vector<128x64xf32>
    %sub3A_362 = arith.subf %abs3A_352, %sub3A_361 : vector<128x64xf32>
    %select_n3A_363 = arith.select %le3A_355, %mul3A_359, %sub3A_362 : vector<128x64xi1>, vector<128x64xf32>
    %add3A_364 = arith.addf %add3A_272, %select_n3A_363 : vector<128x64xf32>
    %sub3A_365 = arith.subf %mul3A_334, %mul3A_327 : vector<128x64xf32>
    %abs3A_366 = math.absf %sub3A_365 : vector<128x64xf32>
    %le3A_367 = arith.constant 1.000000e+00 : f32
    %le3A_368 = vector.broadcast %le3A_367 : f32 to vector<128x64xf32>
    %le3A_369 = arith.cmpf ole, %abs3A_366, %le3A_368 : vector<128x64xf32>
    %mul3A_370 = arith.constant 5.000000e-01 : f32
    %mul3A_371 = vector.broadcast %mul3A_370 : f32 to vector<128x64xf32>
    %mul3A_372 = arith.mulf %mul3A_371, %sub3A_365 : vector<128x64xf32>
    %mul3A_373 = arith.mulf %mul3A_372, %sub3A_365 : vector<128x64xf32>
    %sub3A_374 = arith.constant 5.000000e-01 : f32
    %sub3A_375 = vector.broadcast %sub3A_374 : f32 to vector<128x64xf32>
    %sub3A_376 = arith.subf %abs3A_366, %sub3A_375 : vector<128x64xf32>
    %select_n3A_377 = arith.select %le3A_369, %mul3A_373, %sub3A_376 : vector<128x64xi1>, vector<128x64xf32>
    %add3A_378 = arith.addf %add3A_364, %select_n3A_377 : vector<128x64xf32>
    %sub3A_379 = arith.subf %mul3A_350, %mul3A_342 : vector<128x64xf32>
    %abs3A_380 = math.absf %sub3A_379 : vector<128x64xf32>
    %le3A_381 = arith.constant 1.000000e+00 : f32
    %le3A_382 = vector.broadcast %le3A_381 : f32 to vector<128x64xf32>
    %le3A_383 = arith.cmpf ole, %abs3A_380, %le3A_382 : vector<128x64xf32>
    %mul3A_384 = arith.constant 5.000000e-01 : f32
    %mul3A_385 = vector.broadcast %mul3A_384 : f32 to vector<128x64xf32>
    %mul3A_386 = arith.mulf %mul3A_385, %sub3A_379 : vector<128x64xf32>
    %mul3A_387 = arith.mulf %mul3A_386, %sub3A_379 : vector<128x64xf32>
    %sub3A_388 = arith.constant 5.000000e-01 : f32
    %sub3A_389 = vector.broadcast %sub3A_388 : f32 to vector<128x64xf32>
    %sub3A_390 = arith.subf %abs3A_380, %sub3A_389 : vector<128x64xf32>
    %select_n3A_391 = arith.select %le3A_383, %mul3A_387, %sub3A_390 : vector<128x64xi1>, vector<128x64xf32>
    %add3A_392 = arith.addf %add3A_378, %select_n3A_391 : vector<128x64xf32>
    %get3A_393 = arith.constant 128 : index
    %get3A_394 = arith.constant 0 : index
    %get3A_395 = vector.load %arg1[%get3A_393, %get3A_394] : memref<512x384xf32, #tpu.memory_space<vmem>>, vector<64x384xf32>
    %get3A_396 = arith.constant 256 : index
    %get3A_397 = arith.constant 0 : index
    %get3A_398 = vector.load %arg2[%get3A_396, %get3A_397] : memref<512x384xf32, #tpu.memory_space<vmem>>, vector<64x384xf32>
    %dot_general3A_399 = arith.constant dense<0.000000e+00> : vector<128x64xf32>
    %dot_general3A_400 = tpu.matmul %get3A_125, %get3A_395, %dot_general3A_399 {dimension_numbers = #tpu.dot_dimension_numbers<[1], [1], [0], [0], [0, 0, 1, 0], [], []>, transpose_lhs_hint = false} : vector<128x384xf32>, vector<64x384xf32>, vector<128x64xf32> -> vector<128x64xf32>
    %dot_general3A_401 = arith.constant dense<0.000000e+00> : vector<128x64xf32>
    %dot_general3A_402 = tpu.matmul %get3A_125, %get3A_398, %dot_general3A_401 {dimension_numbers = #tpu.dot_dimension_numbers<[1], [1], [0], [0], [0, 0, 1, 0], [], []>, transpose_lhs_hint = false} : vector<128x384xf32>, vector<64x384xf32>, vector<128x64xf32> -> vector<128x64xf32>
    %mul3A_403 = arith.constant 2.000000e+00 : f32
    %mul3A_404 = vector.broadcast %mul3A_403 : f32 to vector<128x64xf32>
    %mul3A_405 = arith.mulf %mul3A_404, %dot_general3A_400 : vector<128x64xf32>
    %sub3A_406 = vector.broadcast %dot_general3A_93 : vector<1x64xf32> to vector<128x64xf32>
    %sub3A_407 = arith.subf %sub3A_406, %mul3A_405 : vector<128x64xf32>
    %add3A_408 = vector.broadcast %broadcast_in_dim3A_129 : vector<128x1xf32> to vector<128x64xf32>
    %add3A_409 = arith.addf %sub3A_407, %add3A_408 : vector<128x64xf32>
    %max3A_410 = arith.constant 1.000000e-16 : f32
    %max3A_411 = vector.broadcast %max3A_410 : f32 to vector<128x64xf32>
    %max3A_412 = arith.maximumf %add3A_409, %max3A_411 : vector<128x64xf32>
    %rsqrt3A_413 = math.rsqrt %max3A_412 : vector<128x64xf32>
    %mul3A_414 = arith.constant 2.000000e+00 : f32
    %mul3A_415 = vector.broadcast %mul3A_414 : f32 to vector<128x64xf32>
    %mul3A_416 = arith.mulf %mul3A_415, %dot_general3A_402 : vector<128x64xf32>
    %sub3A_417 = vector.broadcast %dot_general3A_96 : vector<1x64xf32> to vector<128x64xf32>
    %sub3A_418 = arith.subf %sub3A_417, %mul3A_416 : vector<128x64xf32>
    %add3A_419 = vector.broadcast %broadcast_in_dim3A_129 : vector<128x1xf32> to vector<128x64xf32>
    %add3A_420 = arith.addf %sub3A_418, %add3A_419 : vector<128x64xf32>
    %max3A_421 = arith.constant 1.000000e-16 : f32
    %max3A_422 = vector.broadcast %max3A_421 : f32 to vector<128x64xf32>
    %max3A_423 = arith.maximumf %add3A_420, %max3A_422 : vector<128x64xf32>
    %rsqrt3A_424 = math.rsqrt %max3A_423 : vector<128x64xf32>
    %sub3A_425 = arith.subf %dot_general3A_400, %dot_general3A_98 : vector<128x64xf32>
    %sub3A_426 = vector.broadcast %broadcast_in_dim3A_133 : vector<128x1xf32> to vector<128x64xf32>
    %sub3A_427 = arith.subf %sub3A_425, %sub3A_426 : vector<128x64xf32>
    %add3A_428 = vector.broadcast %broadcast_in_dim3A_9 : vector<128x1xf32> to vector<128x64xf32>
    %add3A_429 = arith.addf %sub3A_427, %add3A_428 : vector<128x64xf32>
    %mul3A_430 = vector.broadcast %rsqrt3A_146 : vector<128x1xf32> to vector<128x64xf32>
    %mul3A_431 = arith.mulf %rsqrt3A_111, %mul3A_430 : vector<128x64xf32>
    %mul3A_432 = arith.mulf %add3A_429, %mul3A_431 : vector<128x64xf32>
    %sub3A_433 = arith.subf %dot_general3A_402, %dot_general3A_100 : vector<128x64xf32>
    %sub3A_434 = vector.broadcast %broadcast_in_dim3A_137 : vector<128x1xf32> to vector<128x64xf32>
    %sub3A_435 = arith.subf %sub3A_433, %sub3A_434 : vector<128x64xf32>
    %add3A_436 = vector.broadcast %broadcast_in_dim3A_13 : vector<128x1xf32> to vector<128x64xf32>
    %add3A_437 = arith.addf %sub3A_435, %add3A_436 : vector<128x64xf32>
    %mul3A_438 = vector.broadcast %rsqrt3A_155 : vector<128x1xf32> to vector<128x64xf32>
    %mul3A_439 = arith.mulf %rsqrt3A_122, %mul3A_438 : vector<128x64xf32>
    %mul3A_440 = arith.mulf %add3A_437, %mul3A_439 : vector<128x64xf32>
    %sub3A_441 = vector.broadcast %broadcast_in_dim3A_133 : vector<128x1xf32> to vector<128x64xf32>
    %sub3A_442 = arith.subf %sub3A_441, %dot_general3A_98 : vector<128x64xf32>
    %sub3A_443 = arith.subf %sub3A_442, %dot_general3A_400 : vector<128x64xf32>
    %add3A_444 = vector.broadcast %dot_general3A_93 : vector<1x64xf32> to vector<128x64xf32>
    %add3A_445 = arith.addf %sub3A_443, %add3A_444 : vector<128x64xf32>
    %mul3A_446 = arith.mulf %rsqrt3A_111, %rsqrt3A_413 : vector<128x64xf32>
    %mul3A_447 = arith.mulf %add3A_445, %mul3A_446 : vector<128x64xf32>
    %sub3A_448 = vector.broadcast %broadcast_in_dim3A_137 : vector<128x1xf32> to vector<128x64xf32>
    %sub3A_449 = arith.subf %sub3A_448, %dot_general3A_100 : vector<128x64xf32>
    %sub3A_450 = arith.subf %sub3A_449, %dot_general3A_402 : vector<128x64xf32>
    %add3A_451 = vector.broadcast %dot_general3A_96 : vector<1x64xf32> to vector<128x64xf32>
    %add3A_452 = arith.addf %sub3A_450, %add3A_451 : vector<128x64xf32>
    %mul3A_453 = arith.mulf %rsqrt3A_122, %rsqrt3A_424 : vector<128x64xf32>
    %mul3A_454 = arith.mulf %add3A_452, %mul3A_453 : vector<128x64xf32>
    %sub3A_455 = vector.broadcast %broadcast_in_dim3A_133 : vector<128x1xf32> to vector<128x64xf32>
    %sub3A_456 = arith.subf %dot_general3A_98, %sub3A_455 : vector<128x64xf32>
    %sub3A_457 = arith.subf %sub3A_456, %dot_general3A_400 : vector<128x64xf32>
    %add3A_458 = vector.broadcast %broadcast_in_dim3A_129 : vector<128x1xf32> to vector<128x64xf32>
    %add3A_459 = arith.addf %sub3A_457, %add3A_458 : vector<128x64xf32>
    %mul3A_460 = vector.broadcast %rsqrt3A_146 : vector<128x1xf32> to vector<128x64xf32>
    %mul3A_461 = arith.mulf %mul3A_460, %rsqrt3A_413 : vector<128x64xf32>
    %mul3A_462 = arith.mulf %add3A_459, %mul3A_461 : vector<128x64xf32>
    %sub3A_463 = vector.broadcast %broadcast_in_dim3A_137 : vector<128x1xf32> to vector<128x64xf32>
    %sub3A_464 = arith.subf %dot_general3A_100, %sub3A_463 : vector<128x64xf32>
    %sub3A_465 = arith.subf %sub3A_464, %dot_general3A_402 : vector<128x64xf32>
    %add3A_466 = vector.broadcast %broadcast_in_dim3A_129 : vector<128x1xf32> to vector<128x64xf32>
    %add3A_467 = arith.addf %sub3A_465, %add3A_466 : vector<128x64xf32>
    %mul3A_468 = vector.broadcast %rsqrt3A_155 : vector<128x1xf32> to vector<128x64xf32>
    %mul3A_469 = arith.mulf %mul3A_468, %rsqrt3A_424 : vector<128x64xf32>
    %mul3A_470 = arith.mulf %add3A_467, %mul3A_469 : vector<128x64xf32>
    %sub3A_471 = arith.subf %mul3A_440, %mul3A_432 : vector<128x64xf32>
    %abs3A_472 = math.absf %sub3A_471 : vector<128x64xf32>
    %le3A_473 = arith.constant 1.000000e+00 : f32
    %le3A_474 = vector.broadcast %le3A_473 : f32 to vector<128x64xf32>
    %le3A_475 = arith.cmpf ole, %abs3A_472, %le3A_474 : vector<128x64xf32>
    %mul3A_476 = arith.constant 5.000000e-01 : f32
    %mul3A_477 = vector.broadcast %mul3A_476 : f32 to vector<128x64xf32>
    %mul3A_478 = arith.mulf %mul3A_477, %sub3A_471 : vector<128x64xf32>
    %mul3A_479 = arith.mulf %mul3A_478, %sub3A_471 : vector<128x64xf32>
    %sub3A_480 = arith.constant 5.000000e-01 : f32
    %sub3A_481 = vector.broadcast %sub3A_480 : f32 to vector<128x64xf32>
    %sub3A_482 = arith.subf %abs3A_472, %sub3A_481 : vector<128x64xf32>
    %select_n3A_483 = arith.select %le3A_475, %mul3A_479, %sub3A_482 : vector<128x64xi1>, vector<128x64xf32>
    %add3A_484 = arith.addf %add3A_392, %select_n3A_483 : vector<128x64xf32>
    %sub3A_485 = arith.subf %mul3A_454, %mul3A_447 : vector<128x64xf32>
    %abs3A_486 = math.absf %sub3A_485 : vector<128x64xf32>
    %le3A_487 = arith.constant 1.000000e+00 : f32
    %le3A_488 = vector.broadcast %le3A_487 : f32 to vector<128x64xf32>
    %le3A_489 = arith.cmpf ole, %abs3A_486, %le3A_488 : vector<128x64xf32>
    %mul3A_490 = arith.constant 5.000000e-01 : f32
    %mul3A_491 = vector.broadcast %mul3A_490 : f32 to vector<128x64xf32>
    %mul3A_492 = arith.mulf %mul3A_491, %sub3A_485 : vector<128x64xf32>
    %mul3A_493 = arith.mulf %mul3A_492, %sub3A_485 : vector<128x64xf32>
    %sub3A_494 = arith.constant 5.000000e-01 : f32
    %sub3A_495 = vector.broadcast %sub3A_494 : f32 to vector<128x64xf32>
    %sub3A_496 = arith.subf %abs3A_486, %sub3A_495 : vector<128x64xf32>
    %select_n3A_497 = arith.select %le3A_489, %mul3A_493, %sub3A_496 : vector<128x64xi1>, vector<128x64xf32>
    %add3A_498 = arith.addf %add3A_484, %select_n3A_497 : vector<128x64xf32>
    %sub3A_499 = arith.subf %mul3A_470, %mul3A_462 : vector<128x64xf32>
    %abs3A_500 = math.absf %sub3A_499 : vector<128x64xf32>
    %le3A_501 = arith.constant 1.000000e+00 : f32
    %le3A_502 = vector.broadcast %le3A_501 : f32 to vector<128x64xf32>
    %le3A_503 = arith.cmpf ole, %abs3A_500, %le3A_502 : vector<128x64xf32>
    %mul3A_504 = arith.constant 5.000000e-01 : f32
    %mul3A_505 = vector.broadcast %mul3A_504 : f32 to vector<128x64xf32>
    %mul3A_506 = arith.mulf %mul3A_505, %sub3A_499 : vector<128x64xf32>
    %mul3A_507 = arith.mulf %mul3A_506, %sub3A_499 : vector<128x64xf32>
    %sub3A_508 = arith.constant 5.000000e-01 : f32
    %sub3A_509 = vector.broadcast %sub3A_508 : f32 to vector<128x64xf32>
    %sub3A_510 = arith.subf %abs3A_500, %sub3A_509 : vector<128x64xf32>
    %select_n3A_511 = arith.select %le3A_503, %mul3A_507, %sub3A_510 : vector<128x64xi1>, vector<128x64xf32>
    %add3A_512 = arith.addf %add3A_498, %select_n3A_511 : vector<128x64xf32>
    %get3A_513 = arith.constant 128 : index
    %get3A_514 = arith.constant 0 : index
    %get3A_515 = vector.load %arg0[%get3A_513, %get3A_514] : memref<512x384xf32, #tpu.memory_space<vmem>>, vector<128x384xf32>
    %mul3A_516 = arith.mulf %get3A_515, %get3A_515 : vector<128x384xf32>
    %reduce_sum3A_517 = arith.constant dense<0.000000e+00> : vector<128xf32>
    %reduce_sum3A_518 = vector.multi_reduction <add>, %mul3A_516, %reduce_sum3A_517 [1] : vector<128x384xf32> to vector<128xf32>
    %broadcast_in_dim3A_519 = vector.shape_cast %reduce_sum3A_518 : vector<128xf32> to vector<128x1xf32>
    %mul3A_520 = arith.mulf %get3A_4, %get3A_515 : vector<128x384xf32>
    %reduce_sum3A_521 = arith.constant dense<0.000000e+00> : vector<128xf32>
    %reduce_sum3A_522 = vector.multi_reduction <add>, %mul3A_520, %reduce_sum3A_521 [1] : vector<128x384xf32> to vector<128xf32>
    %broadcast_in_dim3A_523 = vector.shape_cast %reduce_sum3A_522 : vector<128xf32> to vector<128x1xf32>
    %mul3A_524 = arith.mulf %get3A_7, %get3A_515 : vector<128x384xf32>
    %reduce_sum3A_525 = arith.constant dense<0.000000e+00> : vector<128xf32>
    %reduce_sum3A_526 = vector.multi_reduction <add>, %mul3A_524, %reduce_sum3A_525 [1] : vector<128x384xf32> to vector<128xf32>
    %broadcast_in_dim3A_527 = vector.shape_cast %reduce_sum3A_526 : vector<128xf32> to vector<128x1xf32>
    %mul3A_528 = arith.constant 2.000000e+00 : f32
    %mul3A_529 = vector.broadcast %mul3A_528 : f32 to vector<128x1xf32>
    %mul3A_530 = arith.mulf %mul3A_529, %broadcast_in_dim3A_523 : vector<128x1xf32>
    %sub3A_531 = arith.subf %broadcast_in_dim3A_9, %mul3A_530 : vector<128x1xf32>
    %add3A_532 = arith.addf %sub3A_531, %broadcast_in_dim3A_519 : vector<128x1xf32>
    %max3A_533 = arith.constant 1.000000e-16 : f32
    %max3A_534 = vector.broadcast %max3A_533 : f32 to vector<128x1xf32>
    %max3A_535 = arith.maximumf %add3A_532, %max3A_534 : vector<128x1xf32>
    %rsqrt3A_536 = math.rsqrt %max3A_535 : vector<128x1xf32>
    %mul3A_537 = arith.constant 2.000000e+00 : f32
    %mul3A_538 = vector.broadcast %mul3A_537 : f32 to vector<128x1xf32>
    %mul3A_539 = arith.mulf %mul3A_538, %broadcast_in_dim3A_527 : vector<128x1xf32>
    %sub3A_540 = arith.subf %broadcast_in_dim3A_13, %mul3A_539 : vector<128x1xf32>
    %add3A_541 = arith.addf %sub3A_540, %broadcast_in_dim3A_519 : vector<128x1xf32>
    %max3A_542 = arith.constant 1.000000e-16 : f32
    %max3A_543 = vector.broadcast %max3A_542 : f32 to vector<128x1xf32>
    %max3A_544 = arith.maximumf %add3A_541, %max3A_543 : vector<128x1xf32>
    %rsqrt3A_545 = math.rsqrt %max3A_544 : vector<128x1xf32>
    %get3A_546 = arith.constant 0 : index
    %get3A_547 = arith.constant 0 : index
    %get3A_548 = vector.load %arg1[%get3A_546, %get3A_547] : memref<512x384xf32, #tpu.memory_space<vmem>>, vector<64x384xf32>
    %get3A_549 = arith.constant 128 : index
    %get3A_550 = arith.constant 0 : index
    %get3A_551 = vector.load %arg2[%get3A_549, %get3A_550] : memref<512x384xf32, #tpu.memory_space<vmem>>, vector<64x384xf32>
    %dot_general3A_552 = arith.constant dense<0.000000e+00> : vector<128x64xf32>
    %dot_general3A_553 = tpu.matmul %get3A_515, %get3A_548, %dot_general3A_552 {dimension_numbers = #tpu.dot_dimension_numbers<[1], [1], [0], [0], [0, 0, 1, 0], [], []>, transpose_lhs_hint = false} : vector<128x384xf32>, vector<64x384xf32>, vector<128x64xf32> -> vector<128x64xf32>
    %dot_general3A_554 = arith.constant dense<0.000000e+00> : vector<128x64xf32>
    %dot_general3A_555 = tpu.matmul %get3A_515, %get3A_551, %dot_general3A_554 {dimension_numbers = #tpu.dot_dimension_numbers<[1], [1], [0], [0], [0, 0, 1, 0], [], []>, transpose_lhs_hint = false} : vector<128x384xf32>, vector<64x384xf32>, vector<128x64xf32> -> vector<128x64xf32>
    %mul3A_556 = arith.constant 2.000000e+00 : f32
    %mul3A_557 = vector.broadcast %mul3A_556 : f32 to vector<128x64xf32>
    %mul3A_558 = arith.mulf %mul3A_557, %dot_general3A_553 : vector<128x64xf32>
    %sub3A_559 = vector.broadcast %dot_general3A_21 : vector<1x64xf32> to vector<128x64xf32>
    %sub3A_560 = arith.subf %sub3A_559, %mul3A_558 : vector<128x64xf32>
    %add3A_561 = vector.broadcast %broadcast_in_dim3A_519 : vector<128x1xf32> to vector<128x64xf32>
    %add3A_562 = arith.addf %sub3A_560, %add3A_561 : vector<128x64xf32>
    %max3A_563 = arith.constant 1.000000e-16 : f32
    %max3A_564 = vector.broadcast %max3A_563 : f32 to vector<128x64xf32>
    %max3A_565 = arith.maximumf %add3A_562, %max3A_564 : vector<128x64xf32>
    %rsqrt3A_566 = math.rsqrt %max3A_565 : vector<128x64xf32>
    %mul3A_567 = arith.constant 2.000000e+00 : f32
    %mul3A_568 = vector.broadcast %mul3A_567 : f32 to vector<128x64xf32>
    %mul3A_569 = arith.mulf %mul3A_568, %dot_general3A_555 : vector<128x64xf32>
    %sub3A_570 = vector.broadcast %dot_general3A_24 : vector<1x64xf32> to vector<128x64xf32>
    %sub3A_571 = arith.subf %sub3A_570, %mul3A_569 : vector<128x64xf32>
    %add3A_572 = vector.broadcast %broadcast_in_dim3A_519 : vector<128x1xf32> to vector<128x64xf32>
    %add3A_573 = arith.addf %sub3A_571, %add3A_572 : vector<128x64xf32>
    %max3A_574 = arith.constant 1.000000e-16 : f32
    %max3A_575 = vector.broadcast %max3A_574 : f32 to vector<128x64xf32>
    %max3A_576 = arith.maximumf %add3A_573, %max3A_575 : vector<128x64xf32>
    %rsqrt3A_577 = math.rsqrt %max3A_576 : vector<128x64xf32>
    %sub3A_578 = arith.subf %dot_general3A_553, %dot_general3A_26 : vector<128x64xf32>
    %sub3A_579 = vector.broadcast %broadcast_in_dim3A_523 : vector<128x1xf32> to vector<128x64xf32>
    %sub3A_580 = arith.subf %sub3A_578, %sub3A_579 : vector<128x64xf32>
    %add3A_581 = vector.broadcast %broadcast_in_dim3A_9 : vector<128x1xf32> to vector<128x64xf32>
    %add3A_582 = arith.addf %sub3A_580, %add3A_581 : vector<128x64xf32>
    %mul3A_583 = vector.broadcast %rsqrt3A_536 : vector<128x1xf32> to vector<128x64xf32>
    %mul3A_584 = arith.mulf %rsqrt3A, %mul3A_583 : vector<128x64xf32>
    %mul3A_585 = arith.mulf %add3A_582, %mul3A_584 : vector<128x64xf32>
    %sub3A_586 = arith.subf %dot_general3A_555, %dot_general3A_28 : vector<128x64xf32>
    %sub3A_587 = vector.broadcast %broadcast_in_dim3A_527 : vector<128x1xf32> to vector<128x64xf32>
    %sub3A_588 = arith.subf %sub3A_586, %sub3A_587 : vector<128x64xf32>
    %add3A_589 = vector.broadcast %broadcast_in_dim3A_13 : vector<128x1xf32> to vector<128x64xf32>
    %add3A_590 = arith.addf %sub3A_588, %add3A_589 : vector<128x64xf32>
    %mul3A_591 = vector.broadcast %rsqrt3A_545 : vector<128x1xf32> to vector<128x64xf32>
    %mul3A_592 = arith.mulf %rsqrt3A_46, %mul3A_591 : vector<128x64xf32>
    %mul3A_593 = arith.mulf %add3A_590, %mul3A_592 : vector<128x64xf32>
    %sub3A_594 = vector.broadcast %broadcast_in_dim3A_523 : vector<128x1xf32> to vector<128x64xf32>
    %sub3A_595 = arith.subf %sub3A_594, %dot_general3A_26 : vector<128x64xf32>
    %sub3A_596 = arith.subf %sub3A_595, %dot_general3A_553 : vector<128x64xf32>
    %add3A_597 = vector.broadcast %dot_general3A_21 : vector<1x64xf32> to vector<128x64xf32>
    %add3A_598 = arith.addf %sub3A_596, %add3A_597 : vector<128x64xf32>
    %mul3A_599 = arith.mulf %rsqrt3A, %rsqrt3A_566 : vector<128x64xf32>
    %mul3A_600 = arith.mulf %add3A_598, %mul3A_599 : vector<128x64xf32>
    %sub3A_601 = vector.broadcast %broadcast_in_dim3A_527 : vector<128x1xf32> to vector<128x64xf32>
    %sub3A_602 = arith.subf %sub3A_601, %dot_general3A_28 : vector<128x64xf32>
    %sub3A_603 = arith.subf %sub3A_602, %dot_general3A_555 : vector<128x64xf32>
    %add3A_604 = vector.broadcast %dot_general3A_24 : vector<1x64xf32> to vector<128x64xf32>
    %add3A_605 = arith.addf %sub3A_603, %add3A_604 : vector<128x64xf32>
    %mul3A_606 = arith.mulf %rsqrt3A_46, %rsqrt3A_577 : vector<128x64xf32>
    %mul3A_607 = arith.mulf %add3A_605, %mul3A_606 : vector<128x64xf32>
    %sub3A_608 = vector.broadcast %broadcast_in_dim3A_523 : vector<128x1xf32> to vector<128x64xf32>
    %sub3A_609 = arith.subf %dot_general3A_26, %sub3A_608 : vector<128x64xf32>
    %sub3A_610 = arith.subf %sub3A_609, %dot_general3A_553 : vector<128x64xf32>
    %add3A_611 = vector.broadcast %broadcast_in_dim3A_519 : vector<128x1xf32> to vector<128x64xf32>
    %add3A_612 = arith.addf %sub3A_610, %add3A_611 : vector<128x64xf32>
    %mul3A_613 = vector.broadcast %rsqrt3A_536 : vector<128x1xf32> to vector<128x64xf32>
    %mul3A_614 = arith.mulf %mul3A_613, %rsqrt3A_566 : vector<128x64xf32>
    %mul3A_615 = arith.mulf %add3A_612, %mul3A_614 : vector<128x64xf32>
    %sub3A_616 = vector.broadcast %broadcast_in_dim3A_527 : vector<128x1xf32> to vector<128x64xf32>
    %sub3A_617 = arith.subf %dot_general3A_28, %sub3A_616 : vector<128x64xf32>
    %sub3A_618 = arith.subf %sub3A_617, %dot_general3A_555 : vector<128x64xf32>
    %add3A_619 = vector.broadcast %broadcast_in_dim3A_519 : vector<128x1xf32> to vector<128x64xf32>
    %add3A_620 = arith.addf %sub3A_618, %add3A_619 : vector<128x64xf32>
    %mul3A_621 = vector.broadcast %rsqrt3A_545 : vector<128x1xf32> to vector<128x64xf32>
    %mul3A_622 = arith.mulf %mul3A_621, %rsqrt3A_577 : vector<128x64xf32>
    %mul3A_623 = arith.mulf %add3A_620, %mul3A_622 : vector<128x64xf32>
    %sub3A_624 = arith.subf %mul3A_593, %mul3A_585 : vector<128x64xf32>
    %abs3A_625 = math.absf %sub3A_624 : vector<128x64xf32>
    %le3A_626 = arith.constant 1.000000e+00 : f32
    %le3A_627 = vector.broadcast %le3A_626 : f32 to vector<128x64xf32>
    %le3A_628 = arith.cmpf ole, %abs3A_625, %le3A_627 : vector<128x64xf32>
    %mul3A_629 = arith.constant 5.000000e-01 : f32
    %mul3A_630 = vector.broadcast %mul3A_629 : f32 to vector<128x64xf32>
    %mul3A_631 = arith.mulf %mul3A_630, %sub3A_624 : vector<128x64xf32>
    %mul3A_632 = arith.mulf %mul3A_631, %sub3A_624 : vector<128x64xf32>
    %sub3A_633 = arith.constant 5.000000e-01 : f32
    %sub3A_634 = vector.broadcast %sub3A_633 : f32 to vector<128x64xf32>
    %sub3A_635 = arith.subf %abs3A_625, %sub3A_634 : vector<128x64xf32>
    %select_n3A_636 = arith.select %le3A_628, %mul3A_632, %sub3A_635 : vector<128x64xi1>, vector<128x64xf32>
    %add3A_637 = arith.addf %add3A_512, %select_n3A_636 : vector<128x64xf32>
    %sub3A_638 = arith.subf %mul3A_607, %mul3A_600 : vector<128x64xf32>
    %abs3A_639 = math.absf %sub3A_638 : vector<128x64xf32>
    %le3A_640 = arith.constant 1.000000e+00 : f32
    %le3A_641 = vector.broadcast %le3A_640 : f32 to vector<128x64xf32>
    %le3A_642 = arith.cmpf ole, %abs3A_639, %le3A_641 : vector<128x64xf32>
    %mul3A_643 = arith.constant 5.000000e-01 : f32
    %mul3A_644 = vector.broadcast %mul3A_643 : f32 to vector<128x64xf32>
    %mul3A_645 = arith.mulf %mul3A_644, %sub3A_638 : vector<128x64xf32>
    %mul3A_646 = arith.mulf %mul3A_645, %sub3A_638 : vector<128x64xf32>
    %sub3A_647 = arith.constant 5.000000e-01 : f32
    %sub3A_648 = vector.broadcast %sub3A_647 : f32 to vector<128x64xf32>
    %sub3A_649 = arith.subf %abs3A_639, %sub3A_648 : vector<128x64xf32>
    %select_n3A_650 = arith.select %le3A_642, %mul3A_646, %sub3A_649 : vector<128x64xi1>, vector<128x64xf32>
    %add3A_651 = arith.addf %add3A_637, %select_n3A_650 : vector<128x64xf32>
    %sub3A_652 = arith.subf %mul3A_623, %mul3A_615 : vector<128x64xf32>
    %abs3A_653 = math.absf %sub3A_652 : vector<128x64xf32>
    %le3A_654 = arith.constant 1.000000e+00 : f32
    %le3A_655 = vector.broadcast %le3A_654 : f32 to vector<128x64xf32>
    %le3A_656 = arith.cmpf ole, %abs3A_653, %le3A_655 : vector<128x64xf32>
    %mul3A_657 = arith.constant 5.000000e-01 : f32
    %mul3A_658 = vector.broadcast %mul3A_657 : f32 to vector<128x64xf32>
    %mul3A_659 = arith.mulf %mul3A_658, %sub3A_652 : vector<128x64xf32>
    %mul3A_660 = arith.mulf %mul3A_659, %sub3A_652 : vector<128x64xf32>
    %sub3A_661 = arith.constant 5.000000e-01 : f32
    %sub3A_662 = vector.broadcast %sub3A_661 : f32 to vector<128x64xf32>
    %sub3A_663 = arith.subf %abs3A_653, %sub3A_662 : vector<128x64xf32>
    %select_n3A_664 = arith.select %le3A_656, %mul3A_660, %sub3A_663 : vector<128x64xi1>, vector<128x64xf32>
    %add3A_665 = arith.addf %add3A_651, %select_n3A_664 : vector<128x64xf32>
    %get3A_666 = arith.constant 64 : index
    %get3A_667 = arith.constant 0 : index
    %get3A_668 = vector.load %arg1[%get3A_666, %get3A_667] : memref<512x384xf32, #tpu.memory_space<vmem>>, vector<64x384xf32>
    %get3A_669 = arith.constant 192 : index
    %get3A_670 = arith.constant 0 : index
    %get3A_671 = vector.load %arg2[%get3A_669, %get3A_670] : memref<512x384xf32, #tpu.memory_space<vmem>>, vector<64x384xf32>
    %dot_general3A_672 = arith.constant dense<0.000000e+00> : vector<128x64xf32>
    %dot_general3A_673 = tpu.matmul %get3A_515, %get3A_668, %dot_general3A_672 {dimension_numbers = #tpu.dot_dimension_numbers<[1], [1], [0], [0], [0, 0, 1, 0], [], []>, transpose_lhs_hint = false} : vector<128x384xf32>, vector<64x384xf32>, vector<128x64xf32> -> vector<128x64xf32>
    %dot_general3A_674 = arith.constant dense<0.000000e+00> : vector<128x64xf32>
    %dot_general3A_675 = tpu.matmul %get3A_515, %get3A_671, %dot_general3A_674 {dimension_numbers = #tpu.dot_dimension_numbers<[1], [1], [0], [0], [0, 0, 1, 0], [], []>, transpose_lhs_hint = false} : vector<128x384xf32>, vector<64x384xf32>, vector<128x64xf32> -> vector<128x64xf32>
    %mul3A_676 = arith.constant 2.000000e+00 : f32
    %mul3A_677 = vector.broadcast %mul3A_676 : f32 to vector<128x64xf32>
    %mul3A_678 = arith.mulf %mul3A_677, %dot_general3A_673 : vector<128x64xf32>
    %sub3A_679 = vector.broadcast %dot_general3A_55 : vector<1x64xf32> to vector<128x64xf32>
    %sub3A_680 = arith.subf %sub3A_679, %mul3A_678 : vector<128x64xf32>
    %add3A_681 = vector.broadcast %broadcast_in_dim3A_519 : vector<128x1xf32> to vector<128x64xf32>
    %add3A_682 = arith.addf %sub3A_680, %add3A_681 : vector<128x64xf32>
    %max3A_683 = arith.constant 1.000000e-16 : f32
    %max3A_684 = vector.broadcast %max3A_683 : f32 to vector<128x64xf32>
    %max3A_685 = arith.maximumf %add3A_682, %max3A_684 : vector<128x64xf32>
    %rsqrt3A_686 = math.rsqrt %max3A_685 : vector<128x64xf32>
    %mul3A_687 = arith.constant 2.000000e+00 : f32
    %mul3A_688 = vector.broadcast %mul3A_687 : f32 to vector<128x64xf32>
    %mul3A_689 = arith.mulf %mul3A_688, %dot_general3A_675 : vector<128x64xf32>
    %sub3A_690 = vector.broadcast %dot_general3A_58 : vector<1x64xf32> to vector<128x64xf32>
    %sub3A_691 = arith.subf %sub3A_690, %mul3A_689 : vector<128x64xf32>
    %add3A_692 = vector.broadcast %broadcast_in_dim3A_519 : vector<128x1xf32> to vector<128x64xf32>
    %add3A_693 = arith.addf %sub3A_691, %add3A_692 : vector<128x64xf32>
    %max3A_694 = arith.constant 1.000000e-16 : f32
    %max3A_695 = vector.broadcast %max3A_694 : f32 to vector<128x64xf32>
    %max3A_696 = arith.maximumf %add3A_693, %max3A_695 : vector<128x64xf32>
    %rsqrt3A_697 = math.rsqrt %max3A_696 : vector<128x64xf32>
    %sub3A_698 = arith.subf %dot_general3A_673, %dot_general3A_60 : vector<128x64xf32>
    %sub3A_699 = vector.broadcast %broadcast_in_dim3A_523 : vector<128x1xf32> to vector<128x64xf32>
    %sub3A_700 = arith.subf %sub3A_698, %sub3A_699 : vector<128x64xf32>
    %add3A_701 = vector.broadcast %broadcast_in_dim3A_9 : vector<128x1xf32> to vector<128x64xf32>
    %add3A_702 = arith.addf %sub3A_700, %add3A_701 : vector<128x64xf32>
    %mul3A_703 = vector.broadcast %rsqrt3A_536 : vector<128x1xf32> to vector<128x64xf32>
    %mul3A_704 = arith.mulf %rsqrt3A_73, %mul3A_703 : vector<128x64xf32>
    %mul3A_705 = arith.mulf %add3A_702, %mul3A_704 : vector<128x64xf32>
    %sub3A_706 = arith.subf %dot_general3A_675, %dot_general3A_62 : vector<128x64xf32>
    %sub3A_707 = vector.broadcast %broadcast_in_dim3A_527 : vector<128x1xf32> to vector<128x64xf32>
    %sub3A_708 = arith.subf %sub3A_706, %sub3A_707 : vector<128x64xf32>
    %add3A_709 = vector.broadcast %broadcast_in_dim3A_13 : vector<128x1xf32> to vector<128x64xf32>
    %add3A_710 = arith.addf %sub3A_708, %add3A_709 : vector<128x64xf32>
    %mul3A_711 = vector.broadcast %rsqrt3A_545 : vector<128x1xf32> to vector<128x64xf32>
    %mul3A_712 = arith.mulf %rsqrt3A_84, %mul3A_711 : vector<128x64xf32>
    %mul3A_713 = arith.mulf %add3A_710, %mul3A_712 : vector<128x64xf32>
    %sub3A_714 = vector.broadcast %broadcast_in_dim3A_523 : vector<128x1xf32> to vector<128x64xf32>
    %sub3A_715 = arith.subf %sub3A_714, %dot_general3A_60 : vector<128x64xf32>
    %sub3A_716 = arith.subf %sub3A_715, %dot_general3A_673 : vector<128x64xf32>
    %add3A_717 = vector.broadcast %dot_general3A_55 : vector<1x64xf32> to vector<128x64xf32>
    %add3A_718 = arith.addf %sub3A_716, %add3A_717 : vector<128x64xf32>
    %mul3A_719 = arith.mulf %rsqrt3A_73, %rsqrt3A_686 : vector<128x64xf32>
    %mul3A_720 = arith.mulf %add3A_718, %mul3A_719 : vector<128x64xf32>
    %sub3A_721 = vector.broadcast %broadcast_in_dim3A_527 : vector<128x1xf32> to vector<128x64xf32>
    %sub3A_722 = arith.subf %sub3A_721, %dot_general3A_62 : vector<128x64xf32>
    %sub3A_723 = arith.subf %sub3A_722, %dot_general3A_675 : vector<128x64xf32>
    %add3A_724 = vector.broadcast %dot_general3A_58 : vector<1x64xf32> to vector<128x64xf32>
    %add3A_725 = arith.addf %sub3A_723, %add3A_724 : vector<128x64xf32>
    %mul3A_726 = arith.mulf %rsqrt3A_84, %rsqrt3A_697 : vector<128x64xf32>
    %mul3A_727 = arith.mulf %add3A_725, %mul3A_726 : vector<128x64xf32>
    %sub3A_728 = vector.broadcast %broadcast_in_dim3A_523 : vector<128x1xf32> to vector<128x64xf32>
    %sub3A_729 = arith.subf %dot_general3A_60, %sub3A_728 : vector<128x64xf32>
    %sub3A_730 = arith.subf %sub3A_729, %dot_general3A_673 : vector<128x64xf32>
    %add3A_731 = vector.broadcast %broadcast_in_dim3A_519 : vector<128x1xf32> to vector<128x64xf32>
    %add3A_732 = arith.addf %sub3A_730, %add3A_731 : vector<128x64xf32>
    %mul3A_733 = vector.broadcast %rsqrt3A_536 : vector<128x1xf32> to vector<128x64xf32>
    %mul3A_734 = arith.mulf %mul3A_733, %rsqrt3A_686 : vector<128x64xf32>
    %mul3A_735 = arith.mulf %add3A_732, %mul3A_734 : vector<128x64xf32>
    %sub3A_736 = vector.broadcast %broadcast_in_dim3A_527 : vector<128x1xf32> to vector<128x64xf32>
    %sub3A_737 = arith.subf %dot_general3A_62, %sub3A_736 : vector<128x64xf32>
    %sub3A_738 = arith.subf %sub3A_737, %dot_general3A_675 : vector<128x64xf32>
    %add3A_739 = vector.broadcast %broadcast_in_dim3A_519 : vector<128x1xf32> to vector<128x64xf32>
    %add3A_740 = arith.addf %sub3A_738, %add3A_739 : vector<128x64xf32>
    %mul3A_741 = vector.broadcast %rsqrt3A_545 : vector<128x1xf32> to vector<128x64xf32>
    %mul3A_742 = arith.mulf %mul3A_741, %rsqrt3A_697 : vector<128x64xf32>
    %mul3A_743 = arith.mulf %add3A_740, %mul3A_742 : vector<128x64xf32>
    %sub3A_744 = arith.subf %mul3A_713, %mul3A_705 : vector<128x64xf32>
    %abs3A_745 = math.absf %sub3A_744 : vector<128x64xf32>
    %le3A_746 = arith.constant 1.000000e+00 : f32
    %le3A_747 = vector.broadcast %le3A_746 : f32 to vector<128x64xf32>
    %le3A_748 = arith.cmpf ole, %abs3A_745, %le3A_747 : vector<128x64xf32>
    %mul3A_749 = arith.constant 5.000000e-01 : f32
    %mul3A_750 = vector.broadcast %mul3A_749 : f32 to vector<128x64xf32>
    %mul3A_751 = arith.mulf %mul3A_750, %sub3A_744 : vector<128x64xf32>
    %mul3A_752 = arith.mulf %mul3A_751, %sub3A_744 : vector<128x64xf32>
    %sub3A_753 = arith.constant 5.000000e-01 : f32
    %sub3A_754 = vector.broadcast %sub3A_753 : f32 to vector<128x64xf32>
    %sub3A_755 = arith.subf %abs3A_745, %sub3A_754 : vector<128x64xf32>
    %select_n3A_756 = arith.select %le3A_748, %mul3A_752, %sub3A_755 : vector<128x64xi1>, vector<128x64xf32>
    %add3A_757 = arith.addf %add3A_665, %select_n3A_756 : vector<128x64xf32>
    %sub3A_758 = arith.subf %mul3A_727, %mul3A_720 : vector<128x64xf32>
    %abs3A_759 = math.absf %sub3A_758 : vector<128x64xf32>
    %le3A_760 = arith.constant 1.000000e+00 : f32
    %le3A_761 = vector.broadcast %le3A_760 : f32 to vector<128x64xf32>
    %le3A_762 = arith.cmpf ole, %abs3A_759, %le3A_761 : vector<128x64xf32>
    %mul3A_763 = arith.constant 5.000000e-01 : f32
    %mul3A_764 = vector.broadcast %mul3A_763 : f32 to vector<128x64xf32>
    %mul3A_765 = arith.mulf %mul3A_764, %sub3A_758 : vector<128x64xf32>
    %mul3A_766 = arith.mulf %mul3A_765, %sub3A_758 : vector<128x64xf32>
    %sub3A_767 = arith.constant 5.000000e-01 : f32
    %sub3A_768 = vector.broadcast %sub3A_767 : f32 to vector<128x64xf32>
    %sub3A_769 = arith.subf %abs3A_759, %sub3A_768 : vector<128x64xf32>
    %select_n3A_770 = arith.select %le3A_762, %mul3A_766, %sub3A_769 : vector<128x64xi1>, vector<128x64xf32>
    %add3A_771 = arith.addf %add3A_757, %select_n3A_770 : vector<128x64xf32>
    %sub3A_772 = arith.subf %mul3A_743, %mul3A_735 : vector<128x64xf32>
    %abs3A_773 = math.absf %sub3A_772 : vector<128x64xf32>
    %le3A_774 = arith.constant 1.000000e+00 : f32
    %le3A_775 = vector.broadcast %le3A_774 : f32 to vector<128x64xf32>
    %le3A_776 = arith.cmpf ole, %abs3A_773, %le3A_775 : vector<128x64xf32>
    %mul3A_777 = arith.constant 5.000000e-01 : f32
    %mul3A_778 = vector.broadcast %mul3A_777 : f32 to vector<128x64xf32>
    %mul3A_779 = arith.mulf %mul3A_778, %sub3A_772 : vector<128x64xf32>
    %mul3A_780 = arith.mulf %mul3A_779, %sub3A_772 : vector<128x64xf32>
    %sub3A_781 = arith.constant 5.000000e-01 : f32
    %sub3A_782 = vector.broadcast %sub3A_781 : f32 to vector<128x64xf32>
    %sub3A_783 = arith.subf %abs3A_773, %sub3A_782 : vector<128x64xf32>
    %select_n3A_784 = arith.select %le3A_776, %mul3A_780, %sub3A_783 : vector<128x64xi1>, vector<128x64xf32>
    %add3A_785 = arith.addf %add3A_771, %select_n3A_784 : vector<128x64xf32>
    %get3A_786 = arith.constant 128 : index
    %get3A_787 = arith.constant 0 : index
    %get3A_788 = vector.load %arg1[%get3A_786, %get3A_787] : memref<512x384xf32, #tpu.memory_space<vmem>>, vector<64x384xf32>
    %get3A_789 = arith.constant 256 : index
    %get3A_790 = arith.constant 0 : index
    %get3A_791 = vector.load %arg2[%get3A_789, %get3A_790] : memref<512x384xf32, #tpu.memory_space<vmem>>, vector<64x384xf32>
    %dot_general3A_792 = arith.constant dense<0.000000e+00> : vector<128x64xf32>
    %dot_general3A_793 = tpu.matmul %get3A_515, %get3A_788, %dot_general3A_792 {dimension_numbers = #tpu.dot_dimension_numbers<[1], [1], [0], [0], [0, 0, 1, 0], [], []>, transpose_lhs_hint = false} : vector<128x384xf32>, vector<64x384xf32>, vector<128x64xf32> -> vector<128x64xf32>
    %dot_general3A_794 = arith.constant dense<0.000000e+00> : vector<128x64xf32>
    %dot_general3A_795 = tpu.matmul %get3A_515, %get3A_791, %dot_general3A_794 {dimension_numbers = #tpu.dot_dimension_numbers<[1], [1], [0], [0], [0, 0, 1, 0], [], []>, transpose_lhs_hint = false} : vector<128x384xf32>, vector<64x384xf32>, vector<128x64xf32> -> vector<128x64xf32>
    %mul3A_796 = arith.constant 2.000000e+00 : f32
    %mul3A_797 = vector.broadcast %mul3A_796 : f32 to vector<128x64xf32>
    %mul3A_798 = arith.mulf %mul3A_797, %dot_general3A_793 : vector<128x64xf32>
    %sub3A_799 = vector.broadcast %dot_general3A_93 : vector<1x64xf32> to vector<128x64xf32>
    %sub3A_800 = arith.subf %sub3A_799, %mul3A_798 : vector<128x64xf32>
    %add3A_801 = vector.broadcast %broadcast_in_dim3A_519 : vector<128x1xf32> to vector<128x64xf32>
    %add3A_802 = arith.addf %sub3A_800, %add3A_801 : vector<128x64xf32>
    %max3A_803 = arith.constant 1.000000e-16 : f32
    %max3A_804 = vector.broadcast %max3A_803 : f32 to vector<128x64xf32>
    %max3A_805 = arith.maximumf %add3A_802, %max3A_804 : vector<128x64xf32>
    %rsqrt3A_806 = math.rsqrt %max3A_805 : vector<128x64xf32>
    %mul3A_807 = arith.constant 2.000000e+00 : f32
    %mul3A_808 = vector.broadcast %mul3A_807 : f32 to vector<128x64xf32>
    %mul3A_809 = arith.mulf %mul3A_808, %dot_general3A_795 : vector<128x64xf32>
    %sub3A_810 = vector.broadcast %dot_general3A_96 : vector<1x64xf32> to vector<128x64xf32>
    %sub3A_811 = arith.subf %sub3A_810, %mul3A_809 : vector<128x64xf32>
    %add3A_812 = vector.broadcast %broadcast_in_dim3A_519 : vector<128x1xf32> to vector<128x64xf32>
    %add3A_813 = arith.addf %sub3A_811, %add3A_812 : vector<128x64xf32>
    %max3A_814 = arith.constant 1.000000e-16 : f32
    %max3A_815 = vector.broadcast %max3A_814 : f32 to vector<128x64xf32>
    %max3A_816 = arith.maximumf %add3A_813, %max3A_815 : vector<128x64xf32>
    %rsqrt3A_817 = math.rsqrt %max3A_816 : vector<128x64xf32>
    %sub3A_818 = arith.subf %dot_general3A_793, %dot_general3A_98 : vector<128x64xf32>
    %sub3A_819 = vector.broadcast %broadcast_in_dim3A_523 : vector<128x1xf32> to vector<128x64xf32>
    %sub3A_820 = arith.subf %sub3A_818, %sub3A_819 : vector<128x64xf32>
    %add3A_821 = vector.broadcast %broadcast_in_dim3A_9 : vector<128x1xf32> to vector<128x64xf32>
    %add3A_822 = arith.addf %sub3A_820, %add3A_821 : vector<128x64xf32>
    %mul3A_823 = vector.broadcast %rsqrt3A_536 : vector<128x1xf32> to vector<128x64xf32>
    %mul3A_824 = arith.mulf %rsqrt3A_111, %mul3A_823 : vector<128x64xf32>
    %mul3A_825 = arith.mulf %add3A_822, %mul3A_824 : vector<128x64xf32>
    %sub3A_826 = arith.subf %dot_general3A_795, %dot_general3A_100 : vector<128x64xf32>
    %sub3A_827 = vector.broadcast %broadcast_in_dim3A_527 : vector<128x1xf32> to vector<128x64xf32>
    %sub3A_828 = arith.subf %sub3A_826, %sub3A_827 : vector<128x64xf32>
    %add3A_829 = vector.broadcast %broadcast_in_dim3A_13 : vector<128x1xf32> to vector<128x64xf32>
    %add3A_830 = arith.addf %sub3A_828, %add3A_829 : vector<128x64xf32>
    %mul3A_831 = vector.broadcast %rsqrt3A_545 : vector<128x1xf32> to vector<128x64xf32>
    %mul3A_832 = arith.mulf %rsqrt3A_122, %mul3A_831 : vector<128x64xf32>
    %mul3A_833 = arith.mulf %add3A_830, %mul3A_832 : vector<128x64xf32>
    %sub3A_834 = vector.broadcast %broadcast_in_dim3A_523 : vector<128x1xf32> to vector<128x64xf32>
    %sub3A_835 = arith.subf %sub3A_834, %dot_general3A_98 : vector<128x64xf32>
    %sub3A_836 = arith.subf %sub3A_835, %dot_general3A_793 : vector<128x64xf32>
    %add3A_837 = vector.broadcast %dot_general3A_93 : vector<1x64xf32> to vector<128x64xf32>
    %add3A_838 = arith.addf %sub3A_836, %add3A_837 : vector<128x64xf32>
    %mul3A_839 = arith.mulf %rsqrt3A_111, %rsqrt3A_806 : vector<128x64xf32>
    %mul3A_840 = arith.mulf %add3A_838, %mul3A_839 : vector<128x64xf32>
    %sub3A_841 = vector.broadcast %broadcast_in_dim3A_527 : vector<128x1xf32> to vector<128x64xf32>
    %sub3A_842 = arith.subf %sub3A_841, %dot_general3A_100 : vector<128x64xf32>
    %sub3A_843 = arith.subf %sub3A_842, %dot_general3A_795 : vector<128x64xf32>
    %add3A_844 = vector.broadcast %dot_general3A_96 : vector<1x64xf32> to vector<128x64xf32>
    %add3A_845 = arith.addf %sub3A_843, %add3A_844 : vector<128x64xf32>
    %mul3A_846 = arith.mulf %rsqrt3A_122, %rsqrt3A_817 : vector<128x64xf32>
    %mul3A_847 = arith.mulf %add3A_845, %mul3A_846 : vector<128x64xf32>
    %sub3A_848 = vector.broadcast %broadcast_in_dim3A_523 : vector<128x1xf32> to vector<128x64xf32>
    %sub3A_849 = arith.subf %dot_general3A_98, %sub3A_848 : vector<128x64xf32>
    %sub3A_850 = arith.subf %sub3A_849, %dot_general3A_793 : vector<128x64xf32>
    %add3A_851 = vector.broadcast %broadcast_in_dim3A_519 : vector<128x1xf32> to vector<128x64xf32>
    %add3A_852 = arith.addf %sub3A_850, %add3A_851 : vector<128x64xf32>
    %mul3A_853 = vector.broadcast %rsqrt3A_536 : vector<128x1xf32> to vector<128x64xf32>
    %mul3A_854 = arith.mulf %mul3A_853, %rsqrt3A_806 : vector<128x64xf32>
    %mul3A_855 = arith.mulf %add3A_852, %mul3A_854 : vector<128x64xf32>
    %sub3A_856 = vector.broadcast %broadcast_in_dim3A_527 : vector<128x1xf32> to vector<128x64xf32>
    %sub3A_857 = arith.subf %dot_general3A_100, %sub3A_856 : vector<128x64xf32>
    %sub3A_858 = arith.subf %sub3A_857, %dot_general3A_795 : vector<128x64xf32>
    %add3A_859 = vector.broadcast %broadcast_in_dim3A_519 : vector<128x1xf32> to vector<128x64xf32>
    %add3A_860 = arith.addf %sub3A_858, %add3A_859 : vector<128x64xf32>
    %mul3A_861 = vector.broadcast %rsqrt3A_545 : vector<128x1xf32> to vector<128x64xf32>
    %mul3A_862 = arith.mulf %mul3A_861, %rsqrt3A_817 : vector<128x64xf32>
    %mul3A_863 = arith.mulf %add3A_860, %mul3A_862 : vector<128x64xf32>
    %sub3A_864 = arith.subf %mul3A_833, %mul3A_825 : vector<128x64xf32>
    %abs3A_865 = math.absf %sub3A_864 : vector<128x64xf32>
    %le3A_866 = arith.constant 1.000000e+00 : f32
    %le3A_867 = vector.broadcast %le3A_866 : f32 to vector<128x64xf32>
    %le3A_868 = arith.cmpf ole, %abs3A_865, %le3A_867 : vector<128x64xf32>
    %mul3A_869 = arith.constant 5.000000e-01 : f32
    %mul3A_870 = vector.broadcast %mul3A_869 : f32 to vector<128x64xf32>
    %mul3A_871 = arith.mulf %mul3A_870, %sub3A_864 : vector<128x64xf32>
    %mul3A_872 = arith.mulf %mul3A_871, %sub3A_864 : vector<128x64xf32>
    %sub3A_873 = arith.constant 5.000000e-01 : f32
    %sub3A_874 = vector.broadcast %sub3A_873 : f32 to vector<128x64xf32>
    %sub3A_875 = arith.subf %abs3A_865, %sub3A_874 : vector<128x64xf32>
    %select_n3A_876 = arith.select %le3A_868, %mul3A_872, %sub3A_875 : vector<128x64xi1>, vector<128x64xf32>
    %add3A_877 = arith.addf %add3A_785, %select_n3A_876 : vector<128x64xf32>
    %sub3A_878 = arith.subf %mul3A_847, %mul3A_840 : vector<128x64xf32>
    %abs3A_879 = math.absf %sub3A_878 : vector<128x64xf32>
    %le3A_880 = arith.constant 1.000000e+00 : f32
    %le3A_881 = vector.broadcast %le3A_880 : f32 to vector<128x64xf32>
    %le3A_882 = arith.cmpf ole, %abs3A_879, %le3A_881 : vector<128x64xf32>
    %mul3A_883 = arith.constant 5.000000e-01 : f32
    %mul3A_884 = vector.broadcast %mul3A_883 : f32 to vector<128x64xf32>
    %mul3A_885 = arith.mulf %mul3A_884, %sub3A_878 : vector<128x64xf32>
    %mul3A_886 = arith.mulf %mul3A_885, %sub3A_878 : vector<128x64xf32>
    %sub3A_887 = arith.constant 5.000000e-01 : f32
    %sub3A_888 = vector.broadcast %sub3A_887 : f32 to vector<128x64xf32>
    %sub3A_889 = arith.subf %abs3A_879, %sub3A_888 : vector<128x64xf32>
    %select_n3A_890 = arith.select %le3A_882, %mul3A_886, %sub3A_889 : vector<128x64xi1>, vector<128x64xf32>
    %add3A_891 = arith.addf %add3A_877, %select_n3A_890 : vector<128x64xf32>
    %sub3A_892 = arith.subf %mul3A_863, %mul3A_855 : vector<128x64xf32>
    %abs3A_893 = math.absf %sub3A_892 : vector<128x64xf32>
    %le3A_894 = arith.constant 1.000000e+00 : f32
    %le3A_895 = vector.broadcast %le3A_894 : f32 to vector<128x64xf32>
    %le3A_896 = arith.cmpf ole, %abs3A_893, %le3A_895 : vector<128x64xf32>
    %mul3A_897 = arith.constant 5.000000e-01 : f32
    %mul3A_898 = vector.broadcast %mul3A_897 : f32 to vector<128x64xf32>
    %mul3A_899 = arith.mulf %mul3A_898, %sub3A_892 : vector<128x64xf32>
    %mul3A_900 = arith.mulf %mul3A_899, %sub3A_892 : vector<128x64xf32>
    %sub3A_901 = arith.constant 5.000000e-01 : f32
    %sub3A_902 = vector.broadcast %sub3A_901 : f32 to vector<128x64xf32>
    %sub3A_903 = arith.subf %abs3A_893, %sub3A_902 : vector<128x64xf32>
    %select_n3A_904 = arith.select %le3A_896, %mul3A_900, %sub3A_903 : vector<128x64xi1>, vector<128x64xf32>
    %add3A_905 = arith.addf %add3A_891, %select_n3A_904 : vector<128x64xf32>
    %get3A_906 = arith.constant 256 : index
    %get3A_907 = arith.constant 0 : index
    %get3A_908 = vector.load %arg0[%get3A_906, %get3A_907] : memref<512x384xf32, #tpu.memory_space<vmem>>, vector<128x384xf32>
    %mul3A_909 = arith.mulf %get3A_908, %get3A_908 : vector<128x384xf32>
    %reduce_sum3A_910 = arith.constant dense<0.000000e+00> : vector<128xf32>
    %reduce_sum3A_911 = vector.multi_reduction <add>, %mul3A_909, %reduce_sum3A_910 [1] : vector<128x384xf32> to vector<128xf32>
    %broadcast_in_dim3A_912 = vector.shape_cast %reduce_sum3A_911 : vector<128xf32> to vector<128x1xf32>
    %mul3A_913 = arith.mulf %get3A_4, %get3A_908 : vector<128x384xf32>
    %reduce_sum3A_914 = arith.constant dense<0.000000e+00> : vector<128xf32>
    %reduce_sum3A_915 = vector.multi_reduction <add>, %mul3A_913, %reduce_sum3A_914 [1] : vector<128x384xf32> to vector<128xf32>
    %broadcast_in_dim3A_916 = vector.shape_cast %reduce_sum3A_915 : vector<128xf32> to vector<128x1xf32>
    %mul3A_917 = arith.mulf %get3A_7, %get3A_908 : vector<128x384xf32>
    %reduce_sum3A_918 = arith.constant dense<0.000000e+00> : vector<128xf32>
    %reduce_sum3A_919 = vector.multi_reduction <add>, %mul3A_917, %reduce_sum3A_918 [1] : vector<128x384xf32> to vector<128xf32>
    %broadcast_in_dim3A_920 = vector.shape_cast %reduce_sum3A_919 : vector<128xf32> to vector<128x1xf32>
    %mul3A_921 = arith.constant 2.000000e+00 : f32
    %mul3A_922 = vector.broadcast %mul3A_921 : f32 to vector<128x1xf32>
    %mul3A_923 = arith.mulf %mul3A_922, %broadcast_in_dim3A_916 : vector<128x1xf32>
    %sub3A_924 = arith.subf %broadcast_in_dim3A_9, %mul3A_923 : vector<128x1xf32>
    %add3A_925 = arith.addf %sub3A_924, %broadcast_in_dim3A_912 : vector<128x1xf32>
    %max3A_926 = arith.constant 1.000000e-16 : f32
    %max3A_927 = vector.broadcast %max3A_926 : f32 to vector<128x1xf32>
    %max3A_928 = arith.maximumf %add3A_925, %max3A_927 : vector<128x1xf32>
    %rsqrt3A_929 = math.rsqrt %max3A_928 : vector<128x1xf32>
    %mul3A_930 = arith.constant 2.000000e+00 : f32
    %mul3A_931 = vector.broadcast %mul3A_930 : f32 to vector<128x1xf32>
    %mul3A_932 = arith.mulf %mul3A_931, %broadcast_in_dim3A_920 : vector<128x1xf32>
    %sub3A_933 = arith.subf %broadcast_in_dim3A_13, %mul3A_932 : vector<128x1xf32>
    %add3A_934 = arith.addf %sub3A_933, %broadcast_in_dim3A_912 : vector<128x1xf32>
    %max3A_935 = arith.constant 1.000000e-16 : f32
    %max3A_936 = vector.broadcast %max3A_935 : f32 to vector<128x1xf32>
    %max3A_937 = arith.maximumf %add3A_934, %max3A_936 : vector<128x1xf32>
    %rsqrt3A_938 = math.rsqrt %max3A_937 : vector<128x1xf32>
    %get3A_939 = arith.constant 0 : index
    %get3A_940 = arith.constant 0 : index
    %get3A_941 = vector.load %arg1[%get3A_939, %get3A_940] : memref<512x384xf32, #tpu.memory_space<vmem>>, vector<64x384xf32>
    %get3A_942 = arith.constant 128 : index
    %get3A_943 = arith.constant 0 : index
    %get3A_944 = vector.load %arg2[%get3A_942, %get3A_943] : memref<512x384xf32, #tpu.memory_space<vmem>>, vector<64x384xf32>
    %dot_general3A_945 = arith.constant dense<0.000000e+00> : vector<128x64xf32>
    %dot_general3A_946 = tpu.matmul %get3A_908, %get3A_941, %dot_general3A_945 {dimension_numbers = #tpu.dot_dimension_numbers<[1], [1], [0], [0], [0, 0, 1, 0], [], []>, transpose_lhs_hint = false} : vector<128x384xf32>, vector<64x384xf32>, vector<128x64xf32> -> vector<128x64xf32>
    %dot_general3A_947 = arith.constant dense<0.000000e+00> : vector<128x64xf32>
    %dot_general3A_948 = tpu.matmul %get3A_908, %get3A_944, %dot_general3A_947 {dimension_numbers = #tpu.dot_dimension_numbers<[1], [1], [0], [0], [0, 0, 1, 0], [], []>, transpose_lhs_hint = false} : vector<128x384xf32>, vector<64x384xf32>, vector<128x64xf32> -> vector<128x64xf32>
    %mul3A_949 = arith.constant 2.000000e+00 : f32
    %mul3A_950 = vector.broadcast %mul3A_949 : f32 to vector<128x64xf32>
    %mul3A_951 = arith.mulf %mul3A_950, %dot_general3A_946 : vector<128x64xf32>
    %sub3A_952 = vector.broadcast %dot_general3A_21 : vector<1x64xf32> to vector<128x64xf32>
    %sub3A_953 = arith.subf %sub3A_952, %mul3A_951 : vector<128x64xf32>
    %add3A_954 = vector.broadcast %broadcast_in_dim3A_912 : vector<128x1xf32> to vector<128x64xf32>
    %add3A_955 = arith.addf %sub3A_953, %add3A_954 : vector<128x64xf32>
    %max3A_956 = arith.constant 1.000000e-16 : f32
    %max3A_957 = vector.broadcast %max3A_956 : f32 to vector<128x64xf32>
    %max3A_958 = arith.maximumf %add3A_955, %max3A_957 : vector<128x64xf32>
    %rsqrt3A_959 = math.rsqrt %max3A_958 : vector<128x64xf32>
    %mul3A_960 = arith.constant 2.000000e+00 : f32
    %mul3A_961 = vector.broadcast %mul3A_960 : f32 to vector<128x64xf32>
    %mul3A_962 = arith.mulf %mul3A_961, %dot_general3A_948 : vector<128x64xf32>
    %sub3A_963 = vector.broadcast %dot_general3A_24 : vector<1x64xf32> to vector<128x64xf32>
    %sub3A_964 = arith.subf %sub3A_963, %mul3A_962 : vector<128x64xf32>
    %add3A_965 = vector.broadcast %broadcast_in_dim3A_912 : vector<128x1xf32> to vector<128x64xf32>
    %add3A_966 = arith.addf %sub3A_964, %add3A_965 : vector<128x64xf32>
    %max3A_967 = arith.constant 1.000000e-16 : f32
    %max3A_968 = vector.broadcast %max3A_967 : f32 to vector<128x64xf32>
    %max3A_969 = arith.maximumf %add3A_966, %max3A_968 : vector<128x64xf32>
    %rsqrt3A_970 = math.rsqrt %max3A_969 : vector<128x64xf32>
    %sub3A_971 = arith.subf %dot_general3A_946, %dot_general3A_26 : vector<128x64xf32>
    %sub3A_972 = vector.broadcast %broadcast_in_dim3A_916 : vector<128x1xf32> to vector<128x64xf32>
    %sub3A_973 = arith.subf %sub3A_971, %sub3A_972 : vector<128x64xf32>
    %add3A_974 = vector.broadcast %broadcast_in_dim3A_9 : vector<128x1xf32> to vector<128x64xf32>
    %add3A_975 = arith.addf %sub3A_973, %add3A_974 : vector<128x64xf32>
    %mul3A_976 = vector.broadcast %rsqrt3A_929 : vector<128x1xf32> to vector<128x64xf32>
    %mul3A_977 = arith.mulf %rsqrt3A, %mul3A_976 : vector<128x64xf32>
    %mul3A_978 = arith.mulf %add3A_975, %mul3A_977 : vector<128x64xf32>
    %sub3A_979 = arith.subf %dot_general3A_948, %dot_general3A_28 : vector<128x64xf32>
    %sub3A_980 = vector.broadcast %broadcast_in_dim3A_920 : vector<128x1xf32> to vector<128x64xf32>
    %sub3A_981 = arith.subf %sub3A_979, %sub3A_980 : vector<128x64xf32>
    %add3A_982 = vector.broadcast %broadcast_in_dim3A_13 : vector<128x1xf32> to vector<128x64xf32>
    %add3A_983 = arith.addf %sub3A_981, %add3A_982 : vector<128x64xf32>
    %mul3A_984 = vector.broadcast %rsqrt3A_938 : vector<128x1xf32> to vector<128x64xf32>
    %mul3A_985 = arith.mulf %rsqrt3A_46, %mul3A_984 : vector<128x64xf32>
    %mul3A_986 = arith.mulf %add3A_983, %mul3A_985 : vector<128x64xf32>
    %sub3A_987 = vector.broadcast %broadcast_in_dim3A_916 : vector<128x1xf32> to vector<128x64xf32>
    %sub3A_988 = arith.subf %sub3A_987, %dot_general3A_26 : vector<128x64xf32>
    %sub3A_989 = arith.subf %sub3A_988, %dot_general3A_946 : vector<128x64xf32>
    %add3A_990 = vector.broadcast %dot_general3A_21 : vector<1x64xf32> to vector<128x64xf32>
    %add3A_991 = arith.addf %sub3A_989, %add3A_990 : vector<128x64xf32>
    %mul3A_992 = arith.mulf %rsqrt3A, %rsqrt3A_959 : vector<128x64xf32>
    %mul3A_993 = arith.mulf %add3A_991, %mul3A_992 : vector<128x64xf32>
    %sub3A_994 = vector.broadcast %broadcast_in_dim3A_920 : vector<128x1xf32> to vector<128x64xf32>
    %sub3A_995 = arith.subf %sub3A_994, %dot_general3A_28 : vector<128x64xf32>
    %sub3A_996 = arith.subf %sub3A_995, %dot_general3A_948 : vector<128x64xf32>
    %add3A_997 = vector.broadcast %dot_general3A_24 : vector<1x64xf32> to vector<128x64xf32>
    %add3A_998 = arith.addf %sub3A_996, %add3A_997 : vector<128x64xf32>
    %mul3A_999 = arith.mulf %rsqrt3A_46, %rsqrt3A_970 : vector<128x64xf32>
    %mul3A_1000 = arith.mulf %add3A_998, %mul3A_999 : vector<128x64xf32>
    %sub3A_1001 = vector.broadcast %broadcast_in_dim3A_916 : vector<128x1xf32> to vector<128x64xf32>
    %sub3A_1002 = arith.subf %dot_general3A_26, %sub3A_1001 : vector<128x64xf32>
    %sub3A_1003 = arith.subf %sub3A_1002, %dot_general3A_946 : vector<128x64xf32>
    %add3A_1004 = vector.broadcast %broadcast_in_dim3A_912 : vector<128x1xf32> to vector<128x64xf32>
    %add3A_1005 = arith.addf %sub3A_1003, %add3A_1004 : vector<128x64xf32>
    %mul3A_1006 = vector.broadcast %rsqrt3A_929 : vector<128x1xf32> to vector<128x64xf32>
    %mul3A_1007 = arith.mulf %mul3A_1006, %rsqrt3A_959 : vector<128x64xf32>
    %mul3A_1008 = arith.mulf %add3A_1005, %mul3A_1007 : vector<128x64xf32>
    %sub3A_1009 = vector.broadcast %broadcast_in_dim3A_920 : vector<128x1xf32> to vector<128x64xf32>
    %sub3A_1010 = arith.subf %dot_general3A_28, %sub3A_1009 : vector<128x64xf32>
    %sub3A_1011 = arith.subf %sub3A_1010, %dot_general3A_948 : vector<128x64xf32>
    %add3A_1012 = vector.broadcast %broadcast_in_dim3A_912 : vector<128x1xf32> to vector<128x64xf32>
    %add3A_1013 = arith.addf %sub3A_1011, %add3A_1012 : vector<128x64xf32>
    %mul3A_1014 = vector.broadcast %rsqrt3A_938 : vector<128x1xf32> to vector<128x64xf32>
    %mul3A_1015 = arith.mulf %mul3A_1014, %rsqrt3A_970 : vector<128x64xf32>
    %mul3A_1016 = arith.mulf %add3A_1013, %mul3A_1015 : vector<128x64xf32>
    %sub3A_1017 = arith.subf %mul3A_986, %mul3A_978 : vector<128x64xf32>
    %abs3A_1018 = math.absf %sub3A_1017 : vector<128x64xf32>
    %le3A_1019 = arith.constant 1.000000e+00 : f32
    %le3A_1020 = vector.broadcast %le3A_1019 : f32 to vector<128x64xf32>
    %le3A_1021 = arith.cmpf ole, %abs3A_1018, %le3A_1020 : vector<128x64xf32>
    %mul3A_1022 = arith.constant 5.000000e-01 : f32
    %mul3A_1023 = vector.broadcast %mul3A_1022 : f32 to vector<128x64xf32>
    %mul3A_1024 = arith.mulf %mul3A_1023, %sub3A_1017 : vector<128x64xf32>
    %mul3A_1025 = arith.mulf %mul3A_1024, %sub3A_1017 : vector<128x64xf32>
    %sub3A_1026 = arith.constant 5.000000e-01 : f32
    %sub3A_1027 = vector.broadcast %sub3A_1026 : f32 to vector<128x64xf32>
    %sub3A_1028 = arith.subf %abs3A_1018, %sub3A_1027 : vector<128x64xf32>
    %select_n3A_1029 = arith.select %le3A_1021, %mul3A_1025, %sub3A_1028 : vector<128x64xi1>, vector<128x64xf32>
    %add3A_1030 = arith.addf %add3A_905, %select_n3A_1029 : vector<128x64xf32>
    %sub3A_1031 = arith.subf %mul3A_1000, %mul3A_993 : vector<128x64xf32>
    %abs3A_1032 = math.absf %sub3A_1031 : vector<128x64xf32>
    %le3A_1033 = arith.constant 1.000000e+00 : f32
    %le3A_1034 = vector.broadcast %le3A_1033 : f32 to vector<128x64xf32>
    %le3A_1035 = arith.cmpf ole, %abs3A_1032, %le3A_1034 : vector<128x64xf32>
    %mul3A_1036 = arith.constant 5.000000e-01 : f32
    %mul3A_1037 = vector.broadcast %mul3A_1036 : f32 to vector<128x64xf32>
    %mul3A_1038 = arith.mulf %mul3A_1037, %sub3A_1031 : vector<128x64xf32>
    %mul3A_1039 = arith.mulf %mul3A_1038, %sub3A_1031 : vector<128x64xf32>
    %sub3A_1040 = arith.constant 5.000000e-01 : f32
    %sub3A_1041 = vector.broadcast %sub3A_1040 : f32 to vector<128x64xf32>
    %sub3A_1042 = arith.subf %abs3A_1032, %sub3A_1041 : vector<128x64xf32>
    %select_n3A_1043 = arith.select %le3A_1035, %mul3A_1039, %sub3A_1042 : vector<128x64xi1>, vector<128x64xf32>
    %add3A_1044 = arith.addf %add3A_1030, %select_n3A_1043 : vector<128x64xf32>
    %sub3A_1045 = arith.subf %mul3A_1016, %mul3A_1008 : vector<128x64xf32>
    %abs3A_1046 = math.absf %sub3A_1045 : vector<128x64xf32>
    %le3A_1047 = arith.constant 1.000000e+00 : f32
    %le3A_1048 = vector.broadcast %le3A_1047 : f32 to vector<128x64xf32>
    %le3A_1049 = arith.cmpf ole, %abs3A_1046, %le3A_1048 : vector<128x64xf32>
    %mul3A_1050 = arith.constant 5.000000e-01 : f32
    %mul3A_1051 = vector.broadcast %mul3A_1050 : f32 to vector<128x64xf32>
    %mul3A_1052 = arith.mulf %mul3A_1051, %sub3A_1045 : vector<128x64xf32>
    %mul3A_1053 = arith.mulf %mul3A_1052, %sub3A_1045 : vector<128x64xf32>
    %sub3A_1054 = arith.constant 5.000000e-01 : f32
    %sub3A_1055 = vector.broadcast %sub3A_1054 : f32 to vector<128x64xf32>
    %sub3A_1056 = arith.subf %abs3A_1046, %sub3A_1055 : vector<128x64xf32>
    %select_n3A_1057 = arith.select %le3A_1049, %mul3A_1053, %sub3A_1056 : vector<128x64xi1>, vector<128x64xf32>
    %add3A_1058 = arith.addf %add3A_1044, %select_n3A_1057 : vector<128x64xf32>
    %get3A_1059 = arith.constant 64 : index
    %get3A_1060 = arith.constant 0 : index
    %get3A_1061 = vector.load %arg1[%get3A_1059, %get3A_1060] : memref<512x384xf32, #tpu.memory_space<vmem>>, vector<64x384xf32>
    %get3A_1062 = arith.constant 192 : index
    %get3A_1063 = arith.constant 0 : index
    %get3A_1064 = vector.load %arg2[%get3A_1062, %get3A_1063] : memref<512x384xf32, #tpu.memory_space<vmem>>, vector<64x384xf32>
    %dot_general3A_1065 = arith.constant dense<0.000000e+00> : vector<128x64xf32>
    %dot_general3A_1066 = tpu.matmul %get3A_908, %get3A_1061, %dot_general3A_1065 {dimension_numbers = #tpu.dot_dimension_numbers<[1], [1], [0], [0], [0, 0, 1, 0], [], []>, transpose_lhs_hint = false} : vector<128x384xf32>, vector<64x384xf32>, vector<128x64xf32> -> vector<128x64xf32>
    %dot_general3A_1067 = arith.constant dense<0.000000e+00> : vector<128x64xf32>
    %dot_general3A_1068 = tpu.matmul %get3A_908, %get3A_1064, %dot_general3A_1067 {dimension_numbers = #tpu.dot_dimension_numbers<[1], [1], [0], [0], [0, 0, 1, 0], [], []>, transpose_lhs_hint = false} : vector<128x384xf32>, vector<64x384xf32>, vector<128x64xf32> -> vector<128x64xf32>
    %mul3A_1069 = arith.constant 2.000000e+00 : f32
    %mul3A_1070 = vector.broadcast %mul3A_1069 : f32 to vector<128x64xf32>
    %mul3A_1071 = arith.mulf %mul3A_1070, %dot_general3A_1066 : vector<128x64xf32>
    %sub3A_1072 = vector.broadcast %dot_general3A_55 : vector<1x64xf32> to vector<128x64xf32>
    %sub3A_1073 = arith.subf %sub3A_1072, %mul3A_1071 : vector<128x64xf32>
    %add3A_1074 = vector.broadcast %broadcast_in_dim3A_912 : vector<128x1xf32> to vector<128x64xf32>
    %add3A_1075 = arith.addf %sub3A_1073, %add3A_1074 : vector<128x64xf32>
    %max3A_1076 = arith.constant 1.000000e-16 : f32
    %max3A_1077 = vector.broadcast %max3A_1076 : f32 to vector<128x64xf32>
    %max3A_1078 = arith.maximumf %add3A_1075, %max3A_1077 : vector<128x64xf32>
    %rsqrt3A_1079 = math.rsqrt %max3A_1078 : vector<128x64xf32>
    %mul3A_1080 = arith.constant 2.000000e+00 : f32
    %mul3A_1081 = vector.broadcast %mul3A_1080 : f32 to vector<128x64xf32>
    %mul3A_1082 = arith.mulf %mul3A_1081, %dot_general3A_1068 : vector<128x64xf32>
    %sub3A_1083 = vector.broadcast %dot_general3A_58 : vector<1x64xf32> to vector<128x64xf32>
    %sub3A_1084 = arith.subf %sub3A_1083, %mul3A_1082 : vector<128x64xf32>
    %add3A_1085 = vector.broadcast %broadcast_in_dim3A_912 : vector<128x1xf32> to vector<128x64xf32>
    %add3A_1086 = arith.addf %sub3A_1084, %add3A_1085 : vector<128x64xf32>
    %max3A_1087 = arith.constant 1.000000e-16 : f32
    %max3A_1088 = vector.broadcast %max3A_1087 : f32 to vector<128x64xf32>
    %max3A_1089 = arith.maximumf %add3A_1086, %max3A_1088 : vector<128x64xf32>
    %rsqrt3A_1090 = math.rsqrt %max3A_1089 : vector<128x64xf32>
    %sub3A_1091 = arith.subf %dot_general3A_1066, %dot_general3A_60 : vector<128x64xf32>
    %sub3A_1092 = vector.broadcast %broadcast_in_dim3A_916 : vector<128x1xf32> to vector<128x64xf32>
    %sub3A_1093 = arith.subf %sub3A_1091, %sub3A_1092 : vector<128x64xf32>
    %add3A_1094 = vector.broadcast %broadcast_in_dim3A_9 : vector<128x1xf32> to vector<128x64xf32>
    %add3A_1095 = arith.addf %sub3A_1093, %add3A_1094 : vector<128x64xf32>
    %mul3A_1096 = vector.broadcast %rsqrt3A_929 : vector<128x1xf32> to vector<128x64xf32>
    %mul3A_1097 = arith.mulf %rsqrt3A_73, %mul3A_1096 : vector<128x64xf32>
    %mul3A_1098 = arith.mulf %add3A_1095, %mul3A_1097 : vector<128x64xf32>
    %sub3A_1099 = arith.subf %dot_general3A_1068, %dot_general3A_62 : vector<128x64xf32>
    %sub3A_1100 = vector.broadcast %broadcast_in_dim3A_920 : vector<128x1xf32> to vector<128x64xf32>
    %sub3A_1101 = arith.subf %sub3A_1099, %sub3A_1100 : vector<128x64xf32>
    %add3A_1102 = vector.broadcast %broadcast_in_dim3A_13 : vector<128x1xf32> to vector<128x64xf32>
    %add3A_1103 = arith.addf %sub3A_1101, %add3A_1102 : vector<128x64xf32>
    %mul3A_1104 = vector.broadcast %rsqrt3A_938 : vector<128x1xf32> to vector<128x64xf32>
    %mul3A_1105 = arith.mulf %rsqrt3A_84, %mul3A_1104 : vector<128x64xf32>
    %mul3A_1106 = arith.mulf %add3A_1103, %mul3A_1105 : vector<128x64xf32>
    %sub3A_1107 = vector.broadcast %broadcast_in_dim3A_916 : vector<128x1xf32> to vector<128x64xf32>
    %sub3A_1108 = arith.subf %sub3A_1107, %dot_general3A_60 : vector<128x64xf32>
    %sub3A_1109 = arith.subf %sub3A_1108, %dot_general3A_1066 : vector<128x64xf32>
    %add3A_1110 = vector.broadcast %dot_general3A_55 : vector<1x64xf32> to vector<128x64xf32>
    %add3A_1111 = arith.addf %sub3A_1109, %add3A_1110 : vector<128x64xf32>
    %mul3A_1112 = arith.mulf %rsqrt3A_73, %rsqrt3A_1079 : vector<128x64xf32>
    %mul3A_1113 = arith.mulf %add3A_1111, %mul3A_1112 : vector<128x64xf32>
    %sub3A_1114 = vector.broadcast %broadcast_in_dim3A_920 : vector<128x1xf32> to vector<128x64xf32>
    %sub3A_1115 = arith.subf %sub3A_1114, %dot_general3A_62 : vector<128x64xf32>
    %sub3A_1116 = arith.subf %sub3A_1115, %dot_general3A_1068 : vector<128x64xf32>
    %add3A_1117 = vector.broadcast %dot_general3A_58 : vector<1x64xf32> to vector<128x64xf32>
    %add3A_1118 = arith.addf %sub3A_1116, %add3A_1117 : vector<128x64xf32>
    %mul3A_1119 = arith.mulf %rsqrt3A_84, %rsqrt3A_1090 : vector<128x64xf32>
    %mul3A_1120 = arith.mulf %add3A_1118, %mul3A_1119 : vector<128x64xf32>
    %sub3A_1121 = vector.broadcast %broadcast_in_dim3A_916 : vector<128x1xf32> to vector<128x64xf32>
    %sub3A_1122 = arith.subf %dot_general3A_60, %sub3A_1121 : vector<128x64xf32>
    %sub3A_1123 = arith.subf %sub3A_1122, %dot_general3A_1066 : vector<128x64xf32>
    %add3A_1124 = vector.broadcast %broadcast_in_dim3A_912 : vector<128x1xf32> to vector<128x64xf32>
    %add3A_1125 = arith.addf %sub3A_1123, %add3A_1124 : vector<128x64xf32>
    %mul3A_1126 = vector.broadcast %rsqrt3A_929 : vector<128x1xf32> to vector<128x64xf32>
    %mul3A_1127 = arith.mulf %mul3A_1126, %rsqrt3A_1079 : vector<128x64xf32>
    %mul3A_1128 = arith.mulf %add3A_1125, %mul3A_1127 : vector<128x64xf32>
    %sub3A_1129 = vector.broadcast %broadcast_in_dim3A_920 : vector<128x1xf32> to vector<128x64xf32>
    %sub3A_1130 = arith.subf %dot_general3A_62, %sub3A_1129 : vector<128x64xf32>
    %sub3A_1131 = arith.subf %sub3A_1130, %dot_general3A_1068 : vector<128x64xf32>
    %add3A_1132 = vector.broadcast %broadcast_in_dim3A_912 : vector<128x1xf32> to vector<128x64xf32>
    %add3A_1133 = arith.addf %sub3A_1131, %add3A_1132 : vector<128x64xf32>
    %mul3A_1134 = vector.broadcast %rsqrt3A_938 : vector<128x1xf32> to vector<128x64xf32>
    %mul3A_1135 = arith.mulf %mul3A_1134, %rsqrt3A_1090 : vector<128x64xf32>
    %mul3A_1136 = arith.mulf %add3A_1133, %mul3A_1135 : vector<128x64xf32>
    %sub3A_1137 = arith.subf %mul3A_1106, %mul3A_1098 : vector<128x64xf32>
    %abs3A_1138 = math.absf %sub3A_1137 : vector<128x64xf32>
    %le3A_1139 = arith.constant 1.000000e+00 : f32
    %le3A_1140 = vector.broadcast %le3A_1139 : f32 to vector<128x64xf32>
    %le3A_1141 = arith.cmpf ole, %abs3A_1138, %le3A_1140 : vector<128x64xf32>
    %mul3A_1142 = arith.constant 5.000000e-01 : f32
    %mul3A_1143 = vector.broadcast %mul3A_1142 : f32 to vector<128x64xf32>
    %mul3A_1144 = arith.mulf %mul3A_1143, %sub3A_1137 : vector<128x64xf32>
    %mul3A_1145 = arith.mulf %mul3A_1144, %sub3A_1137 : vector<128x64xf32>
    %sub3A_1146 = arith.constant 5.000000e-01 : f32
    %sub3A_1147 = vector.broadcast %sub3A_1146 : f32 to vector<128x64xf32>
    %sub3A_1148 = arith.subf %abs3A_1138, %sub3A_1147 : vector<128x64xf32>
    %select_n3A_1149 = arith.select %le3A_1141, %mul3A_1145, %sub3A_1148 : vector<128x64xi1>, vector<128x64xf32>
    %add3A_1150 = arith.addf %add3A_1058, %select_n3A_1149 : vector<128x64xf32>
    %sub3A_1151 = arith.subf %mul3A_1120, %mul3A_1113 : vector<128x64xf32>
    %abs3A_1152 = math.absf %sub3A_1151 : vector<128x64xf32>
    %le3A_1153 = arith.constant 1.000000e+00 : f32
    %le3A_1154 = vector.broadcast %le3A_1153 : f32 to vector<128x64xf32>
    %le3A_1155 = arith.cmpf ole, %abs3A_1152, %le3A_1154 : vector<128x64xf32>
    %mul3A_1156 = arith.constant 5.000000e-01 : f32
    %mul3A_1157 = vector.broadcast %mul3A_1156 : f32 to vector<128x64xf32>
    %mul3A_1158 = arith.mulf %mul3A_1157, %sub3A_1151 : vector<128x64xf32>
    %mul3A_1159 = arith.mulf %mul3A_1158, %sub3A_1151 : vector<128x64xf32>
    %sub3A_1160 = arith.constant 5.000000e-01 : f32
    %sub3A_1161 = vector.broadcast %sub3A_1160 : f32 to vector<128x64xf32>
    %sub3A_1162 = arith.subf %abs3A_1152, %sub3A_1161 : vector<128x64xf32>
    %select_n3A_1163 = arith.select %le3A_1155, %mul3A_1159, %sub3A_1162 : vector<128x64xi1>, vector<128x64xf32>
    %add3A_1164 = arith.addf %add3A_1150, %select_n3A_1163 : vector<128x64xf32>
    %sub3A_1165 = arith.subf %mul3A_1136, %mul3A_1128 : vector<128x64xf32>
    %abs3A_1166 = math.absf %sub3A_1165 : vector<128x64xf32>
    %le3A_1167 = arith.constant 1.000000e+00 : f32
    %le3A_1168 = vector.broadcast %le3A_1167 : f32 to vector<128x64xf32>
    %le3A_1169 = arith.cmpf ole, %abs3A_1166, %le3A_1168 : vector<128x64xf32>
    %mul3A_1170 = arith.constant 5.000000e-01 : f32
    %mul3A_1171 = vector.broadcast %mul3A_1170 : f32 to vector<128x64xf32>
    %mul3A_1172 = arith.mulf %mul3A_1171, %sub3A_1165 : vector<128x64xf32>
    %mul3A_1173 = arith.mulf %mul3A_1172, %sub3A_1165 : vector<128x64xf32>
    %sub3A_1174 = arith.constant 5.000000e-01 : f32
    %sub3A_1175 = vector.broadcast %sub3A_1174 : f32 to vector<128x64xf32>
    %sub3A_1176 = arith.subf %abs3A_1166, %sub3A_1175 : vector<128x64xf32>
    %select_n3A_1177 = arith.select %le3A_1169, %mul3A_1173, %sub3A_1176 : vector<128x64xi1>, vector<128x64xf32>
    %add3A_1178 = arith.addf %add3A_1164, %select_n3A_1177 : vector<128x64xf32>
    %get3A_1179 = arith.constant 128 : index
    %get3A_1180 = arith.constant 0 : index
    %get3A_1181 = vector.load %arg1[%get3A_1179, %get3A_1180] : memref<512x384xf32, #tpu.memory_space<vmem>>, vector<64x384xf32>
    %get3A_1182 = arith.constant 256 : index
    %get3A_1183 = arith.constant 0 : index
    %get3A_1184 = vector.load %arg2[%get3A_1182, %get3A_1183] : memref<512x384xf32, #tpu.memory_space<vmem>>, vector<64x384xf32>
    %dot_general3A_1185 = arith.constant dense<0.000000e+00> : vector<128x64xf32>
    %dot_general3A_1186 = tpu.matmul %get3A_908, %get3A_1181, %dot_general3A_1185 {dimension_numbers = #tpu.dot_dimension_numbers<[1], [1], [0], [0], [0, 0, 1, 0], [], []>, transpose_lhs_hint = false} : vector<128x384xf32>, vector<64x384xf32>, vector<128x64xf32> -> vector<128x64xf32>
    %dot_general3A_1187 = arith.constant dense<0.000000e+00> : vector<128x64xf32>
    %dot_general3A_1188 = tpu.matmul %get3A_908, %get3A_1184, %dot_general3A_1187 {dimension_numbers = #tpu.dot_dimension_numbers<[1], [1], [0], [0], [0, 0, 1, 0], [], []>, transpose_lhs_hint = false} : vector<128x384xf32>, vector<64x384xf32>, vector<128x64xf32> -> vector<128x64xf32>
    %mul3A_1189 = arith.constant 2.000000e+00 : f32
    %mul3A_1190 = vector.broadcast %mul3A_1189 : f32 to vector<128x64xf32>
    %mul3A_1191 = arith.mulf %mul3A_1190, %dot_general3A_1186 : vector<128x64xf32>
    %sub3A_1192 = vector.broadcast %dot_general3A_93 : vector<1x64xf32> to vector<128x64xf32>
    %sub3A_1193 = arith.subf %sub3A_1192, %mul3A_1191 : vector<128x64xf32>
    %add3A_1194 = vector.broadcast %broadcast_in_dim3A_912 : vector<128x1xf32> to vector<128x64xf32>
    %add3A_1195 = arith.addf %sub3A_1193, %add3A_1194 : vector<128x64xf32>
    %max3A_1196 = arith.constant 1.000000e-16 : f32
    %max3A_1197 = vector.broadcast %max3A_1196 : f32 to vector<128x64xf32>
    %max3A_1198 = arith.maximumf %add3A_1195, %max3A_1197 : vector<128x64xf32>
    %rsqrt3A_1199 = math.rsqrt %max3A_1198 : vector<128x64xf32>
    %mul3A_1200 = arith.constant 2.000000e+00 : f32
    %mul3A_1201 = vector.broadcast %mul3A_1200 : f32 to vector<128x64xf32>
    %mul3A_1202 = arith.mulf %mul3A_1201, %dot_general3A_1188 : vector<128x64xf32>
    %sub3A_1203 = vector.broadcast %dot_general3A_96 : vector<1x64xf32> to vector<128x64xf32>
    %sub3A_1204 = arith.subf %sub3A_1203, %mul3A_1202 : vector<128x64xf32>
    %add3A_1205 = vector.broadcast %broadcast_in_dim3A_912 : vector<128x1xf32> to vector<128x64xf32>
    %add3A_1206 = arith.addf %sub3A_1204, %add3A_1205 : vector<128x64xf32>
    %max3A_1207 = arith.constant 1.000000e-16 : f32
    %max3A_1208 = vector.broadcast %max3A_1207 : f32 to vector<128x64xf32>
    %max3A_1209 = arith.maximumf %add3A_1206, %max3A_1208 : vector<128x64xf32>
    %rsqrt3A_1210 = math.rsqrt %max3A_1209 : vector<128x64xf32>
    %sub3A_1211 = arith.subf %dot_general3A_1186, %dot_general3A_98 : vector<128x64xf32>
    %sub3A_1212 = vector.broadcast %broadcast_in_dim3A_916 : vector<128x1xf32> to vector<128x64xf32>
    %sub3A_1213 = arith.subf %sub3A_1211, %sub3A_1212 : vector<128x64xf32>
    %add3A_1214 = vector.broadcast %broadcast_in_dim3A_9 : vector<128x1xf32> to vector<128x64xf32>
    %add3A_1215 = arith.addf %sub3A_1213, %add3A_1214 : vector<128x64xf32>
    %mul3A_1216 = vector.broadcast %rsqrt3A_929 : vector<128x1xf32> to vector<128x64xf32>
    %mul3A_1217 = arith.mulf %rsqrt3A_111, %mul3A_1216 : vector<128x64xf32>
    %mul3A_1218 = arith.mulf %add3A_1215, %mul3A_1217 : vector<128x64xf32>
    %sub3A_1219 = arith.subf %dot_general3A_1188, %dot_general3A_100 : vector<128x64xf32>
    %sub3A_1220 = vector.broadcast %broadcast_in_dim3A_920 : vector<128x1xf32> to vector<128x64xf32>
    %sub3A_1221 = arith.subf %sub3A_1219, %sub3A_1220 : vector<128x64xf32>
    %add3A_1222 = vector.broadcast %broadcast_in_dim3A_13 : vector<128x1xf32> to vector<128x64xf32>
    %add3A_1223 = arith.addf %sub3A_1221, %add3A_1222 : vector<128x64xf32>
    %mul3A_1224 = vector.broadcast %rsqrt3A_938 : vector<128x1xf32> to vector<128x64xf32>
    %mul3A_1225 = arith.mulf %rsqrt3A_122, %mul3A_1224 : vector<128x64xf32>
    %mul3A_1226 = arith.mulf %add3A_1223, %mul3A_1225 : vector<128x64xf32>
    %sub3A_1227 = vector.broadcast %broadcast_in_dim3A_916 : vector<128x1xf32> to vector<128x64xf32>
    %sub3A_1228 = arith.subf %sub3A_1227, %dot_general3A_98 : vector<128x64xf32>
    %sub3A_1229 = arith.subf %sub3A_1228, %dot_general3A_1186 : vector<128x64xf32>
    %add3A_1230 = vector.broadcast %dot_general3A_93 : vector<1x64xf32> to vector<128x64xf32>
    %add3A_1231 = arith.addf %sub3A_1229, %add3A_1230 : vector<128x64xf32>
    %mul3A_1232 = arith.mulf %rsqrt3A_111, %rsqrt3A_1199 : vector<128x64xf32>
    %mul3A_1233 = arith.mulf %add3A_1231, %mul3A_1232 : vector<128x64xf32>
    %sub3A_1234 = vector.broadcast %broadcast_in_dim3A_920 : vector<128x1xf32> to vector<128x64xf32>
    %sub3A_1235 = arith.subf %sub3A_1234, %dot_general3A_100 : vector<128x64xf32>
    %sub3A_1236 = arith.subf %sub3A_1235, %dot_general3A_1188 : vector<128x64xf32>
    %add3A_1237 = vector.broadcast %dot_general3A_96 : vector<1x64xf32> to vector<128x64xf32>
    %add3A_1238 = arith.addf %sub3A_1236, %add3A_1237 : vector<128x64xf32>
    %mul3A_1239 = arith.mulf %rsqrt3A_122, %rsqrt3A_1210 : vector<128x64xf32>
    %mul3A_1240 = arith.mulf %add3A_1238, %mul3A_1239 : vector<128x64xf32>
    %sub3A_1241 = vector.broadcast %broadcast_in_dim3A_916 : vector<128x1xf32> to vector<128x64xf32>
    %sub3A_1242 = arith.subf %dot_general3A_98, %sub3A_1241 : vector<128x64xf32>
    %sub3A_1243 = arith.subf %sub3A_1242, %dot_general3A_1186 : vector<128x64xf32>
    %add3A_1244 = vector.broadcast %broadcast_in_dim3A_912 : vector<128x1xf32> to vector<128x64xf32>
    %add3A_1245 = arith.addf %sub3A_1243, %add3A_1244 : vector<128x64xf32>
    %mul3A_1246 = vector.broadcast %rsqrt3A_929 : vector<128x1xf32> to vector<128x64xf32>
    %mul3A_1247 = arith.mulf %mul3A_1246, %rsqrt3A_1199 : vector<128x64xf32>
    %mul3A_1248 = arith.mulf %add3A_1245, %mul3A_1247 : vector<128x64xf32>
    %sub3A_1249 = vector.broadcast %broadcast_in_dim3A_920 : vector<128x1xf32> to vector<128x64xf32>
    %sub3A_1250 = arith.subf %dot_general3A_100, %sub3A_1249 : vector<128x64xf32>
    %sub3A_1251 = arith.subf %sub3A_1250, %dot_general3A_1188 : vector<128x64xf32>
    %add3A_1252 = vector.broadcast %broadcast_in_dim3A_912 : vector<128x1xf32> to vector<128x64xf32>
    %add3A_1253 = arith.addf %sub3A_1251, %add3A_1252 : vector<128x64xf32>
    %mul3A_1254 = vector.broadcast %rsqrt3A_938 : vector<128x1xf32> to vector<128x64xf32>
    %mul3A_1255 = arith.mulf %mul3A_1254, %rsqrt3A_1210 : vector<128x64xf32>
    %mul3A_1256 = arith.mulf %add3A_1253, %mul3A_1255 : vector<128x64xf32>
    %sub3A_1257 = arith.subf %mul3A_1226, %mul3A_1218 : vector<128x64xf32>
    %abs3A_1258 = math.absf %sub3A_1257 : vector<128x64xf32>
    %le3A_1259 = arith.constant 1.000000e+00 : f32
    %le3A_1260 = vector.broadcast %le3A_1259 : f32 to vector<128x64xf32>
    %le3A_1261 = arith.cmpf ole, %abs3A_1258, %le3A_1260 : vector<128x64xf32>
    %mul3A_1262 = arith.constant 5.000000e-01 : f32
    %mul3A_1263 = vector.broadcast %mul3A_1262 : f32 to vector<128x64xf32>
    %mul3A_1264 = arith.mulf %mul3A_1263, %sub3A_1257 : vector<128x64xf32>
    %mul3A_1265 = arith.mulf %mul3A_1264, %sub3A_1257 : vector<128x64xf32>
    %sub3A_1266 = arith.constant 5.000000e-01 : f32
    %sub3A_1267 = vector.broadcast %sub3A_1266 : f32 to vector<128x64xf32>
    %sub3A_1268 = arith.subf %abs3A_1258, %sub3A_1267 : vector<128x64xf32>
    %select_n3A_1269 = arith.select %le3A_1261, %mul3A_1265, %sub3A_1268 : vector<128x64xi1>, vector<128x64xf32>
    %add3A_1270 = arith.addf %add3A_1178, %select_n3A_1269 : vector<128x64xf32>
    %sub3A_1271 = arith.subf %mul3A_1240, %mul3A_1233 : vector<128x64xf32>
    %abs3A_1272 = math.absf %sub3A_1271 : vector<128x64xf32>
    %le3A_1273 = arith.constant 1.000000e+00 : f32
    %le3A_1274 = vector.broadcast %le3A_1273 : f32 to vector<128x64xf32>
    %le3A_1275 = arith.cmpf ole, %abs3A_1272, %le3A_1274 : vector<128x64xf32>
    %mul3A_1276 = arith.constant 5.000000e-01 : f32
    %mul3A_1277 = vector.broadcast %mul3A_1276 : f32 to vector<128x64xf32>
    %mul3A_1278 = arith.mulf %mul3A_1277, %sub3A_1271 : vector<128x64xf32>
    %mul3A_1279 = arith.mulf %mul3A_1278, %sub3A_1271 : vector<128x64xf32>
    %sub3A_1280 = arith.constant 5.000000e-01 : f32
    %sub3A_1281 = vector.broadcast %sub3A_1280 : f32 to vector<128x64xf32>
    %sub3A_1282 = arith.subf %abs3A_1272, %sub3A_1281 : vector<128x64xf32>
    %select_n3A_1283 = arith.select %le3A_1275, %mul3A_1279, %sub3A_1282 : vector<128x64xi1>, vector<128x64xf32>
    %add3A_1284 = arith.addf %add3A_1270, %select_n3A_1283 : vector<128x64xf32>
    %sub3A_1285 = arith.subf %mul3A_1256, %mul3A_1248 : vector<128x64xf32>
    %abs3A_1286 = math.absf %sub3A_1285 : vector<128x64xf32>
    %le3A_1287 = arith.constant 1.000000e+00 : f32
    %le3A_1288 = vector.broadcast %le3A_1287 : f32 to vector<128x64xf32>
    %le3A_1289 = arith.cmpf ole, %abs3A_1286, %le3A_1288 : vector<128x64xf32>
    %mul3A_1290 = arith.constant 5.000000e-01 : f32
    %mul3A_1291 = vector.broadcast %mul3A_1290 : f32 to vector<128x64xf32>
    %mul3A_1292 = arith.mulf %mul3A_1291, %sub3A_1285 : vector<128x64xf32>
    %mul3A_1293 = arith.mulf %mul3A_1292, %sub3A_1285 : vector<128x64xf32>
    %sub3A_1294 = arith.constant 5.000000e-01 : f32
    %sub3A_1295 = vector.broadcast %sub3A_1294 : f32 to vector<128x64xf32>
    %sub3A_1296 = arith.subf %abs3A_1286, %sub3A_1295 : vector<128x64xf32>
    %select_n3A_1297 = arith.select %le3A_1289, %mul3A_1293, %sub3A_1296 : vector<128x64xi1>, vector<128x64xf32>
    %add3A_1298 = arith.addf %add3A_1284, %select_n3A_1297 : vector<128x64xf32>
    %get3A_1299 = arith.constant 384 : index
    %get3A_1300 = arith.constant 0 : index
    %get3A_1301 = vector.load %arg0[%get3A_1299, %get3A_1300] : memref<512x384xf32, #tpu.memory_space<vmem>>, vector<128x384xf32>
    %mul3A_1302 = arith.mulf %get3A_1301, %get3A_1301 : vector<128x384xf32>
    %reduce_sum3A_1303 = arith.constant dense<0.000000e+00> : vector<128xf32>
    %reduce_sum3A_1304 = vector.multi_reduction <add>, %mul3A_1302, %reduce_sum3A_1303 [1] : vector<128x384xf32> to vector<128xf32>
    %broadcast_in_dim3A_1305 = vector.shape_cast %reduce_sum3A_1304 : vector<128xf32> to vector<128x1xf32>
    %mul3A_1306 = arith.mulf %get3A_4, %get3A_1301 : vector<128x384xf32>
    %reduce_sum3A_1307 = arith.constant dense<0.000000e+00> : vector<128xf32>
    %reduce_sum3A_1308 = vector.multi_reduction <add>, %mul3A_1306, %reduce_sum3A_1307 [1] : vector<128x384xf32> to vector<128xf32>
    %broadcast_in_dim3A_1309 = vector.shape_cast %reduce_sum3A_1308 : vector<128xf32> to vector<128x1xf32>
    %mul3A_1310 = arith.mulf %get3A_7, %get3A_1301 : vector<128x384xf32>
    %reduce_sum3A_1311 = arith.constant dense<0.000000e+00> : vector<128xf32>
    %reduce_sum3A_1312 = vector.multi_reduction <add>, %mul3A_1310, %reduce_sum3A_1311 [1] : vector<128x384xf32> to vector<128xf32>
    %broadcast_in_dim3A_1313 = vector.shape_cast %reduce_sum3A_1312 : vector<128xf32> to vector<128x1xf32>
    %mul3A_1314 = arith.constant 2.000000e+00 : f32
    %mul3A_1315 = vector.broadcast %mul3A_1314 : f32 to vector<128x1xf32>
    %mul3A_1316 = arith.mulf %mul3A_1315, %broadcast_in_dim3A_1309 : vector<128x1xf32>
    %sub3A_1317 = arith.subf %broadcast_in_dim3A_9, %mul3A_1316 : vector<128x1xf32>
    %add3A_1318 = arith.addf %sub3A_1317, %broadcast_in_dim3A_1305 : vector<128x1xf32>
    %max3A_1319 = arith.constant 1.000000e-16 : f32
    %max3A_1320 = vector.broadcast %max3A_1319 : f32 to vector<128x1xf32>
    %max3A_1321 = arith.maximumf %add3A_1318, %max3A_1320 : vector<128x1xf32>
    %rsqrt3A_1322 = math.rsqrt %max3A_1321 : vector<128x1xf32>
    %mul3A_1323 = arith.constant 2.000000e+00 : f32
    %mul3A_1324 = vector.broadcast %mul3A_1323 : f32 to vector<128x1xf32>
    %mul3A_1325 = arith.mulf %mul3A_1324, %broadcast_in_dim3A_1313 : vector<128x1xf32>
    %sub3A_1326 = arith.subf %broadcast_in_dim3A_13, %mul3A_1325 : vector<128x1xf32>
    %add3A_1327 = arith.addf %sub3A_1326, %broadcast_in_dim3A_1305 : vector<128x1xf32>
    %max3A_1328 = arith.constant 1.000000e-16 : f32
    %max3A_1329 = vector.broadcast %max3A_1328 : f32 to vector<128x1xf32>
    %max3A_1330 = arith.maximumf %add3A_1327, %max3A_1329 : vector<128x1xf32>
    %rsqrt3A_1331 = math.rsqrt %max3A_1330 : vector<128x1xf32>
    %get3A_1332 = arith.constant 0 : index
    %get3A_1333 = arith.constant 0 : index
    %get3A_1334 = vector.load %arg1[%get3A_1332, %get3A_1333] : memref<512x384xf32, #tpu.memory_space<vmem>>, vector<64x384xf32>
    %get3A_1335 = arith.constant 128 : index
    %get3A_1336 = arith.constant 0 : index
    %get3A_1337 = vector.load %arg2[%get3A_1335, %get3A_1336] : memref<512x384xf32, #tpu.memory_space<vmem>>, vector<64x384xf32>
    %dot_general3A_1338 = arith.constant dense<0.000000e+00> : vector<128x64xf32>
    %dot_general3A_1339 = tpu.matmul %get3A_1301, %get3A_1334, %dot_general3A_1338 {dimension_numbers = #tpu.dot_dimension_numbers<[1], [1], [0], [0], [0, 0, 1, 0], [], []>, transpose_lhs_hint = false} : vector<128x384xf32>, vector<64x384xf32>, vector<128x64xf32> -> vector<128x64xf32>
    %dot_general3A_1340 = arith.constant dense<0.000000e+00> : vector<128x64xf32>
    %dot_general3A_1341 = tpu.matmul %get3A_1301, %get3A_1337, %dot_general3A_1340 {dimension_numbers = #tpu.dot_dimension_numbers<[1], [1], [0], [0], [0, 0, 1, 0], [], []>, transpose_lhs_hint = false} : vector<128x384xf32>, vector<64x384xf32>, vector<128x64xf32> -> vector<128x64xf32>
    %mul3A_1342 = arith.constant 2.000000e+00 : f32
    %mul3A_1343 = vector.broadcast %mul3A_1342 : f32 to vector<128x64xf32>
    %mul3A_1344 = arith.mulf %mul3A_1343, %dot_general3A_1339 : vector<128x64xf32>
    %sub3A_1345 = vector.broadcast %dot_general3A_21 : vector<1x64xf32> to vector<128x64xf32>
    %sub3A_1346 = arith.subf %sub3A_1345, %mul3A_1344 : vector<128x64xf32>
    %add3A_1347 = vector.broadcast %broadcast_in_dim3A_1305 : vector<128x1xf32> to vector<128x64xf32>
    %add3A_1348 = arith.addf %sub3A_1346, %add3A_1347 : vector<128x64xf32>
    %max3A_1349 = arith.constant 1.000000e-16 : f32
    %max3A_1350 = vector.broadcast %max3A_1349 : f32 to vector<128x64xf32>
    %max3A_1351 = arith.maximumf %add3A_1348, %max3A_1350 : vector<128x64xf32>
    %rsqrt3A_1352 = math.rsqrt %max3A_1351 : vector<128x64xf32>
    %mul3A_1353 = arith.constant 2.000000e+00 : f32
    %mul3A_1354 = vector.broadcast %mul3A_1353 : f32 to vector<128x64xf32>
    %mul3A_1355 = arith.mulf %mul3A_1354, %dot_general3A_1341 : vector<128x64xf32>
    %sub3A_1356 = vector.broadcast %dot_general3A_24 : vector<1x64xf32> to vector<128x64xf32>
    %sub3A_1357 = arith.subf %sub3A_1356, %mul3A_1355 : vector<128x64xf32>
    %add3A_1358 = vector.broadcast %broadcast_in_dim3A_1305 : vector<128x1xf32> to vector<128x64xf32>
    %add3A_1359 = arith.addf %sub3A_1357, %add3A_1358 : vector<128x64xf32>
    %max3A_1360 = arith.constant 1.000000e-16 : f32
    %max3A_1361 = vector.broadcast %max3A_1360 : f32 to vector<128x64xf32>
    %max3A_1362 = arith.maximumf %add3A_1359, %max3A_1361 : vector<128x64xf32>
    %rsqrt3A_1363 = math.rsqrt %max3A_1362 : vector<128x64xf32>
    %sub3A_1364 = arith.subf %dot_general3A_1339, %dot_general3A_26 : vector<128x64xf32>
    %sub3A_1365 = vector.broadcast %broadcast_in_dim3A_1309 : vector<128x1xf32> to vector<128x64xf32>
    %sub3A_1366 = arith.subf %sub3A_1364, %sub3A_1365 : vector<128x64xf32>
    %add3A_1367 = vector.broadcast %broadcast_in_dim3A_9 : vector<128x1xf32> to vector<128x64xf32>
    %add3A_1368 = arith.addf %sub3A_1366, %add3A_1367 : vector<128x64xf32>
    %mul3A_1369 = vector.broadcast %rsqrt3A_1322 : vector<128x1xf32> to vector<128x64xf32>
    %mul3A_1370 = arith.mulf %rsqrt3A, %mul3A_1369 : vector<128x64xf32>
    %mul3A_1371 = arith.mulf %add3A_1368, %mul3A_1370 : vector<128x64xf32>
    %sub3A_1372 = arith.subf %dot_general3A_1341, %dot_general3A_28 : vector<128x64xf32>
    %sub3A_1373 = vector.broadcast %broadcast_in_dim3A_1313 : vector<128x1xf32> to vector<128x64xf32>
    %sub3A_1374 = arith.subf %sub3A_1372, %sub3A_1373 : vector<128x64xf32>
    %add3A_1375 = vector.broadcast %broadcast_in_dim3A_13 : vector<128x1xf32> to vector<128x64xf32>
    %add3A_1376 = arith.addf %sub3A_1374, %add3A_1375 : vector<128x64xf32>
    %mul3A_1377 = vector.broadcast %rsqrt3A_1331 : vector<128x1xf32> to vector<128x64xf32>
    %mul3A_1378 = arith.mulf %rsqrt3A_46, %mul3A_1377 : vector<128x64xf32>
    %mul3A_1379 = arith.mulf %add3A_1376, %mul3A_1378 : vector<128x64xf32>
    %sub3A_1380 = vector.broadcast %broadcast_in_dim3A_1309 : vector<128x1xf32> to vector<128x64xf32>
    %sub3A_1381 = arith.subf %sub3A_1380, %dot_general3A_26 : vector<128x64xf32>
    %sub3A_1382 = arith.subf %sub3A_1381, %dot_general3A_1339 : vector<128x64xf32>
    %add3A_1383 = vector.broadcast %dot_general3A_21 : vector<1x64xf32> to vector<128x64xf32>
    %add3A_1384 = arith.addf %sub3A_1382, %add3A_1383 : vector<128x64xf32>
    %mul3A_1385 = arith.mulf %rsqrt3A, %rsqrt3A_1352 : vector<128x64xf32>
    %mul3A_1386 = arith.mulf %add3A_1384, %mul3A_1385 : vector<128x64xf32>
    %sub3A_1387 = vector.broadcast %broadcast_in_dim3A_1313 : vector<128x1xf32> to vector<128x64xf32>
    %sub3A_1388 = arith.subf %sub3A_1387, %dot_general3A_28 : vector<128x64xf32>
    %sub3A_1389 = arith.subf %sub3A_1388, %dot_general3A_1341 : vector<128x64xf32>
    %add3A_1390 = vector.broadcast %dot_general3A_24 : vector<1x64xf32> to vector<128x64xf32>
    %add3A_1391 = arith.addf %sub3A_1389, %add3A_1390 : vector<128x64xf32>
    %mul3A_1392 = arith.mulf %rsqrt3A_46, %rsqrt3A_1363 : vector<128x64xf32>
    %mul3A_1393 = arith.mulf %add3A_1391, %mul3A_1392 : vector<128x64xf32>
    %sub3A_1394 = vector.broadcast %broadcast_in_dim3A_1309 : vector<128x1xf32> to vector<128x64xf32>
    %sub3A_1395 = arith.subf %dot_general3A_26, %sub3A_1394 : vector<128x64xf32>
    %sub3A_1396 = arith.subf %sub3A_1395, %dot_general3A_1339 : vector<128x64xf32>
    %add3A_1397 = vector.broadcast %broadcast_in_dim3A_1305 : vector<128x1xf32> to vector<128x64xf32>
    %add3A_1398 = arith.addf %sub3A_1396, %add3A_1397 : vector<128x64xf32>
    %mul3A_1399 = vector.broadcast %rsqrt3A_1322 : vector<128x1xf32> to vector<128x64xf32>
    %mul3A_1400 = arith.mulf %mul3A_1399, %rsqrt3A_1352 : vector<128x64xf32>
    %mul3A_1401 = arith.mulf %add3A_1398, %mul3A_1400 : vector<128x64xf32>
    %sub3A_1402 = vector.broadcast %broadcast_in_dim3A_1313 : vector<128x1xf32> to vector<128x64xf32>
    %sub3A_1403 = arith.subf %dot_general3A_28, %sub3A_1402 : vector<128x64xf32>
    %sub3A_1404 = arith.subf %sub3A_1403, %dot_general3A_1341 : vector<128x64xf32>
    %add3A_1405 = vector.broadcast %broadcast_in_dim3A_1305 : vector<128x1xf32> to vector<128x64xf32>
    %add3A_1406 = arith.addf %sub3A_1404, %add3A_1405 : vector<128x64xf32>
    %mul3A_1407 = vector.broadcast %rsqrt3A_1331 : vector<128x1xf32> to vector<128x64xf32>
    %mul3A_1408 = arith.mulf %mul3A_1407, %rsqrt3A_1363 : vector<128x64xf32>
    %mul3A_1409 = arith.mulf %add3A_1406, %mul3A_1408 : vector<128x64xf32>
    %sub3A_1410 = arith.subf %mul3A_1379, %mul3A_1371 : vector<128x64xf32>
    %abs3A_1411 = math.absf %sub3A_1410 : vector<128x64xf32>
    %le3A_1412 = arith.constant 1.000000e+00 : f32
    %le3A_1413 = vector.broadcast %le3A_1412 : f32 to vector<128x64xf32>
    %le3A_1414 = arith.cmpf ole, %abs3A_1411, %le3A_1413 : vector<128x64xf32>
    %mul3A_1415 = arith.constant 5.000000e-01 : f32
    %mul3A_1416 = vector.broadcast %mul3A_1415 : f32 to vector<128x64xf32>
    %mul3A_1417 = arith.mulf %mul3A_1416, %sub3A_1410 : vector<128x64xf32>
    %mul3A_1418 = arith.mulf %mul3A_1417, %sub3A_1410 : vector<128x64xf32>
    %sub3A_1419 = arith.constant 5.000000e-01 : f32
    %sub3A_1420 = vector.broadcast %sub3A_1419 : f32 to vector<128x64xf32>
    %sub3A_1421 = arith.subf %abs3A_1411, %sub3A_1420 : vector<128x64xf32>
    %select_n3A_1422 = arith.select %le3A_1414, %mul3A_1418, %sub3A_1421 : vector<128x64xi1>, vector<128x64xf32>
    %add3A_1423 = arith.addf %add3A_1298, %select_n3A_1422 : vector<128x64xf32>
    %sub3A_1424 = arith.subf %mul3A_1393, %mul3A_1386 : vector<128x64xf32>
    %abs3A_1425 = math.absf %sub3A_1424 : vector<128x64xf32>
    %le3A_1426 = arith.constant 1.000000e+00 : f32
    %le3A_1427 = vector.broadcast %le3A_1426 : f32 to vector<128x64xf32>
    %le3A_1428 = arith.cmpf ole, %abs3A_1425, %le3A_1427 : vector<128x64xf32>
    %mul3A_1429 = arith.constant 5.000000e-01 : f32
    %mul3A_1430 = vector.broadcast %mul3A_1429 : f32 to vector<128x64xf32>
    %mul3A_1431 = arith.mulf %mul3A_1430, %sub3A_1424 : vector<128x64xf32>
    %mul3A_1432 = arith.mulf %mul3A_1431, %sub3A_1424 : vector<128x64xf32>
    %sub3A_1433 = arith.constant 5.000000e-01 : f32
    %sub3A_1434 = vector.broadcast %sub3A_1433 : f32 to vector<128x64xf32>
    %sub3A_1435 = arith.subf %abs3A_1425, %sub3A_1434 : vector<128x64xf32>
    %select_n3A_1436 = arith.select %le3A_1428, %mul3A_1432, %sub3A_1435 : vector<128x64xi1>, vector<128x64xf32>
    %add3A_1437 = arith.addf %add3A_1423, %select_n3A_1436 : vector<128x64xf32>
    %sub3A_1438 = arith.subf %mul3A_1409, %mul3A_1401 : vector<128x64xf32>
    %abs3A_1439 = math.absf %sub3A_1438 : vector<128x64xf32>
    %le3A_1440 = arith.constant 1.000000e+00 : f32
    %le3A_1441 = vector.broadcast %le3A_1440 : f32 to vector<128x64xf32>
    %le3A_1442 = arith.cmpf ole, %abs3A_1439, %le3A_1441 : vector<128x64xf32>
    %mul3A_1443 = arith.constant 5.000000e-01 : f32
    %mul3A_1444 = vector.broadcast %mul3A_1443 : f32 to vector<128x64xf32>
    %mul3A_1445 = arith.mulf %mul3A_1444, %sub3A_1438 : vector<128x64xf32>
    %mul3A_1446 = arith.mulf %mul3A_1445, %sub3A_1438 : vector<128x64xf32>
    %sub3A_1447 = arith.constant 5.000000e-01 : f32
    %sub3A_1448 = vector.broadcast %sub3A_1447 : f32 to vector<128x64xf32>
    %sub3A_1449 = arith.subf %abs3A_1439, %sub3A_1448 : vector<128x64xf32>
    %select_n3A_1450 = arith.select %le3A_1442, %mul3A_1446, %sub3A_1449 : vector<128x64xi1>, vector<128x64xf32>
    %add3A_1451 = arith.addf %add3A_1437, %select_n3A_1450 : vector<128x64xf32>
    %get3A_1452 = arith.constant 64 : index
    %get3A_1453 = arith.constant 0 : index
    %get3A_1454 = vector.load %arg1[%get3A_1452, %get3A_1453] : memref<512x384xf32, #tpu.memory_space<vmem>>, vector<64x384xf32>
    %get3A_1455 = arith.constant 192 : index
    %get3A_1456 = arith.constant 0 : index
    %get3A_1457 = vector.load %arg2[%get3A_1455, %get3A_1456] : memref<512x384xf32, #tpu.memory_space<vmem>>, vector<64x384xf32>
    %dot_general3A_1458 = arith.constant dense<0.000000e+00> : vector<128x64xf32>
    %dot_general3A_1459 = tpu.matmul %get3A_1301, %get3A_1454, %dot_general3A_1458 {dimension_numbers = #tpu.dot_dimension_numbers<[1], [1], [0], [0], [0, 0, 1, 0], [], []>, transpose_lhs_hint = false} : vector<128x384xf32>, vector<64x384xf32>, vector<128x64xf32> -> vector<128x64xf32>
    %dot_general3A_1460 = arith.constant dense<0.000000e+00> : vector<128x64xf32>
    %dot_general3A_1461 = tpu.matmul %get3A_1301, %get3A_1457, %dot_general3A_1460 {dimension_numbers = #tpu.dot_dimension_numbers<[1], [1], [0], [0], [0, 0, 1, 0], [], []>, transpose_lhs_hint = false} : vector<128x384xf32>, vector<64x384xf32>, vector<128x64xf32> -> vector<128x64xf32>
    %mul3A_1462 = arith.constant 2.000000e+00 : f32
    %mul3A_1463 = vector.broadcast %mul3A_1462 : f32 to vector<128x64xf32>
    %mul3A_1464 = arith.mulf %mul3A_1463, %dot_general3A_1459 : vector<128x64xf32>
    %sub3A_1465 = vector.broadcast %dot_general3A_55 : vector<1x64xf32> to vector<128x64xf32>
    %sub3A_1466 = arith.subf %sub3A_1465, %mul3A_1464 : vector<128x64xf32>
    %add3A_1467 = vector.broadcast %broadcast_in_dim3A_1305 : vector<128x1xf32> to vector<128x64xf32>
    %add3A_1468 = arith.addf %sub3A_1466, %add3A_1467 : vector<128x64xf32>
    %max3A_1469 = arith.constant 1.000000e-16 : f32
    %max3A_1470 = vector.broadcast %max3A_1469 : f32 to vector<128x64xf32>
    %max3A_1471 = arith.maximumf %add3A_1468, %max3A_1470 : vector<128x64xf32>
    %rsqrt3A_1472 = math.rsqrt %max3A_1471 : vector<128x64xf32>
    %mul3A_1473 = arith.constant 2.000000e+00 : f32
    %mul3A_1474 = vector.broadcast %mul3A_1473 : f32 to vector<128x64xf32>
    %mul3A_1475 = arith.mulf %mul3A_1474, %dot_general3A_1461 : vector<128x64xf32>
    %sub3A_1476 = vector.broadcast %dot_general3A_58 : vector<1x64xf32> to vector<128x64xf32>
    %sub3A_1477 = arith.subf %sub3A_1476, %mul3A_1475 : vector<128x64xf32>
    %add3A_1478 = vector.broadcast %broadcast_in_dim3A_1305 : vector<128x1xf32> to vector<128x64xf32>
    %add3A_1479 = arith.addf %sub3A_1477, %add3A_1478 : vector<128x64xf32>
    %max3A_1480 = arith.constant 1.000000e-16 : f32
    %max3A_1481 = vector.broadcast %max3A_1480 : f32 to vector<128x64xf32>
    %max3A_1482 = arith.maximumf %add3A_1479, %max3A_1481 : vector<128x64xf32>
    %rsqrt3A_1483 = math.rsqrt %max3A_1482 : vector<128x64xf32>
    %sub3A_1484 = arith.subf %dot_general3A_1459, %dot_general3A_60 : vector<128x64xf32>
    %sub3A_1485 = vector.broadcast %broadcast_in_dim3A_1309 : vector<128x1xf32> to vector<128x64xf32>
    %sub3A_1486 = arith.subf %sub3A_1484, %sub3A_1485 : vector<128x64xf32>
    %add3A_1487 = vector.broadcast %broadcast_in_dim3A_9 : vector<128x1xf32> to vector<128x64xf32>
    %add3A_1488 = arith.addf %sub3A_1486, %add3A_1487 : vector<128x64xf32>
    %mul3A_1489 = vector.broadcast %rsqrt3A_1322 : vector<128x1xf32> to vector<128x64xf32>
    %mul3A_1490 = arith.mulf %rsqrt3A_73, %mul3A_1489 : vector<128x64xf32>
    %mul3A_1491 = arith.mulf %add3A_1488, %mul3A_1490 : vector<128x64xf32>
    %sub3A_1492 = arith.subf %dot_general3A_1461, %dot_general3A_62 : vector<128x64xf32>
    %sub3A_1493 = vector.broadcast %broadcast_in_dim3A_1313 : vector<128x1xf32> to vector<128x64xf32>
    %sub3A_1494 = arith.subf %sub3A_1492, %sub3A_1493 : vector<128x64xf32>
    %add3A_1495 = vector.broadcast %broadcast_in_dim3A_13 : vector<128x1xf32> to vector<128x64xf32>
    %add3A_1496 = arith.addf %sub3A_1494, %add3A_1495 : vector<128x64xf32>
    %mul3A_1497 = vector.broadcast %rsqrt3A_1331 : vector<128x1xf32> to vector<128x64xf32>
    %mul3A_1498 = arith.mulf %rsqrt3A_84, %mul3A_1497 : vector<128x64xf32>
    %mul3A_1499 = arith.mulf %add3A_1496, %mul3A_1498 : vector<128x64xf32>
    %sub3A_1500 = vector.broadcast %broadcast_in_dim3A_1309 : vector<128x1xf32> to vector<128x64xf32>
    %sub3A_1501 = arith.subf %sub3A_1500, %dot_general3A_60 : vector<128x64xf32>
    %sub3A_1502 = arith.subf %sub3A_1501, %dot_general3A_1459 : vector<128x64xf32>
    %add3A_1503 = vector.broadcast %dot_general3A_55 : vector<1x64xf32> to vector<128x64xf32>
    %add3A_1504 = arith.addf %sub3A_1502, %add3A_1503 : vector<128x64xf32>
    %mul3A_1505 = arith.mulf %rsqrt3A_73, %rsqrt3A_1472 : vector<128x64xf32>
    %mul3A_1506 = arith.mulf %add3A_1504, %mul3A_1505 : vector<128x64xf32>
    %sub3A_1507 = vector.broadcast %broadcast_in_dim3A_1313 : vector<128x1xf32> to vector<128x64xf32>
    %sub3A_1508 = arith.subf %sub3A_1507, %dot_general3A_62 : vector<128x64xf32>
    %sub3A_1509 = arith.subf %sub3A_1508, %dot_general3A_1461 : vector<128x64xf32>
    %add3A_1510 = vector.broadcast %dot_general3A_58 : vector<1x64xf32> to vector<128x64xf32>
    %add3A_1511 = arith.addf %sub3A_1509, %add3A_1510 : vector<128x64xf32>
    %mul3A_1512 = arith.mulf %rsqrt3A_84, %rsqrt3A_1483 : vector<128x64xf32>
    %mul3A_1513 = arith.mulf %add3A_1511, %mul3A_1512 : vector<128x64xf32>
    %sub3A_1514 = vector.broadcast %broadcast_in_dim3A_1309 : vector<128x1xf32> to vector<128x64xf32>
    %sub3A_1515 = arith.subf %dot_general3A_60, %sub3A_1514 : vector<128x64xf32>
    %sub3A_1516 = arith.subf %sub3A_1515, %dot_general3A_1459 : vector<128x64xf32>
    %add3A_1517 = vector.broadcast %broadcast_in_dim3A_1305 : vector<128x1xf32> to vector<128x64xf32>
    %add3A_1518 = arith.addf %sub3A_1516, %add3A_1517 : vector<128x64xf32>
    %mul3A_1519 = vector.broadcast %rsqrt3A_1322 : vector<128x1xf32> to vector<128x64xf32>
    %mul3A_1520 = arith.mulf %mul3A_1519, %rsqrt3A_1472 : vector<128x64xf32>
    %mul3A_1521 = arith.mulf %add3A_1518, %mul3A_1520 : vector<128x64xf32>
    %sub3A_1522 = vector.broadcast %broadcast_in_dim3A_1313 : vector<128x1xf32> to vector<128x64xf32>
    %sub3A_1523 = arith.subf %dot_general3A_62, %sub3A_1522 : vector<128x64xf32>
    %sub3A_1524 = arith.subf %sub3A_1523, %dot_general3A_1461 : vector<128x64xf32>
    %add3A_1525 = vector.broadcast %broadcast_in_dim3A_1305 : vector<128x1xf32> to vector<128x64xf32>
    %add3A_1526 = arith.addf %sub3A_1524, %add3A_1525 : vector<128x64xf32>
    %mul3A_1527 = vector.broadcast %rsqrt3A_1331 : vector<128x1xf32> to vector<128x64xf32>
    %mul3A_1528 = arith.mulf %mul3A_1527, %rsqrt3A_1483 : vector<128x64xf32>
    %mul3A_1529 = arith.mulf %add3A_1526, %mul3A_1528 : vector<128x64xf32>
    %sub3A_1530 = arith.subf %mul3A_1499, %mul3A_1491 : vector<128x64xf32>
    %abs3A_1531 = math.absf %sub3A_1530 : vector<128x64xf32>
    %le3A_1532 = arith.constant 1.000000e+00 : f32
    %le3A_1533 = vector.broadcast %le3A_1532 : f32 to vector<128x64xf32>
    %le3A_1534 = arith.cmpf ole, %abs3A_1531, %le3A_1533 : vector<128x64xf32>
    %mul3A_1535 = arith.constant 5.000000e-01 : f32
    %mul3A_1536 = vector.broadcast %mul3A_1535 : f32 to vector<128x64xf32>
    %mul3A_1537 = arith.mulf %mul3A_1536, %sub3A_1530 : vector<128x64xf32>
    %mul3A_1538 = arith.mulf %mul3A_1537, %sub3A_1530 : vector<128x64xf32>
    %sub3A_1539 = arith.constant 5.000000e-01 : f32
    %sub3A_1540 = vector.broadcast %sub3A_1539 : f32 to vector<128x64xf32>
    %sub3A_1541 = arith.subf %abs3A_1531, %sub3A_1540 : vector<128x64xf32>
    %select_n3A_1542 = arith.select %le3A_1534, %mul3A_1538, %sub3A_1541 : vector<128x64xi1>, vector<128x64xf32>
    %add3A_1543 = arith.addf %add3A_1451, %select_n3A_1542 : vector<128x64xf32>
    %sub3A_1544 = arith.subf %mul3A_1513, %mul3A_1506 : vector<128x64xf32>
    %abs3A_1545 = math.absf %sub3A_1544 : vector<128x64xf32>
    %le3A_1546 = arith.constant 1.000000e+00 : f32
    %le3A_1547 = vector.broadcast %le3A_1546 : f32 to vector<128x64xf32>
    %le3A_1548 = arith.cmpf ole, %abs3A_1545, %le3A_1547 : vector<128x64xf32>
    %mul3A_1549 = arith.constant 5.000000e-01 : f32
    %mul3A_1550 = vector.broadcast %mul3A_1549 : f32 to vector<128x64xf32>
    %mul3A_1551 = arith.mulf %mul3A_1550, %sub3A_1544 : vector<128x64xf32>
    %mul3A_1552 = arith.mulf %mul3A_1551, %sub3A_1544 : vector<128x64xf32>
    %sub3A_1553 = arith.constant 5.000000e-01 : f32
    %sub3A_1554 = vector.broadcast %sub3A_1553 : f32 to vector<128x64xf32>
    %sub3A_1555 = arith.subf %abs3A_1545, %sub3A_1554 : vector<128x64xf32>
    %select_n3A_1556 = arith.select %le3A_1548, %mul3A_1552, %sub3A_1555 : vector<128x64xi1>, vector<128x64xf32>
    %add3A_1557 = arith.addf %add3A_1543, %select_n3A_1556 : vector<128x64xf32>
    %sub3A_1558 = arith.subf %mul3A_1529, %mul3A_1521 : vector<128x64xf32>
    %abs3A_1559 = math.absf %sub3A_1558 : vector<128x64xf32>
    %le3A_1560 = arith.constant 1.000000e+00 : f32
    %le3A_1561 = vector.broadcast %le3A_1560 : f32 to vector<128x64xf32>
    %le3A_1562 = arith.cmpf ole, %abs3A_1559, %le3A_1561 : vector<128x64xf32>
    %mul3A_1563 = arith.constant 5.000000e-01 : f32
    %mul3A_1564 = vector.broadcast %mul3A_1563 : f32 to vector<128x64xf32>
    %mul3A_1565 = arith.mulf %mul3A_1564, %sub3A_1558 : vector<128x64xf32>
    %mul3A_1566 = arith.mulf %mul3A_1565, %sub3A_1558 : vector<128x64xf32>
    %sub3A_1567 = arith.constant 5.000000e-01 : f32
    %sub3A_1568 = vector.broadcast %sub3A_1567 : f32 to vector<128x64xf32>
    %sub3A_1569 = arith.subf %abs3A_1559, %sub3A_1568 : vector<128x64xf32>
    %select_n3A_1570 = arith.select %le3A_1562, %mul3A_1566, %sub3A_1569 : vector<128x64xi1>, vector<128x64xf32>
    %add3A_1571 = arith.addf %add3A_1557, %select_n3A_1570 : vector<128x64xf32>
    %get3A_1572 = arith.constant 128 : index
    %get3A_1573 = arith.constant 0 : index
    %get3A_1574 = vector.load %arg1[%get3A_1572, %get3A_1573] : memref<512x384xf32, #tpu.memory_space<vmem>>, vector<64x384xf32>
    %get3A_1575 = arith.constant 256 : index
    %get3A_1576 = arith.constant 0 : index
    %get3A_1577 = vector.load %arg2[%get3A_1575, %get3A_1576] : memref<512x384xf32, #tpu.memory_space<vmem>>, vector<64x384xf32>
    %dot_general3A_1578 = arith.constant dense<0.000000e+00> : vector<128x64xf32>
    %dot_general3A_1579 = tpu.matmul %get3A_1301, %get3A_1574, %dot_general3A_1578 {dimension_numbers = #tpu.dot_dimension_numbers<[1], [1], [0], [0], [0, 0, 1, 0], [], []>, transpose_lhs_hint = false} : vector<128x384xf32>, vector<64x384xf32>, vector<128x64xf32> -> vector<128x64xf32>
    %dot_general3A_1580 = arith.constant dense<0.000000e+00> : vector<128x64xf32>
    %dot_general3A_1581 = tpu.matmul %get3A_1301, %get3A_1577, %dot_general3A_1580 {dimension_numbers = #tpu.dot_dimension_numbers<[1], [1], [0], [0], [0, 0, 1, 0], [], []>, transpose_lhs_hint = false} : vector<128x384xf32>, vector<64x384xf32>, vector<128x64xf32> -> vector<128x64xf32>
    %mul3A_1582 = arith.constant 2.000000e+00 : f32
    %mul3A_1583 = vector.broadcast %mul3A_1582 : f32 to vector<128x64xf32>
    %mul3A_1584 = arith.mulf %mul3A_1583, %dot_general3A_1579 : vector<128x64xf32>
    %sub3A_1585 = vector.broadcast %dot_general3A_93 : vector<1x64xf32> to vector<128x64xf32>
    %sub3A_1586 = arith.subf %sub3A_1585, %mul3A_1584 : vector<128x64xf32>
    %add3A_1587 = vector.broadcast %broadcast_in_dim3A_1305 : vector<128x1xf32> to vector<128x64xf32>
    %add3A_1588 = arith.addf %sub3A_1586, %add3A_1587 : vector<128x64xf32>
    %max3A_1589 = arith.constant 1.000000e-16 : f32
    %max3A_1590 = vector.broadcast %max3A_1589 : f32 to vector<128x64xf32>
    %max3A_1591 = arith.maximumf %add3A_1588, %max3A_1590 : vector<128x64xf32>
    %rsqrt3A_1592 = math.rsqrt %max3A_1591 : vector<128x64xf32>
    %mul3A_1593 = arith.constant 2.000000e+00 : f32
    %mul3A_1594 = vector.broadcast %mul3A_1593 : f32 to vector<128x64xf32>
    %mul3A_1595 = arith.mulf %mul3A_1594, %dot_general3A_1581 : vector<128x64xf32>
    %sub3A_1596 = vector.broadcast %dot_general3A_96 : vector<1x64xf32> to vector<128x64xf32>
    %sub3A_1597 = arith.subf %sub3A_1596, %mul3A_1595 : vector<128x64xf32>
    %add3A_1598 = vector.broadcast %broadcast_in_dim3A_1305 : vector<128x1xf32> to vector<128x64xf32>
    %add3A_1599 = arith.addf %sub3A_1597, %add3A_1598 : vector<128x64xf32>
    %max3A_1600 = arith.constant 1.000000e-16 : f32
    %max3A_1601 = vector.broadcast %max3A_1600 : f32 to vector<128x64xf32>
    %max3A_1602 = arith.maximumf %add3A_1599, %max3A_1601 : vector<128x64xf32>
    %rsqrt3A_1603 = math.rsqrt %max3A_1602 : vector<128x64xf32>
    %sub3A_1604 = arith.subf %dot_general3A_1579, %dot_general3A_98 : vector<128x64xf32>
    %sub3A_1605 = vector.broadcast %broadcast_in_dim3A_1309 : vector<128x1xf32> to vector<128x64xf32>
    %sub3A_1606 = arith.subf %sub3A_1604, %sub3A_1605 : vector<128x64xf32>
    %add3A_1607 = vector.broadcast %broadcast_in_dim3A_9 : vector<128x1xf32> to vector<128x64xf32>
    %add3A_1608 = arith.addf %sub3A_1606, %add3A_1607 : vector<128x64xf32>
    %mul3A_1609 = vector.broadcast %rsqrt3A_1322 : vector<128x1xf32> to vector<128x64xf32>
    %mul3A_1610 = arith.mulf %rsqrt3A_111, %mul3A_1609 : vector<128x64xf32>
    %mul3A_1611 = arith.mulf %add3A_1608, %mul3A_1610 : vector<128x64xf32>
    %sub3A_1612 = arith.subf %dot_general3A_1581, %dot_general3A_100 : vector<128x64xf32>
    %sub3A_1613 = vector.broadcast %broadcast_in_dim3A_1313 : vector<128x1xf32> to vector<128x64xf32>
    %sub3A_1614 = arith.subf %sub3A_1612, %sub3A_1613 : vector<128x64xf32>
    %add3A_1615 = vector.broadcast %broadcast_in_dim3A_13 : vector<128x1xf32> to vector<128x64xf32>
    %add3A_1616 = arith.addf %sub3A_1614, %add3A_1615 : vector<128x64xf32>
    %mul3A_1617 = vector.broadcast %rsqrt3A_1331 : vector<128x1xf32> to vector<128x64xf32>
    %mul3A_1618 = arith.mulf %rsqrt3A_122, %mul3A_1617 : vector<128x64xf32>
    %mul3A_1619 = arith.mulf %add3A_1616, %mul3A_1618 : vector<128x64xf32>
    %sub3A_1620 = vector.broadcast %broadcast_in_dim3A_1309 : vector<128x1xf32> to vector<128x64xf32>
    %sub3A_1621 = arith.subf %sub3A_1620, %dot_general3A_98 : vector<128x64xf32>
    %sub3A_1622 = arith.subf %sub3A_1621, %dot_general3A_1579 : vector<128x64xf32>
    %add3A_1623 = vector.broadcast %dot_general3A_93 : vector<1x64xf32> to vector<128x64xf32>
    %add3A_1624 = arith.addf %sub3A_1622, %add3A_1623 : vector<128x64xf32>
    %mul3A_1625 = arith.mulf %rsqrt3A_111, %rsqrt3A_1592 : vector<128x64xf32>
    %mul3A_1626 = arith.mulf %add3A_1624, %mul3A_1625 : vector<128x64xf32>
    %sub3A_1627 = vector.broadcast %broadcast_in_dim3A_1313 : vector<128x1xf32> to vector<128x64xf32>
    %sub3A_1628 = arith.subf %sub3A_1627, %dot_general3A_100 : vector<128x64xf32>
    %sub3A_1629 = arith.subf %sub3A_1628, %dot_general3A_1581 : vector<128x64xf32>
    %add3A_1630 = vector.broadcast %dot_general3A_96 : vector<1x64xf32> to vector<128x64xf32>
    %add3A_1631 = arith.addf %sub3A_1629, %add3A_1630 : vector<128x64xf32>
    %mul3A_1632 = arith.mulf %rsqrt3A_122, %rsqrt3A_1603 : vector<128x64xf32>
    %mul3A_1633 = arith.mulf %add3A_1631, %mul3A_1632 : vector<128x64xf32>
    %sub3A_1634 = vector.broadcast %broadcast_in_dim3A_1309 : vector<128x1xf32> to vector<128x64xf32>
    %sub3A_1635 = arith.subf %dot_general3A_98, %sub3A_1634 : vector<128x64xf32>
    %sub3A_1636 = arith.subf %sub3A_1635, %dot_general3A_1579 : vector<128x64xf32>
    %add3A_1637 = vector.broadcast %broadcast_in_dim3A_1305 : vector<128x1xf32> to vector<128x64xf32>
    %add3A_1638 = arith.addf %sub3A_1636, %add3A_1637 : vector<128x64xf32>
    %mul3A_1639 = vector.broadcast %rsqrt3A_1322 : vector<128x1xf32> to vector<128x64xf32>
    %mul3A_1640 = arith.mulf %mul3A_1639, %rsqrt3A_1592 : vector<128x64xf32>
    %mul3A_1641 = arith.mulf %add3A_1638, %mul3A_1640 : vector<128x64xf32>
    %sub3A_1642 = vector.broadcast %broadcast_in_dim3A_1313 : vector<128x1xf32> to vector<128x64xf32>
    %sub3A_1643 = arith.subf %dot_general3A_100, %sub3A_1642 : vector<128x64xf32>
    %sub3A_1644 = arith.subf %sub3A_1643, %dot_general3A_1581 : vector<128x64xf32>
    %add3A_1645 = vector.broadcast %broadcast_in_dim3A_1305 : vector<128x1xf32> to vector<128x64xf32>
    %add3A_1646 = arith.addf %sub3A_1644, %add3A_1645 : vector<128x64xf32>
    %mul3A_1647 = vector.broadcast %rsqrt3A_1331 : vector<128x1xf32> to vector<128x64xf32>
    %mul3A_1648 = arith.mulf %mul3A_1647, %rsqrt3A_1603 : vector<128x64xf32>
    %mul3A_1649 = arith.mulf %add3A_1646, %mul3A_1648 : vector<128x64xf32>
    %sub3A_1650 = arith.subf %mul3A_1619, %mul3A_1611 : vector<128x64xf32>
    %abs3A_1651 = math.absf %sub3A_1650 : vector<128x64xf32>
    %le3A_1652 = arith.constant 1.000000e+00 : f32
    %le3A_1653 = vector.broadcast %le3A_1652 : f32 to vector<128x64xf32>
    %le3A_1654 = arith.cmpf ole, %abs3A_1651, %le3A_1653 : vector<128x64xf32>
    %mul3A_1655 = arith.constant 5.000000e-01 : f32
    %mul3A_1656 = vector.broadcast %mul3A_1655 : f32 to vector<128x64xf32>
    %mul3A_1657 = arith.mulf %mul3A_1656, %sub3A_1650 : vector<128x64xf32>
    %mul3A_1658 = arith.mulf %mul3A_1657, %sub3A_1650 : vector<128x64xf32>
    %sub3A_1659 = arith.constant 5.000000e-01 : f32
    %sub3A_1660 = vector.broadcast %sub3A_1659 : f32 to vector<128x64xf32>
    %sub3A_1661 = arith.subf %abs3A_1651, %sub3A_1660 : vector<128x64xf32>
    %select_n3A_1662 = arith.select %le3A_1654, %mul3A_1658, %sub3A_1661 : vector<128x64xi1>, vector<128x64xf32>
    %add3A_1663 = arith.addf %add3A_1571, %select_n3A_1662 : vector<128x64xf32>
    %sub3A_1664 = arith.subf %mul3A_1633, %mul3A_1626 : vector<128x64xf32>
    %abs3A_1665 = math.absf %sub3A_1664 : vector<128x64xf32>
    %le3A_1666 = arith.constant 1.000000e+00 : f32
    %le3A_1667 = vector.broadcast %le3A_1666 : f32 to vector<128x64xf32>
    %le3A_1668 = arith.cmpf ole, %abs3A_1665, %le3A_1667 : vector<128x64xf32>
    %mul3A_1669 = arith.constant 5.000000e-01 : f32
    %mul3A_1670 = vector.broadcast %mul3A_1669 : f32 to vector<128x64xf32>
    %mul3A_1671 = arith.mulf %mul3A_1670, %sub3A_1664 : vector<128x64xf32>
    %mul3A_1672 = arith.mulf %mul3A_1671, %sub3A_1664 : vector<128x64xf32>
    %sub3A_1673 = arith.constant 5.000000e-01 : f32
    %sub3A_1674 = vector.broadcast %sub3A_1673 : f32 to vector<128x64xf32>
    %sub3A_1675 = arith.subf %abs3A_1665, %sub3A_1674 : vector<128x64xf32>
    %select_n3A_1676 = arith.select %le3A_1668, %mul3A_1672, %sub3A_1675 : vector<128x64xi1>, vector<128x64xf32>
    %add3A_1677 = arith.addf %add3A_1663, %select_n3A_1676 : vector<128x64xf32>
    %sub3A_1678 = arith.subf %mul3A_1649, %mul3A_1641 : vector<128x64xf32>
    %abs3A_1679 = math.absf %sub3A_1678 : vector<128x64xf32>
    %le3A_1680 = arith.constant 1.000000e+00 : f32
    %le3A_1681 = vector.broadcast %le3A_1680 : f32 to vector<128x64xf32>
    %le3A_1682 = arith.cmpf ole, %abs3A_1679, %le3A_1681 : vector<128x64xf32>
    %mul3A_1683 = arith.constant 5.000000e-01 : f32
    %mul3A_1684 = vector.broadcast %mul3A_1683 : f32 to vector<128x64xf32>
    %mul3A_1685 = arith.mulf %mul3A_1684, %sub3A_1678 : vector<128x64xf32>
    %mul3A_1686 = arith.mulf %mul3A_1685, %sub3A_1678 : vector<128x64xf32>
    %sub3A_1687 = arith.constant 5.000000e-01 : f32
    %sub3A_1688 = vector.broadcast %sub3A_1687 : f32 to vector<128x64xf32>
    %sub3A_1689 = arith.subf %abs3A_1679, %sub3A_1688 : vector<128x64xf32>
    %select_n3A_1690 = arith.select %le3A_1682, %mul3A_1686, %sub3A_1689 : vector<128x64xi1>, vector<128x64xf32>
    %add3A_1691 = arith.addf %add3A_1677, %select_n3A_1690 : vector<128x64xf32>
    %reduce_sum3A_1692 = vector.shape_cast %add3A_1691 : vector<128x64xf32> to vector<1x128x64xf32>
    %reduce_sum3A_1693 = arith.constant dense<0.000000e+00> : vector<1xf32>
    %reduce_sum3A_1694 = vector.multi_reduction <add>, %reduce_sum3A_1692, %reduce_sum3A_1693 [1, 2] : vector<1x128x64xf32> to vector<1xf32>
    %reduce_sum3A_1695 = vector.shape_cast %reduce_sum3A_1694 : vector<1xf32> to vector<1x1x1xf32>
    %reduce_sum3A_1696 = vector.extract %reduce_sum3A_1695[0, 0, 0] : f32 from vector<1x1x1xf32>
    %mul3A_1697 = arith.constant 5.08626317E-6 : f32
    %mul3A_1698 = arith.mulf %reduce_sum3A_1696, %mul3A_1697 : f32
    %iota3A = tpu.iota {dimensions = array<i32: 0>} : vector<8x128xi32>
    %iota3A_1699 = tpu.iota {dimensions = array<i32: 1>} : vector<8x128xi32>
    %eq3A = arith.constant 0 : i32
    %eq3A_1700 = vector.broadcast %eq3A : i32 to vector<8x128xi32>
    %eq3A_1701 = arith.cmpi eq, %iota3A, %eq3A_1700 : vector<8x128xi32>
    %eq3A_1702 = arith.constant 0 : i32
    %eq3A_1703 = vector.broadcast %eq3A_1702 : i32 to vector<8x128xi32>
    %eq3A_1704 = arith.cmpi eq, %iota3A_1699, %eq3A_1703 : vector<8x128xi32>
    %and3A = arith.andi %eq3A_1701, %eq3A_1704 : vector<8x128xi1>
    %jit3A = arith.constant 0.000000e+00 : f32
    %broadcast_in_dim3A_1705 = vector.broadcast %mul3A_1698 : f32 to vector<8x128xf32>
    %broadcast_in_dim3A_1706 = vector.broadcast %jit3A : f32 to vector<8x128xf32>
    %select_n3A_1707 = arith.select %and3A, %broadcast_in_dim3A_1705, %broadcast_in_dim3A_1706 : vector<8x128xi1>, vector<8x128xf32>
    %get3A_1708 = arith.constant 0 : index
    %get3A_1709 = arith.constant 0 : index
    %get3A_1710 = vector.load %arg3[%get3A_1708, %get3A_1709] : memref<8x128xf32, #tpu.memory_space<vmem>>, vector<8x128xf32>
    %add3A_1711 = arith.addf %select_n3A_1707, %get3A_1710 : vector<8x128xf32>
    %swap3A = arith.constant 0 : index
    %swap3A_1712 = arith.constant 0 : index
    %swap3A_1713 = vector.load %arg4[%swap3A, %swap3A_1712] : memref<8x128xf32, #tpu.memory_space<vmem>>, vector<8x128xf32>
    tpu.vector_store %arg4[%swap3A, %swap3A_1712], %add3A_1711 {strides = array<i32>} : memref<8x128xf32, #tpu.memory_space<vmem>>, vector<8x128xf32>,
    return
  }
}

</mosaic_0001>

<sc_bundles>
// kernel: kernel.11.cloned.1.call-start
scs
__scs_entry_jumppad:
0x0: {  	(pc) =	sbr.rel $0x88, $3  }
0x1: {  	(tag) =	ssettag $0x0;
	lr =	simm.s32 $0x1  }
0x2: {  	[smem:$0x3F9F] =	sst lr;
	_ =	strace $0xD0000000  }
0x3: {  	_ = 	snop  }
0x4: {  	_ = 	snop  }
0x5: {  	_ = 	snop  }
0x6: {  	_ = 	snop  }
0x7: {  	_ = 	snop  }
__scs_overlays_trampoline_lowered:
0x8: {  	[smem:$0x3FAE] =	sst s0  }
0x9: {  	[smem:$0x3FAF] =	sst s1  }
0xa: {  	[smem:$0x3FB0] =	sst s2  }
0xb: {  	[smem:$0x3FB1] =	sst s3  }
0xc: {  	[smem:$0x3FB2] =	sst s4  }
0xd: {  	[smem:$0x3FB3] =	sst s5  }
0xe: {  	[smem:$0x3FB4] =	sst s6  }
0xf: {  	[smem:$0x3FB5] =	sst s7  }
0x10: {  	[smem:$0x3FB6] =	sst s8  }
0x11: {  	[smem:$0x3FB7] =	sst s9;
	s0 =	simm.s32 @!p0 $0x0  }
0x12: {  	s1 =	sld [smem:$0x3F9D];
	s0 =	simm.s32 @p0 $0x1  }
0x13: {  	[smem:$0x3FB8] =	sst s0;
	s0 =	simm.s32 @!p1 $0x0  }
0x14: {  	s2 =	sld [smem:$0x3F9C];
	s0 =	simm.s32 @p1 $0x1  }
0x15: {  	[smem:$0x3FB9] =	sst s0;
	s0 =	simm.s32 @!p2 $0x0  }
0x16: {  	s3 =	sld [smem:$0x3FDB];
	s0 =	simm.s32 @p2 $0x1  }
0x17: {  	s4 =	simm.s32 $0x1BF5;
	[smem:$0x3FBB] =	sst s0  }
0x18: {  	s0 =	sld [smem:$0x3F9E];
	_ =	swait.ge [sflag:s4], $0x0  }
0x19: {  	s7 =	sld [smem:$0x3F9F]  }
0x1a: {  	s8 =	sadd.s32 $0xFFFFE003, lr  }
0x1b: {  	s9 =	sadd.s32 $0xFFFFFEF7, lr;
	s5 =	simm.s32 $0xFFFFFFFF;
	p2 =	slt.u32 s8, $0xFFFFF086  }
0x1c: {  	p1 =	slt.u32 s9, $0xF7A;
	s5 =	simm.s32 @!p2 $0x0  }
0x1d: {  	s5 =	simm.s32 @p1 $0x1;
	p0 =	seq.s32 s7, s2  }
0x1e: {  	s7 =	smul.u32 @!p0 $0xF7A, s2;
	p2 =	seq.s32 @!p0 s5, $0x0  }
0x1f: {  	s9 =	smul.u32 $0xF7A, s1;
	s8 =	simm.s32 @!p0 $0x1BF5;
	p2 =	por !p2, p0  }
0x20: {  	[sflag:s8] =	ssyncset.s32 @!p0 $0xFFFFF086;
	s6 =	sadd.s32 @!p0 s3, s7;
	s7 =	simm.s32 @!p0 $0x108  }
0x21: {  	s3 =	sadd.s32 s3, s9;
	s6 =	sadd.s32 @!p0 $0x88, s6;
	s7 =	simm.s32 @p2 $0x1082  }
0x22: {  	[simem:s7], [sflag:s8] =	dma.local @!p0 [hbm:s6], $0xF7A  }
0x23: {  	s9 =	sor.u32 $0xD0000000, s2;
	s6 =	simm.s32 $0x108;
	_ =	swait.ge @!p0 [sflag:s8], $0x0  }
0x24: {  	s3 =	sadd.s32 $0x88, s3;
	s6 =	simm.s32 @!p1 $0x1082;
	[sflag:s4] =	ssyncset.s32 $0xFFFFF086  }
0x25: {  	[simem:s6], [sflag:s4] =	dma.local [hbm:s3], $0xF7A  }
0x26: {  	[smem:$0x3F9F] =	sst s1;
	(tag) =	ssettag s2;
	_ =	strace s9  }
0x27: {  	s1 =	sld [smem:$0x3FAF]  }
0x28: {  	s2 =	sld [smem:$0x3FB0]  }
0x29: {  	s4 =	sld [smem:$0x3FB2]  }
0x2a: {  	p0 =	seq.s32 s5, $0x0;
	s5 =	sld [smem:$0x3FB3]  }
0x2b: {  	s6 =	sld [smem:$0x3FB4]  }
0x2c: {  	s7 =	sld [smem:$0x3FB5]  }
0x2d: {  	s3 =	simm.s32 $0x108;
	s8 =	sld [smem:$0x3FB6]  }
0x2e: {  	s3 =	simm.s32 @!p0 $0x1082;
	s9 =	sld [smem:$0x3FB7]  }
0x2f: {  	lr =	sadd.s32 s0, s3;
	s0 =	sld [smem:$0x3FAE]  }
0x30: {  	s3 =	sld [smem:$0x3FB1]  }
0x31: {  	[smem:$0x3FBA] =	sst s10  }
0x32: {  	s10 =	sld [smem:$0x3FB8];
	_ =	sdelay $0x3  }
0x33: {  	p0 =	seq.s32 s10, $0x1;
	s10 =	sld [smem:$0x3FBA];
	_ =	sdelay $0x3  }
0x34: {  	[smem:$0x3FBA] =	sst s10  }
0x35: {  	s10 =	sld [smem:$0x3FB9];
	_ =	sdelay $0x3  }
0x36: {  	p1 =	seq.s32 s10, $0x1;
	s10 =	sld [smem:$0x3FBA];
	_ =	sdelay $0x3  }
0x37: {  	[smem:$0x3FBA] =	sst s10  }
0x38: {  	s10 =	sld [smem:$0x3FBB]  }
0x39: {  	_ = 	snop;
	(pc) =	sbr.ind lr, $3  }
0x3a: {  	_ = 	snop  }
0x3b: {  	_ = 	snop  }
0x3c: {  	p2 =	seq.s32 s10, $0x1;
	s10 =	sld [smem:$0x3FBA]  }
0x3d: {  	_ =	shalt  }
0x3e: {  	_ =	shalt  }
0x3f: {  	_ =	shalt  }
0x40: {  	_ =	shalt  }
0x41: {  	_ =	shalt  }
0x42: {  	_ =	shalt  }
0x43: {  	_ =	shalt  }
0x44: {  	_ =	shalt  }
0x45: {  	_ =	shalt  }
0x46: {  	_ =	shalt  }
0x47: {  	_ =	shalt  }
0x48: {  	_ =	shalt  }
0x49: {  	_ =	shalt  }
0x4a: {  	_ =	shalt  }
0x4b: {  	_ =	shalt  }
0x4c: {  	_ =	shalt  }
0x4d: {  	_ =	shalt  }
0x4e: {  	_ =	shalt  }
0x4f: {  	_ =	shalt  }
0x50: {  	_ =	shalt  }
0x51: {  	_ =	shalt  }
0x52: {  	_ =	shalt  }
0x53: {  	_ =	shalt  }
0x54: {  	_ =	shalt  }
0x55: {  	_ =	shalt  }
0x56: {  	_ =	shalt  }
0x57: {  	_ =	shalt  }
0x58: {  	_ =	shalt  }
0x59: {  	_ =	shalt  }
0x5a: {  	_ =	shalt  }
0x5b: {  	_ =	shalt  }
0x5c: {  	_ =	shalt  }
0x5d: {  	_ =	shalt  }
0x5e: {  	_ =	shalt  }
0x5f: {  	_ =	shalt  }
0x60: {  	_ =	shalt  }
0x61: {  	_ =	shalt  }
0x62: {  	_ =	shalt  }
0x63: {  	_ =	shalt  }
0x64: {  	_ =	shalt  }
0x65: {  	_ =	shalt  }
0x66: {  	_ =	shalt  }
0x67: {  	_ =	shalt  }
0x68: {  	_ =	shalt  }
0x69: {  	_ =	shalt  }
0x6a: {  	_ =	shalt  }
0x6b: {  	_ =	shalt  }
0x6c: {  	_ =	shalt  }
0x6d: {  	_ =	shalt  }
0x6e: {  	_ =	shalt  }
0x6f: {  	_ =	shalt  }
0x70: {  	_ =	shalt  }
0x71: {  	_ =	shalt  }
0x72: {  	_ =	shalt  }
0x73: {  	_ =	shalt  }
0x74: {  	_ =	shalt  }
0x75: {  	_ =	shalt  }
0x76: {  	_ =	shalt  }
0x77: {  	_ =	shalt  }
0x78: {  	_ =	shalt  }
0x79: {  	_ =	shalt  }
0x7a: {  	_ =	shalt  }
0x7b: {  	_ =	shalt  }
0x7c: {  	_ =	shalt  }
0x7d: {  	_ =	shalt  }
0x7e: {  	_ =	shalt  }
0x7f: {  	_ =	shalt  }
0x80: {  	_ =	shalt  }
0x81: {  	_ =	shalt  }
0x82: {  	_ =	shalt  }
0x83: {  	_ =	shalt  }
0x84: {  	_ =	shalt  }
0x85: {  	_ =	shalt  }
0x86: {  	_ =	shalt  }
0x87: {  	_ =	shalt  }
.Lfunc_end0:
.L_simem_size_0:
called_computation.1_lowered:
.L_overlay_start_0:
0x88: {  	s2 =	sld [smem:$0x3FD9]  }
0x89: {  	s3 =	sld [smem:$0x3FFE];
	_ =	sdelay $0x1  }
0x8a: {  	s1 =	srdreg.scid  }
0x8b: {  	s0 =	sand.u32 $0x1, s1  }
0x8c: {  	s17 =	sshll.u32 s0, $0xA;
	s2 =	sadd.s32 s3, s2  }
0x8d: {  	s2 =	sadd.s32 s2, s17  }
0x8e: {  	[smem:$0x3FC6] =	sst s2  }
0x8f: {  	_ = 	snop  }
0x90: {  	s18 =	sld [smem:$0x3FC9]  }
0x91: {  	s4 =	sld [smem:$0x3FC8];
	(tm) =	ssettm $0x1  }
0x92: {  	s19 =	sld [smem:$0x3FFB];
	_ =	sdelay $0x3  }
0x93: {  	_ =	strace s19  }
0x94: {  	s2 =	sld [smem:$0x3FFC];
	_ =	sdelay $0x3  }
0x95: {  	_ =	strace s2  }
0x96: {  	s2 =	sld [smem:$0x3FFD];
	_ =	sdelay $0x3  }
0x97: {  	_ =	strace s2  }
0x98: {  	_ =	strace $0x8FFFFFFF  }
0x99: {  	s20 =	sld [smem:$0x3FDB];
	_ =	sdelay $0x1  }
0x9a: {  	s5 =	simm.s32 $_scs_section_size  }
0x9b: {  	s6 =	simm.s32 $_size__tile_overlayer_lowered;
	s7 =	simm.s32 $_tile_overlayer_lowered  }
0x9c: {  	s8 =	simm.s32 $0x1BFF;
	s21 =	sshll.u32 s7, $0x1;
	s5 =	sadd.s32 s5, s20  }
0x9d: {  	s22 =	simm.s32 $0x0;
	s6 =	sshll.u32 s6, $0x1;
	s7 =	sadd.s32 s21, s5  }
0x9e: {  	[timem:s22], [sflag:s8] =	dma.local [hbm:s7], s6  }
0x9f: {  	_ =	swait.ge [sflag:s8], s6  }
0xa0: {  	s6 =	ssub.s32 $0x0, s6;
	[sflag:s8] =	ssyncset.done $0x0  }
0xa1: {  	[sflag:s8] =	ssyncadd.s32 s6;
	_ =	sdelay $0x1  }
0xa2: {  	s23 =	simm.s32 $0x1B8B  }
0xa3: {  	_ =	swait.ge [sflag:s23], $0x1  }
0xa4: {  	[sflag:s23] =	ssyncset.done $0x0  }
0xa5: {  	[sflag:s23] =	ssyncadd.s32 $0xFFFFFFFF  }
0xa6: {  	s6 =	sld [smem:$0x0]  }
0xa7: {  	s7 =	sand.u32 $0xFFFFFFFE, s1  }
0xa8: {  	p0 =	sne.s32 s1, s7  }
0xa9: {  	s7 =	sshll.u32 @p0 s7, $0xE  }
0xaa: {  	s7 =	sadd.s32 @p0 $0x11B8D, s7;
	s8 =	sshll.u32 @p0 s6, $0x11  }
0xab: {  	s7 =	sor.u32 @p0 s8, s7  }
0xac: {  	[sflag:s7] =	ssyncadd.remote.s32 @p0 $0x1;
	_ =	sdelay $0x1  }
0xad: {  	s7 =	simm.s32 @p0 $0x1B8D  }
0xae: {  	_ =	swait.eq @p0 [sflag:s7], $0x1  }
0xaf: {  	[sflag:s7] =	ssyncadd.s32 @p0 $0xFFFFFFFF  }
0xb0: {  	s8 =	sshll.u32 @!p0 s1, $0xE  }
0xb1: {  	s8 =	sor.u32 @!p0 $0x4000, s8;
	s7 =	simm.s32 @!p0 $0x1B8D  }
0xb2: {  	s6 =	sshll.u32 @!p0 s6, $0x11;
	s8 =	sadd.s32 @!p0 $0x11B8D, s8;
	_ =	swait.eq @!p0 [sflag:s7], $0x1  }
0xb3: {  	s6 =	sor.u32 @!p0 s6, s8;
	[sflag:s7] =	ssyncadd.s32 @!p0 $0xFFFFFFFF  }
0xb4: {  	s25 =	simm.s32 $0x1B8E;
	s24 =	sld [smem:$0x3FFE];
	[sflag:s6] =	ssyncadd.remote.s32 @!p0 $0x1  }
0xb5: {  	s26 =	simm.s32 $execute0_lowered;
	[smem:$0x3FD2] =	sst s25  }
0xb6: {  	s7 =	sshll.u32 s26, $0x1;
	_ =	strace $0x80000049;
	[dreg:$0x1] =	wrdreg $0xFFFFFFFF  }
0xb7: {  	s28 =	simm.s32 $_size_execute0_lowered;
	s5 =	sadd.s32 s5, s7;
	[dreg:$0x0] =	wrdreg $0x0  }
0xb8: {  	s7 =	sshll.u32 s28, $0x1;
	[dreg:$0x2] =	wrdreg s5  }
0xb9: {  	[dreg:$0x3] =	wrdreg s7  }
0xba: {  	[dreg:$0x4] =	wrdreg $0xC0  }
0xbb: {  	_ =	task [dreg:s22], $0x5FFFF  }
0xbc: {  	[dreg:$0x1] =	wrdreg $0xFFFFFFFF  }
0xbd: {  	[dreg:$0x0] =	wrdreg $0x60  }
0xbe: {  	[dreg:$0x2] =	wrdreg s18  }
0xbf: {  	[dreg:$0x3] =	wrdreg s4  }
0xc0: {  	[dreg:$0x4] =	wrdreg s24  }
0xc1: {  	[dreg:$0x5] =	wrdreg $0xA  }
0xc2: {  	_ =	task.clear_ibuf [dreg:s22], $0x6FFFF;
	_ =	strace $0x90000049  }
0xc3: {  	s29 =	simm.s32 $0xA;
	_ =	strace $0x8000004B  }
0xc4: {  	_ =	swait.ge [sflag:s29], $0x1  }
0xc5: {  	[sflag:s29] =	ssyncadd.s32 $0xFFFFFFFF  }
0xc6: {  	_ =	strace $0x9000004B  }
0xc7: {  	_ =	sfence  }
0xc8: {  	s30 =	sld [smem:$0x0];
	_ =	sdelay $0x2  }
0xc9: {  	s31 =	sshll.u32 s1, $0xD;
	s1 =	sshrl.u32 s1, $0x2  }
0xca: {  	s4 =	sand.u32 $0x4000, s31;
	s1 =	sadd.s32 s1, s30  }
0xcb: {  	s0 =	sor.u32 s4, s0;
	s1 =	sshll.u32 s1, $0x11  }
0xcc: {  	s0 =	sor.u32 s1, s0  }
0xcd: {  	s0 =	sadd.s32 $0x8F2B, s0  }
0xce: {  	[sflag:s0] =	ssyncadd.remote.s32 $0x1  }
0xcf: {  	_ =	sfence.sel $0xFFFF  }
0xd0: {  	[dreg:$0x0] =	wrdreg $0xFFFFFFFF;
	(pc) =	sbr.abs _section_cstart, $3  }
0xd1: {  	[dreg:$0x1] =	wrdreg $0xFFFFFFFF  }
0xd2: {  	_ =	task.clear_ibuf [dreg:s22], $0x2FFFF;
	_ =	strace $0x9FFFFFFF  }
0xd3: {  	(tm) =	ssettm $0x7FFFFFFF  }
tec
execute0_lowered:
.L_overlay_start_1:
0x0: {  	(tag) =	ssettag $0x1  }
0x1: {  	s1 =	rddreg [dreg:$0x0];
	s2 =	srdreg.scid  }
0x2: {  	s3 =	rddreg [dreg:$0x1];
	s0 =	stileid.u32  }
0x3: {  	s6 =	rddreg [dreg:$0x2];
	s4 =	simm.s32 $0x0;
	s13 =	simm.s32 $0x4  }
0x4: {  	s14 =	simm.s32 $0x1880;
	s15 =	simm.s32 $0x3100;
	s16 =	simm.s32 $0x80  }
0x5: {  	s17 =	simm.s32 $0x880;
	s18 =	simm.s32 $0xC80;
	s19 =	simm.s32 $0x1480  }
0x6: {  	s20 =	simm.s32 $0x1900;
	s21 =	simm.s32 $0x2100;
	s22 =	simm.s32 $0x2500  }
0x7: {  	s23 =	simm.s32 $0x2D00;
	s24 =	simm.s32 $0x3180;
	s25 =	simm.s32 $0x3980  }
0x8: {  	s28 =	simm.s32 $0x4580;
	s29 =	simm.s32 $0x1;
	s30 =	simm.s32 $0x2  }
0x9: {  	s31 =	simm.s32 $0x3;
	s5 =	sand.u32 $0x1, s2;
	s7 =	sshll.u32 s0, $0x2  }
0xa: {  	[smem:$0x7FF] =	sst s4;
	s8 =	sshll.u32 s5, $0x1;
	s5 =	ssub.s32 $0x2, s5  }
0xb: {  	_ =	strace $0x8000004A;
	s7 =	sor.u32 s8, s7;
	s9 =	sshrl.u32 s5, $0x1  }
0xc: {  	s8 =	smul.u32 $0x180, s7;
	s7 =	sadd.s32 s7, s6;
	s12 =	ssub.s32 s5, s9  }
0xd: {  	s26 =	sadd.s32 $0x14A00, s7;
	s5 =	sadd.s32 $0x14C00, s7;
	s12 =	smax.u32 s12, $0x1  }
0xe: {  	v2 =	vlaneseq.u32;
	s11 =	sadd.s32 s8, s6;
	[dreg:$0x4] =	wrdreg s26;
	s6 =	sadd.s32 $0x14C40, s7  }
0xf: {  	vm0 =	vmmov $0xffff;
	vm1 =	vmmov $0xff;
	v1 =	vshrl.u32 v2, $0x3;
	s7 =	sadd.s32 $0x100, s1;
	s8 =	sadd.s32 $0x100, s3;
	s26 =	simm.s32 $0x3D80  }
0x10: {  	v0 =	vand.u32 $0x7, v2;
	v2 =	vor.u32 $0x8, v2;
	v1 =	vmul.u32 $0x8, v1;
	s9 =	sadd.s32 $0x14E00, s11;
	s10 =	sadd.s32 $0x1AE00, s11;
	s11 =	sadd.s32 $0x20E00, s11  }
.LBB2_1:
0x11: {  	s2 =	rddreg [dreg:$0x4]  }
0x12: {  	[tilespmem:s4], [sflag:$0x4] =	stream.linear.gather [hbm4b:s2+s4], $0x10, $0x38;
	[tilespmem:$0x4980] =	vst v63  }
0x13: {  	_ =	swait.ge [sflag:s13], $0x10  }
0x14: {  	[sflag:s13] =	ssyncset.done $0x0  }
0x15: {  	[sflag:s13] =	ssyncadd.s32 $0xFFFFFFF0  }
0x16: {  	[tilespmem:s14], [sflag:$0x4] =	stream.linear.gather [hbm4b:s5+s4], $0x10, $0x38;
	[tilespmem:$0x4980] =	vst v63  }
0x17: {  	_ =	swait.ge [sflag:s13], $0x10  }
0x18: {  	[sflag:s13] =	ssyncset.done $0x0  }
0x19: {  	[sflag:s13] =	ssyncadd.s32 $0xFFFFFFF0  }
0x1a: {  	[tilespmem:s15], [sflag:$0x4] =	stream.linear.gather [hbm4b:s6+s4], $0x10, $0x38;
	[tilespmem:$0x4980] =	vst v63  }
0x1b: {  	_ =	swait.ge [sflag:s13], $0x10  }
0x1c: {  	[sflag:s13] =	ssyncset.done $0x0  }
0x1d: {  	[sflag:s13] =	ssyncadd.s32 $0xFFFFFFF0  }
0x1e: {  	v3 =	vld [tilespmem:$0x0];
	_ =	sdelay $0x4  }
0x1f: {  	v4 =	vshrl.u32 v3, $0x3  }
0x20: {  	v4 =	vmul.u32 $0x18, v4  }
0x21: {  	v3 =	vand.u32 $0x7, v3  }
0x22: {  	v3 =	vor.u32 v3, v4  }
0x23: {  	v4 =	vperm.xlane v3, v0;
	_ =	sdelay $0x1  }
0x24: {  	v4 =	vadd.s32 v1, v4;
	_ =	sdelay $0x1  }
0x25: {  	v3 =	vperm.xlane v3, v2;
	_ =	sdelay $0x1  }
0x26: {  	v3 =	vadd.s32 v1, v3  }
0x27: {  	[tilespmem:s16], [sflag:$0x1] =	stream.indirect_vreg.gather [hbm4b:s1+s4], $0x80, v4, vm0, $0xb8;
	[tilespmem:$0x4980] =	vst v63  }
0x28: {  	_ = 	snop  }
0x29: {  	[tilespmem:s17], [sflag:$0x1] =	stream.indirect_vreg.gather [hbm4b:s7+s4], $0x80, v4, vm1, $0xb8;
	[tilespmem:$0x4980] =	vst v63  }
0x2a: {  	_ = 	snop  }
0x2b: {  	[tilespmem:s18], [sflag:$0x1] =	stream.indirect_vreg.gather [hbm4b:s1+s4], $0x80, v3, vm0, $0xb8;
	[tilespmem:$0x4980] =	vst v63  }
0x2c: {  	_ = 	snop  }
0x2d: {  	[tilespmem:s19], [sflag:$0x1] =	stream.indirect_vreg.gather [hbm4b:s7+s4], $0x80, v3, vm1, $0xb8;
	[tilespmem:$0x4980] =	vst v63  }
0x2e: {  	v3 =	vld [tilespmem:$0x1880];
	_ =	sdelay $0x4  }
0x2f: {  	v62 =	vshrl.u32 v3, $0x3  }
0x30: {  	v4 =	vmul.u32 $0x18, v62  }
0x31: {  	v3 =	vand.u32 $0x7, v3  }
0x32: {  	v3 =	vor.u32 v3, v4  }
0x33: {  	v4 =	vperm.xlane v3, v0;
	_ =	sdelay $0x1  }
0x34: {  	v4 =	vadd.s32 v1, v4;
	_ =	sdelay $0x1  }
0x35: {  	v3 =	vperm.xlane v3, v2;
	_ =	sdelay $0x1  }
0x36: {  	v3 =	vadd.s32 v1, v3  }
0x37: {  	[tilespmem:s20], [sflag:$0x2] =	stream.indirect_vreg.gather [hbm4b:s1+s4], $0x80, v4, vm0, $0xb8;
	[tilespmem:$0x4980] =	vst v63  }
0x38: {  	_ = 	snop  }
0x39: {  	[tilespmem:s21], [sflag:$0x2] =	stream.indirect_vreg.gather [hbm4b:s7+s4], $0x80, v4, vm1, $0xb8;
	[tilespmem:$0x4980] =	vst v63  }
0x3a: {  	_ = 	snop  }
0x3b: {  	[tilespmem:s22], [sflag:$0x2] =	stream.indirect_vreg.gather [hbm4b:s1+s4], $0x80, v3, vm0, $0xb8;
	[tilespmem:$0x4980] =	vst v63  }
0x3c: {  	_ = 	snop  }
0x3d: {  	[tilespmem:s23], [sflag:$0x2] =	stream.indirect_vreg.gather [hbm4b:s7+s4], $0x80, v3, vm1, $0xb8;
	[tilespmem:$0x4980] =	vst v63  }
0x3e: {  	v3 =	vld [tilespmem:$0x3100];
	_ =	sdelay $0x4  }
0x3f: {  	v63 =	vshrl.u32 v3, $0x3  }
0x40: {  	v4 =	vmul.u32 $0x18, v63  }
0x41: {  	v3 =	vand.u32 $0x7, v3  }
0x42: {  	v3 =	vor.u32 v3, v4  }
0x43: {  	v4 =	vperm.xlane v3, v0;
	_ =	sdelay $0x1  }
0x44: {  	v4 =	vadd.s32 v1, v4;
	_ =	sdelay $0x1  }
0x45: {  	v3 =	vperm.xlane v3, v2;
	_ =	sdelay $0x1  }
0x46: {  	v3 =	vadd.s32 v1, v3  }
0x47: {  	[tilespmem:s24], [sflag:$0x3] =	stream.indirect_vreg.gather [hbm4b:s3+s4], $0x80, v4, vm0, $0xb8;
	[tilespmem:$0x4980] =	vst v63  }
0x48: {  	_ = 	snop  }
0x49: {  	[tilespmem:s25], [sflag:$0x3] =	stream.indirect_vreg.gather [hbm4b:s8+s4], $0x80, v4, vm1, $0xb8;
	[tilespmem:$0x4980] =	vst v63  }
0x4a: {  	_ = 	snop  }
0x4b: {  	[tilespmem:s26], [sflag:$0x3] =	stream.indirect_vreg.gather [hbm4b:s3+s4], $0x80, v3, vm0, $0xb8;
	[tilespmem:$0x4980] =	vst v63  }
0x4c: {  	_ = 	snop  }
0x4d: {  	[tilespmem:s28], [sflag:$0x3] =	stream.indirect_vreg.gather [hbm4b:s8+s4], $0x80, v3, vm1, $0xb8;
	[tilespmem:$0x4980] =	vst v63  }
0x4e: {  	_ =	swait.ge [sflag:s29], $0x1800  }
0x4f: {  	[sflag:s29] =	ssyncset.done $0x0  }
0x50: {  	[sflag:s29] =	ssyncadd.s32 $0xFFFFE800  }
0x51: {  	[hbm4b:s9+s4] =	stream.linear.scatter [tilespmem:s16], [sflag:$0x1], $0x1800, $0x38;
	[tilespmem:$0x4980] =	vst v63  }
0x52: {  	_ =	swait.ge [sflag:s30], $0x1800  }
0x53: {  	[sflag:s30] =	ssyncset.done $0x0  }
0x54: {  	[sflag:s30] =	ssyncadd.s32 $0xFFFFE800  }
0x55: {  	[hbm4b:s10+s4] =	stream.linear.scatter [tilespmem:s20], [sflag:$0x2], $0x1800, $0x38;
	[tilespmem:$0x4980] =	vst v63  }
0x56: {  	_ =	swait.ge [sflag:s31], $0x1800  }
0x57: {  	[sflag:s31] =	ssyncset.done $0x0  }
0x58: {  	[sflag:s31] =	ssyncadd.s32 $0xFFFFE800  }
0x59: {  	[hbm4b:s11+s4] =	stream.linear.scatter [tilespmem:s24], [sflag:$0x3], $0x1800, $0x38;
	[tilespmem:$0x4980] =	vst v63  }
0x5a: {  	_ =	swait.ge [sflag:s29], $0x1800  }
0x5b: {  	[sflag:s29] =	ssyncset.done $0x0  }
0x5c: {  	[sflag:s29] =	ssyncadd.s32 $0xFFFFE800  }
0x5d: {  	p0 =	sne.s32 s12, $0x1;
	_ =	swait.ge [sflag:s30], $0x1800  }
.Ltmp0:
0x5e: {  	[sflag:s30] =	ssyncset.done $0x0;
	(pc) =	sbr.rel @p0 .LBB2_1-.Ltmp0, $4  }
0x5f: {  	[sflag:s30] =	ssyncadd.s32 $0xFFFFE800  }
0x60: {  	_ =	swait.ge [sflag:s31], $0x1800  }
0x61: {  	[sflag:s31] =	ssyncset.done $0x0  }
0x62: {  	s12 =	sadd.s32 $0xFFFFFFFF, s12;
	[sflag:s31] =	ssyncadd.s32 $0xFFFFE800  }
0x63: {  	_ =	sfence.sel $0x180000  }
0x64: {  	[bflag:$0x0] =	sbarrier.arrive $0xFFFF  }
0x65: {  	_ =	strace $0x9000004A  }
0x66: {  	[bflag:$0x2] =	sbarrier.arrive $0xFFFF  }
0x67: {  	p0 =	sne.s32 s0, $0x0;
	s0 =	rddreg [dreg:$0x3]  }
0x68: {  	s0 =	sadd.s32 @!p0 $0x100000, s0  }
0x69: {  	[sflag:s0] =	ssyncadd.tile.s32 @!p0 $0x1;
	_ =	shalt  }
.Lfunc_end2:
_tile_overlayer_lowered:
.L_overlay_start_2:
0x6a: {  	(tag) =	ssettag $0x2  }
0x6b: {  	s0 =	rddreg [dreg:$0x0];
	s2 =	stileid.u32  }
0x6c: {  	s1 =	rddreg [dreg:$0x1];
	p0 =	sne.s32 s2, $0x0  }
0x6d: {  	s3 =	rddreg [dreg:$0x2];
	[bflag:$0x3] =	sbarrier.arrive $0xFFFF;
	s2 =	simm.s32 @!p0 $0x1C04  }
0x6e: {  	[timem:s3], [sflag:s2] =	dma.local @!p0 [hbm:s0], s1  }
0x6f: {  	s0 =	simm.s32 @!p0 $0x4  }
0x70: {  	_ =	swait.ge @!p0 [sflag:s0], s1  }
0x71: {  	s1 =	ssub.s32 @!p0 $0x0, s1;
	[sflag:s0] =	ssyncset.done @!p0 $0x0  }
0x72: {  	[sflag:s0] =	ssyncadd.s32 @!p0 s1  }
0x73: {  	[bflag:$0x3] =	sbarrier.arrive $0xFFFF  }
0x74: {  	_ =	shalt  }

// kernel: kernel.8.cloned.1.call-start
scs
__scs_entry_jumppad:
0x0: {  	(pc) =	sbr.rel $0x88, $3  }
0x1: {  	(tag) =	ssettag $0x0;
	lr =	simm.s32 $0x1  }
0x2: {  	[smem:$0x3F9F] =	sst lr;
	_ =	strace $0xD0000000  }
0x3: {  	_ = 	snop  }
0x4: {  	_ = 	snop  }
0x5: {  	_ = 	snop  }
0x6: {  	_ = 	snop  }
0x7: {  	_ = 	snop  }
__scs_overlays_trampoline_lowered:
0x8: {  	[smem:$0x3FAE] =	sst s0  }
0x9: {  	[smem:$0x3FAF] =	sst s1  }
0xa: {  	[smem:$0x3FB0] =	sst s2  }
0xb: {  	[smem:$0x3FB1] =	sst s3  }
0xc: {  	[smem:$0x3FB2] =	sst s4  }
0xd: {  	[smem:$0x3FB3] =	sst s5  }
0xe: {  	[smem:$0x3FB4] =	sst s6  }
0xf: {  	[smem:$0x3FB5] =	sst s7  }
0x10: {  	[smem:$0x3FB6] =	sst s8  }
0x11: {  	[smem:$0x3FB7] =	sst s9;
	s0 =	simm.s32 @!p0 $0x0  }
0x12: {  	s1 =	sld [smem:$0x3F9D];
	s0 =	simm.s32 @p0 $0x1  }
0x13: {  	[smem:$0x3FB8] =	sst s0;
	s0 =	simm.s32 @!p1 $0x0  }
0x14: {  	s2 =	sld [smem:$0x3F9C];
	s0 =	simm.s32 @p1 $0x1  }
0x15: {  	[smem:$0x3FB9] =	sst s0;
	s0 =	simm.s32 @!p2 $0x0  }
0x16: {  	s3 =	sld [smem:$0x3FDB];
	s0 =	simm.s32 @p2 $0x1  }
0x17: {  	s4 =	simm.s32 $0x1BF5;
	[smem:$0x3FBB] =	sst s0  }
0x18: {  	s0 =	sld [smem:$0x3F9E];
	_ =	swait.ge [sflag:s4], $0x0  }
0x19: {  	s7 =	sld [smem:$0x3F9F]  }
0x1a: {  	s8 =	sadd.s32 $0xFFFFE003, lr  }
0x1b: {  	s9 =	sadd.s32 $0xFFFFFEF7, lr;
	s5 =	simm.s32 $0xFFFFFFFF;
	p2 =	slt.u32 s8, $0xFFFFF086  }
0x1c: {  	p1 =	slt.u32 s9, $0xF7A;
	s5 =	simm.s32 @!p2 $0x0  }
0x1d: {  	s5 =	simm.s32 @p1 $0x1;
	p0 =	seq.s32 s7, s2  }
0x1e: {  	s7 =	smul.u32 @!p0 $0xF7A, s2;
	p2 =	seq.s32 @!p0 s5, $0x0  }
0x1f: {  	s9 =	smul.u32 $0xF7A, s1;
	s8 =	simm.s32 @!p0 $0x1BF5;
	p2 =	por !p2, p0  }
0x20: {  	[sflag:s8] =	ssyncset.s32 @!p0 $0xFFFFF086;
	s6 =	sadd.s32 @!p0 s3, s7;
	s7 =	simm.s32 @!p0 $0x108  }
0x21: {  	s3 =	sadd.s32 s3, s9;
	s6 =	sadd.s32 @!p0 $0x88, s6;
	s7 =	simm.s32 @p2 $0x1082  }
0x22: {  	[simem:s7], [sflag:s8] =	dma.local @!p0 [hbm:s6], $0xF7A  }
0x23: {  	s9 =	sor.u32 $0xD0000000, s2;
	s6 =	simm.s32 $0x108;
	_ =	swait.ge @!p0 [sflag:s8], $0x0  }
0x24: {  	s3 =	sadd.s32 $0x88, s3;
	s6 =	simm.s32 @!p1 $0x1082;
	[sflag:s4] =	ssyncset.s32 $0xFFFFF086  }
0x25: {  	[simem:s6], [sflag:s4] =	dma.local [hbm:s3], $0xF7A  }
0x26: {  	[smem:$0x3F9F] =	sst s1;
	(tag) =	ssettag s2;
	_ =	strace s9  }
0x27: {  	s1 =	sld [smem:$0x3FAF]  }
0x28: {  	s2 =	sld [smem:$0x3FB0]  }
0x29: {  	s4 =	sld [smem:$0x3FB2]  }
0x2a: {  	p0 =	seq.s32 s5, $0x0;
	s5 =	sld [smem:$0x3FB3]  }
0x2b: {  	s6 =	sld [smem:$0x3FB4]  }
0x2c: {  	s7 =	sld [smem:$0x3FB5]  }
0x2d: {  	s3 =	simm.s32 $0x108;
	s8 =	sld [smem:$0x3FB6]  }
0x2e: {  	s3 =	simm.s32 @!p0 $0x1082;
	s9 =	sld [smem:$0x3FB7]  }
0x2f: {  	lr =	sadd.s32 s0, s3;
	s0 =	sld [smem:$0x3FAE]  }
0x30: {  	s3 =	sld [smem:$0x3FB1]  }
0x31: {  	[smem:$0x3FBA] =	sst s10  }
0x32: {  	s10 =	sld [smem:$0x3FB8];
	_ =	sdelay $0x3  }
0x33: {  	p0 =	seq.s32 s10, $0x1;
	s10 =	sld [smem:$0x3FBA];
	_ =	sdelay $0x3  }
0x34: {  	[smem:$0x3FBA] =	sst s10  }
0x35: {  	s10 =	sld [smem:$0x3FB9];
	_ =	sdelay $0x3  }
0x36: {  	p1 =	seq.s32 s10, $0x1;
	s10 =	sld [smem:$0x3FBA];
	_ =	sdelay $0x3  }
0x37: {  	[smem:$0x3FBA] =	sst s10  }
0x38: {  	s10 =	sld [smem:$0x3FBB]  }
0x39: {  	_ = 	snop;
	(pc) =	sbr.ind lr, $3  }
0x3a: {  	_ = 	snop  }
0x3b: {  	_ = 	snop  }
0x3c: {  	p2 =	seq.s32 s10, $0x1;
	s10 =	sld [smem:$0x3FBA]  }
0x3d: {  	_ =	shalt  }
0x3e: {  	_ =	shalt  }
0x3f: {  	_ =	shalt  }
0x40: {  	_ =	shalt  }
0x41: {  	_ =	shalt  }
0x42: {  	_ =	shalt  }
0x43: {  	_ =	shalt  }
0x44: {  	_ =	shalt  }
0x45: {  	_ =	shalt  }
0x46: {  	_ =	shalt  }
0x47: {  	_ =	shalt  }
0x48: {  	_ =	shalt  }
0x49: {  	_ =	shalt  }
0x4a: {  	_ =	shalt  }
0x4b: {  	_ =	shalt  }
0x4c: {  	_ =	shalt  }
0x4d: {  	_ =	shalt  }
0x4e: {  	_ =	shalt  }
0x4f: {  	_ =	shalt  }
0x50: {  	_ =	shalt  }
0x51: {  	_ =	shalt  }
0x52: {  	_ =	shalt  }
0x53: {  	_ =	shalt  }
0x54: {  	_ =	shalt  }
0x55: {  	_ =	shalt  }
0x56: {  	_ =	shalt  }
0x57: {  	_ =	shalt  }
0x58: {  	_ =	shalt  }
0x59: {  	_ =	shalt  }
0x5a: {  	_ =	shalt  }
0x5b: {  	_ =	shalt  }
0x5c: {  	_ =	shalt  }
0x5d: {  	_ =	shalt  }
0x5e: {  	_ =	shalt  }
0x5f: {  	_ =	shalt  }
0x60: {  	_ =	shalt  }
0x61: {  	_ =	shalt  }
0x62: {  	_ =	shalt  }
0x63: {  	_ =	shalt  }
0x64: {  	_ =	shalt  }
0x65: {  	_ =	shalt  }
0x66: {  	_ =	shalt  }
0x67: {  	_ =	shalt  }
0x68: {  	_ =	shalt  }
0x69: {  	_ =	shalt  }
0x6a: {  	_ =	shalt  }
0x6b: {  	_ =	shalt  }
0x6c: {  	_ =	shalt  }
0x6d: {  	_ =	shalt  }
0x6e: {  	_ =	shalt  }
0x6f: {  	_ =	shalt  }
0x70: {  	_ =	shalt  }
0x71: {  	_ =	shalt  }
0x72: {  	_ =	shalt  }
0x73: {  	_ =	shalt  }
0x74: {  	_ =	shalt  }
0x75: {  	_ =	shalt  }
0x76: {  	_ =	shalt  }
0x77: {  	_ =	shalt  }
0x78: {  	_ =	shalt  }
0x79: {  	_ =	shalt  }
0x7a: {  	_ =	shalt  }
0x7b: {  	_ =	shalt  }
0x7c: {  	_ =	shalt  }
0x7d: {  	_ =	shalt  }
0x7e: {  	_ =	shalt  }
0x7f: {  	_ =	shalt  }
0x80: {  	_ =	shalt  }
0x81: {  	_ =	shalt  }
0x82: {  	_ =	shalt  }
0x83: {  	_ =	shalt  }
0x84: {  	_ =	shalt  }
0x85: {  	_ =	shalt  }
0x86: {  	_ =	shalt  }
0x87: {  	_ =	shalt  }
.Lfunc_end0:
.L_simem_size_0:
called_computation_lowered:
.L_overlay_start_0:
0x88: {  	s2 =	sld [smem:$0x3FD9]  }
0x89: {  	s3 =	sld [smem:$0x3FFE];
	_ =	sdelay $0x1  }
0x8a: {  	s1 =	srdreg.scid  }
0x8b: {  	s0 =	sand.u32 $0x1, s1  }
0x8c: {  	s17 =	sshll.u32 s0, $0xA;
	s2 =	sadd.s32 s3, s2  }
0x8d: {  	s2 =	sadd.s32 s2, s17  }
0x8e: {  	[smem:$0x3FC6] =	sst s2  }
0x8f: {  	_ = 	snop  }
0x90: {  	s2 =	sld [smem:$0x3FC9]  }
0x91: {  	s18 =	sld [smem:$0x3FC8];
	(tm) =	ssettm $0x1  }
0x92: {  	s4 =	sld [smem:$0x3FFB];
	_ =	sdelay $0x3  }
0x93: {  	_ =	strace s4  }
0x94: {  	s4 =	sld [smem:$0x3FFC];
	_ =	sdelay $0x3  }
0x95: {  	_ =	strace s4  }
0x96: {  	s4 =	sld [smem:$0x3FFD];
	_ =	sdelay $0x3  }
0x97: {  	_ =	strace s4  }
0x98: {  	_ =	strace $0x8FFFFFFF  }
0x99: {  	s19 =	sld [smem:$0x3FDB];
	_ =	sdelay $0x1  }
0x9a: {  	s5 =	simm.s32 $_scs_section_size  }
0x9b: {  	s6 =	simm.s32 $_size__tile_overlayer_lowered;
	s7 =	simm.s32 $_tile_overlayer_lowered  }
0x9c: {  	s22 =	simm.s32 $0x1BFF;
	s21 =	sshll.u32 s7, $0x1;
	s4 =	sadd.s32 s5, s19  }
0x9d: {  	s8 =	simm.s32 $0x0;
	s20 =	sshll.u32 s6, $0x1;
	s6 =	sadd.s32 s21, s4  }
0x9e: {  	[timem:s8], [sflag:s22] =	dma.local [hbm:s6], s20  }
0x9f: {  	_ =	swait.ge [sflag:s22], s20  }
0xa0: {  	s5 =	ssub.s32 $0x0, s20;
	[sflag:s22] =	ssyncset.done $0x0  }
0xa1: {  	[sflag:s22] =	ssyncadd.s32 s5;
	_ =	sdelay $0x1  }
0xa2: {  	s23 =	simm.s32 $0x1B8B  }
0xa3: {  	_ =	swait.ge [sflag:s23], $0x1  }
0xa4: {  	[sflag:s23] =	ssyncset.done $0x0  }
0xa5: {  	s25 =	simm.s32 $0x1B8E;
	s24 =	sld [smem:$0x3FFE];
	[sflag:s23] =	ssyncadd.s32 $0xFFFFFFFF  }
0xa6: {  	s26 =	simm.s32 $execute0_lowered;
	[smem:$0x3FD2] =	sst s25  }
0xa7: {  	s6 =	sshll.u32 s26, $0x1;
	_ =	strace $0x80000046;
	[dreg:$0x1] =	wrdreg $0xFFFFFFFF  }
0xa8: {  	s28 =	simm.s32 $_size_execute0_lowered;
	s4 =	sadd.s32 s4, s6;
	[dreg:$0x0] =	wrdreg $0x0  }
0xa9: {  	s6 =	sshll.u32 s28, $0x1;
	[dreg:$0x2] =	wrdreg s4  }
0xaa: {  	[dreg:$0x3] =	wrdreg s6  }
0xab: {  	[dreg:$0x4] =	wrdreg $0xC0  }
0xac: {  	_ =	task [dreg:s8], $0x5FFFF  }
0xad: {  	[dreg:$0x1] =	wrdreg $0xFFFFFFFF  }
0xae: {  	[dreg:$0x0] =	wrdreg $0x60  }
0xaf: {  	[dreg:$0x2] =	wrdreg s2  }
0xb0: {  	[dreg:$0x3] =	wrdreg s18  }
0xb1: {  	[dreg:$0x4] =	wrdreg s24  }
0xb2: {  	[dreg:$0x5] =	wrdreg $0x9  }
0xb3: {  	_ =	task.clear_ibuf [dreg:s8], $0x6FFFF;
	_ =	strace $0x90000046  }
0xb4: {  	s29 =	simm.s32 $0x9;
	_ =	strace $0x80000048  }
0xb5: {  	_ =	swait.ge [sflag:s29], $0x1  }
0xb6: {  	[sflag:s29] =	ssyncadd.s32 $0xFFFFFFFF  }
0xb7: {  	_ =	strace $0x90000048  }
0xb8: {  	_ =	sfence  }
0xb9: {  	s30 =	sld [smem:$0x0];
	_ =	sdelay $0x2  }
0xba: {  	s31 =	sshll.u32 s1, $0xD;
	s1 =	sshrl.u32 s1, $0x2  }
0xbb: {  	s3 =	sand.u32 $0x4000, s31;
	s1 =	sadd.s32 s1, s30  }
0xbc: {  	s0 =	sor.u32 s3, s0;
	s1 =	sshll.u32 s1, $0x11  }
0xbd: {  	s0 =	sor.u32 s1, s0  }
0xbe: {  	s0 =	sadd.s32 $0x8F2B, s0  }
0xbf: {  	[sflag:s0] =	ssyncadd.remote.s32 $0x1  }
0xc0: {  	_ =	sfence.sel $0xFFFF  }
0xc1: {  	[dreg:$0x0] =	wrdreg $0xFFFFFFFF;
	(pc) =	sbr.abs _section_cstart, $3  }
0xc2: {  	[dreg:$0x1] =	wrdreg $0xFFFFFFFF  }
0xc3: {  	_ =	task.clear_ibuf [dreg:s8], $0x2FFFF;
	_ =	strace $0x9FFFFFFF  }
0xc4: {  	(tm) =	ssettm $0x7FFFFFFF  }
0xc5: {  	_ =	shalt  }
tec
execute0_lowered:
.L_overlay_start_1:
0x0: {  	(tag) =	ssettag $0x1  }
0x1: {  	s1 =	rddreg [dreg:$0x0];
	s2 =	srdreg.scid  }
0x2: {  	s3 =	rddreg [dreg:$0x1];
	s0 =	stileid.u32  }
0x3: {  	s6 =	rddreg [dreg:$0x2];
	s4 =	simm.s32 $0x0;
	s13 =	simm.s32 $0x4  }
0x4: {  	s14 =	simm.s32 $0x1880;
	s15 =	simm.s32 $0x3100;
	s16 =	simm.s32 $0x80  }
0x5: {  	s17 =	simm.s32 $0x880;
	s18 =	simm.s32 $0xC80;
	s19 =	simm.s32 $0x1480  }
0x6: {  	s20 =	simm.s32 $0x1900;
	s21 =	simm.s32 $0x2100;
	s22 =	simm.s32 $0x2500  }
0x7: {  	s23 =	simm.s32 $0x2D00;
	s24 =	simm.s32 $0x3180;
	s25 =	simm.s32 $0x3980  }
0x8: {  	s28 =	simm.s32 $0x4580;
	s29 =	simm.s32 $0x1;
	s30 =	simm.s32 $0x2  }
0x9: {  	s31 =	simm.s32 $0x3;
	s5 =	sand.u32 $0x1, s2;
	s7 =	sshll.u32 s0, $0x2  }
0xa: {  	[smem:$0x7FF] =	sst s4;
	s8 =	sshll.u32 s5, $0x1;
	s5 =	ssub.s32 $0x2, s5  }
0xb: {  	_ =	strace $0x80000047;
	s7 =	sor.u32 s8, s7;
	s9 =	sshrl.u32 s5, $0x1  }
0xc: {  	s8 =	smul.u32 $0x180, s7;
	s7 =	sadd.s32 s7, s6;
	s12 =	ssub.s32 s5, s9  }
0xd: {  	s26 =	sadd.s32 $0x2600, s7;
	s5 =	sadd.s32 $0x2800, s7;
	s12 =	smax.u32 s12, $0x1  }
0xe: {  	v2 =	vlaneseq.u32;
	s11 =	sadd.s32 s8, s6;
	[dreg:$0x4] =	wrdreg s26;
	s6 =	sadd.s32 $0x2840, s7  }
0xf: {  	vm0 =	vmmov $0xffff;
	vm1 =	vmmov $0xff;
	v1 =	vshrl.u32 v2, $0x3;
	s7 =	sadd.s32 $0x100, s1;
	s8 =	sadd.s32 $0x100, s3;
	s26 =	simm.s32 $0x3D80  }
0x10: {  	v0 =	vand.u32 $0x7, v2;
	v2 =	vor.u32 $0x8, v2;
	v1 =	vmul.u32 $0x8, v1;
	s9 =	sadd.s32 $0x2A00, s11;
	s10 =	sadd.s32 $0x8A00, s11;
	s11 =	sadd.s32 $0xEA00, s11  }
.LBB2_1:
0x11: {  	s2 =	rddreg [dreg:$0x4]  }
0x12: {  	[tilespmem:s4], [sflag:$0x4] =	stream.linear.gather [hbm4b:s2+s4], $0x10, $0x38;
	[tilespmem:$0x4980] =	vst v63  }
0x13: {  	_ =	swait.ge [sflag:s13], $0x10  }
0x14: {  	[sflag:s13] =	ssyncset.done $0x0  }
0x15: {  	[sflag:s13] =	ssyncadd.s32 $0xFFFFFFF0  }
0x16: {  	[tilespmem:s14], [sflag:$0x4] =	stream.linear.gather [hbm4b:s5+s4], $0x10, $0x38;
	[tilespmem:$0x4980] =	vst v63  }
0x17: {  	_ =	swait.ge [sflag:s13], $0x10  }
0x18: {  	[sflag:s13] =	ssyncset.done $0x0  }
0x19: {  	[sflag:s13] =	ssyncadd.s32 $0xFFFFFFF0  }
0x1a: {  	[tilespmem:s15], [sflag:$0x4] =	stream.linear.gather [hbm4b:s6+s4], $0x10, $0x38;
	[tilespmem:$0x4980] =	vst v63  }
0x1b: {  	_ =	swait.ge [sflag:s13], $0x10  }
0x1c: {  	[sflag:s13] =	ssyncset.done $0x0  }
0x1d: {  	[sflag:s13] =	ssyncadd.s32 $0xFFFFFFF0  }
0x1e: {  	v3 =	vld [tilespmem:$0x0];
	_ =	sdelay $0x4  }
0x1f: {  	v4 =	vshrl.u32 v3, $0x3  }
0x20: {  	v4 =	vmul.u32 $0x18, v4  }
0x21: {  	v3 =	vand.u32 $0x7, v3  }
0x22: {  	v3 =	vor.u32 v3, v4  }
0x23: {  	v4 =	vperm.xlane v3, v0;
	_ =	sdelay $0x1  }
0x24: {  	v4 =	vadd.s32 v1, v4;
	_ =	sdelay $0x1  }
0x25: {  	v3 =	vperm.xlane v3, v2;
	_ =	sdelay $0x1  }
0x26: {  	v3 =	vadd.s32 v1, v3  }
0x27: {  	[tilespmem:s16], [sflag:$0x1] =	stream.indirect_vreg.gather [hbm4b:s1+s4], $0x80, v4, vm0, $0xb8;
	[tilespmem:$0x4980] =	vst v63  }
0x28: {  	_ = 	snop  }
0x29: {  	[tilespmem:s17], [sflag:$0x1] =	stream.indirect_vreg.gather [hbm4b:s7+s4], $0x80, v4, vm1, $0xb8;
	[tilespmem:$0x4980] =	vst v63  }
0x2a: {  	_ = 	snop  }
0x2b: {  	[tilespmem:s18], [sflag:$0x1] =	stream.indirect_vreg.gather [hbm4b:s1+s4], $0x80, v3, vm0, $0xb8;
	[tilespmem:$0x4980] =	vst v63  }
0x2c: {  	_ = 	snop  }
0x2d: {  	[tilespmem:s19], [sflag:$0x1] =	stream.indirect_vreg.gather [hbm4b:s7+s4], $0x80, v3, vm1, $0xb8;
	[tilespmem:$0x4980] =	vst v63  }
0x2e: {  	v3 =	vld [tilespmem:$0x1880];
	_ =	sdelay $0x4  }
0x2f: {  	v62 =	vshrl.u32 v3, $0x3  }
0x30: {  	v4 =	vmul.u32 $0x18, v62  }
0x31: {  	v3 =	vand.u32 $0x7, v3  }
0x32: {  	v3 =	vor.u32 v3, v4  }
0x33: {  	v4 =	vperm.xlane v3, v0;
	_ =	sdelay $0x1  }
0x34: {  	v4 =	vadd.s32 v1, v4;
	_ =	sdelay $0x1  }
0x35: {  	v3 =	vperm.xlane v3, v2;
	_ =	sdelay $0x1  }
0x36: {  	v3 =	vadd.s32 v1, v3  }
0x37: {  	[tilespmem:s20], [sflag:$0x2] =	stream.indirect_vreg.gather [hbm4b:s1+s4], $0x80, v4, vm0, $0xb8;
	[tilespmem:$0x4980] =	vst v63  }
0x38: {  	_ = 	snop  }
0x39: {  	[tilespmem:s21], [sflag:$0x2] =	stream.indirect_vreg.gather [hbm4b:s7+s4], $0x80, v4, vm1, $0xb8;
	[tilespmem:$0x4980] =	vst v63  }
0x3a: {  	_ = 	snop  }
0x3b: {  	[tilespmem:s22], [sflag:$0x2] =	stream.indirect_vreg.gather [hbm4b:s1+s4], $0x80, v3, vm0, $0xb8;
	[tilespmem:$0x4980] =	vst v63  }
0x3c: {  	_ = 	snop  }
0x3d: {  	[tilespmem:s23], [sflag:$0x2] =	stream.indirect_vreg.gather [hbm4b:s7+s4], $0x80, v3, vm1, $0xb8;
	[tilespmem:$0x4980] =	vst v63  }
0x3e: {  	v3 =	vld [tilespmem:$0x3100];
	_ =	sdelay $0x4  }
0x3f: {  	v63 =	vshrl.u32 v3, $0x3  }
0x40: {  	v4 =	vmul.u32 $0x18, v63  }
0x41: {  	v3 =	vand.u32 $0x7, v3  }
0x42: {  	v3 =	vor.u32 v3, v4  }
0x43: {  	v4 =	vperm.xlane v3, v0;
	_ =	sdelay $0x1  }
0x44: {  	v4 =	vadd.s32 v1, v4;
	_ =	sdelay $0x1  }
0x45: {  	v3 =	vperm.xlane v3, v2;
	_ =	sdelay $0x1  }
0x46: {  	v3 =	vadd.s32 v1, v3  }
0x47: {  	[tilespmem:s24], [sflag:$0x3] =	stream.indirect_vreg.gather [hbm4b:s3+s4], $0x80, v4, vm0, $0xb8;
	[tilespmem:$0x4980] =	vst v63  }
0x48: {  	_ = 	snop  }
0x49: {  	[tilespmem:s25], [sflag:$0x3] =	stream.indirect_vreg.gather [hbm4b:s8+s4], $0x80, v4, vm1, $0xb8;
	[tilespmem:$0x4980] =	vst v63  }
0x4a: {  	_ = 	snop  }
0x4b: {  	[tilespmem:s26], [sflag:$0x3] =	stream.indirect_vreg.gather [hbm4b:s3+s4], $0x80, v3, vm0, $0xb8;
	[tilespmem:$0x4980] =	vst v63  }
0x4c: {  	_ = 	snop  }
0x4d: {  	[tilespmem:s28], [sflag:$0x3] =	stream.indirect_vreg.gather [hbm4b:s8+s4], $0x80, v3, vm1, $0xb8;
	[tilespmem:$0x4980] =	vst v63  }
0x4e: {  	_ =	swait.ge [sflag:s29], $0x1800  }
0x4f: {  	[sflag:s29] =	ssyncset.done $0x0  }
0x50: {  	[sflag:s29] =	ssyncadd.s32 $0xFFFFE800  }
0x51: {  	[hbm4b:s9+s4] =	stream.linear.scatter [tilespmem:s16], [sflag:$0x1], $0x1800, $0x38;
	[tilespmem:$0x4980] =	vst v63  }
0x52: {  	_ =	swait.ge [sflag:s30], $0x1800  }
0x53: {  	[sflag:s30] =	ssyncset.done $0x0  }
0x54: {  	[sflag:s30] =	ssyncadd.s32 $0xFFFFE800  }
0x55: {  	[hbm4b:s10+s4] =	stream.linear.scatter [tilespmem:s20], [sflag:$0x2], $0x1800, $0x38;
	[tilespmem:$0x4980] =	vst v63  }
0x56: {  	_ =	swait.ge [sflag:s31], $0x1800  }
0x57: {  	[sflag:s31] =	ssyncset.done $0x0  }
0x58: {  	[sflag:s31] =	ssyncadd.s32 $0xFFFFE800  }
0x59: {  	[hbm4b:s11+s4] =	stream.linear.scatter [tilespmem:s24], [sflag:$0x3], $0x1800, $0x38;
	[tilespmem:$0x4980] =	vst v63  }
0x5a: {  	_ =	swait.ge [sflag:s29], $0x1800  }
0x5b: {  	[sflag:s29] =	ssyncset.done $0x0  }
0x5c: {  	[sflag:s29] =	ssyncadd.s32 $0xFFFFE800  }
0x5d: {  	p0 =	sne.s32 s12, $0x1;
	_ =	swait.ge [sflag:s30], $0x1800  }
.Ltmp0:
0x5e: {  	[sflag:s30] =	ssyncset.done $0x0;
	(pc) =	sbr.rel @p0 .LBB2_1-.Ltmp0, $4  }
0x5f: {  	[sflag:s30] =	ssyncadd.s32 $0xFFFFE800  }
0x60: {  	_ =	swait.ge [sflag:s31], $0x1800  }
0x61: {  	[sflag:s31] =	ssyncset.done $0x0  }
0x62: {  	s12 =	sadd.s32 $0xFFFFFFFF, s12;
	[sflag:s31] =	ssyncadd.s32 $0xFFFFE800  }
0x63: {  	_ =	sfence.sel $0x180000  }
0x64: {  	[bflag:$0x0] =	sbarrier.arrive $0xFFFF  }
0x65: {  	_ =	strace $0x90000047  }
0x66: {  	[bflag:$0x2] =	sbarrier.arrive $0xFFFF  }
0x67: {  	p0 =	sne.s32 s0, $0x0;
	s0 =	rddreg [dreg:$0x3]  }
0x68: {  	s0 =	sadd.s32 @!p0 $0x100000, s0  }
0x69: {  	[sflag:s0] =	ssyncadd.tile.s32 @!p0 $0x1;
	_ =	shalt  }
.Lfunc_end2:
_tile_overlayer_lowered:
.L_overlay_start_2:
0x6a: {  	(tag) =	ssettag $0x2  }
0x6b: {  	s0 =	rddreg [dreg:$0x0];
	s2 =	stileid.u32  }
0x6c: {  	s1 =	rddreg [dreg:$0x1];
	p0 =	sne.s32 s2, $0x0  }
0x6d: {  	s3 =	rddreg [dreg:$0x2];
	[bflag:$0x3] =	sbarrier.arrive $0xFFFF;
	s2 =	simm.s32 @!p0 $0x1C04  }
0x6e: {  	[timem:s3], [sflag:s2] =	dma.local @!p0 [hbm:s0], s1  }
0x6f: {  	s0 =	simm.s32 @!p0 $0x4  }
0x70: {  	_ =	swait.ge @!p0 [sflag:s0], s1  }
0x71: {  	s1 =	ssub.s32 @!p0 $0x0, s1;
	[sflag:s0] =	ssyncset.done @!p0 $0x0  }
0x72: {  	[sflag:s0] =	ssyncadd.s32 @!p0 s1  }
0x73: {  	[bflag:$0x3] =	sbarrier.arrive $0xFFFF  }
0x74: {  	_ =	shalt  }

</sc_bundles>
